<compile_context>
chip_gen: v7x
topology: tpu7x:2x2x1
jax: 0.10.2.dev20260603
libtpu: 0.0.44.dev20260713+nightly
codegen_flags: <defaults>
</compile_context>

<pallas_src>
import functools

import jax
import jax.numpy as jnp
from jax import lax
from jax.experimental import pallas as pl
from jax.experimental.pallas import tpu as pltpu
from jax.experimental.pallas import tpu_sc as plsc

N = 10000
E = 320000
D = 128
NC = 2
NS = 16
EPT = E // NS
B = 80
NB = EPT // B
BG = 40
NBG = EPT // BG
RING = 5
NP = 10240
RPT = NP // NS
CH = 128

_MESH = plsc.VectorSubcoreMesh(core_axis_name="c", subcore_axis_name="s",
                               num_cores=NC, num_subcores=NS)


def _deg_body(src0, dst0, src1, dst1, out_s0, out_d0, out_s1, out_d1,
              ones_v, i0, i1, i2, i3, i4, buf_v,
              smi0, smi1, smi2, smi3, smi4,
              sms0, sms1, sms2, sms3, sms4, hist_s_sh, hist_d_sh):
  c = lax.axis_index("c")
  s = lax.axis_index("s")
  ib = [i0, i1, i2, i3, i4]
  smi = [smi0, smi1, smi2, smi3, smi4]
  sms = [sms0, sms1, sms2, sms3, sms4]

  def zrow(i, carry):
    buf_v[pl.ds(i * 16, 16)] = jnp.zeros((16,), jnp.float32)
    return carry
  lax.fori_loop(0, RPT // 16, zrow, 0)
  pltpu.sync_copy(buf_v, hist_s_sh.at[pl.ds(s * RPT, RPT)])
  pltpu.sync_copy(buf_v, hist_d_sh.at[pl.ds(s * RPT, RPT)])

  def onerow(i, carry):
    ones_v[pl.ds(i * 16, 16)] = jnp.ones((16,), jnp.float32)
    return carry
  lax.fori_loop(0, B // 16, onerow, 0)
  plsc.subcore_barrier()

  def scatter_edges(e_hbm, hist_sh):
    base = s * EPT

    def idx_start(j, b):
      pltpu.make_async_copy(e_hbm.at[pl.ds(base + j * B, B)],
                            ib[b], smi[b]).start()

    def idx_wait(b):
      pltpu.make_async_copy(e_hbm.at[pl.ds(base, B)], ib[b], smi[b]).wait()

    def sc_start(b):
      pltpu.async_copy(ones_v, hist_sh.at[ib[b]], sms[b], add=True)

    def sc_wait(b):
      pltpu.make_async_copy(ones_v, hist_sh.at[ib[0]], sms[b]).wait()

    for j in range(4):
      idx_start(j, j)

    def outer(t, carry):
      for u in range(5):
        j = 5 * t + u
        b = u
        p = (u - 1) % 5
        idx_wait(b)

        @pl.when(j >= 1)
        def _():
          sc_wait(p)
        sc_start(b)

        @pl.when(j + 4 < NB)
        def _():
          idx_start(j + 4, p)
      return carry
    lax.fori_loop(0, NB // 5, outer, 0)
    sc_wait((NB - 1) % 5)

  @pl.when(c == 0)
  def _():
    scatter_edges(src0, hist_s_sh)
    scatter_edges(dst0, hist_d_sh)

  @pl.when(c == 1)
  def _():
    scatter_edges(src1, hist_s_sh)
    scatter_edges(dst1, hist_d_sh)

  plsc.subcore_barrier()

  def writeout(out_s, out_d):
    sl = pl.ds(s * RPT, RPT)
    pltpu.sync_copy(hist_s_sh.at[sl], buf_v)
    pltpu.sync_copy(buf_v, out_s.at[sl])
    pltpu.sync_copy(hist_d_sh.at[sl], buf_v)
    pltpu.sync_copy(buf_v, out_d.at[sl])

  @pl.when(c == 0)
  def _():
    writeout(out_s0, out_d0)

  @pl.when(c == 1)
  def _():
    writeout(out_s1, out_d1)


_deg_call = pl.kernel(
    _deg_body,
    out_type=[jax.ShapeDtypeStruct((NP,), jnp.float32)] * 4,
    mesh=_MESH,
    scratch_types=(
        [pltpu.VMEM((B,), jnp.float32)]
        + [pltpu.VMEM((B,), jnp.int32)] * 5
        + [pltpu.VMEM((RPT,), jnp.float32)]
        + [pltpu.SemaphoreType.DMA] * 10
        + [pltpu.VMEM_SHARED((NP,), jnp.float32)] * 2
    ),
)


def _gs_body(x0, x1, src0, dst0, src1, dst1, agg0, agg1,
             si0, si1, si2, si3, si4, di0, di1, di2, di3, di4,
             ro0, ro1, ro2, ro3, ro4, buf_v,
             ss0, ss1, ss2, ss3, ss4, sd0, sd1, sd2, sd3, sd4,
             sg0, sg1, sg2, sg3, sg4, sc0, sc1, sc2, sc3, sc4, agg_sh):
  c = lax.axis_index("c")
  s = lax.axis_index("s")
  sidx = [si0, si1, si2, si3, si4]
  didx = [di0, di1, di2, di3, di4]
  rows = [ro0, ro1, ro2, ro3, ro4]
  sems = [ss0, ss1, ss2, ss3, ss4]
  semd = [sd0, sd1, sd2, sd3, sd4]
  semg = [sg0, sg1, sg2, sg3, sg4]
  semc = [sc0, sc1, sc2, sc3, sc4]

  def zrow(i, carry):
    for j in range(D // 16):
      buf_v[i, pl.ds(j * 16, 16)] = jnp.zeros((16,), jnp.float32)
    return carry
  lax.fori_loop(0, CH, zrow, 0)
  for k in range(RPT // CH):
    pltpu.sync_copy(buf_v, agg_sh.at[pl.ds(s * RPT + k * CH, CH), :])
  plsc.subcore_barrier()

  def run(x_hbm, src_hbm, dst_hbm):
    base = s * EPT

    def sidx_start(j, b):
      pltpu.make_async_copy(src_hbm.at[pl.ds(base + j * BG, BG)],
                            sidx[b], sems[b]).start()

    def sidx_wait(b):
      pltpu.make_async_copy(src_hbm.at[pl.ds(base, BG)], sidx[b],
                            sems[b]).wait()

    def didx_start(j, b):
      pltpu.make_async_copy(dst_hbm.at[pl.ds(base + j * BG, BG)],
                            didx[b], semd[b]).start()

    def didx_wait(b):
      pltpu.make_async_copy(dst_hbm.at[pl.ds(base, BG)], didx[b],
                            semd[b]).wait()

    def gather_start(b):
      pltpu.async_copy(x_hbm.at[sidx[b]], rows[b], semg[b])

    def gather_wait(b):
      pltpu.make_async_copy(x_hbm.at[sidx[0]], rows[b], semg[b]).wait()

    def sc_start(b):
      pltpu.async_copy(rows[b], agg_sh.at[didx[b]], semc[b], add=True)

    def sc_wait(b):
      pltpu.make_async_copy(rows[b], agg_sh.at[didx[0]], semc[b]).wait()

    for j in range(4):
      sidx_start(j, j)
      didx_start(j, j)
    for j in range(2):
      sidx_wait(j)
      gather_start(j)

    def outer(t, carry):
      for u in range(5):
        j = 5 * t + u
        b = u
        p = (u - 1) % 5
        g = (u + 2) % 5
        gather_wait(b)

        @pl.when(j >= 1)
        def _():
          sc_wait(p)
        didx_wait(b)
        sc_start(b)

        @pl.when(j + 4 < NBG)
        def _():
          sidx_start(j + 4, p)
          didx_start(j + 4, p)

        @pl.when(j + 2 < NBG)
        def _():
          sidx_wait(g)
          gather_start(g)
      return carry
    lax.fori_loop(0, NBG // 5, outer, 0)
    sc_wait((NBG - 1) % 5)

  @pl.when(c == 0)
  def _():
    run(x0, src0, dst0)

  @pl.when(c == 1)
  def _():
    run(x1, src1, dst1)

  plsc.subcore_barrier()

  def wout(out):
    for k in range(RPT // CH):
      sl = pl.ds(s * RPT + k * CH, CH)
      pltpu.sync_copy(agg_sh.at[sl, :], buf_v)
      pltpu.sync_copy(buf_v, out.at[sl, :])

  @pl.when(c == 0)
  def _():
    wout(agg0)

  @pl.when(c == 1)
  def _():
    wout(agg1)


_gs_call = pl.kernel(
    _gs_body,
    out_type=[jax.ShapeDtypeStruct((NP, D), jnp.float32)] * 2,
    mesh=_MESH,
    scratch_types=(
        [pltpu.VMEM((BG,), jnp.int32)] * 10
        + [pltpu.VMEM((BG, D), jnp.float32)] * 5
        + [pltpu.VMEM((CH, D), jnp.float32)]
        + [pltpu.SemaphoreType.DMA] * 20
        + [pltpu.VMEM_SHARED((NP, D), jnp.float32)]
    ),
)

BR = 1000


def _pre_body(feat_ref, w0_ref, w1_ref, hs0_ref, hs1_ref, x0_ref, x1_ref):
  f = feat_ref[...]
  s0 = lax.rsqrt(jnp.maximum(hs0_ref[...], 1.0))
  s1 = lax.rsqrt(jnp.maximum(hs1_ref[...], 1.0))
  x0_ref[...] = jnp.dot(f * s0, w0_ref[...],
                        preferred_element_type=jnp.float32)
  x1_ref[...] = jnp.dot(f * s1, w1_ref[...],
                        preferred_element_type=jnp.float32)


def _post_body(a0_ref, a1_ref, hd0_ref, hd1_ref, b0_ref, b1_ref,
               r1w_ref, r1b_ref, r2w_ref, r2b_ref,
               rec_ref, h0_ref, h1_ref):
  s0 = lax.rsqrt(jnp.maximum(hd0_ref[...], 1.0))
  s1 = lax.rsqrt(jnp.maximum(hd1_ref[...], 1.0))
  h0 = jnp.maximum(a0_ref[...] * s0 + b0_ref[...], 0.0)
  h1 = jnp.maximum(a1_ref[...] * s1 + b1_ref[...], 0.0)
  h0_ref[...] = h0
  h1_ref[...] = h1
  hid = jnp.maximum(
      jnp.dot(h0 + h1, r1w_ref[...], preferred_element_type=jnp.float32)
      + r1b_ref[...], 0.0)
  rec_ref[...] = (jnp.dot(hid, r2w_ref[...], preferred_element_type=jnp.float32)
                  + r2b_ref[...])


def _row_spec(w):
  return pl.BlockSpec((BR, w), lambda i: (i, 0))


def _full_spec(h, w):
  return pl.BlockSpec((h, w), lambda i: (0, 0))


_pre_call = pl.pallas_call(
    _pre_body,
    grid=(N // BR,),
    in_specs=[_row_spec(D), _full_spec(D, D), _full_spec(D, D),
              _row_spec(1), _row_spec(1)],
    out_specs=[_row_spec(D), _row_spec(D)],
    out_shape=[jax.ShapeDtypeStruct((N, D), jnp.float32)] * 2,
)

_post_call = pl.pallas_call(
    _post_body,
    grid=(N // BR,),
    in_specs=[_row_spec(D), _row_spec(D), _row_spec(1), _row_spec(1),
              _full_spec(1, D), _full_spec(1, D),
              _full_spec(D, D), _full_spec(1, D),
              _full_spec(D, D), _full_spec(1, D)],
    out_specs=[_row_spec(D), _row_spec(D), _row_spec(D)],
    out_shape=[jax.ShapeDtypeStruct((N, D), jnp.float32)] * 3,
)


def kernel(feat, edge_index_r0, edge_index_r1, W0, b0, W1, b1,
           R1_W, R1_b, R2_W, R2_b):
  src0, dst0 = edge_index_r0[0], edge_index_r0[1]
  src1, dst1 = edge_index_r1[0], edge_index_r1[1]
  deg_s0, deg_d0, deg_s1, deg_d1 = _deg_call(src0, dst0, src1, dst1)
  deg_s0 = deg_s0[:N].reshape(N, 1)
  deg_d0 = deg_d0[:N].reshape(N, 1)
  deg_s1 = deg_s1[:N].reshape(N, 1)
  deg_d1 = deg_d1[:N].reshape(N, 1)
  x0, x1 = _pre_call(feat, W0, W1, deg_s0, deg_s1)
  agg0, agg1 = _gs_call(x0, x1, src0, dst0, src1, dst1)
  rec, h0, h1 = _post_call(
      agg0, agg1, deg_d0, deg_d1,
      b0.reshape(1, D), b1.reshape(1, D),
      R1_W, R1_b.reshape(1, D), R2_W, R2_b.reshape(1, D))
  return (rec, h0, h1)

# --- scband reference (transcript-rebuilt; emitter-appended) ---
"""Pipeline reference for scband-node-reconstruction-module-36636071035262 (READ-ONLY COPY).

The authoritative reference and input builder live on the scoring server;
editing this copy changes nothing except your own understanding.
"""

import jax, jax.numpy as jnp
import numpy as np

N = 10000
E = 320000
D_IN = 128
H = 128


def graph_conv(feat, src, dst, W, b, n):
    # DGL GraphConv with norm='both', activation=relu, allow_zero_in_degree=True
    out_deg = jnp.clip(jnp.bincount(src, length=n), 1, None).astype(feat.dtype)
    in_deg = jnp.clip(jnp.bincount(dst, length=n), 1, None).astype(feat.dtype)
    x = feat * jax.lax.rsqrt(out_deg)[:, None]
    x = x @ W
    msgs = jnp.take(x, src, axis=0)
    agg = jax.ops.segment_sum(msgs, dst, num_segments=n)
    agg = agg * jax.lax.rsqrt(in_deg)[:, None]
    return jax.nn.relu(agg + b)


def setup_inputs(seed: int = 0):
    key = jax.random.key(seed)
    ks = jax.random.split(key, 12)
    feat = jax.random.normal(ks[0], (N, D_IN), dtype=jnp.float32)
    edge_index_r0 = jax.random.randint(ks[1], (2, E), 0, N, dtype=jnp.int32)
    edge_index_r1 = jax.random.randint(ks[2], (2, E), 0, N, dtype=jnp.int32)
    s_in = 1.0 / np.sqrt(D_IN)
    s_h = 1.0 / np.sqrt(H)
    W0 = jax.random.normal(ks[3], (D_IN, H), dtype=jnp.float32) * s_in
    b0 = jnp.zeros((H,), dtype=jnp.float32)
    W1 = jax.random.normal(ks[4], (D_IN, H), dtype=jnp.float32) * s_in
    b1 = jnp.zeros((H,), dtype=jnp.float32)
    R1_W = jax.random.normal(ks[5], (H, H), dtype=jnp.float32) * s_h
    R1_b = jnp.zeros((H,), dtype=jnp.float32)
    R2_W = jax.random.normal(ks[6], (H, D_IN), dtype=jnp.float32) * s_h
    R2_b = jnp.zeros((D_IN,), dtype=jnp.float32)
    return {
        'feat': feat,
        'edge_index_r0': edge_index_r0,
        'edge_index_r1': edge_index_r1,
        'W0': W0, 'b0': b0, 'W1': W1, 'b1': b1,
        'R1_W': R1_W, 'R1_b': R1_b, 'R2_W': R2_W, 'R2_b': R2_b,
    }


def reference(feat, edge_index_r0, edge_index_r1, W0, b0, W1, b1, R1_W, R1_b, R2_W, R2_b):
    n = feat.shape[0]
    h0 = graph_conv(feat, edge_index_r0[0], edge_index_r0[1], W0, b0, n)
    h1 = graph_conv(feat, edge_index_r1[0], edge_index_r1[1], W1, b1, n)
    combined = h0 + h1
    hidden = jax.nn.relu(combined @ R1_W + R1_b)
    rec = hidden @ R2_W + R2_b
    return (rec, h0, h1)

if __name__ == "__main__":
    import jax
    _d = setup_inputs()
    print(jax.jit(kernel)(*tuple(_d.values())))

</pallas_src>

<mosaic_0001>
#map = affine_map<(d0, d1) -> (0, 0)>
#map1 = affine_map<(d0, d1) -> (0)>
module attributes {stable_mosaic.version = 14 : i64} {
  func.func @_gs_body(%arg0: i32, %arg1: i32, %arg2: memref<10000x128xf32, #tpu.memory_space<hbm>>, %arg3: memref<10000x128xf32, #tpu.memory_space<hbm>>, %arg4: memref<320000xi32, #tpu.memory_space<hbm>>, %arg5: memref<320000xi32, #tpu.memory_space<hbm>>, %arg6: memref<320000xi32, #tpu.memory_space<hbm>>, %arg7: memref<320000xi32, #tpu.memory_space<hbm>>, %arg8: memref<10240x128xf32, #tpu.memory_space<hbm>>, %arg9: memref<10240x128xf32, #tpu.memory_space<hbm>>, %arg10: memref<40xi32, #tpu.memory_space<vmem>>, %arg11: memref<40xi32, #tpu.memory_space<vmem>>, %arg12: memref<40xi32, #tpu.memory_space<vmem>>, %arg13: memref<40xi32, #tpu.memory_space<vmem>>, %arg14: memref<40xi32, #tpu.memory_space<vmem>>, %arg15: memref<40xi32, #tpu.memory_space<vmem>>, %arg16: memref<40xi32, #tpu.memory_space<vmem>>, %arg17: memref<40xi32, #tpu.memory_space<vmem>>, %arg18: memref<40xi32, #tpu.memory_space<vmem>>, %arg19: memref<40xi32, #tpu.memory_space<vmem>>, %arg20: memref<40x128xf32, #tpu.memory_space<vmem>>, %arg21: memref<40x128xf32, #tpu.memory_space<vmem>>, %arg22: memref<40x128xf32, #tpu.memory_space<vmem>>, %arg23: memref<40x128xf32, #tpu.memory_space<vmem>>, %arg24: memref<40x128xf32, #tpu.memory_space<vmem>>, %arg25: memref<128x128xf32, #tpu.memory_space<vmem>>, %arg26: memref<!tpu.dma_semaphore, #tpu.memory_space<semaphore_mem>>, %arg27: memref<!tpu.dma_semaphore, #tpu.memory_space<semaphore_mem>>, %arg28: memref<!tpu.dma_semaphore, #tpu.memory_space<semaphore_mem>>, %arg29: memref<!tpu.dma_semaphore, #tpu.memory_space<semaphore_mem>>, %arg30: memref<!tpu.dma_semaphore, #tpu.memory_space<semaphore_mem>>, %arg31: memref<!tpu.dma_semaphore, #tpu.memory_space<semaphore_mem>>, %arg32: memref<!tpu.dma_semaphore, #tpu.memory_space<semaphore_mem>>, %arg33: memref<!tpu.dma_semaphore, #tpu.memory_space<semaphore_mem>>, %arg34: memref<!tpu.dma_semaphore, #tpu.memory_space<semaphore_mem>>, %arg35: memref<!tpu.dma_semaphore, #tpu.memory_space<semaphore_mem>>, %arg36: memref<!tpu.dma_semaphore, #tpu.memory_space<semaphore_mem>>, %arg37: memref<!tpu.dma_semaphore, #tpu.memory_space<semaphore_mem>>, %arg38: memref<!tpu.dma_semaphore, #tpu.memory_space<semaphore_mem>>, %arg39: memref<!tpu.dma_semaphore, #tpu.memory_space<semaphore_mem>>, %arg40: memref<!tpu.dma_semaphore, #tpu.memory_space<semaphore_mem>>, %arg41: memref<!tpu.dma_semaphore, #tpu.memory_space<semaphore_mem>>, %arg42: memref<!tpu.dma_semaphore, #tpu.memory_space<semaphore_mem>>, %arg43: memref<!tpu.dma_semaphore, #tpu.memory_space<semaphore_mem>>, %arg44: memref<!tpu.dma_semaphore, #tpu.memory_space<semaphore_mem>>, %arg45: memref<!tpu.dma_semaphore, #tpu.memory_space<semaphore_mem>>, %arg46: memref<10240x128xf32, #tpu.memory_space<vmem_shared>>) attributes {dimension_semantics = [#tpu.dimension_semantics<core_parallel>, #tpu.dimension_semantics<subcore_parallel>], iteration_bounds = array<i64: 2, 16>, scalar_prefetch = 0 : i64, scratch_operands = 37 : i64, tpu.core_type = #tpu.core_type<sc_vector_subcore>, window_params = [{transform_indices = #map}, {transform_indices = #map}, {transform_indices = #map1}, {transform_indices = #map1}, {transform_indices = #map1}, {transform_indices = #map1}, {transform_indices = #map}, {transform_indices = #map}]} {
    %scan3A = arith.constant 0 : i32
    %scan3A_0 = arith.constant 0 : i32
    %scan3A_1 = arith.constant 128 : i32
    %scan3A_2 = arith.addi %scan3A_0, %scan3A_1 : i32
    %scan3A_3 = arith.constant 1 : i32
    scf.for %scan3A_41 = %scan3A_0 to %scan3A_2 step %scan3A_3  : i32 {
      %broadcast_in_dim3A = arith.constant 0.000000e+00 : f32
      %broadcast_in_dim3A_42 = vector.broadcast %broadcast_in_dim3A : f32 to vector<16xf32>
      %swap3A = arith.index_cast %scan3A_41 : i32 to index
      %swap3A_43 = arith.constant 0 : index
      %swap3A_44 = tpu.vector_load %arg25[%swap3A, %swap3A_43] {strides = array<i32>} : memref<128x128xf32, #tpu.memory_space<vmem>>, vector<1x16xf32>,
      %swap3A_45 = vector.shape_cast %swap3A_44 : vector<1x16xf32> to vector<16xf32>
      %swap3A_46 = vector.shape_cast %broadcast_in_dim3A_42 : vector<16xf32> to vector<1x16xf32>
      tpu.vector_store %arg25[%swap3A, %swap3A_43], %swap3A_46 {strides = array<i32>} : memref<128x128xf32, #tpu.memory_space<vmem>>, vector<1x16xf32>,
      %broadcast_in_dim3A_47 = arith.constant 0.000000e+00 : f32
      %broadcast_in_dim3A_48 = vector.broadcast %broadcast_in_dim3A_47 : f32 to vector<16xf32>
      %swap3A_49 = arith.index_cast %scan3A_41 : i32 to index
      %swap3A_50 = arith.constant 16 : index
      %swap3A_51 = tpu.vector_load %arg25[%swap3A_49, %swap3A_50] {strides = array<i32>} : memref<128x128xf32, #tpu.memory_space<vmem>>, vector<1x16xf32>,
      %swap3A_52 = vector.shape_cast %swap3A_51 : vector<1x16xf32> to vector<16xf32>
      %swap3A_53 = vector.shape_cast %broadcast_in_dim3A_48 : vector<16xf32> to vector<1x16xf32>
      tpu.vector_store %arg25[%swap3A_49, %swap3A_50], %swap3A_53 {strides = array<i32>} : memref<128x128xf32, #tpu.memory_space<vmem>>, vector<1x16xf32>,
      %broadcast_in_dim3A_54 = arith.constant 0.000000e+00 : f32
      %broadcast_in_dim3A_55 = vector.broadcast %broadcast_in_dim3A_54 : f32 to vector<16xf32>
      %swap3A_56 = arith.index_cast %scan3A_41 : i32 to index
      %swap3A_57 = arith.constant 32 : index
      %swap3A_58 = tpu.vector_load %arg25[%swap3A_56, %swap3A_57] {strides = array<i32>} : memref<128x128xf32, #tpu.memory_space<vmem>>, vector<1x16xf32>,
      %swap3A_59 = vector.shape_cast %swap3A_58 : vector<1x16xf32> to vector<16xf32>
      %swap3A_60 = vector.shape_cast %broadcast_in_dim3A_55 : vector<16xf32> to vector<1x16xf32>
      tpu.vector_store %arg25[%swap3A_56, %swap3A_57], %swap3A_60 {strides = array<i32>} : memref<128x128xf32, #tpu.memory_space<vmem>>, vector<1x16xf32>,
      %broadcast_in_dim3A_61 = arith.constant 0.000000e+00 : f32
      %broadcast_in_dim3A_62 = vector.broadcast %broadcast_in_dim3A_61 : f32 to vector<16xf32>
      %swap3A_63 = arith.index_cast %scan3A_41 : i32 to index
      %swap3A_64 = arith.constant 48 : index
      %swap3A_65 = tpu.vector_load %arg25[%swap3A_63, %swap3A_64] {strides = array<i32>} : memref<128x128xf32, #tpu.memory_space<vmem>>, vector<1x16xf32>,
      %swap3A_66 = vector.shape_cast %swap3A_65 : vector<1x16xf32> to vector<16xf32>
      %swap3A_67 = vector.shape_cast %broadcast_in_dim3A_62 : vector<16xf32> to vector<1x16xf32>
      tpu.vector_store %arg25[%swap3A_63, %swap3A_64], %swap3A_67 {strides = array<i32>} : memref<128x128xf32, #tpu.memory_space<vmem>>, vector<1x16xf32>,
      %broadcast_in_dim3A_68 = arith.constant 0.000000e+00 : f32
      %broadcast_in_dim3A_69 = vector.broadcast %broadcast_in_dim3A_68 : f32 to vector<16xf32>
      %swap3A_70 = arith.index_cast %scan3A_41 : i32 to index
      %swap3A_71 = arith.constant 64 : index
      %swap3A_72 = tpu.vector_load %arg25[%swap3A_70, %swap3A_71] {strides = array<i32>} : memref<128x128xf32, #tpu.memory_space<vmem>>, vector<1x16xf32>,
      %swap3A_73 = vector.shape_cast %swap3A_72 : vector<1x16xf32> to vector<16xf32>
      %swap3A_74 = vector.shape_cast %broadcast_in_dim3A_69 : vector<16xf32> to vector<1x16xf32>
      tpu.vector_store %arg25[%swap3A_70, %swap3A_71], %swap3A_74 {strides = array<i32>} : memref<128x128xf32, #tpu.memory_space<vmem>>, vector<1x16xf32>,
      %broadcast_in_dim3A_75 = arith.constant 0.000000e+00 : f32
      %broadcast_in_dim3A_76 = vector.broadcast %broadcast_in_dim3A_75 : f32 to vector<16xf32>
      %swap3A_77 = arith.index_cast %scan3A_41 : i32 to index
      %swap3A_78 = arith.constant 80 : index
      %swap3A_79 = tpu.vector_load %arg25[%swap3A_77, %swap3A_78] {strides = array<i32>} : memref<128x128xf32, #tpu.memory_space<vmem>>, vector<1x16xf32>,
      %swap3A_80 = vector.shape_cast %swap3A_79 : vector<1x16xf32> to vector<16xf32>
      %swap3A_81 = vector.shape_cast %broadcast_in_dim3A_76 : vector<16xf32> to vector<1x16xf32>
      tpu.vector_store %arg25[%swap3A_77, %swap3A_78], %swap3A_81 {strides = array<i32>} : memref<128x128xf32, #tpu.memory_space<vmem>>, vector<1x16xf32>,
      %broadcast_in_dim3A_82 = arith.constant 0.000000e+00 : f32
      %broadcast_in_dim3A_83 = vector.broadcast %broadcast_in_dim3A_82 : f32 to vector<16xf32>
      %swap3A_84 = arith.index_cast %scan3A_41 : i32 to index
      %swap3A_85 = arith.constant 96 : index
      %swap3A_86 = tpu.vector_load %arg25[%swap3A_84, %swap3A_85] {strides = array<i32>} : memref<128x128xf32, #tpu.memory_space<vmem>>, vector<1x16xf32>,
      %swap3A_87 = vector.shape_cast %swap3A_86 : vector<1x16xf32> to vector<16xf32>
      %swap3A_88 = vector.shape_cast %broadcast_in_dim3A_83 : vector<16xf32> to vector<1x16xf32>
      tpu.vector_store %arg25[%swap3A_84, %swap3A_85], %swap3A_88 {strides = array<i32>} : memref<128x128xf32, #tpu.memory_space<vmem>>, vector<1x16xf32>,
      %broadcast_in_dim3A_89 = arith.constant 0.000000e+00 : f32
      %broadcast_in_dim3A_90 = vector.broadcast %broadcast_in_dim3A_89 : f32 to vector<16xf32>
      %swap3A_91 = arith.index_cast %scan3A_41 : i32 to index
      %swap3A_92 = arith.constant 112 : index
      %swap3A_93 = tpu.vector_load %arg25[%swap3A_91, %swap3A_92] {strides = array<i32>} : memref<128x128xf32, #tpu.memory_space<vmem>>, vector<1x16xf32>,
      %swap3A_94 = vector.shape_cast %swap3A_93 : vector<1x16xf32> to vector<16xf32>
      %swap3A_95 = vector.shape_cast %broadcast_in_dim3A_90 : vector<16xf32> to vector<1x16xf32>
      tpu.vector_store %arg25[%swap3A_91, %swap3A_92], %swap3A_95 {strides = array<i32>} : memref<128x128xf32, #tpu.memory_space<vmem>>, vector<1x16xf32>,
    }
    %scan3A_4 = arith.constant 128 : i32
    %mul3A = arith.constant 640 : i32
    %mul3A_5 = arith.muli %arg1, %mul3A : i32
    %add3A = arith.constant 0 : i32
    %add3A_6 = arith.addi %mul3A_5, %add3A : i32
    "tpu.region"() ({
      %run_scoped3A = tpu.sem_alloc : memref<!tpu.dma_semaphore, #tpu.memory_space<semaphore_mem>>
      %dma_start3A = arith.constant 0 : i32
      %dma_start3A_41 = tpu.memref_slice %arg46[%add3A_6, %dma_start3A] : memref<10240x128xf32, #tpu.memory_space<vmem_shared>> -> memref<128x128xf32, #tpu.memory_space<vmem_shared>>
      %dma_start3A_42 = arith.constant 0 : i32
      %dma_start3A_43 = tpu.memref_slice %arg46[%add3A_6, %dma_start3A_42] : memref<10240x128xf32, #tpu.memory_space<vmem_shared>> -> memref<128x128xf32, #tpu.memory_space<vmem_shared>>
      tpu.enqueue_dma source(%arg25 : memref<128x128xf32, #tpu.memory_space<vmem>>) target(%dma_start3A_43 : memref<128x128xf32, #tpu.memory_space<vmem_shared>>) target_semaphore(%run_scoped3A : memref<!tpu.dma_semaphore, #tpu.memory_space<semaphore_mem>>)
      %dma_wait3A = arith.constant 0 : i32
      %dma_wait3A_44 = tpu.memref_slice %arg46[%add3A_6, %dma_wait3A] : memref<10240x128xf32, #tpu.memory_space<vmem_shared>> -> memref<128x128xf32, #tpu.memory_space<vmem_shared>>
      %dma_wait3A_45 = arith.constant 0 : i32
      %dma_wait3A_46 = tpu.memref_slice %arg46[%add3A_6, %dma_wait3A_45] : memref<10240x128xf32, #tpu.memory_space<vmem_shared>> -> memref<128x128xf32, #tpu.memory_space<vmem_shared>>
      tpu.wait_dma2 semaphore(%run_scoped3A : memref<!tpu.dma_semaphore, #tpu.memory_space<semaphore_mem>>) src(%arg25 : memref<128x128xf32, #tpu.memory_space<vmem>>) dst(%dma_wait3A_46 : memref<128x128xf32, #tpu.memory_space<vmem_shared>>)
      tpu.yield
    }) : () -> ()
    %mul3A_7 = arith.constant 640 : i32
    %mul3A_8 = arith.muli %arg1, %mul3A_7 : i32
    %add3A_9 = arith.constant 128 : i32
    %add3A_10 = arith.addi %mul3A_8, %add3A_9 : i32
    "tpu.region"() ({
      %run_scoped3A = tpu.sem_alloc : memref<!tpu.dma_semaphore, #tpu.memory_space<semaphore_mem>>
      %dma_start3A = arith.constant 0 : i32
      %dma_start3A_41 = tpu.memref_slice %arg46[%add3A_10, %dma_start3A] : memref<10240x128xf32, #tpu.memory_space<vmem_shared>> -> memref<128x128xf32, #tpu.memory_space<vmem_shared>>
      %dma_start3A_42 = arith.constant 0 : i32
      %dma_start3A_43 = tpu.memref_slice %arg46[%add3A_10, %dma_start3A_42] : memref<10240x128xf32, #tpu.memory_space<vmem_shared>> -> memref<128x128xf32, #tpu.memory_space<vmem_shared>>
      tpu.enqueue_dma source(%arg25 : memref<128x128xf32, #tpu.memory_space<vmem>>) target(%dma_start3A_43 : memref<128x128xf32, #tpu.memory_space<vmem_shared>>) target_semaphore(%run_scoped3A : memref<!tpu.dma_semaphore, #tpu.memory_space<semaphore_mem>>)
      %dma_wait3A = arith.constant 0 : i32
      %dma_wait3A_44 = tpu.memref_slice %arg46[%add3A_10, %dma_wait3A] : memref<10240x128xf32, #tpu.memory_space<vmem_shared>> -> memref<128x128xf32, #tpu.memory_space<vmem_shared>>
      %dma_wait3A_45 = arith.constant 0 : i32
      %dma_wait3A_46 = tpu.memref_slice %arg46[%add3A_10, %dma_wait3A_45] : memref<10240x128xf32, #tpu.memory_space<vmem_shared>> -> memref<128x128xf32, #tpu.memory_space<vmem_shared>>
      tpu.wait_dma2 semaphore(%run_scoped3A : memref<!tpu.dma_semaphore, #tpu.memory_space<semaphore_mem>>) src(%arg25 : memref<128x128xf32, #tpu.memory_space<vmem>>) dst(%dma_wait3A_46 : memref<128x128xf32, #tpu.memory_space<vmem_shared>>)
      tpu.yield
    }) : () -> ()
    %mul3A_11 = arith.constant 640 : i32
    %mul3A_12 = arith.muli %arg1, %mul3A_11 : i32
    %add3A_13 = arith.constant 256 : i32
    %add3A_14 = arith.addi %mul3A_12, %add3A_13 : i32
    "tpu.region"() ({
      %run_scoped3A = tpu.sem_alloc : memref<!tpu.dma_semaphore, #tpu.memory_space<semaphore_mem>>
      %dma_start3A = arith.constant 0 : i32
      %dma_start3A_41 = tpu.memref_slice %arg46[%add3A_14, %dma_start3A] : memref<10240x128xf32, #tpu.memory_space<vmem_shared>> -> memref<128x128xf32, #tpu.memory_space<vmem_shared>>
      %dma_start3A_42 = arith.constant 0 : i32
      %dma_start3A_43 = tpu.memref_slice %arg46[%add3A_14, %dma_start3A_42] : memref<10240x128xf32, #tpu.memory_space<vmem_shared>> -> memref<128x128xf32, #tpu.memory_space<vmem_shared>>
      tpu.enqueue_dma source(%arg25 : memref<128x128xf32, #tpu.memory_space<vmem>>) target(%dma_start3A_43 : memref<128x128xf32, #tpu.memory_space<vmem_shared>>) target_semaphore(%run_scoped3A : memref<!tpu.dma_semaphore, #tpu.memory_space<semaphore_mem>>)
      %dma_wait3A = arith.constant 0 : i32
      %dma_wait3A_44 = tpu.memref_slice %arg46[%add3A_14, %dma_wait3A] : memref<10240x128xf32, #tpu.memory_space<vmem_shared>> -> memref<128x128xf32, #tpu.memory_space<vmem_shared>>
      %dma_wait3A_45 = arith.constant 0 : i32
      %dma_wait3A_46 = tpu.memref_slice %arg46[%add3A_14, %dma_wait3A_45] : memref<10240x128xf32, #tpu.memory_space<vmem_shared>> -> memref<128x128xf32, #tpu.memory_space<vmem_shared>>
      tpu.wait_dma2 semaphore(%run_scoped3A : memref<!tpu.dma_semaphore, #tpu.memory_space<semaphore_mem>>) src(%arg25 : memref<128x128xf32, #tpu.memory_space<vmem>>) dst(%dma_wait3A_46 : memref<128x128xf32, #tpu.memory_space<vmem_shared>>)
      tpu.yield
    }) : () -> ()
    %mul3A_15 = arith.constant 640 : i32
    %mul3A_16 = arith.muli %arg1, %mul3A_15 : i32
    %add3A_17 = arith.constant 384 : i32
    %add3A_18 = arith.addi %mul3A_16, %add3A_17 : i32
    "tpu.region"() ({
      %run_scoped3A = tpu.sem_alloc : memref<!tpu.dma_semaphore, #tpu.memory_space<semaphore_mem>>
      %dma_start3A = arith.constant 0 : i32
      %dma_start3A_41 = tpu.memref_slice %arg46[%add3A_18, %dma_start3A] : memref<10240x128xf32, #tpu.memory_space<vmem_shared>> -> memref<128x128xf32, #tpu.memory_space<vmem_shared>>
      %dma_start3A_42 = arith.constant 0 : i32
      %dma_start3A_43 = tpu.memref_slice %arg46[%add3A_18, %dma_start3A_42] : memref<10240x128xf32, #tpu.memory_space<vmem_shared>> -> memref<128x128xf32, #tpu.memory_space<vmem_shared>>
      tpu.enqueue_dma source(%arg25 : memref<128x128xf32, #tpu.memory_space<vmem>>) target(%dma_start3A_43 : memref<128x128xf32, #tpu.memory_space<vmem_shared>>) target_semaphore(%run_scoped3A : memref<!tpu.dma_semaphore, #tpu.memory_space<semaphore_mem>>)
      %dma_wait3A = arith.constant 0 : i32
      %dma_wait3A_44 = tpu.memref_slice %arg46[%add3A_18, %dma_wait3A] : memref<10240x128xf32, #tpu.memory_space<vmem_shared>> -> memref<128x128xf32, #tpu.memory_space<vmem_shared>>
      %dma_wait3A_45 = arith.constant 0 : i32
      %dma_wait3A_46 = tpu.memref_slice %arg46[%add3A_18, %dma_wait3A_45] : memref<10240x128xf32, #tpu.memory_space<vmem_shared>> -> memref<128x128xf32, #tpu.memory_space<vmem_shared>>
      tpu.wait_dma2 semaphore(%run_scoped3A : memref<!tpu.dma_semaphore, #tpu.memory_space<semaphore_mem>>) src(%arg25 : memref<128x128xf32, #tpu.memory_space<vmem>>) dst(%dma_wait3A_46 : memref<128x128xf32, #tpu.memory_space<vmem_shared>>)
      tpu.yield
    }) : () -> ()
    %mul3A_19 = arith.constant 640 : i32
    %mul3A_20 = arith.muli %arg1, %mul3A_19 : i32
    %add3A_21 = arith.constant 512 : i32
    %add3A_22 = arith.addi %mul3A_20, %add3A_21 : i32
    "tpu.region"() ({
      %run_scoped3A = tpu.sem_alloc : memref<!tpu.dma_semaphore, #tpu.memory_space<semaphore_mem>>
      %dma_start3A = arith.constant 0 : i32
      %dma_start3A_41 = tpu.memref_slice %arg46[%add3A_22, %dma_start3A] : memref<10240x128xf32, #tpu.memory_space<vmem_shared>> -> memref<128x128xf32, #tpu.memory_space<vmem_shared>>
      %dma_start3A_42 = arith.constant 0 : i32
      %dma_start3A_43 = tpu.memref_slice %arg46[%add3A_22, %dma_start3A_42] : memref<10240x128xf32, #tpu.memory_space<vmem_shared>> -> memref<128x128xf32, #tpu.memory_space<vmem_shared>>
      tpu.enqueue_dma source(%arg25 : memref<128x128xf32, #tpu.memory_space<vmem>>) target(%dma_start3A_43 : memref<128x128xf32, #tpu.memory_space<vmem_shared>>) target_semaphore(%run_scoped3A : memref<!tpu.dma_semaphore, #tpu.memory_space<semaphore_mem>>)
      %dma_wait3A = arith.constant 0 : i32
      %dma_wait3A_44 = tpu.memref_slice %arg46[%add3A_22, %dma_wait3A] : memref<10240x128xf32, #tpu.memory_space<vmem_shared>> -> memref<128x128xf32, #tpu.memory_space<vmem_shared>>
      %dma_wait3A_45 = arith.constant 0 : i32
      %dma_wait3A_46 = tpu.memref_slice %arg46[%add3A_22, %dma_wait3A_45] : memref<10240x128xf32, #tpu.memory_space<vmem_shared>> -> memref<128x128xf32, #tpu.memory_space<vmem_shared>>
      tpu.wait_dma2 semaphore(%run_scoped3A : memref<!tpu.dma_semaphore, #tpu.memory_space<semaphore_mem>>) src(%arg25 : memref<128x128xf32, #tpu.memory_space<vmem>>) dst(%dma_wait3A_46 : memref<128x128xf32, #tpu.memory_space<vmem_shared>>)
      tpu.yield
    }) : () -> ()
    %barrier3A = arith.constant 0 : index
    tpu.barrier barrier_id(%barrier3A)
    %eq3A = arith.constant 0 : i32
    %eq3A_23 = arith.cmpi eq, %arg0, %eq3A : i32
    %convert_element_type3A = arith.extui %eq3A_23 : i1 to i32
    %cond3A = arith.constant 0 : i32
    %cond3A_24 = arith.cmpi ne, %convert_element_type3A, %cond3A : i32
    scf.if %cond3A_24 {
      %mul3A_41 = arith.constant 20000 : i32
      %mul3A_42 = arith.muli %arg1, %mul3A_41 : i32
      %add3A_43 = arith.constant 0 : i32
      %add3A_44 = arith.addi %mul3A_42, %add3A_43 : i32
      %dma_start3A = tpu.memref_slice %arg4[%add3A_44] : memref<320000xi32, #tpu.memory_space<hbm>> -> memref<40xi32, #tpu.memory_space<hbm>>
      %dma_start3A_45 = tpu.memref_slice %arg4[%add3A_44] : memref<320000xi32, #tpu.memory_space<hbm>> -> memref<40xi32, #tpu.memory_space<hbm>>
      tpu.enqueue_dma source(%dma_start3A_45 : memref<40xi32, #tpu.memory_space<hbm>>) target(%arg10 : memref<40xi32, #tpu.memory_space<vmem>>) target_semaphore(%arg26 : memref<!tpu.dma_semaphore, #tpu.memory_space<semaphore_mem>>)
      %add3A_46 = arith.constant 0 : i32
      %add3A_47 = arith.addi %mul3A_42, %add3A_46 : i32
      %dma_start3A_48 = tpu.memref_slice %arg5[%add3A_47] : memref<320000xi32, #tpu.memory_space<hbm>> -> memref<40xi32, #tpu.memory_space<hbm>>
      %dma_start3A_49 = tpu.memref_slice %arg5[%add3A_47] : memref<320000xi32, #tpu.memory_space<hbm>> -> memref<40xi32, #tpu.memory_space<hbm>>
      tpu.enqueue_dma source(%dma_start3A_49 : memref<40xi32, #tpu.memory_space<hbm>>) target(%arg15 : memref<40xi32, #tpu.memory_space<vmem>>) target_semaphore(%arg31 : memref<!tpu.dma_semaphore, #tpu.memory_space<semaphore_mem>>)
      %add3A_50 = arith.constant 40 : i32
      %add3A_51 = arith.addi %mul3A_42, %add3A_50 : i32
      %dma_start3A_52 = tpu.memref_slice %arg4[%add3A_51] : memref<320000xi32, #tpu.memory_space<hbm>> -> memref<40xi32, #tpu.memory_space<hbm>>
      %dma_start3A_53 = tpu.memref_slice %arg4[%add3A_51] : memref<320000xi32, #tpu.memory_space<hbm>> -> memref<40xi32, #tpu.memory_space<hbm>>
      tpu.enqueue_dma source(%dma_start3A_53 : memref<40xi32, #tpu.memory_space<hbm>>) target(%arg11 : memref<40xi32, #tpu.memory_space<vmem>>) target_semaphore(%arg27 : memref<!tpu.dma_semaphore, #tpu.memory_space<semaphore_mem>>)
      %add3A_54 = arith.constant 40 : i32
      %add3A_55 = arith.addi %mul3A_42, %add3A_54 : i32
      %dma_start3A_56 = tpu.memref_slice %arg5[%add3A_55] : memref<320000xi32, #tpu.memory_space<hbm>> -> memref<40xi32, #tpu.memory_space<hbm>>
      %dma_start3A_57 = tpu.memref_slice %arg5[%add3A_55] : memref<320000xi32, #tpu.memory_space<hbm>> -> memref<40xi32, #tpu.memory_space<hbm>>
      tpu.enqueue_dma source(%dma_start3A_57 : memref<40xi32, #tpu.memory_space<hbm>>) target(%arg16 : memref<40xi32, #tpu.memory_space<vmem>>) target_semaphore(%arg32 : memref<!tpu.dma_semaphore, #tpu.memory_space<semaphore_mem>>)
      %add3A_58 = arith.constant 80 : i32
      %add3A_59 = arith.addi %mul3A_42, %add3A_58 : i32
      %dma_start3A_60 = tpu.memref_slice %arg4[%add3A_59] : memref<320000xi32, #tpu.memory_space<hbm>> -> memref<40xi32, #tpu.memory_space<hbm>>
      %dma_start3A_61 = tpu.memref_slice %arg4[%add3A_59] : memref<320000xi32, #tpu.memory_space<hbm>> -> memref<40xi32, #tpu.memory_space<hbm>>
      tpu.enqueue_dma source(%dma_start3A_61 : memref<40xi32, #tpu.memory_space<hbm>>) target(%arg12 : memref<40xi32, #tpu.memory_space<vmem>>) target_semaphore(%arg28 : memref<!tpu.dma_semaphore, #tpu.memory_space<semaphore_mem>>)
      %add3A_62 = arith.constant 80 : i32
      %add3A_63 = arith.addi %mul3A_42, %add3A_62 : i32
      %dma_start3A_64 = tpu.memref_slice %arg5[%add3A_63] : memref<320000xi32, #tpu.memory_space<hbm>> -> memref<40xi32, #tpu.memory_space<hbm>>
      %dma_start3A_65 = tpu.memref_slice %arg5[%add3A_63] : memref<320000xi32, #tpu.memory_space<hbm>> -> memref<40xi32, #tpu.memory_space<hbm>>
      tpu.enqueue_dma source(%dma_start3A_65 : memref<40xi32, #tpu.memory_space<hbm>>) target(%arg17 : memref<40xi32, #tpu.memory_space<vmem>>) target_semaphore(%arg33 : memref<!tpu.dma_semaphore, #tpu.memory_space<semaphore_mem>>)
      %add3A_66 = arith.constant 120 : i32
      %add3A_67 = arith.addi %mul3A_42, %add3A_66 : i32
      %dma_start3A_68 = tpu.memref_slice %arg4[%add3A_67] : memref<320000xi32, #tpu.memory_space<hbm>> -> memref<40xi32, #tpu.memory_space<hbm>>
      %dma_start3A_69 = tpu.memref_slice %arg4[%add3A_67] : memref<320000xi32, #tpu.memory_space<hbm>> -> memref<40xi32, #tpu.memory_space<hbm>>
      tpu.enqueue_dma source(%dma_start3A_69 : memref<40xi32, #tpu.memory_space<hbm>>) target(%arg13 : memref<40xi32, #tpu.memory_space<vmem>>) target_semaphore(%arg29 : memref<!tpu.dma_semaphore, #tpu.memory_space<semaphore_mem>>)
      %add3A_70 = arith.constant 120 : i32
      %add3A_71 = arith.addi %mul3A_42, %add3A_70 : i32
      %dma_start3A_72 = tpu.memref_slice %arg5[%add3A_71] : memref<320000xi32, #tpu.memory_space<hbm>> -> memref<40xi32, #tpu.memory_space<hbm>>
      %dma_start3A_73 = tpu.memref_slice %arg5[%add3A_71] : memref<320000xi32, #tpu.memory_space<hbm>> -> memref<40xi32, #tpu.memory_space<hbm>>
      tpu.enqueue_dma source(%dma_start3A_73 : memref<40xi32, #tpu.memory_space<hbm>>) target(%arg18 : memref<40xi32, #tpu.memory_space<vmem>>) target_semaphore(%arg34 : memref<!tpu.dma_semaphore, #tpu.memory_space<semaphore_mem>>)
      %dma_wait3A = tpu.memref_slice %arg4[%mul3A_42] : memref<320000xi32, #tpu.memory_space<hbm>> -> memref<40xi32, #tpu.memory_space<hbm>>
      %dma_wait3A_74 = tpu.memref_slice %arg4[%mul3A_42] : memref<320000xi32, #tpu.memory_space<hbm>> -> memref<40xi32, #tpu.memory_space<hbm>>
      tpu.wait_dma2 semaphore(%arg26 : memref<!tpu.dma_semaphore, #tpu.memory_space<semaphore_mem>>) src(%dma_wait3A_74 : memref<40xi32, #tpu.memory_space<hbm>>) dst(%arg10 : memref<40xi32, #tpu.memory_space<vmem>>)
      %dma_start3A_75 = arith.constant 0 : i32
      %dma_start3A_76 = arith.constant 0 : i32
      %dma_start3A_77 = tpu.memref_slice %arg2[%dma_start3A_75, %dma_start3A_76] : memref<10000x128xf32, #tpu.memory_space<hbm>> -> memref<10000x128xf32, #tpu.memory_space<hbm>>
      tpu.enqueue_indirect_dma source(%dma_start3A_77 : memref<10000x128xf32, #tpu.memory_space<hbm>>) target(%arg20 : memref<40x128xf32, #tpu.memory_space<vmem>>) offsets(%arg10 : memref<40xi32, #tpu.memory_space<vmem>>) semaphore(%arg36 : memref<!tpu.dma_semaphore, #tpu.memory_space<semaphore_mem>>)
      %dma_wait3A_78 = tpu.memref_slice %arg4[%mul3A_42] : memref<320000xi32, #tpu.memory_space<hbm>> -> memref<40xi32, #tpu.memory_space<hbm>>
      %dma_wait3A_79 = tpu.memref_slice %arg4[%mul3A_42] : memref<320000xi32, #tpu.memory_space<hbm>> -> memref<40xi32, #tpu.memory_space<hbm>>
      tpu.wait_dma2 semaphore(%arg27 : memref<!tpu.dma_semaphore, #tpu.memory_space<semaphore_mem>>) src(%dma_wait3A_79 : memref<40xi32, #tpu.memory_space<hbm>>) dst(%arg11 : memref<40xi32, #tpu.memory_space<vmem>>)
      %dma_start3A_80 = arith.constant 0 : i32
      %dma_start3A_81 = arith.constant 0 : i32
      %dma_start3A_82 = tpu.memref_slice %arg2[%dma_start3A_80, %dma_start3A_81] : memref<10000x128xf32, #tpu.memory_space<hbm>> -> memref<10000x128xf32, #tpu.memory_space<hbm>>
      tpu.enqueue_indirect_dma source(%dma_start3A_82 : memref<10000x128xf32, #tpu.memory_space<hbm>>) target(%arg21 : memref<40x128xf32, #tpu.memory_space<vmem>>) offsets(%arg11 : memref<40xi32, #tpu.memory_space<vmem>>) semaphore(%arg37 : memref<!tpu.dma_semaphore, #tpu.memory_space<semaphore_mem>>)
      %scan3A_83 = arith.constant 0 : i32
      %scan3A_84 = arith.constant 0 : i32
      %scan3A_85 = arith.constant 100 : i32
      %scan3A_86 = arith.addi %scan3A_84, %scan3A_85 : i32
      %scan3A_87 = arith.constant 1 : i32
      scf.for %scan3A_92 = %scan3A_84 to %scan3A_86 step %scan3A_87  : i32 {
        %mul3A_93 = arith.constant 5 : i32
        %mul3A_94 = arith.muli %mul3A_93, %scan3A_92 : i32
        %add3A_95 = arith.constant 0 : i32
        %add3A_96 = arith.addi %mul3A_94, %add3A_95 : i32
        %dma_wait3A_97 = arith.constant 0 : i32
        %dma_wait3A_98 = arith.constant 0 : i32
        %dma_wait3A_99 = tpu.memref_slice %arg2[%dma_wait3A_97, %dma_wait3A_98] : memref<10000x128xf32, #tpu.memory_space<hbm>> -> memref<10000x128xf32, #tpu.memory_space<hbm>>
        tpu.wait_indirect_dma semaphore(%arg36 : memref<!tpu.dma_semaphore, #tpu.memory_space<semaphore_mem>>) src(%dma_wait3A_99 : memref<10000x128xf32, #tpu.memory_space<hbm>>) dst(%arg20 : memref<40x128xf32, #tpu.memory_space<vmem>>)
        %ge3A = arith.constant 1 : i32
        %ge3A_100 = arith.cmpi sge, %add3A_96, %ge3A : i32
        %convert_element_type3A_101 = arith.extui %ge3A_100 : i1 to i32
        %cond3A_102 = arith.constant 0 : i32
        %cond3A_103 = arith.cmpi ne, %convert_element_type3A_101, %cond3A_102 : i32
        scf.if %cond3A_103 {
          %dma_wait3A_246 = arith.constant 0 : i32
          %dma_wait3A_247 = arith.constant 0 : i32
          %dma_wait3A_248 = tpu.memref_slice %arg46[%dma_wait3A_246, %dma_wait3A_247] : memref<10240x128xf32, #tpu.memory_space<vmem_shared>> -> memref<10240x128xf32, #tpu.memory_space<vmem_shared>>
          tpu.wait_indirect_dma semaphore(%arg45 : memref<!tpu.dma_semaphore, #tpu.memory_space<semaphore_mem>>) src(%arg24 : memref<40x128xf32, #tpu.memory_space<vmem>>) dst(%dma_wait3A_248 : memref<10240x128xf32, #tpu.memory_space<vmem_shared>>)
        } else {
        }
        %dma_wait3A_104 = tpu.memref_slice %arg5[%mul3A_42] : memref<320000xi32, #tpu.memory_space<hbm>> -> memref<40xi32, #tpu.memory_space<hbm>>
        %dma_wait3A_105 = tpu.memref_slice %arg5[%mul3A_42] : memref<320000xi32, #tpu.memory_space<hbm>> -> memref<40xi32, #tpu.memory_space<hbm>>
        tpu.wait_dma2 semaphore(%arg31 : memref<!tpu.dma_semaphore, #tpu.memory_space<semaphore_mem>>) src(%dma_wait3A_105 : memref<40xi32, #tpu.memory_space<hbm>>) dst(%arg15 : memref<40xi32, #tpu.memory_space<vmem>>)
        %dma_start3A_106 = arith.constant 0 : i32
        %dma_start3A_107 = arith.constant 0 : i32
        %dma_start3A_108 = tpu.memref_slice %arg46[%dma_start3A_106, %dma_start3A_107] : memref<10240x128xf32, #tpu.memory_space<vmem_shared>> -> memref<10240x128xf32, #tpu.memory_space<vmem_shared>>
        tpu.enqueue_indirect_dma source(%arg20 : memref<40x128xf32, #tpu.memory_space<vmem>>) target(%dma_start3A_108 : memref<10240x128xf32, #tpu.memory_space<vmem_shared>>) offsets(%arg15 : memref<40xi32, #tpu.memory_space<vmem>>) semaphore(%arg41 : memref<!tpu.dma_semaphore, #tpu.memory_space<semaphore_mem>>) {add = true}
        %add3A_109 = arith.constant 4 : i32
        %add3A_110 = arith.addi %add3A_96, %add3A_109 : i32
        %lt3A = arith.constant 500 : i32
        %lt3A_111 = arith.cmpi slt, %add3A_110, %lt3A : i32
        %convert_element_type3A_112 = arith.extui %lt3A_111 : i1 to i32
        %cond3A_113 = arith.constant 0 : i32
        %cond3A_114 = arith.cmpi ne, %convert_element_type3A_112, %cond3A_113 : i32
        scf.if %cond3A_114 {
          %add3A_246 = arith.constant 4 : i32
          %add3A_247 = arith.addi %add3A_96, %add3A_246 : i32
          %mul3A_248 = arith.constant 40 : i32
          %mul3A_249 = arith.muli %add3A_247, %mul3A_248 : i32
          %add3A_250 = arith.addi %mul3A_42, %mul3A_249 : i32
          %dma_start3A_251 = tpu.memref_slice %arg4[%add3A_250] : memref<320000xi32, #tpu.memory_space<hbm>> -> memref<40xi32, #tpu.memory_space<hbm>>
          %dma_start3A_252 = tpu.memref_slice %arg4[%add3A_250] : memref<320000xi32, #tpu.memory_space<hbm>> -> memref<40xi32, #tpu.memory_space<hbm>>
          tpu.enqueue_dma source(%dma_start3A_252 : memref<40xi32, #tpu.memory_space<hbm>>) target(%arg14 : memref<40xi32, #tpu.memory_space<vmem>>) target_semaphore(%arg30 : memref<!tpu.dma_semaphore, #tpu.memory_space<semaphore_mem>>)
          %add3A_253 = arith.constant 4 : i32
          %add3A_254 = arith.addi %add3A_96, %add3A_253 : i32
          %mul3A_255 = arith.constant 40 : i32
          %mul3A_256 = arith.muli %add3A_254, %mul3A_255 : i32
          %add3A_257 = arith.addi %mul3A_42, %mul3A_256 : i32
          %dma_start3A_258 = tpu.memref_slice %arg5[%add3A_257] : memref<320000xi32, #tpu.memory_space<hbm>> -> memref<40xi32, #tpu.memory_space<hbm>>
          %dma_start3A_259 = tpu.memref_slice %arg5[%add3A_257] : memref<320000xi32, #tpu.memory_space<hbm>> -> memref<40xi32, #tpu.memory_space<hbm>>
          tpu.enqueue_dma source(%dma_start3A_259 : memref<40xi32, #tpu.memory_space<hbm>>) target(%arg19 : memref<40xi32, #tpu.memory_space<vmem>>) target_semaphore(%arg35 : memref<!tpu.dma_semaphore, #tpu.memory_space<semaphore_mem>>)
        } else {
        }
        %add3A_115 = arith.constant 2 : i32
        %add3A_116 = arith.addi %add3A_96, %add3A_115 : i32
        %lt3A_117 = arith.constant 500 : i32
        %lt3A_118 = arith.cmpi slt, %add3A_116, %lt3A_117 : i32
        %convert_element_type3A_119 = arith.extui %lt3A_118 : i1 to i32
        %cond3A_120 = arith.constant 0 : i32
        %cond3A_121 = arith.cmpi ne, %convert_element_type3A_119, %cond3A_120 : i32
        scf.if %cond3A_121 {
          %dma_wait3A_246 = tpu.memref_slice %arg4[%mul3A_42] : memref<320000xi32, #tpu.memory_space<hbm>> -> memref<40xi32, #tpu.memory_space<hbm>>
          %dma_wait3A_247 = tpu.memref_slice %arg4[%mul3A_42] : memref<320000xi32, #tpu.memory_space<hbm>> -> memref<40xi32, #tpu.memory_space<hbm>>
          tpu.wait_dma2 semaphore(%arg28 : memref<!tpu.dma_semaphore, #tpu.memory_space<semaphore_mem>>) src(%dma_wait3A_247 : memref<40xi32, #tpu.memory_space<hbm>>) dst(%arg12 : memref<40xi32, #tpu.memory_space<vmem>>)
          %dma_start3A_248 = arith.constant 0 : i32
          %dma_start3A_249 = arith.constant 0 : i32
          %dma_start3A_250 = tpu.memref_slice %arg2[%dma_start3A_248, %dma_start3A_249] : memref<10000x128xf32, #tpu.memory_space<hbm>> -> memref<10000x128xf32, #tpu.memory_space<hbm>>
          tpu.enqueue_indirect_dma source(%dma_start3A_250 : memref<10000x128xf32, #tpu.memory_space<hbm>>) target(%arg22 : memref<40x128xf32, #tpu.memory_space<vmem>>) offsets(%arg12 : memref<40xi32, #tpu.memory_space<vmem>>) semaphore(%arg38 : memref<!tpu.dma_semaphore, #tpu.memory_space<semaphore_mem>>)
        } else {
        }
        %mul3A_122 = arith.constant 5 : i32
        %mul3A_123 = arith.muli %mul3A_122, %scan3A_92 : i32
        %add3A_124 = arith.constant 1 : i32
        %add3A_125 = arith.addi %mul3A_123, %add3A_124 : i32
        %dma_wait3A_126 = arith.constant 0 : i32
        %dma_wait3A_127 = arith.constant 0 : i32
        %dma_wait3A_128 = tpu.memref_slice %arg2[%dma_wait3A_126, %dma_wait3A_127] : memref<10000x128xf32, #tpu.memory_space<hbm>> -> memref<10000x128xf32, #tpu.memory_space<hbm>>
        tpu.wait_indirect_dma semaphore(%arg37 : memref<!tpu.dma_semaphore, #tpu.memory_space<semaphore_mem>>) src(%dma_wait3A_128 : memref<10000x128xf32, #tpu.memory_space<hbm>>) dst(%arg21 : memref<40x128xf32, #tpu.memory_space<vmem>>)
        %ge3A_129 = arith.constant 1 : i32
        %ge3A_130 = arith.cmpi sge, %add3A_125, %ge3A_129 : i32
        %convert_element_type3A_131 = arith.extui %ge3A_130 : i1 to i32
        %cond3A_132 = arith.constant 0 : i32
        %cond3A_133 = arith.cmpi ne, %convert_element_type3A_131, %cond3A_132 : i32
        scf.if %cond3A_133 {
          %dma_wait3A_246 = arith.constant 0 : i32
          %dma_wait3A_247 = arith.constant 0 : i32
          %dma_wait3A_248 = tpu.memref_slice %arg46[%dma_wait3A_246, %dma_wait3A_247] : memref<10240x128xf32, #tpu.memory_space<vmem_shared>> -> memref<10240x128xf32, #tpu.memory_space<vmem_shared>>
          tpu.wait_indirect_dma semaphore(%arg41 : memref<!tpu.dma_semaphore, #tpu.memory_space<semaphore_mem>>) src(%arg20 : memref<40x128xf32, #tpu.memory_space<vmem>>) dst(%dma_wait3A_248 : memref<10240x128xf32, #tpu.memory_space<vmem_shared>>)
        } else {
        }
        %dma_wait3A_134 = tpu.memref_slice %arg5[%mul3A_42] : memref<320000xi32, #tpu.memory_space<hbm>> -> memref<40xi32, #tpu.memory_space<hbm>>
        %dma_wait3A_135 = tpu.memref_slice %arg5[%mul3A_42] : memref<320000xi32, #tpu.memory_space<hbm>> -> memref<40xi32, #tpu.memory_space<hbm>>
        tpu.wait_dma2 semaphore(%arg32 : memref<!tpu.dma_semaphore, #tpu.memory_space<semaphore_mem>>) src(%dma_wait3A_135 : memref<40xi32, #tpu.memory_space<hbm>>) dst(%arg16 : memref<40xi32, #tpu.memory_space<vmem>>)
        %dma_start3A_136 = arith.constant 0 : i32
        %dma_start3A_137 = arith.constant 0 : i32
        %dma_start3A_138 = tpu.memref_slice %arg46[%dma_start3A_136, %dma_start3A_137] : memref<10240x128xf32, #tpu.memory_space<vmem_shared>> -> memref<10240x128xf32, #tpu.memory_space<vmem_shared>>
        tpu.enqueue_indirect_dma source(%arg21 : memref<40x128xf32, #tpu.memory_space<vmem>>) target(%dma_start3A_138 : memref<10240x128xf32, #tpu.memory_space<vmem_shared>>) offsets(%arg16 : memref<40xi32, #tpu.memory_space<vmem>>) semaphore(%arg42 : memref<!tpu.dma_semaphore, #tpu.memory_space<semaphore_mem>>) {add = true}
        %add3A_139 = arith.constant 4 : i32
        %add3A_140 = arith.addi %add3A_125, %add3A_139 : i32
        %lt3A_141 = arith.constant 500 : i32
        %lt3A_142 = arith.cmpi slt, %add3A_140, %lt3A_141 : i32
        %convert_element_type3A_143 = arith.extui %lt3A_142 : i1 to i32
        %cond3A_144 = arith.constant 0 : i32
        %cond3A_145 = arith.cmpi ne, %convert_element_type3A_143, %cond3A_144 : i32
        scf.if %cond3A_145 {
          %add3A_246 = arith.constant 4 : i32
          %add3A_247 = arith.addi %add3A_125, %add3A_246 : i32
          %mul3A_248 = arith.constant 40 : i32
          %mul3A_249 = arith.muli %add3A_247, %mul3A_248 : i32
          %add3A_250 = arith.addi %mul3A_42, %mul3A_249 : i32
          %dma_start3A_251 = tpu.memref_slice %arg4[%add3A_250] : memref<320000xi32, #tpu.memory_space<hbm>> -> memref<40xi32, #tpu.memory_space<hbm>>
          %dma_start3A_252 = tpu.memref_slice %arg4[%add3A_250] : memref<320000xi32, #tpu.memory_space<hbm>> -> memref<40xi32, #tpu.memory_space<hbm>>
          tpu.enqueue_dma source(%dma_start3A_252 : memref<40xi32, #tpu.memory_space<hbm>>) target(%arg10 : memref<40xi32, #tpu.memory_space<vmem>>) target_semaphore(%arg26 : memref<!tpu.dma_semaphore, #tpu.memory_space<semaphore_mem>>)
          %add3A_253 = arith.constant 4 : i32
          %add3A_254 = arith.addi %add3A_125, %add3A_253 : i32
          %mul3A_255 = arith.constant 40 : i32
          %mul3A_256 = arith.muli %add3A_254, %mul3A_255 : i32
          %add3A_257 = arith.addi %mul3A_42, %mul3A_256 : i32
          %dma_start3A_258 = tpu.memref_slice %arg5[%add3A_257] : memref<320000xi32, #tpu.memory_space<hbm>> -> memref<40xi32, #tpu.memory_space<hbm>>
          %dma_start3A_259 = tpu.memref_slice %arg5[%add3A_257] : memref<320000xi32, #tpu.memory_space<hbm>> -> memref<40xi32, #tpu.memory_space<hbm>>
          tpu.enqueue_dma source(%dma_start3A_259 : memref<40xi32, #tpu.memory_space<hbm>>) target(%arg15 : memref<40xi32, #tpu.memory_space<vmem>>) target_semaphore(%arg31 : memref<!tpu.dma_semaphore, #tpu.memory_space<semaphore_mem>>)
        } else {
        }
        %add3A_146 = arith.constant 2 : i32
        %add3A_147 = arith.addi %add3A_125, %add3A_146 : i32
        %lt3A_148 = arith.constant 500 : i32
        %lt3A_149 = arith.cmpi slt, %add3A_147, %lt3A_148 : i32
        %convert_element_type3A_150 = arith.extui %lt3A_149 : i1 to i32
        %cond3A_151 = arith.constant 0 : i32
        %cond3A_152 = arith.cmpi ne, %convert_element_type3A_150, %cond3A_151 : i32
        scf.if %cond3A_152 {
          %dma_wait3A_246 = tpu.memref_slice %arg4[%mul3A_42] : memref<320000xi32, #tpu.memory_space<hbm>> -> memref<40xi32, #tpu.memory_space<hbm>>
          %dma_wait3A_247 = tpu.memref_slice %arg4[%mul3A_42] : memref<320000xi32, #tpu.memory_space<hbm>> -> memref<40xi32, #tpu.memory_space<hbm>>
          tpu.wait_dma2 semaphore(%arg29 : memref<!tpu.dma_semaphore, #tpu.memory_space<semaphore_mem>>) src(%dma_wait3A_247 : memref<40xi32, #tpu.memory_space<hbm>>) dst(%arg13 : memref<40xi32, #tpu.memory_space<vmem>>)
          %dma_start3A_248 = arith.constant 0 : i32
          %dma_start3A_249 = arith.constant 0 : i32
          %dma_start3A_250 = tpu.memref_slice %arg2[%dma_start3A_248, %dma_start3A_249] : memref<10000x128xf32, #tpu.memory_space<hbm>> -> memref<10000x128xf32, #tpu.memory_space<hbm>>
          tpu.enqueue_indirect_dma source(%dma_start3A_250 : memref<10000x128xf32, #tpu.memory_space<hbm>>) target(%arg23 : memref<40x128xf32, #tpu.memory_space<vmem>>) offsets(%arg13 : memref<40xi32, #tpu.memory_space<vmem>>) semaphore(%arg39 : memref<!tpu.dma_semaphore, #tpu.memory_space<semaphore_mem>>)
        } else {
        }
        %mul3A_153 = arith.constant 5 : i32
        %mul3A_154 = arith.muli %mul3A_153, %scan3A_92 : i32
        %add3A_155 = arith.constant 2 : i32
        %add3A_156 = arith.addi %mul3A_154, %add3A_155 : i32
        %dma_wait3A_157 = arith.constant 0 : i32
        %dma_wait3A_158 = arith.constant 0 : i32
        %dma_wait3A_159 = tpu.memref_slice %arg2[%dma_wait3A_157, %dma_wait3A_158] : memref<10000x128xf32, #tpu.memory_space<hbm>> -> memref<10000x128xf32, #tpu.memory_space<hbm>>
        tpu.wait_indirect_dma semaphore(%arg38 : memref<!tpu.dma_semaphore, #tpu.memory_space<semaphore_mem>>) src(%dma_wait3A_159 : memref<10000x128xf32, #tpu.memory_space<hbm>>) dst(%arg22 : memref<40x128xf32, #tpu.memory_space<vmem>>)
        %ge3A_160 = arith.constant 1 : i32
        %ge3A_161 = arith.cmpi sge, %add3A_156, %ge3A_160 : i32
        %convert_element_type3A_162 = arith.extui %ge3A_161 : i1 to i32
        %cond3A_163 = arith.constant 0 : i32
        %cond3A_164 = arith.cmpi ne, %convert_element_type3A_162, %cond3A_163 : i32
        scf.if %cond3A_164 {
          %dma_wait3A_246 = arith.constant 0 : i32
          %dma_wait3A_247 = arith.constant 0 : i32
          %dma_wait3A_248 = tpu.memref_slice %arg46[%dma_wait3A_246, %dma_wait3A_247] : memref<10240x128xf32, #tpu.memory_space<vmem_shared>> -> memref<10240x128xf32, #tpu.memory_space<vmem_shared>>
          tpu.wait_indirect_dma semaphore(%arg42 : memref<!tpu.dma_semaphore, #tpu.memory_space<semaphore_mem>>) src(%arg21 : memref<40x128xf32, #tpu.memory_space<vmem>>) dst(%dma_wait3A_248 : memref<10240x128xf32, #tpu.memory_space<vmem_shared>>)
        } else {
        }
        %dma_wait3A_165 = tpu.memref_slice %arg5[%mul3A_42] : memref<320000xi32, #tpu.memory_space<hbm>> -> memref<40xi32, #tpu.memory_space<hbm>>
        %dma_wait3A_166 = tpu.memref_slice %arg5[%mul3A_42] : memref<320000xi32, #tpu.memory_space<hbm>> -> memref<40xi32, #tpu.memory_space<hbm>>
        tpu.wait_dma2 semaphore(%arg33 : memref<!tpu.dma_semaphore, #tpu.memory_space<semaphore_mem>>) src(%dma_wait3A_166 : memref<40xi32, #tpu.memory_space<hbm>>) dst(%arg17 : memref<40xi32, #tpu.memory_space<vmem>>)
        %dma_start3A_167 = arith.constant 0 : i32
        %dma_start3A_168 = arith.constant 0 : i32
        %dma_start3A_169 = tpu.memref_slice %arg46[%dma_start3A_167, %dma_start3A_168] : memref<10240x128xf32, #tpu.memory_space<vmem_shared>> -> memref<10240x128xf32, #tpu.memory_space<vmem_shared>>
        tpu.enqueue_indirect_dma source(%arg22 : memref<40x128xf32, #tpu.memory_space<vmem>>) target(%dma_start3A_169 : memref<10240x128xf32, #tpu.memory_space<vmem_shared>>) offsets(%arg17 : memref<40xi32, #tpu.memory_space<vmem>>) semaphore(%arg43 : memref<!tpu.dma_semaphore, #tpu.memory_space<semaphore_mem>>) {add = true}
        %add3A_170 = arith.constant 4 : i32
        %add3A_171 = arith.addi %add3A_156, %add3A_170 : i32
        %lt3A_172 = arith.constant 500 : i32
        %lt3A_173 = arith.cmpi slt, %add3A_171, %lt3A_172 : i32
        %convert_element_type3A_174 = arith.extui %lt3A_173 : i1 to i32
        %cond3A_175 = arith.constant 0 : i32
        %cond3A_176 = arith.cmpi ne, %convert_element_type3A_174, %cond3A_175 : i32
        scf.if %cond3A_176 {
          %add3A_246 = arith.constant 4 : i32
          %add3A_247 = arith.addi %add3A_156, %add3A_246 : i32
          %mul3A_248 = arith.constant 40 : i32
          %mul3A_249 = arith.muli %add3A_247, %mul3A_248 : i32
          %add3A_250 = arith.addi %mul3A_42, %mul3A_249 : i32
          %dma_start3A_251 = tpu.memref_slice %arg4[%add3A_250] : memref<320000xi32, #tpu.memory_space<hbm>> -> memref<40xi32, #tpu.memory_space<hbm>>
          %dma_start3A_252 = tpu.memref_slice %arg4[%add3A_250] : memref<320000xi32, #tpu.memory_space<hbm>> -> memref<40xi32, #tpu.memory_space<hbm>>
          tpu.enqueue_dma source(%dma_start3A_252 : memref<40xi32, #tpu.memory_space<hbm>>) target(%arg11 : memref<40xi32, #tpu.memory_space<vmem>>) target_semaphore(%arg27 : memref<!tpu.dma_semaphore, #tpu.memory_space<semaphore_mem>>)
          %add3A_253 = arith.constant 4 : i32
          %add3A_254 = arith.addi %add3A_156, %add3A_253 : i32
          %mul3A_255 = arith.constant 40 : i32
          %mul3A_256 = arith.muli %add3A_254, %mul3A_255 : i32
          %add3A_257 = arith.addi %mul3A_42, %mul3A_256 : i32
          %dma_start3A_258 = tpu.memref_slice %arg5[%add3A_257] : memref<320000xi32, #tpu.memory_space<hbm>> -> memref<40xi32, #tpu.memory_space<hbm>>
          %dma_start3A_259 = tpu.memref_slice %arg5[%add3A_257] : memref<320000xi32, #tpu.memory_space<hbm>> -> memref<40xi32, #tpu.memory_space<hbm>>
          tpu.enqueue_dma source(%dma_start3A_259 : memref<40xi32, #tpu.memory_space<hbm>>) target(%arg16 : memref<40xi32, #tpu.memory_space<vmem>>) target_semaphore(%arg32 : memref<!tpu.dma_semaphore, #tpu.memory_space<semaphore_mem>>)
        } else {
        }
        %add3A_177 = arith.constant 2 : i32
        %add3A_178 = arith.addi %add3A_156, %add3A_177 : i32
        %lt3A_179 = arith.constant 500 : i32
        %lt3A_180 = arith.cmpi slt, %add3A_178, %lt3A_179 : i32
        %convert_element_type3A_181 = arith.extui %lt3A_180 : i1 to i32
        %cond3A_182 = arith.constant 0 : i32
        %cond3A_183 = arith.cmpi ne, %convert_element_type3A_181, %cond3A_182 : i32
        scf.if %cond3A_183 {
          %dma_wait3A_246 = tpu.memref_slice %arg4[%mul3A_42] : memref<320000xi32, #tpu.memory_space<hbm>> -> memref<40xi32, #tpu.memory_space<hbm>>
          %dma_wait3A_247 = tpu.memref_slice %arg4[%mul3A_42] : memref<320000xi32, #tpu.memory_space<hbm>> -> memref<40xi32, #tpu.memory_space<hbm>>
          tpu.wait_dma2 semaphore(%arg30 : memref<!tpu.dma_semaphore, #tpu.memory_space<semaphore_mem>>) src(%dma_wait3A_247 : memref<40xi32, #tpu.memory_space<hbm>>) dst(%arg14 : memref<40xi32, #tpu.memory_space<vmem>>)
          %dma_start3A_248 = arith.constant 0 : i32
          %dma_start3A_249 = arith.constant 0 : i32
          %dma_start3A_250 = tpu.memref_slice %arg2[%dma_start3A_248, %dma_start3A_249] : memref<10000x128xf32, #tpu.memory_space<hbm>> -> memref<10000x128xf32, #tpu.memory_space<hbm>>
          tpu.enqueue_indirect_dma source(%dma_start3A_250 : memref<10000x128xf32, #tpu.memory_space<hbm>>) target(%arg24 : memref<40x128xf32, #tpu.memory_space<vmem>>) offsets(%arg14 : memref<40xi32, #tpu.memory_space<vmem>>) semaphore(%arg40 : memref<!tpu.dma_semaphore, #tpu.memory_space<semaphore_mem>>)
        } else {
        }
        %mul3A_184 = arith.constant 5 : i32
        %mul3A_185 = arith.muli %mul3A_184, %scan3A_92 : i32
        %add3A_186 = arith.constant 3 : i32
        %add3A_187 = arith.addi %mul3A_185, %add3A_186 : i32
        %dma_wait3A_188 = arith.constant 0 : i32
        %dma_wait3A_189 = arith.constant 0 : i32
        %dma_wait3A_190 = tpu.memref_slice %arg2[%dma_wait3A_188, %dma_wait3A_189] : memref<10000x128xf32, #tpu.memory_space<hbm>> -> memref<10000x128xf32, #tpu.memory_space<hbm>>
        tpu.wait_indirect_dma semaphore(%arg39 : memref<!tpu.dma_semaphore, #tpu.memory_space<semaphore_mem>>) src(%dma_wait3A_190 : memref<10000x128xf32, #tpu.memory_space<hbm>>) dst(%arg23 : memref<40x128xf32, #tpu.memory_space<vmem>>)
        %ge3A_191 = arith.constant 1 : i32
        %ge3A_192 = arith.cmpi sge, %add3A_187, %ge3A_191 : i32
        %convert_element_type3A_193 = arith.extui %ge3A_192 : i1 to i32
        %cond3A_194 = arith.constant 0 : i32
        %cond3A_195 = arith.cmpi ne, %convert_element_type3A_193, %cond3A_194 : i32
        scf.if %cond3A_195 {
          %dma_wait3A_246 = arith.constant 0 : i32
          %dma_wait3A_247 = arith.constant 0 : i32
          %dma_wait3A_248 = tpu.memref_slice %arg46[%dma_wait3A_246, %dma_wait3A_247] : memref<10240x128xf32, #tpu.memory_space<vmem_shared>> -> memref<10240x128xf32, #tpu.memory_space<vmem_shared>>
          tpu.wait_indirect_dma semaphore(%arg43 : memref<!tpu.dma_semaphore, #tpu.memory_space<semaphore_mem>>) src(%arg22 : memref<40x128xf32, #tpu.memory_space<vmem>>) dst(%dma_wait3A_248 : memref<10240x128xf32, #tpu.memory_space<vmem_shared>>)
        } else {
        }
        %dma_wait3A_196 = tpu.memref_slice %arg5[%mul3A_42] : memref<320000xi32, #tpu.memory_space<hbm>> -> memref<40xi32, #tpu.memory_space<hbm>>
        %dma_wait3A_197 = tpu.memref_slice %arg5[%mul3A_42] : memref<320000xi32, #tpu.memory_space<hbm>> -> memref<40xi32, #tpu.memory_space<hbm>>
        tpu.wait_dma2 semaphore(%arg34 : memref<!tpu.dma_semaphore, #tpu.memory_space<semaphore_mem>>) src(%dma_wait3A_197 : memref<40xi32, #tpu.memory_space<hbm>>) dst(%arg18 : memref<40xi32, #tpu.memory_space<vmem>>)
        %dma_start3A_198 = arith.constant 0 : i32
        %dma_start3A_199 = arith.constant 0 : i32
        %dma_start3A_200 = tpu.memref_slice %arg46[%dma_start3A_198, %dma_start3A_199] : memref<10240x128xf32, #tpu.memory_space<vmem_shared>> -> memref<10240x128xf32, #tpu.memory_space<vmem_shared>>
        tpu.enqueue_indirect_dma source(%arg23 : memref<40x128xf32, #tpu.memory_space<vmem>>) target(%dma_start3A_200 : memref<10240x128xf32, #tpu.memory_space<vmem_shared>>) offsets(%arg18 : memref<40xi32, #tpu.memory_space<vmem>>) semaphore(%arg44 : memref<!tpu.dma_semaphore, #tpu.memory_space<semaphore_mem>>) {add = true}
        %add3A_201 = arith.constant 4 : i32
        %add3A_202 = arith.addi %add3A_187, %add3A_201 : i32
        %lt3A_203 = arith.constant 500 : i32
        %lt3A_204 = arith.cmpi slt, %add3A_202, %lt3A_203 : i32
        %convert_element_type3A_205 = arith.extui %lt3A_204 : i1 to i32
        %cond3A_206 = arith.constant 0 : i32
        %cond3A_207 = arith.cmpi ne, %convert_element_type3A_205, %cond3A_206 : i32
        scf.if %cond3A_207 {
          %add3A_246 = arith.constant 4 : i32
          %add3A_247 = arith.addi %add3A_187, %add3A_246 : i32
          %mul3A_248 = arith.constant 40 : i32
          %mul3A_249 = arith.muli %add3A_247, %mul3A_248 : i32
          %add3A_250 = arith.addi %mul3A_42, %mul3A_249 : i32
          %dma_start3A_251 = tpu.memref_slice %arg4[%add3A_250] : memref<320000xi32, #tpu.memory_space<hbm>> -> memref<40xi32, #tpu.memory_space<hbm>>
          %dma_start3A_252 = tpu.memref_slice %arg4[%add3A_250] : memref<320000xi32, #tpu.memory_space<hbm>> -> memref<40xi32, #tpu.memory_space<hbm>>
          tpu.enqueue_dma source(%dma_start3A_252 : memref<40xi32, #tpu.memory_space<hbm>>) target(%arg12 : memref<40xi32, #tpu.memory_space<vmem>>) target_semaphore(%arg28 : memref<!tpu.dma_semaphore, #tpu.memory_space<semaphore_mem>>)
          %add3A_253 = arith.constant 4 : i32
          %add3A_254 = arith.addi %add3A_187, %add3A_253 : i32
          %mul3A_255 = arith.constant 40 : i32
          %mul3A_256 = arith.muli %add3A_254, %mul3A_255 : i32
          %add3A_257 = arith.addi %mul3A_42, %mul3A_256 : i32
          %dma_start3A_258 = tpu.memref_slice %arg5[%add3A_257] : memref<320000xi32, #tpu.memory_space<hbm>> -> memref<40xi32, #tpu.memory_space<hbm>>
          %dma_start3A_259 = tpu.memref_slice %arg5[%add3A_257] : memref<320000xi32, #tpu.memory_space<hbm>> -> memref<40xi32, #tpu.memory_space<hbm>>
          tpu.enqueue_dma source(%dma_start3A_259 : memref<40xi32, #tpu.memory_space<hbm>>) target(%arg17 : memref<40xi32, #tpu.memory_space<vmem>>) target_semaphore(%arg33 : memref<!tpu.dma_semaphore, #tpu.memory_space<semaphore_mem>>)
        } else {
        }
        %add3A_208 = arith.constant 2 : i32
        %add3A_209 = arith.addi %add3A_187, %add3A_208 : i32
        %lt3A_210 = arith.constant 500 : i32
        %lt3A_211 = arith.cmpi slt, %add3A_209, %lt3A_210 : i32
        %convert_element_type3A_212 = arith.extui %lt3A_211 : i1 to i32
        %cond3A_213 = arith.constant 0 : i32
        %cond3A_214 = arith.cmpi ne, %convert_element_type3A_212, %cond3A_213 : i32
        scf.if %cond3A_214 {
          %dma_wait3A_246 = tpu.memref_slice %arg4[%mul3A_42] : memref<320000xi32, #tpu.memory_space<hbm>> -> memref<40xi32, #tpu.memory_space<hbm>>
          %dma_wait3A_247 = tpu.memref_slice %arg4[%mul3A_42] : memref<320000xi32, #tpu.memory_space<hbm>> -> memref<40xi32, #tpu.memory_space<hbm>>
          tpu.wait_dma2 semaphore(%arg26 : memref<!tpu.dma_semaphore, #tpu.memory_space<semaphore_mem>>) src(%dma_wait3A_247 : memref<40xi32, #tpu.memory_space<hbm>>) dst(%arg10 : memref<40xi32, #tpu.memory_space<vmem>>)
          %dma_start3A_248 = arith.constant 0 : i32
          %dma_start3A_249 = arith.constant 0 : i32
          %dma_start3A_250 = tpu.memref_slice %arg2[%dma_start3A_248, %dma_start3A_249] : memref<10000x128xf32, #tpu.memory_space<hbm>> -> memref<10000x128xf32, #tpu.memory_space<hbm>>
          tpu.enqueue_indirect_dma source(%dma_start3A_250 : memref<10000x128xf32, #tpu.memory_space<hbm>>) target(%arg20 : memref<40x128xf32, #tpu.memory_space<vmem>>) offsets(%arg10 : memref<40xi32, #tpu.memory_space<vmem>>) semaphore(%arg36 : memref<!tpu.dma_semaphore, #tpu.memory_space<semaphore_mem>>)
        } else {
        }
        %mul3A_215 = arith.constant 5 : i32
        %mul3A_216 = arith.muli %mul3A_215, %scan3A_92 : i32
        %add3A_217 = arith.constant 4 : i32
        %add3A_218 = arith.addi %mul3A_216, %add3A_217 : i32
        %dma_wait3A_219 = arith.constant 0 : i32
        %dma_wait3A_220 = arith.constant 0 : i32
        %dma_wait3A_221 = tpu.memref_slice %arg2[%dma_wait3A_219, %dma_wait3A_220] : memref<10000x128xf32, #tpu.memory_space<hbm>> -> memref<10000x128xf32, #tpu.memory_space<hbm>>
        tpu.wait_indirect_dma semaphore(%arg40 : memref<!tpu.dma_semaphore, #tpu.memory_space<semaphore_mem>>) src(%dma_wait3A_221 : memref<10000x128xf32, #tpu.memory_space<hbm>>) dst(%arg24 : memref<40x128xf32, #tpu.memory_space<vmem>>)
        %ge3A_222 = arith.constant 1 : i32
        %ge3A_223 = arith.cmpi sge, %add3A_218, %ge3A_222 : i32
        %convert_element_type3A_224 = arith.extui %ge3A_223 : i1 to i32
        %cond3A_225 = arith.constant 0 : i32
        %cond3A_226 = arith.cmpi ne, %convert_element_type3A_224, %cond3A_225 : i32
        scf.if %cond3A_226 {
          %dma_wait3A_246 = arith.constant 0 : i32
          %dma_wait3A_247 = arith.constant 0 : i32
          %dma_wait3A_248 = tpu.memref_slice %arg46[%dma_wait3A_246, %dma_wait3A_247] : memref<10240x128xf32, #tpu.memory_space<vmem_shared>> -> memref<10240x128xf32, #tpu.memory_space<vmem_shared>>
          tpu.wait_indirect_dma semaphore(%arg44 : memref<!tpu.dma_semaphore, #tpu.memory_space<semaphore_mem>>) src(%arg23 : memref<40x128xf32, #tpu.memory_space<vmem>>) dst(%dma_wait3A_248 : memref<10240x128xf32, #tpu.memory_space<vmem_shared>>)
        } else {
        }
        %dma_wait3A_227 = tpu.memref_slice %arg5[%mul3A_42] : memref<320000xi32, #tpu.memory_space<hbm>> -> memref<40xi32, #tpu.memory_space<hbm>>
        %dma_wait3A_228 = tpu.memref_slice %arg5[%mul3A_42] : memref<320000xi32, #tpu.memory_space<hbm>> -> memref<40xi32, #tpu.memory_space<hbm>>
        tpu.wait_dma2 semaphore(%arg35 : memref<!tpu.dma_semaphore, #tpu.memory_space<semaphore_mem>>) src(%dma_wait3A_228 : memref<40xi32, #tpu.memory_space<hbm>>) dst(%arg19 : memref<40xi32, #tpu.memory_space<vmem>>)
        %dma_start3A_229 = arith.constant 0 : i32
        %dma_start3A_230 = arith.constant 0 : i32
        %dma_start3A_231 = tpu.memref_slice %arg46[%dma_start3A_229, %dma_start3A_230] : memref<10240x128xf32, #tpu.memory_space<vmem_shared>> -> memref<10240x128xf32, #tpu.memory_space<vmem_shared>>
        tpu.enqueue_indirect_dma source(%arg24 : memref<40x128xf32, #tpu.memory_space<vmem>>) target(%dma_start3A_231 : memref<10240x128xf32, #tpu.memory_space<vmem_shared>>) offsets(%arg19 : memref<40xi32, #tpu.memory_space<vmem>>) semaphore(%arg45 : memref<!tpu.dma_semaphore, #tpu.memory_space<semaphore_mem>>) {add = true}
        %add3A_232 = arith.constant 4 : i32
        %add3A_233 = arith.addi %add3A_218, %add3A_232 : i32
        %lt3A_234 = arith.constant 500 : i32
        %lt3A_235 = arith.cmpi slt, %add3A_233, %lt3A_234 : i32
        %convert_element_type3A_236 = arith.extui %lt3A_235 : i1 to i32
        %cond3A_237 = arith.constant 0 : i32
        %cond3A_238 = arith.cmpi ne, %convert_element_type3A_236, %cond3A_237 : i32
        scf.if %cond3A_238 {
          %add3A_246 = arith.constant 4 : i32
          %add3A_247 = arith.addi %add3A_218, %add3A_246 : i32
          %mul3A_248 = arith.constant 40 : i32
          %mul3A_249 = arith.muli %add3A_247, %mul3A_248 : i32
          %add3A_250 = arith.addi %mul3A_42, %mul3A_249 : i32
          %dma_start3A_251 = tpu.memref_slice %arg4[%add3A_250] : memref<320000xi32, #tpu.memory_space<hbm>> -> memref<40xi32, #tpu.memory_space<hbm>>
          %dma_start3A_252 = tpu.memref_slice %arg4[%add3A_250] : memref<320000xi32, #tpu.memory_space<hbm>> -> memref<40xi32, #tpu.memory_space<hbm>>
          tpu.enqueue_dma source(%dma_start3A_252 : memref<40xi32, #tpu.memory_space<hbm>>) target(%arg13 : memref<40xi32, #tpu.memory_space<vmem>>) target_semaphore(%arg29 : memref<!tpu.dma_semaphore, #tpu.memory_space<semaphore_mem>>)
          %add3A_253 = arith.constant 4 : i32
          %add3A_254 = arith.addi %add3A_218, %add3A_253 : i32
          %mul3A_255 = arith.constant 40 : i32
          %mul3A_256 = arith.muli %add3A_254, %mul3A_255 : i32
          %add3A_257 = arith.addi %mul3A_42, %mul3A_256 : i32
          %dma_start3A_258 = tpu.memref_slice %arg5[%add3A_257] : memref<320000xi32, #tpu.memory_space<hbm>> -> memref<40xi32, #tpu.memory_space<hbm>>
          %dma_start3A_259 = tpu.memref_slice %arg5[%add3A_257] : memref<320000xi32, #tpu.memory_space<hbm>> -> memref<40xi32, #tpu.memory_space<hbm>>
          tpu.enqueue_dma source(%dma_start3A_259 : memref<40xi32, #tpu.memory_space<hbm>>) target(%arg18 : memref<40xi32, #tpu.memory_space<vmem>>) target_semaphore(%arg34 : memref<!tpu.dma_semaphore, #tpu.memory_space<semaphore_mem>>)
        } else {
        }
        %add3A_239 = arith.constant 2 : i32
        %add3A_240 = arith.addi %add3A_218, %add3A_239 : i32
        %lt3A_241 = arith.constant 500 : i32
        %lt3A_242 = arith.cmpi slt, %add3A_240, %lt3A_241 : i32
        %convert_element_type3A_243 = arith.extui %lt3A_242 : i1 to i32
        %cond3A_244 = arith.constant 0 : i32
        %cond3A_245 = arith.cmpi ne, %convert_element_type3A_243, %cond3A_244 : i32
        scf.if %cond3A_245 {
          %dma_wait3A_246 = tpu.memref_slice %arg4[%mul3A_42] : memref<320000xi32, #tpu.memory_space<hbm>> -> memref<40xi32, #tpu.memory_space<hbm>>
          %dma_wait3A_247 = tpu.memref_slice %arg4[%mul3A_42] : memref<320000xi32, #tpu.memory_space<hbm>> -> memref<40xi32, #tpu.memory_space<hbm>>
          tpu.wait_dma2 semaphore(%arg27 : memref<!tpu.dma_semaphore, #tpu.memory_space<semaphore_mem>>) src(%dma_wait3A_247 : memref<40xi32, #tpu.memory_space<hbm>>) dst(%arg11 : memref<40xi32, #tpu.memory_space<vmem>>)
          %dma_start3A_248 = arith.constant 0 : i32
          %dma_start3A_249 = arith.constant 0 : i32
          %dma_start3A_250 = tpu.memref_slice %arg2[%dma_start3A_248, %dma_start3A_249] : memref<10000x128xf32, #tpu.memory_space<hbm>> -> memref<10000x128xf32, #tpu.memory_space<hbm>>
          tpu.enqueue_indirect_dma source(%dma_start3A_250 : memref<10000x128xf32, #tpu.memory_space<hbm>>) target(%arg21 : memref<40x128xf32, #tpu.memory_space<vmem>>) offsets(%arg11 : memref<40xi32, #tpu.memory_space<vmem>>) semaphore(%arg37 : memref<!tpu.dma_semaphore, #tpu.memory_space<semaphore_mem>>)
        } else {
        }
      }
      %scan3A_88 = arith.constant 100 : i32
      %dma_wait3A_89 = arith.constant 0 : i32
      %dma_wait3A_90 = arith.constant 0 : i32
      %dma_wait3A_91 = tpu.memref_slice %arg46[%dma_wait3A_89, %dma_wait3A_90] : memref<10240x128xf32, #tpu.memory_space<vmem_shared>> -> memref<10240x128xf32, #tpu.memory_space<vmem_shared>>
      tpu.wait_indirect_dma semaphore(%arg45 : memref<!tpu.dma_semaphore, #tpu.memory_space<semaphore_mem>>) src(%arg24 : memref<40x128xf32, #tpu.memory_space<vmem>>) dst(%dma_wait3A_91 : memref<10240x128xf32, #tpu.memory_space<vmem_shared>>)
    } else {
    }
    %eq3A_25 = arith.constant 1 : i32
    %eq3A_26 = arith.cmpi eq, %arg0, %eq3A_25 : i32
    %convert_element_type3A_27 = arith.extui %eq3A_26 : i1 to i32
    %cond3A_28 = arith.constant 0 : i32
    %cond3A_29 = arith.cmpi ne, %convert_element_type3A_27, %cond3A_28 : i32
    scf.if %cond3A_29 {
      %mul3A_41 = arith.constant 20000 : i32
      %mul3A_42 = arith.muli %arg1, %mul3A_41 : i32
      %add3A_43 = arith.constant 0 : i32
      %add3A_44 = arith.addi %mul3A_42, %add3A_43 : i32
      %dma_start3A = tpu.memref_slice %arg6[%add3A_44] : memref<320000xi32, #tpu.memory_space<hbm>> -> memref<40xi32, #tpu.memory_space<hbm>>
      %dma_start3A_45 = tpu.memref_slice %arg6[%add3A_44] : memref<320000xi32, #tpu.memory_space<hbm>> -> memref<40xi32, #tpu.memory_space<hbm>>
      tpu.enqueue_dma source(%dma_start3A_45 : memref<40xi32, #tpu.memory_space<hbm>>) target(%arg10 : memref<40xi32, #tpu.memory_space<vmem>>) target_semaphore(%arg26 : memref<!tpu.dma_semaphore, #tpu.memory_space<semaphore_mem>>)
      %add3A_46 = arith.constant 0 : i32
      %add3A_47 = arith.addi %mul3A_42, %add3A_46 : i32
      %dma_start3A_48 = tpu.memref_slice %arg7[%add3A_47] : memref<320000xi32, #tpu.memory_space<hbm>> -> memref<40xi32, #tpu.memory_space<hbm>>
      %dma_start3A_49 = tpu.memref_slice %arg7[%add3A_47] : memref<320000xi32, #tpu.memory_space<hbm>> -> memref<40xi32, #tpu.memory_space<hbm>>
      tpu.enqueue_dma source(%dma_start3A_49 : memref<40xi32, #tpu.memory_space<hbm>>) target(%arg15 : memref<40xi32, #tpu.memory_space<vmem>>) target_semaphore(%arg31 : memref<!tpu.dma_semaphore, #tpu.memory_space<semaphore_mem>>)
      %add3A_50 = arith.constant 40 : i32
      %add3A_51 = arith.addi %mul3A_42, %add3A_50 : i32
      %dma_start3A_52 = tpu.memref_slice %arg6[%add3A_51] : memref<320000xi32, #tpu.memory_space<hbm>> -> memref<40xi32, #tpu.memory_space<hbm>>
      %dma_start3A_53 = tpu.memref_slice %arg6[%add3A_51] : memref<320000xi32, #tpu.memory_space<hbm>> -> memref<40xi32, #tpu.memory_space<hbm>>
      tpu.enqueue_dma source(%dma_start3A_53 : memref<40xi32, #tpu.memory_space<hbm>>) target(%arg11 : memref<40xi32, #tpu.memory_space<vmem>>) target_semaphore(%arg27 : memref<!tpu.dma_semaphore, #tpu.memory_space<semaphore_mem>>)
      %add3A_54 = arith.constant 40 : i32
      %add3A_55 = arith.addi %mul3A_42, %add3A_54 : i32
      %dma_start3A_56 = tpu.memref_slice %arg7[%add3A_55] : memref<320000xi32, #tpu.memory_space<hbm>> -> memref<40xi32, #tpu.memory_space<hbm>>
      %dma_start3A_57 = tpu.memref_slice %arg7[%add3A_55] : memref<320000xi32, #tpu.memory_space<hbm>> -> memref<40xi32, #tpu.memory_space<hbm>>
      tpu.enqueue_dma source(%dma_start3A_57 : memref<40xi32, #tpu.memory_space<hbm>>) target(%arg16 : memref<40xi32, #tpu.memory_space<vmem>>) target_semaphore(%arg32 : memref<!tpu.dma_semaphore, #tpu.memory_space<semaphore_mem>>)
      %add3A_58 = arith.constant 80 : i32
      %add3A_59 = arith.addi %mul3A_42, %add3A_58 : i32
      %dma_start3A_60 = tpu.memref_slice %arg6[%add3A_59] : memref<320000xi32, #tpu.memory_space<hbm>> -> memref<40xi32, #tpu.memory_space<hbm>>
      %dma_start3A_61 = tpu.memref_slice %arg6[%add3A_59] : memref<320000xi32, #tpu.memory_space<hbm>> -> memref<40xi32, #tpu.memory_space<hbm>>
      tpu.enqueue_dma source(%dma_start3A_61 : memref<40xi32, #tpu.memory_space<hbm>>) target(%arg12 : memref<40xi32, #tpu.memory_space<vmem>>) target_semaphore(%arg28 : memref<!tpu.dma_semaphore, #tpu.memory_space<semaphore_mem>>)
      %add3A_62 = arith.constant 80 : i32
      %add3A_63 = arith.addi %mul3A_42, %add3A_62 : i32
      %dma_start3A_64 = tpu.memref_slice %arg7[%add3A_63] : memref<320000xi32, #tpu.memory_space<hbm>> -> memref<40xi32, #tpu.memory_space<hbm>>
      %dma_start3A_65 = tpu.memref_slice %arg7[%add3A_63] : memref<320000xi32, #tpu.memory_space<hbm>> -> memref<40xi32, #tpu.memory_space<hbm>>
      tpu.enqueue_dma source(%dma_start3A_65 : memref<40xi32, #tpu.memory_space<hbm>>) target(%arg17 : memref<40xi32, #tpu.memory_space<vmem>>) target_semaphore(%arg33 : memref<!tpu.dma_semaphore, #tpu.memory_space<semaphore_mem>>)
      %add3A_66 = arith.constant 120 : i32
      %add3A_67 = arith.addi %mul3A_42, %add3A_66 : i32
      %dma_start3A_68 = tpu.memref_slice %arg6[%add3A_67] : memref<320000xi32, #tpu.memory_space<hbm>> -> memref<40xi32, #tpu.memory_space<hbm>>
      %dma_start3A_69 = tpu.memref_slice %arg6[%add3A_67] : memref<320000xi32, #tpu.memory_space<hbm>> -> memref<40xi32, #tpu.memory_space<hbm>>
      tpu.enqueue_dma source(%dma_start3A_69 : memref<40xi32, #tpu.memory_space<hbm>>) target(%arg13 : memref<40xi32, #tpu.memory_space<vmem>>) target_semaphore(%arg29 : memref<!tpu.dma_semaphore, #tpu.memory_space<semaphore_mem>>)
      %add3A_70 = arith.constant 120 : i32
      %add3A_71 = arith.addi %mul3A_42, %add3A_70 : i32
      %dma_start3A_72 = tpu.memref_slice %arg7[%add3A_71] : memref<320000xi32, #tpu.memory_space<hbm>> -> memref<40xi32, #tpu.memory_space<hbm>>
      %dma_start3A_73 = tpu.memref_slice %arg7[%add3A_71] : memref<320000xi32, #tpu.memory_space<hbm>> -> memref<40xi32, #tpu.memory_space<hbm>>
      tpu.enqueue_dma source(%dma_start3A_73 : memref<40xi32, #tpu.memory_space<hbm>>) target(%arg18 : memref<40xi32, #tpu.memory_space<vmem>>) target_semaphore(%arg34 : memref<!tpu.dma_semaphore, #tpu.memory_space<semaphore_mem>>)
      %dma_wait3A = tpu.memref_slice %arg6[%mul3A_42] : memref<320000xi32, #tpu.memory_space<hbm>> -> memref<40xi32, #tpu.memory_space<hbm>>
      %dma_wait3A_74 = tpu.memref_slice %arg6[%mul3A_42] : memref<320000xi32, #tpu.memory_space<hbm>> -> memref<40xi32, #tpu.memory_space<hbm>>
      tpu.wait_dma2 semaphore(%arg26 : memref<!tpu.dma_semaphore, #tpu.memory_space<semaphore_mem>>) src(%dma_wait3A_74 : memref<40xi32, #tpu.memory_space<hbm>>) dst(%arg10 : memref<40xi32, #tpu.memory_space<vmem>>)
      %dma_start3A_75 = arith.constant 0 : i32
      %dma_start3A_76 = arith.constant 0 : i32
      %dma_start3A_77 = tpu.memref_slice %arg3[%dma_start3A_75, %dma_start3A_76] : memref<10000x128xf32, #tpu.memory_space<hbm>> -> memref<10000x128xf32, #tpu.memory_space<hbm>>
      tpu.enqueue_indirect_dma source(%dma_start3A_77 : memref<10000x128xf32, #tpu.memory_space<hbm>>) target(%arg20 : memref<40x128xf32, #tpu.memory_space<vmem>>) offsets(%arg10 : memref<40xi32, #tpu.memory_space<vmem>>) semaphore(%arg36 : memref<!tpu.dma_semaphore, #tpu.memory_space<semaphore_mem>>)
      %dma_wait3A_78 = tpu.memref_slice %arg6[%mul3A_42] : memref<320000xi32, #tpu.memory_space<hbm>> -> memref<40xi32, #tpu.memory_space<hbm>>
      %dma_wait3A_79 = tpu.memref_slice %arg6[%mul3A_42] : memref<320000xi32, #tpu.memory_space<hbm>> -> memref<40xi32, #tpu.memory_space<hbm>>
      tpu.wait_dma2 semaphore(%arg27 : memref<!tpu.dma_semaphore, #tpu.memory_space<semaphore_mem>>) src(%dma_wait3A_79 : memref<40xi32, #tpu.memory_space<hbm>>) dst(%arg11 : memref<40xi32, #tpu.memory_space<vmem>>)
      %dma_start3A_80 = arith.constant 0 : i32
      %dma_start3A_81 = arith.constant 0 : i32
      %dma_start3A_82 = tpu.memref_slice %arg3[%dma_start3A_80, %dma_start3A_81] : memref<10000x128xf32, #tpu.memory_space<hbm>> -> memref<10000x128xf32, #tpu.memory_space<hbm>>
      tpu.enqueue_indirect_dma source(%dma_start3A_82 : memref<10000x128xf32, #tpu.memory_space<hbm>>) target(%arg21 : memref<40x128xf32, #tpu.memory_space<vmem>>) offsets(%arg11 : memref<40xi32, #tpu.memory_space<vmem>>) semaphore(%arg37 : memref<!tpu.dma_semaphore, #tpu.memory_space<semaphore_mem>>)
      %scan3A_83 = arith.constant 0 : i32
      %scan3A_84 = arith.constant 0 : i32
      %scan3A_85 = arith.constant 100 : i32
      %scan3A_86 = arith.addi %scan3A_84, %scan3A_85 : i32
      %scan3A_87 = arith.constant 1 : i32
      scf.for %scan3A_92 = %scan3A_84 to %scan3A_86 step %scan3A_87  : i32 {
        %mul3A_93 = arith.constant 5 : i32
        %mul3A_94 = arith.muli %mul3A_93, %scan3A_92 : i32
        %add3A_95 = arith.constant 0 : i32
        %add3A_96 = arith.addi %mul3A_94, %add3A_95 : i32
        %dma_wait3A_97 = arith.constant 0 : i32
        %dma_wait3A_98 = arith.constant 0 : i32
        %dma_wait3A_99 = tpu.memref_slice %arg3[%dma_wait3A_97, %dma_wait3A_98] : memref<10000x128xf32, #tpu.memory_space<hbm>> -> memref<10000x128xf32, #tpu.memory_space<hbm>>
        tpu.wait_indirect_dma semaphore(%arg36 : memref<!tpu.dma_semaphore, #tpu.memory_space<semaphore_mem>>) src(%dma_wait3A_99 : memref<10000x128xf32, #tpu.memory_space<hbm>>) dst(%arg20 : memref<40x128xf32, #tpu.memory_space<vmem>>)
        %ge3A = arith.constant 1 : i32
        %ge3A_100 = arith.cmpi sge, %add3A_96, %ge3A : i32
        %convert_element_type3A_101 = arith.extui %ge3A_100 : i1 to i32
        %cond3A_102 = arith.constant 0 : i32
        %cond3A_103 = arith.cmpi ne, %convert_element_type3A_101, %cond3A_102 : i32
        scf.if %cond3A_103 {
          %dma_wait3A_246 = arith.constant 0 : i32
          %dma_wait3A_247 = arith.constant 0 : i32
          %dma_wait3A_248 = tpu.memref_slice %arg46[%dma_wait3A_246, %dma_wait3A_247] : memref<10240x128xf32, #tpu.memory_space<vmem_shared>> -> memref<10240x128xf32, #tpu.memory_space<vmem_shared>>
          tpu.wait_indirect_dma semaphore(%arg45 : memref<!tpu.dma_semaphore, #tpu.memory_space<semaphore_mem>>) src(%arg24 : memref<40x128xf32, #tpu.memory_space<vmem>>) dst(%dma_wait3A_248 : memref<10240x128xf32, #tpu.memory_space<vmem_shared>>)
        } else {
        }
        %dma_wait3A_104 = tpu.memref_slice %arg7[%mul3A_42] : memref<320000xi32, #tpu.memory_space<hbm>> -> memref<40xi32, #tpu.memory_space<hbm>>
        %dma_wait3A_105 = tpu.memref_slice %arg7[%mul3A_42] : memref<320000xi32, #tpu.memory_space<hbm>> -> memref<40xi32, #tpu.memory_space<hbm>>
        tpu.wait_dma2 semaphore(%arg31 : memref<!tpu.dma_semaphore, #tpu.memory_space<semaphore_mem>>) src(%dma_wait3A_105 : memref<40xi32, #tpu.memory_space<hbm>>) dst(%arg15 : memref<40xi32, #tpu.memory_space<vmem>>)
        %dma_start3A_106 = arith.constant 0 : i32
        %dma_start3A_107 = arith.constant 0 : i32
        %dma_start3A_108 = tpu.memref_slice %arg46[%dma_start3A_106, %dma_start3A_107] : memref<10240x128xf32, #tpu.memory_space<vmem_shared>> -> memref<10240x128xf32, #tpu.memory_space<vmem_shared>>
        tpu.enqueue_indirect_dma source(%arg20 : memref<40x128xf32, #tpu.memory_space<vmem>>) target(%dma_start3A_108 : memref<10240x128xf32, #tpu.memory_space<vmem_shared>>) offsets(%arg15 : memref<40xi32, #tpu.memory_space<vmem>>) semaphore(%arg41 : memref<!tpu.dma_semaphore, #tpu.memory_space<semaphore_mem>>) {add = true}
        %add3A_109 = arith.constant 4 : i32
        %add3A_110 = arith.addi %add3A_96, %add3A_109 : i32
        %lt3A = arith.constant 500 : i32
        %lt3A_111 = arith.cmpi slt, %add3A_110, %lt3A : i32
        %convert_element_type3A_112 = arith.extui %lt3A_111 : i1 to i32
        %cond3A_113 = arith.constant 0 : i32
        %cond3A_114 = arith.cmpi ne, %convert_element_type3A_112, %cond3A_113 : i32
        scf.if %cond3A_114 {
          %add3A_246 = arith.constant 4 : i32
          %add3A_247 = arith.addi %add3A_96, %add3A_246 : i32
          %mul3A_248 = arith.constant 40 : i32
          %mul3A_249 = arith.muli %add3A_247, %mul3A_248 : i32
          %add3A_250 = arith.addi %mul3A_42, %mul3A_249 : i32
          %dma_start3A_251 = tpu.memref_slice %arg6[%add3A_250] : memref<320000xi32, #tpu.memory_space<hbm>> -> memref<40xi32, #tpu.memory_space<hbm>>
          %dma_start3A_252 = tpu.memref_slice %arg6[%add3A_250] : memref<320000xi32, #tpu.memory_space<hbm>> -> memref<40xi32, #tpu.memory_space<hbm>>
          tpu.enqueue_dma source(%dma_start3A_252 : memref<40xi32, #tpu.memory_space<hbm>>) target(%arg14 : memref<40xi32, #tpu.memory_space<vmem>>) target_semaphore(%arg30 : memref<!tpu.dma_semaphore, #tpu.memory_space<semaphore_mem>>)
          %add3A_253 = arith.constant 4 : i32
          %add3A_254 = arith.addi %add3A_96, %add3A_253 : i32
          %mul3A_255 = arith.constant 40 : i32
          %mul3A_256 = arith.muli %add3A_254, %mul3A_255 : i32
          %add3A_257 = arith.addi %mul3A_42, %mul3A_256 : i32
          %dma_start3A_258 = tpu.memref_slice %arg7[%add3A_257] : memref<320000xi32, #tpu.memory_space<hbm>> -> memref<40xi32, #tpu.memory_space<hbm>>
          %dma_start3A_259 = tpu.memref_slice %arg7[%add3A_257] : memref<320000xi32, #tpu.memory_space<hbm>> -> memref<40xi32, #tpu.memory_space<hbm>>
          tpu.enqueue_dma source(%dma_start3A_259 : memref<40xi32, #tpu.memory_space<hbm>>) target(%arg19 : memref<40xi32, #tpu.memory_space<vmem>>) target_semaphore(%arg35 : memref<!tpu.dma_semaphore, #tpu.memory_space<semaphore_mem>>)
        } else {
        }
        %add3A_115 = arith.constant 2 : i32
        %add3A_116 = arith.addi %add3A_96, %add3A_115 : i32
        %lt3A_117 = arith.constant 500 : i32
        %lt3A_118 = arith.cmpi slt, %add3A_116, %lt3A_117 : i32
        %convert_element_type3A_119 = arith.extui %lt3A_118 : i1 to i32
        %cond3A_120 = arith.constant 0 : i32
        %cond3A_121 = arith.cmpi ne, %convert_element_type3A_119, %cond3A_120 : i32
        scf.if %cond3A_121 {
          %dma_wait3A_246 = tpu.memref_slice %arg6[%mul3A_42] : memref<320000xi32, #tpu.memory_space<hbm>> -> memref<40xi32, #tpu.memory_space<hbm>>
          %dma_wait3A_247 = tpu.memref_slice %arg6[%mul3A_42] : memref<320000xi32, #tpu.memory_space<hbm>> -> memref<40xi32, #tpu.memory_space<hbm>>
          tpu.wait_dma2 semaphore(%arg28 : memref<!tpu.dma_semaphore, #tpu.memory_space<semaphore_mem>>) src(%dma_wait3A_247 : memref<40xi32, #tpu.memory_space<hbm>>) dst(%arg12 : memref<40xi32, #tpu.memory_space<vmem>>)
          %dma_start3A_248 = arith.constant 0 : i32
          %dma_start3A_249 = arith.constant 0 : i32
          %dma_start3A_250 = tpu.memref_slice %arg3[%dma_start3A_248, %dma_start3A_249] : memref<10000x128xf32, #tpu.memory_space<hbm>> -> memref<10000x128xf32, #tpu.memory_space<hbm>>
          tpu.enqueue_indirect_dma source(%dma_start3A_250 : memref<10000x128xf32, #tpu.memory_space<hbm>>) target(%arg22 : memref<40x128xf32, #tpu.memory_space<vmem>>) offsets(%arg12 : memref<40xi32, #tpu.memory_space<vmem>>) semaphore(%arg38 : memref<!tpu.dma_semaphore, #tpu.memory_space<semaphore_mem>>)
        } else {
        }
        %mul3A_122 = arith.constant 5 : i32
        %mul3A_123 = arith.muli %mul3A_122, %scan3A_92 : i32
        %add3A_124 = arith.constant 1 : i32
        %add3A_125 = arith.addi %mul3A_123, %add3A_124 : i32
        %dma_wait3A_126 = arith.constant 0 : i32
        %dma_wait3A_127 = arith.constant 0 : i32
        %dma_wait3A_128 = tpu.memref_slice %arg3[%dma_wait3A_126, %dma_wait3A_127] : memref<10000x128xf32, #tpu.memory_space<hbm>> -> memref<10000x128xf32, #tpu.memory_space<hbm>>
        tpu.wait_indirect_dma semaphore(%arg37 : memref<!tpu.dma_semaphore, #tpu.memory_space<semaphore_mem>>) src(%dma_wait3A_128 : memref<10000x128xf32, #tpu.memory_space<hbm>>) dst(%arg21 : memref<40x128xf32, #tpu.memory_space<vmem>>)
        %ge3A_129 = arith.constant 1 : i32
        %ge3A_130 = arith.cmpi sge, %add3A_125, %ge3A_129 : i32
        %convert_element_type3A_131 = arith.extui %ge3A_130 : i1 to i32
        %cond3A_132 = arith.constant 0 : i32
        %cond3A_133 = arith.cmpi ne, %convert_element_type3A_131, %cond3A_132 : i32
        scf.if %cond3A_133 {
          %dma_wait3A_246 = arith.constant 0 : i32
          %dma_wait3A_247 = arith.constant 0 : i32
          %dma_wait3A_248 = tpu.memref_slice %arg46[%dma_wait3A_246, %dma_wait3A_247] : memref<10240x128xf32, #tpu.memory_space<vmem_shared>> -> memref<10240x128xf32, #tpu.memory_space<vmem_shared>>
          tpu.wait_indirect_dma semaphore(%arg41 : memref<!tpu.dma_semaphore, #tpu.memory_space<semaphore_mem>>) src(%arg20 : memref<40x128xf32, #tpu.memory_space<vmem>>) dst(%dma_wait3A_248 : memref<10240x128xf32, #tpu.memory_space<vmem_shared>>)
        } else {
        }
        %dma_wait3A_134 = tpu.memref_slice %arg7[%mul3A_42] : memref<320000xi32, #tpu.memory_space<hbm>> -> memref<40xi32, #tpu.memory_space<hbm>>
        %dma_wait3A_135 = tpu.memref_slice %arg7[%mul3A_42] : memref<320000xi32, #tpu.memory_space<hbm>> -> memref<40xi32, #tpu.memory_space<hbm>>
        tpu.wait_dma2 semaphore(%arg32 : memref<!tpu.dma_semaphore, #tpu.memory_space<semaphore_mem>>) src(%dma_wait3A_135 : memref<40xi32, #tpu.memory_space<hbm>>) dst(%arg16 : memref<40xi32, #tpu.memory_space<vmem>>)
        %dma_start3A_136 = arith.constant 0 : i32
        %dma_start3A_137 = arith.constant 0 : i32
        %dma_start3A_138 = tpu.memref_slice %arg46[%dma_start3A_136, %dma_start3A_137] : memref<10240x128xf32, #tpu.memory_space<vmem_shared>> -> memref<10240x128xf32, #tpu.memory_space<vmem_shared>>
        tpu.enqueue_indirect_dma source(%arg21 : memref<40x128xf32, #tpu.memory_space<vmem>>) target(%dma_start3A_138 : memref<10240x128xf32, #tpu.memory_space<vmem_shared>>) offsets(%arg16 : memref<40xi32, #tpu.memory_space<vmem>>) semaphore(%arg42 : memref<!tpu.dma_semaphore, #tpu.memory_space<semaphore_mem>>) {add = true}
        %add3A_139 = arith.constant 4 : i32
        %add3A_140 = arith.addi %add3A_125, %add3A_139 : i32
        %lt3A_141 = arith.constant 500 : i32
        %lt3A_142 = arith.cmpi slt, %add3A_140, %lt3A_141 : i32
        %convert_element_type3A_143 = arith.extui %lt3A_142 : i1 to i32
        %cond3A_144 = arith.constant 0 : i32
        %cond3A_145 = arith.cmpi ne, %convert_element_type3A_143, %cond3A_144 : i32
        scf.if %cond3A_145 {
          %add3A_246 = arith.constant 4 : i32
          %add3A_247 = arith.addi %add3A_125, %add3A_246 : i32
          %mul3A_248 = arith.constant 40 : i32
          %mul3A_249 = arith.muli %add3A_247, %mul3A_248 : i32
          %add3A_250 = arith.addi %mul3A_42, %mul3A_249 : i32
          %dma_start3A_251 = tpu.memref_slice %arg6[%add3A_250] : memref<320000xi32, #tpu.memory_space<hbm>> -> memref<40xi32, #tpu.memory_space<hbm>>
          %dma_start3A_252 = tpu.memref_slice %arg6[%add3A_250] : memref<320000xi32, #tpu.memory_space<hbm>> -> memref<40xi32, #tpu.memory_space<hbm>>
          tpu.enqueue_dma source(%dma_start3A_252 : memref<40xi32, #tpu.memory_space<hbm>>) target(%arg10 : memref<40xi32, #tpu.memory_space<vmem>>) target_semaphore(%arg26 : memref<!tpu.dma_semaphore, #tpu.memory_space<semaphore_mem>>)
          %add3A_253 = arith.constant 4 : i32
          %add3A_254 = arith.addi %add3A_125, %add3A_253 : i32
          %mul3A_255 = arith.constant 40 : i32
          %mul3A_256 = arith.muli %add3A_254, %mul3A_255 : i32
          %add3A_257 = arith.addi %mul3A_42, %mul3A_256 : i32
          %dma_start3A_258 = tpu.memref_slice %arg7[%add3A_257] : memref<320000xi32, #tpu.memory_space<hbm>> -> memref<40xi32, #tpu.memory_space<hbm>>
          %dma_start3A_259 = tpu.memref_slice %arg7[%add3A_257] : memref<320000xi32, #tpu.memory_space<hbm>> -> memref<40xi32, #tpu.memory_space<hbm>>
          tpu.enqueue_dma source(%dma_start3A_259 : memref<40xi32, #tpu.memory_space<hbm>>) target(%arg15 : memref<40xi32, #tpu.memory_space<vmem>>) target_semaphore(%arg31 : memref<!tpu.dma_semaphore, #tpu.memory_space<semaphore_mem>>)
        } else {
        }
        %add3A_146 = arith.constant 2 : i32
        %add3A_147 = arith.addi %add3A_125, %add3A_146 : i32
        %lt3A_148 = arith.constant 500 : i32
        %lt3A_149 = arith.cmpi slt, %add3A_147, %lt3A_148 : i32
        %convert_element_type3A_150 = arith.extui %lt3A_149 : i1 to i32
        %cond3A_151 = arith.constant 0 : i32
        %cond3A_152 = arith.cmpi ne, %convert_element_type3A_150, %cond3A_151 : i32
        scf.if %cond3A_152 {
          %dma_wait3A_246 = tpu.memref_slice %arg6[%mul3A_42] : memref<320000xi32, #tpu.memory_space<hbm>> -> memref<40xi32, #tpu.memory_space<hbm>>
          %dma_wait3A_247 = tpu.memref_slice %arg6[%mul3A_42] : memref<320000xi32, #tpu.memory_space<hbm>> -> memref<40xi32, #tpu.memory_space<hbm>>
          tpu.wait_dma2 semaphore(%arg29 : memref<!tpu.dma_semaphore, #tpu.memory_space<semaphore_mem>>) src(%dma_wait3A_247 : memref<40xi32, #tpu.memory_space<hbm>>) dst(%arg13 : memref<40xi32, #tpu.memory_space<vmem>>)
          %dma_start3A_248 = arith.constant 0 : i32
          %dma_start3A_249 = arith.constant 0 : i32
          %dma_start3A_250 = tpu.memref_slice %arg3[%dma_start3A_248, %dma_start3A_249] : memref<10000x128xf32, #tpu.memory_space<hbm>> -> memref<10000x128xf32, #tpu.memory_space<hbm>>
          tpu.enqueue_indirect_dma source(%dma_start3A_250 : memref<10000x128xf32, #tpu.memory_space<hbm>>) target(%arg23 : memref<40x128xf32, #tpu.memory_space<vmem>>) offsets(%arg13 : memref<40xi32, #tpu.memory_space<vmem>>) semaphore(%arg39 : memref<!tpu.dma_semaphore, #tpu.memory_space<semaphore_mem>>)
        } else {
        }
        %mul3A_153 = arith.constant 5 : i32
        %mul3A_154 = arith.muli %mul3A_153, %scan3A_92 : i32
        %add3A_155 = arith.constant 2 : i32
        %add3A_156 = arith.addi %mul3A_154, %add3A_155 : i32
        %dma_wait3A_157 = arith.constant 0 : i32
        %dma_wait3A_158 = arith.constant 0 : i32
        %dma_wait3A_159 = tpu.memref_slice %arg3[%dma_wait3A_157, %dma_wait3A_158] : memref<10000x128xf32, #tpu.memory_space<hbm>> -> memref<10000x128xf32, #tpu.memory_space<hbm>>
        tpu.wait_indirect_dma semaphore(%arg38 : memref<!tpu.dma_semaphore, #tpu.memory_space<semaphore_mem>>) src(%dma_wait3A_159 : memref<10000x128xf32, #tpu.memory_space<hbm>>) dst(%arg22 : memref<40x128xf32, #tpu.memory_space<vmem>>)
        %ge3A_160 = arith.constant 1 : i32
        %ge3A_161 = arith.cmpi sge, %add3A_156, %ge3A_160 : i32
        %convert_element_type3A_162 = arith.extui %ge3A_161 : i1 to i32
        %cond3A_163 = arith.constant 0 : i32
        %cond3A_164 = arith.cmpi ne, %convert_element_type3A_162, %cond3A_163 : i32
        scf.if %cond3A_164 {
          %dma_wait3A_246 = arith.constant 0 : i32
          %dma_wait3A_247 = arith.constant 0 : i32
          %dma_wait3A_248 = tpu.memref_slice %arg46[%dma_wait3A_246, %dma_wait3A_247] : memref<10240x128xf32, #tpu.memory_space<vmem_shared>> -> memref<10240x128xf32, #tpu.memory_space<vmem_shared>>
          tpu.wait_indirect_dma semaphore(%arg42 : memref<!tpu.dma_semaphore, #tpu.memory_space<semaphore_mem>>) src(%arg21 : memref<40x128xf32, #tpu.memory_space<vmem>>) dst(%dma_wait3A_248 : memref<10240x128xf32, #tpu.memory_space<vmem_shared>>)
        } else {
        }
        %dma_wait3A_165 = tpu.memref_slice %arg7[%mul3A_42] : memref<320000xi32, #tpu.memory_space<hbm>> -> memref<40xi32, #tpu.memory_space<hbm>>
        %dma_wait3A_166 = tpu.memref_slice %arg7[%mul3A_42] : memref<320000xi32, #tpu.memory_space<hbm>> -> memref<40xi32, #tpu.memory_space<hbm>>
        tpu.wait_dma2 semaphore(%arg33 : memref<!tpu.dma_semaphore, #tpu.memory_space<semaphore_mem>>) src(%dma_wait3A_166 : memref<40xi32, #tpu.memory_space<hbm>>) dst(%arg17 : memref<40xi32, #tpu.memory_space<vmem>>)
        %dma_start3A_167 = arith.constant 0 : i32
        %dma_start3A_168 = arith.constant 0 : i32
        %dma_start3A_169 = tpu.memref_slice %arg46[%dma_start3A_167, %dma_start3A_168] : memref<10240x128xf32, #tpu.memory_space<vmem_shared>> -> memref<10240x128xf32, #tpu.memory_space<vmem_shared>>
        tpu.enqueue_indirect_dma source(%arg22 : memref<40x128xf32, #tpu.memory_space<vmem>>) target(%dma_start3A_169 : memref<10240x128xf32, #tpu.memory_space<vmem_shared>>) offsets(%arg17 : memref<40xi32, #tpu.memory_space<vmem>>) semaphore(%arg43 : memref<!tpu.dma_semaphore, #tpu.memory_space<semaphore_mem>>) {add = true}
        %add3A_170 = arith.constant 4 : i32
        %add3A_171 = arith.addi %add3A_156, %add3A_170 : i32
        %lt3A_172 = arith.constant 500 : i32
        %lt3A_173 = arith.cmpi slt, %add3A_171, %lt3A_172 : i32
        %convert_element_type3A_174 = arith.extui %lt3A_173 : i1 to i32
        %cond3A_175 = arith.constant 0 : i32
        %cond3A_176 = arith.cmpi ne, %convert_element_type3A_174, %cond3A_175 : i32
        scf.if %cond3A_176 {
          %add3A_246 = arith.constant 4 : i32
          %add3A_247 = arith.addi %add3A_156, %add3A_246 : i32
          %mul3A_248 = arith.constant 40 : i32
          %mul3A_249 = arith.muli %add3A_247, %mul3A_248 : i32
          %add3A_250 = arith.addi %mul3A_42, %mul3A_249 : i32
          %dma_start3A_251 = tpu.memref_slice %arg6[%add3A_250] : memref<320000xi32, #tpu.memory_space<hbm>> -> memref<40xi32, #tpu.memory_space<hbm>>
          %dma_start3A_252 = tpu.memref_slice %arg6[%add3A_250] : memref<320000xi32, #tpu.memory_space<hbm>> -> memref<40xi32, #tpu.memory_space<hbm>>
          tpu.enqueue_dma source(%dma_start3A_252 : memref<40xi32, #tpu.memory_space<hbm>>) target(%arg11 : memref<40xi32, #tpu.memory_space<vmem>>) target_semaphore(%arg27 : memref<!tpu.dma_semaphore, #tpu.memory_space<semaphore_mem>>)
          %add3A_253 = arith.constant 4 : i32
          %add3A_254 = arith.addi %add3A_156, %add3A_253 : i32
          %mul3A_255 = arith.constant 40 : i32
          %mul3A_256 = arith.muli %add3A_254, %mul3A_255 : i32
          %add3A_257 = arith.addi %mul3A_42, %mul3A_256 : i32
          %dma_start3A_258 = tpu.memref_slice %arg7[%add3A_257] : memref<320000xi32, #tpu.memory_space<hbm>> -> memref<40xi32, #tpu.memory_space<hbm>>
          %dma_start3A_259 = tpu.memref_slice %arg7[%add3A_257] : memref<320000xi32, #tpu.memory_space<hbm>> -> memref<40xi32, #tpu.memory_space<hbm>>
          tpu.enqueue_dma source(%dma_start3A_259 : memref<40xi32, #tpu.memory_space<hbm>>) target(%arg16 : memref<40xi32, #tpu.memory_space<vmem>>) target_semaphore(%arg32 : memref<!tpu.dma_semaphore, #tpu.memory_space<semaphore_mem>>)
        } else {
        }
        %add3A_177 = arith.constant 2 : i32
        %add3A_178 = arith.addi %add3A_156, %add3A_177 : i32
        %lt3A_179 = arith.constant 500 : i32
        %lt3A_180 = arith.cmpi slt, %add3A_178, %lt3A_179 : i32
        %convert_element_type3A_181 = arith.extui %lt3A_180 : i1 to i32
        %cond3A_182 = arith.constant 0 : i32
        %cond3A_183 = arith.cmpi ne, %convert_element_type3A_181, %cond3A_182 : i32
        scf.if %cond3A_183 {
          %dma_wait3A_246 = tpu.memref_slice %arg6[%mul3A_42] : memref<320000xi32, #tpu.memory_space<hbm>> -> memref<40xi32, #tpu.memory_space<hbm>>
          %dma_wait3A_247 = tpu.memref_slice %arg6[%mul3A_42] : memref<320000xi32, #tpu.memory_space<hbm>> -> memref<40xi32, #tpu.memory_space<hbm>>
          tpu.wait_dma2 semaphore(%arg30 : memref<!tpu.dma_semaphore, #tpu.memory_space<semaphore_mem>>) src(%dma_wait3A_247 : memref<40xi32, #tpu.memory_space<hbm>>) dst(%arg14 : memref<40xi32, #tpu.memory_space<vmem>>)
          %dma_start3A_248 = arith.constant 0 : i32
          %dma_start3A_249 = arith.constant 0 : i32
          %dma_start3A_250 = tpu.memref_slice %arg3[%dma_start3A_248, %dma_start3A_249] : memref<10000x128xf32, #tpu.memory_space<hbm>> -> memref<10000x128xf32, #tpu.memory_space<hbm>>
          tpu.enqueue_indirect_dma source(%dma_start3A_250 : memref<10000x128xf32, #tpu.memory_space<hbm>>) target(%arg24 : memref<40x128xf32, #tpu.memory_space<vmem>>) offsets(%arg14 : memref<40xi32, #tpu.memory_space<vmem>>) semaphore(%arg40 : memref<!tpu.dma_semaphore, #tpu.memory_space<semaphore_mem>>)
        } else {
        }
        %mul3A_184 = arith.constant 5 : i32
        %mul3A_185 = arith.muli %mul3A_184, %scan3A_92 : i32
        %add3A_186 = arith.constant 3 : i32
        %add3A_187 = arith.addi %mul3A_185, %add3A_186 : i32
        %dma_wait3A_188 = arith.constant 0 : i32
        %dma_wait3A_189 = arith.constant 0 : i32
        %dma_wait3A_190 = tpu.memref_slice %arg3[%dma_wait3A_188, %dma_wait3A_189] : memref<10000x128xf32, #tpu.memory_space<hbm>> -> memref<10000x128xf32, #tpu.memory_space<hbm>>
        tpu.wait_indirect_dma semaphore(%arg39 : memref<!tpu.dma_semaphore, #tpu.memory_space<semaphore_mem>>) src(%dma_wait3A_190 : memref<10000x128xf32, #tpu.memory_space<hbm>>) dst(%arg23 : memref<40x128xf32, #tpu.memory_space<vmem>>)
        %ge3A_191 = arith.constant 1 : i32
        %ge3A_192 = arith.cmpi sge, %add3A_187, %ge3A_191 : i32
        %convert_element_type3A_193 = arith.extui %ge3A_192 : i1 to i32
        %cond3A_194 = arith.constant 0 : i32
        %cond3A_195 = arith.cmpi ne, %convert_element_type3A_193, %cond3A_194 : i32
        scf.if %cond3A_195 {
          %dma_wait3A_246 = arith.constant 0 : i32
          %dma_wait3A_247 = arith.constant 0 : i32
          %dma_wait3A_248 = tpu.memref_slice %arg46[%dma_wait3A_246, %dma_wait3A_247] : memref<10240x128xf32, #tpu.memory_space<vmem_shared>> -> memref<10240x128xf32, #tpu.memory_space<vmem_shared>>
          tpu.wait_indirect_dma semaphore(%arg43 : memref<!tpu.dma_semaphore, #tpu.memory_space<semaphore_mem>>) src(%arg22 : memref<40x128xf32, #tpu.memory_space<vmem>>) dst(%dma_wait3A_248 : memref<10240x128xf32, #tpu.memory_space<vmem_shared>>)
        } else {
        }
        %dma_wait3A_196 = tpu.memref_slice %arg7[%mul3A_42] : memref<320000xi32, #tpu.memory_space<hbm>> -> memref<40xi32, #tpu.memory_space<hbm>>
        %dma_wait3A_197 = tpu.memref_slice %arg7[%mul3A_42] : memref<320000xi32, #tpu.memory_space<hbm>> -> memref<40xi32, #tpu.memory_space<hbm>>
        tpu.wait_dma2 semaphore(%arg34 : memref<!tpu.dma_semaphore, #tpu.memory_space<semaphore_mem>>) src(%dma_wait3A_197 : memref<40xi32, #tpu.memory_space<hbm>>) dst(%arg18 : memref<40xi32, #tpu.memory_space<vmem>>)
        %dma_start3A_198 = arith.constant 0 : i32
        %dma_start3A_199 = arith.constant 0 : i32
        %dma_start3A_200 = tpu.memref_slice %arg46[%dma_start3A_198, %dma_start3A_199] : memref<10240x128xf32, #tpu.memory_space<vmem_shared>> -> memref<10240x128xf32, #tpu.memory_space<vmem_shared>>
        tpu.enqueue_indirect_dma source(%arg23 : memref<40x128xf32, #tpu.memory_space<vmem>>) target(%dma_start3A_200 : memref<10240x128xf32, #tpu.memory_space<vmem_shared>>) offsets(%arg18 : memref<40xi32, #tpu.memory_space<vmem>>) semaphore(%arg44 : memref<!tpu.dma_semaphore, #tpu.memory_space<semaphore_mem>>) {add = true}
        %add3A_201 = arith.constant 4 : i32
        %add3A_202 = arith.addi %add3A_187, %add3A_201 : i32
        %lt3A_203 = arith.constant 500 : i32
        %lt3A_204 = arith.cmpi slt, %add3A_202, %lt3A_203 : i32
        %convert_element_type3A_205 = arith.extui %lt3A_204 : i1 to i32
        %cond3A_206 = arith.constant 0 : i32
        %cond3A_207 = arith.cmpi ne, %convert_element_type3A_205, %cond3A_206 : i32
        scf.if %cond3A_207 {
          %add3A_246 = arith.constant 4 : i32
          %add3A_247 = arith.addi %add3A_187, %add3A_246 : i32
          %mul3A_248 = arith.constant 40 : i32
          %mul3A_249 = arith.muli %add3A_247, %mul3A_248 : i32
          %add3A_250 = arith.addi %mul3A_42, %mul3A_249 : i32
          %dma_start3A_251 = tpu.memref_slice %arg6[%add3A_250] : memref<320000xi32, #tpu.memory_space<hbm>> -> memref<40xi32, #tpu.memory_space<hbm>>
          %dma_start3A_252 = tpu.memref_slice %arg6[%add3A_250] : memref<320000xi32, #tpu.memory_space<hbm>> -> memref<40xi32, #tpu.memory_space<hbm>>
          tpu.enqueue_dma source(%dma_start3A_252 : memref<40xi32, #tpu.memory_space<hbm>>) target(%arg12 : memref<40xi32, #tpu.memory_space<vmem>>) target_semaphore(%arg28 : memref<!tpu.dma_semaphore, #tpu.memory_space<semaphore_mem>>)
          %add3A_253 = arith.constant 4 : i32
          %add3A_254 = arith.addi %add3A_187, %add3A_253 : i32
          %mul3A_255 = arith.constant 40 : i32
          %mul3A_256 = arith.muli %add3A_254, %mul3A_255 : i32
          %add3A_257 = arith.addi %mul3A_42, %mul3A_256 : i32
          %dma_start3A_258 = tpu.memref_slice %arg7[%add3A_257] : memref<320000xi32, #tpu.memory_space<hbm>> -> memref<40xi32, #tpu.memory_space<hbm>>
          %dma_start3A_259 = tpu.memref_slice %arg7[%add3A_257] : memref<320000xi32, #tpu.memory_space<hbm>> -> memref<40xi32, #tpu.memory_space<hbm>>
          tpu.enqueue_dma source(%dma_start3A_259 : memref<40xi32, #tpu.memory_space<hbm>>) target(%arg17 : memref<40xi32, #tpu.memory_space<vmem>>) target_semaphore(%arg33 : memref<!tpu.dma_semaphore, #tpu.memory_space<semaphore_mem>>)
        } else {
        }
        %add3A_208 = arith.constant 2 : i32
        %add3A_209 = arith.addi %add3A_187, %add3A_208 : i32
        %lt3A_210 = arith.constant 500 : i32
        %lt3A_211 = arith.cmpi slt, %add3A_209, %lt3A_210 : i32
        %convert_element_type3A_212 = arith.extui %lt3A_211 : i1 to i32
        %cond3A_213 = arith.constant 0 : i32
        %cond3A_214 = arith.cmpi ne, %convert_element_type3A_212, %cond3A_213 : i32
        scf.if %cond3A_214 {
          %dma_wait3A_246 = tpu.memref_slice %arg6[%mul3A_42] : memref<320000xi32, #tpu.memory_space<hbm>> -> memref<40xi32, #tpu.memory_space<hbm>>
          %dma_wait3A_247 = tpu.memref_slice %arg6[%mul3A_42] : memref<320000xi32, #tpu.memory_space<hbm>> -> memref<40xi32, #tpu.memory_space<hbm>>
          tpu.wait_dma2 semaphore(%arg26 : memref<!tpu.dma_semaphore, #tpu.memory_space<semaphore_mem>>) src(%dma_wait3A_247 : memref<40xi32, #tpu.memory_space<hbm>>) dst(%arg10 : memref<40xi32, #tpu.memory_space<vmem>>)
          %dma_start3A_248 = arith.constant 0 : i32
          %dma_start3A_249 = arith.constant 0 : i32
          %dma_start3A_250 = tpu.memref_slice %arg3[%dma_start3A_248, %dma_start3A_249] : memref<10000x128xf32, #tpu.memory_space<hbm>> -> memref<10000x128xf32, #tpu.memory_space<hbm>>
          tpu.enqueue_indirect_dma source(%dma_start3A_250 : memref<10000x128xf32, #tpu.memory_space<hbm>>) target(%arg20 : memref<40x128xf32, #tpu.memory_space<vmem>>) offsets(%arg10 : memref<40xi32, #tpu.memory_space<vmem>>) semaphore(%arg36 : memref<!tpu.dma_semaphore, #tpu.memory_space<semaphore_mem>>)
        } else {
        }
        %mul3A_215 = arith.constant 5 : i32
        %mul3A_216 = arith.muli %mul3A_215, %scan3A_92 : i32
        %add3A_217 = arith.constant 4 : i32
        %add3A_218 = arith.addi %mul3A_216, %add3A_217 : i32
        %dma_wait3A_219 = arith.constant 0 : i32
        %dma_wait3A_220 = arith.constant 0 : i32
        %dma_wait3A_221 = tpu.memref_slice %arg3[%dma_wait3A_219, %dma_wait3A_220] : memref<10000x128xf32, #tpu.memory_space<hbm>> -> memref<10000x128xf32, #tpu.memory_space<hbm>>
        tpu.wait_indirect_dma semaphore(%arg40 : memref<!tpu.dma_semaphore, #tpu.memory_space<semaphore_mem>>) src(%dma_wait3A_221 : memref<10000x128xf32, #tpu.memory_space<hbm>>) dst(%arg24 : memref<40x128xf32, #tpu.memory_space<vmem>>)
        %ge3A_222 = arith.constant 1 : i32
        %ge3A_223 = arith.cmpi sge, %add3A_218, %ge3A_222 : i32
        %convert_element_type3A_224 = arith.extui %ge3A_223 : i1 to i32
        %cond3A_225 = arith.constant 0 : i32
        %cond3A_226 = arith.cmpi ne, %convert_element_type3A_224, %cond3A_225 : i32
        scf.if %cond3A_226 {
          %dma_wait3A_246 = arith.constant 0 : i32
          %dma_wait3A_247 = arith.constant 0 : i32
          %dma_wait3A_248 = tpu.memref_slice %arg46[%dma_wait3A_246, %dma_wait3A_247] : memref<10240x128xf32, #tpu.memory_space<vmem_shared>> -> memref<10240x128xf32, #tpu.memory_space<vmem_shared>>
          tpu.wait_indirect_dma semaphore(%arg44 : memref<!tpu.dma_semaphore, #tpu.memory_space<semaphore_mem>>) src(%arg23 : memref<40x128xf32, #tpu.memory_space<vmem>>) dst(%dma_wait3A_248 : memref<10240x128xf32, #tpu.memory_space<vmem_shared>>)
        } else {
        }
        %dma_wait3A_227 = tpu.memref_slice %arg7[%mul3A_42] : memref<320000xi32, #tpu.memory_space<hbm>> -> memref<40xi32, #tpu.memory_space<hbm>>
        %dma_wait3A_228 = tpu.memref_slice %arg7[%mul3A_42] : memref<320000xi32, #tpu.memory_space<hbm>> -> memref<40xi32, #tpu.memory_space<hbm>>
        tpu.wait_dma2 semaphore(%arg35 : memref<!tpu.dma_semaphore, #tpu.memory_space<semaphore_mem>>) src(%dma_wait3A_228 : memref<40xi32, #tpu.memory_space<hbm>>) dst(%arg19 : memref<40xi32, #tpu.memory_space<vmem>>)
        %dma_start3A_229 = arith.constant 0 : i32
        %dma_start3A_230 = arith.constant 0 : i32
        %dma_start3A_231 = tpu.memref_slice %arg46[%dma_start3A_229, %dma_start3A_230] : memref<10240x128xf32, #tpu.memory_space<vmem_shared>> -> memref<10240x128xf32, #tpu.memory_space<vmem_shared>>
        tpu.enqueue_indirect_dma source(%arg24 : memref<40x128xf32, #tpu.memory_space<vmem>>) target(%dma_start3A_231 : memref<10240x128xf32, #tpu.memory_space<vmem_shared>>) offsets(%arg19 : memref<40xi32, #tpu.memory_space<vmem>>) semaphore(%arg45 : memref<!tpu.dma_semaphore, #tpu.memory_space<semaphore_mem>>) {add = true}
        %add3A_232 = arith.constant 4 : i32
        %add3A_233 = arith.addi %add3A_218, %add3A_232 : i32
        %lt3A_234 = arith.constant 500 : i32
        %lt3A_235 = arith.cmpi slt, %add3A_233, %lt3A_234 : i32
        %convert_element_type3A_236 = arith.extui %lt3A_235 : i1 to i32
        %cond3A_237 = arith.constant 0 : i32
        %cond3A_238 = arith.cmpi ne, %convert_element_type3A_236, %cond3A_237 : i32
        scf.if %cond3A_238 {
          %add3A_246 = arith.constant 4 : i32
          %add3A_247 = arith.addi %add3A_218, %add3A_246 : i32
          %mul3A_248 = arith.constant 40 : i32
          %mul3A_249 = arith.muli %add3A_247, %mul3A_248 : i32
          %add3A_250 = arith.addi %mul3A_42, %mul3A_249 : i32
          %dma_start3A_251 = tpu.memref_slice %arg6[%add3A_250] : memref<320000xi32, #tpu.memory_space<hbm>> -> memref<40xi32, #tpu.memory_space<hbm>>
          %dma_start3A_252 = tpu.memref_slice %arg6[%add3A_250] : memref<320000xi32, #tpu.memory_space<hbm>> -> memref<40xi32, #tpu.memory_space<hbm>>
          tpu.enqueue_dma source(%dma_start3A_252 : memref<40xi32, #tpu.memory_space<hbm>>) target(%arg13 : memref<40xi32, #tpu.memory_space<vmem>>) target_semaphore(%arg29 : memref<!tpu.dma_semaphore, #tpu.memory_space<semaphore_mem>>)
          %add3A_253 = arith.constant 4 : i32
          %add3A_254 = arith.addi %add3A_218, %add3A_253 : i32
          %mul3A_255 = arith.constant 40 : i32
          %mul3A_256 = arith.muli %add3A_254, %mul3A_255 : i32
          %add3A_257 = arith.addi %mul3A_42, %mul3A_256 : i32
          %dma_start3A_258 = tpu.memref_slice %arg7[%add3A_257] : memref<320000xi32, #tpu.memory_space<hbm>> -> memref<40xi32, #tpu.memory_space<hbm>>
          %dma_start3A_259 = tpu.memref_slice %arg7[%add3A_257] : memref<320000xi32, #tpu.memory_space<hbm>> -> memref<40xi32, #tpu.memory_space<hbm>>
          tpu.enqueue_dma source(%dma_start3A_259 : memref<40xi32, #tpu.memory_space<hbm>>) target(%arg18 : memref<40xi32, #tpu.memory_space<vmem>>) target_semaphore(%arg34 : memref<!tpu.dma_semaphore, #tpu.memory_space<semaphore_mem>>)
        } else {
        }
        %add3A_239 = arith.constant 2 : i32
        %add3A_240 = arith.addi %add3A_218, %add3A_239 : i32
        %lt3A_241 = arith.constant 500 : i32
        %lt3A_242 = arith.cmpi slt, %add3A_240, %lt3A_241 : i32
        %convert_element_type3A_243 = arith.extui %lt3A_242 : i1 to i32
        %cond3A_244 = arith.constant 0 : i32
        %cond3A_245 = arith.cmpi ne, %convert_element_type3A_243, %cond3A_244 : i32
        scf.if %cond3A_245 {
          %dma_wait3A_246 = tpu.memref_slice %arg6[%mul3A_42] : memref<320000xi32, #tpu.memory_space<hbm>> -> memref<40xi32, #tpu.memory_space<hbm>>
          %dma_wait3A_247 = tpu.memref_slice %arg6[%mul3A_42] : memref<320000xi32, #tpu.memory_space<hbm>> -> memref<40xi32, #tpu.memory_space<hbm>>
          tpu.wait_dma2 semaphore(%arg27 : memref<!tpu.dma_semaphore, #tpu.memory_space<semaphore_mem>>) src(%dma_wait3A_247 : memref<40xi32, #tpu.memory_space<hbm>>) dst(%arg11 : memref<40xi32, #tpu.memory_space<vmem>>)
          %dma_start3A_248 = arith.constant 0 : i32
          %dma_start3A_249 = arith.constant 0 : i32
          %dma_start3A_250 = tpu.memref_slice %arg3[%dma_start3A_248, %dma_start3A_249] : memref<10000x128xf32, #tpu.memory_space<hbm>> -> memref<10000x128xf32, #tpu.memory_space<hbm>>
          tpu.enqueue_indirect_dma source(%dma_start3A_250 : memref<10000x128xf32, #tpu.memory_space<hbm>>) target(%arg21 : memref<40x128xf32, #tpu.memory_space<vmem>>) offsets(%arg11 : memref<40xi32, #tpu.memory_space<vmem>>) semaphore(%arg37 : memref<!tpu.dma_semaphore, #tpu.memory_space<semaphore_mem>>)
        } else {
        }
      }
      %scan3A_88 = arith.constant 100 : i32
      %dma_wait3A_89 = arith.constant 0 : i32
      %dma_wait3A_90 = arith.constant 0 : i32
      %dma_wait3A_91 = tpu.memref_slice %arg46[%dma_wait3A_89, %dma_wait3A_90] : memref<10240x128xf32, #tpu.memory_space<vmem_shared>> -> memref<10240x128xf32, #tpu.memory_space<vmem_shared>>
      tpu.wait_indirect_dma semaphore(%arg45 : memref<!tpu.dma_semaphore, #tpu.memory_space<semaphore_mem>>) src(%arg24 : memref<40x128xf32, #tpu.memory_space<vmem>>) dst(%dma_wait3A_91 : memref<10240x128xf32, #tpu.memory_space<vmem_shared>>)
    } else {
    }
    %barrier3A_30 = arith.constant 0 : index
    tpu.barrier barrier_id(%barrier3A_30)
    %eq3A_31 = arith.constant 0 : i32
    %eq3A_32 = arith.cmpi eq, %arg0, %eq3A_31 : i32
    %convert_element_type3A_33 = arith.extui %eq3A_32 : i1 to i32
    %cond3A_34 = arith.constant 0 : i32
    %cond3A_35 = arith.cmpi ne, %convert_element_type3A_33, %cond3A_34 : i32
    scf.if %cond3A_35 {
      %mul3A_41 = arith.constant 640 : i32
      %mul3A_42 = arith.muli %arg1, %mul3A_41 : i32
      %add3A_43 = arith.constant 0 : i32
      %add3A_44 = arith.addi %mul3A_42, %add3A_43 : i32
      "tpu.region"() ({
        %run_scoped3A = tpu.sem_alloc : memref<!tpu.dma_semaphore, #tpu.memory_space<semaphore_mem>>
        %dma_start3A = arith.constant 0 : i32
        %dma_start3A_61 = tpu.memref_slice %arg46[%add3A_44, %dma_start3A] : memref<10240x128xf32, #tpu.memory_space<vmem_shared>> -> memref<128x128xf32, #tpu.memory_space<vmem_shared>>
        %dma_start3A_62 = arith.constant 0 : i32
        %dma_start3A_63 = tpu.memref_slice %arg46[%add3A_44, %dma_start3A_62] : memref<10240x128xf32, #tpu.memory_space<vmem_shared>> -> memref<128x128xf32, #tpu.memory_space<vmem_shared>>
        tpu.enqueue_dma source(%dma_start3A_63 : memref<128x128xf32, #tpu.memory_space<vmem_shared>>) target(%arg25 : memref<128x128xf32, #tpu.memory_space<vmem>>) target_semaphore(%run_scoped3A : memref<!tpu.dma_semaphore, #tpu.memory_space<semaphore_mem>>)
        %dma_wait3A = arith.constant 0 : i32
        %dma_wait3A_64 = tpu.memref_slice %arg46[%add3A_44, %dma_wait3A] : memref<10240x128xf32, #tpu.memory_space<vmem_shared>> -> memref<128x128xf32, #tpu.memory_space<vmem_shared>>
        %dma_wait3A_65 = arith.constant 0 : i32
        %dma_wait3A_66 = tpu.memref_slice %arg46[%add3A_44, %dma_wait3A_65] : memref<10240x128xf32, #tpu.memory_space<vmem_shared>> -> memref<128x128xf32, #tpu.memory_space<vmem_shared>>
        tpu.wait_dma2 semaphore(%run_scoped3A : memref<!tpu.dma_semaphore, #tpu.memory_space<semaphore_mem>>) src(%dma_wait3A_66 : memref<128x128xf32, #tpu.memory_space<vmem_shared>>) dst(%arg25 : memref<128x128xf32, #tpu.memory_space<vmem>>)
        tpu.yield
      }) : () -> ()
      "tpu.region"() ({
        %run_scoped3A = tpu.sem_alloc : memref<!tpu.dma_semaphore, #tpu.memory_space<semaphore_mem>>
        %dma_start3A = arith.constant 0 : i32
        %dma_start3A_61 = tpu.memref_slice %arg8[%add3A_44, %dma_start3A] : memref<10240x128xf32, #tpu.memory_space<hbm>> -> memref<128x128xf32, #tpu.memory_space<hbm>>
        %dma_start3A_62 = arith.constant 0 : i32
        %dma_start3A_63 = tpu.memref_slice %arg8[%add3A_44, %dma_start3A_62] : memref<10240x128xf32, #tpu.memory_space<hbm>> -> memref<128x128xf32, #tpu.memory_space<hbm>>
        tpu.enqueue_dma source(%arg25 : memref<128x128xf32, #tpu.memory_space<vmem>>) target(%dma_start3A_63 : memref<128x128xf32, #tpu.memory_space<hbm>>) target_semaphore(%run_scoped3A : memref<!tpu.dma_semaphore, #tpu.memory_space<semaphore_mem>>)
        %dma_wait3A = arith.constant 0 : i32
        %dma_wait3A_64 = tpu.memref_slice %arg8[%add3A_44, %dma_wait3A] : memref<10240x128xf32, #tpu.memory_space<hbm>> -> memref<128x128xf32, #tpu.memory_space<hbm>>
        %dma_wait3A_65 = arith.constant 0 : i32
        %dma_wait3A_66 = tpu.memref_slice %arg8[%add3A_44, %dma_wait3A_65] : memref<10240x128xf32, #tpu.memory_space<hbm>> -> memref<128x128xf32, #tpu.memory_space<hbm>>
        tpu.wait_dma2 semaphore(%run_scoped3A : memref<!tpu.dma_semaphore, #tpu.memory_space<semaphore_mem>>) src(%arg25 : memref<128x128xf32, #tpu.memory_space<vmem>>) dst(%dma_wait3A_66 : memref<128x128xf32, #tpu.memory_space<hbm>>)
        tpu.yield
      }) : () -> ()
      %mul3A_45 = arith.constant 640 : i32
      %mul3A_46 = arith.muli %arg1, %mul3A_45 : i32
      %add3A_47 = arith.constant 128 : i32
      %add3A_48 = arith.addi %mul3A_46, %add3A_47 : i32
      "tpu.region"() ({
        %run_scoped3A = tpu.sem_alloc : memref<!tpu.dma_semaphore, #tpu.memory_space<semaphore_mem>>
        %dma_start3A = arith.constant 0 : i32
        %dma_start3A_61 = tpu.memref_slice %arg46[%add3A_48, %dma_start3A] : memref<10240x128xf32, #tpu.memory_space<vmem_shared>> -> memref<128x128xf32, #tpu.memory_space<vmem_shared>>
        %dma_start3A_62 = arith.constant 0 : i32
        %dma_start3A_63 = tpu.memref_slice %arg46[%add3A_48, %dma_start3A_62] : memref<10240x128xf32, #tpu.memory_space<vmem_shared>> -> memref<128x128xf32, #tpu.memory_space<vmem_shared>>
        tpu.enqueue_dma source(%dma_start3A_63 : memref<128x128xf32, #tpu.memory_space<vmem_shared>>) target(%arg25 : memref<128x128xf32, #tpu.memory_space<vmem>>) target_semaphore(%run_scoped3A : memref<!tpu.dma_semaphore, #tpu.memory_space<semaphore_mem>>)
        %dma_wait3A = arith.constant 0 : i32
        %dma_wait3A_64 = tpu.memref_slice %arg46[%add3A_48, %dma_wait3A] : memref<10240x128xf32, #tpu.memory_space<vmem_shared>> -> memref<128x128xf32, #tpu.memory_space<vmem_shared>>
        %dma_wait3A_65 = arith.constant 0 : i32
        %dma_wait3A_66 = tpu.memref_slice %arg46[%add3A_48, %dma_wait3A_65] : memref<10240x128xf32, #tpu.memory_space<vmem_shared>> -> memref<128x128xf32, #tpu.memory_space<vmem_shared>>
        tpu.wait_dma2 semaphore(%run_scoped3A : memref<!tpu.dma_semaphore, #tpu.memory_space<semaphore_mem>>) src(%dma_wait3A_66 : memref<128x128xf32, #tpu.memory_space<vmem_shared>>) dst(%arg25 : memref<128x128xf32, #tpu.memory_space<vmem>>)
        tpu.yield
      }) : () -> ()
      "tpu.region"() ({
        %run_scoped3A = tpu.sem_alloc : memref<!tpu.dma_semaphore, #tpu.memory_space<semaphore_mem>>
        %dma_start3A = arith.constant 0 : i32
        %dma_start3A_61 = tpu.memref_slice %arg8[%add3A_48, %dma_start3A] : memref<10240x128xf32, #tpu.memory_space<hbm>> -> memref<128x128xf32, #tpu.memory_space<hbm>>
        %dma_start3A_62 = arith.constant 0 : i32
        %dma_start3A_63 = tpu.memref_slice %arg8[%add3A_48, %dma_start3A_62] : memref<10240x128xf32, #tpu.memory_space<hbm>> -> memref<128x128xf32, #tpu.memory_space<hbm>>
        tpu.enqueue_dma source(%arg25 : memref<128x128xf32, #tpu.memory_space<vmem>>) target(%dma_start3A_63 : memref<128x128xf32, #tpu.memory_space<hbm>>) target_semaphore(%run_scoped3A : memref<!tpu.dma_semaphore, #tpu.memory_space<semaphore_mem>>)
        %dma_wait3A = arith.constant 0 : i32
        %dma_wait3A_64 = tpu.memref_slice %arg8[%add3A_48, %dma_wait3A] : memref<10240x128xf32, #tpu.memory_space<hbm>> -> memref<128x128xf32, #tpu.memory_space<hbm>>
        %dma_wait3A_65 = arith.constant 0 : i32
        %dma_wait3A_66 = tpu.memref_slice %arg8[%add3A_48, %dma_wait3A_65] : memref<10240x128xf32, #tpu.memory_space<hbm>> -> memref<128x128xf32, #tpu.memory_space<hbm>>
        tpu.wait_dma2 semaphore(%run_scoped3A : memref<!tpu.dma_semaphore, #tpu.memory_space<semaphore_mem>>) src(%arg25 : memref<128x128xf32, #tpu.memory_space<vmem>>) dst(%dma_wait3A_66 : memref<128x128xf32, #tpu.memory_space<hbm>>)
        tpu.yield
      }) : () -> ()
      %mul3A_49 = arith.constant 640 : i32
      %mul3A_50 = arith.muli %arg1, %mul3A_49 : i32
      %add3A_51 = arith.constant 256 : i32
      %add3A_52 = arith.addi %mul3A_50, %add3A_51 : i32
      "tpu.region"() ({
        %run_scoped3A = tpu.sem_alloc : memref<!tpu.dma_semaphore, #tpu.memory_space<semaphore_mem>>
        %dma_start3A = arith.constant 0 : i32
        %dma_start3A_61 = tpu.memref_slice %arg46[%add3A_52, %dma_start3A] : memref<10240x128xf32, #tpu.memory_space<vmem_shared>> -> memref<128x128xf32, #tpu.memory_space<vmem_shared>>
        %dma_start3A_62 = arith.constant 0 : i32
        %dma_start3A_63 = tpu.memref_slice %arg46[%add3A_52, %dma_start3A_62] : memref<10240x128xf32, #tpu.memory_space<vmem_shared>> -> memref<128x128xf32, #tpu.memory_space<vmem_shared>>
        tpu.enqueue_dma source(%dma_start3A_63 : memref<128x128xf32, #tpu.memory_space<vmem_shared>>) target(%arg25 : memref<128x128xf32, #tpu.memory_space<vmem>>) target_semaphore(%run_scoped3A : memref<!tpu.dma_semaphore, #tpu.memory_space<semaphore_mem>>)
        %dma_wait3A = arith.constant 0 : i32
        %dma_wait3A_64 = tpu.memref_slice %arg46[%add3A_52, %dma_wait3A] : memref<10240x128xf32, #tpu.memory_space<vmem_shared>> -> memref<128x128xf32, #tpu.memory_space<vmem_shared>>
        %dma_wait3A_65 = arith.constant 0 : i32
        %dma_wait3A_66 = tpu.memref_slice %arg46[%add3A_52, %dma_wait3A_65] : memref<10240x128xf32, #tpu.memory_space<vmem_shared>> -> memref<128x128xf32, #tpu.memory_space<vmem_shared>>
        tpu.wait_dma2 semaphore(%run_scoped3A : memref<!tpu.dma_semaphore, #tpu.memory_space<semaphore_mem>>) src(%dma_wait3A_66 : memref<128x128xf32, #tpu.memory_space<vmem_shared>>) dst(%arg25 : memref<128x128xf32, #tpu.memory_space<vmem>>)
        tpu.yield
      }) : () -> ()
      "tpu.region"() ({
        %run_scoped3A = tpu.sem_alloc : memref<!tpu.dma_semaphore, #tpu.memory_space<semaphore_mem>>
        %dma_start3A = arith.constant 0 : i32
        %dma_start3A_61 = tpu.memref_slice %arg8[%add3A_52, %dma_start3A] : memref<10240x128xf32, #tpu.memory_space<hbm>> -> memref<128x128xf32, #tpu.memory_space<hbm>>
        %dma_start3A_62 = arith.constant 0 : i32
        %dma_start3A_63 = tpu.memref_slice %arg8[%add3A_52, %dma_start3A_62] : memref<10240x128xf32, #tpu.memory_space<hbm>> -> memref<128x128xf32, #tpu.memory_space<hbm>>
        tpu.enqueue_dma source(%arg25 : memref<128x128xf32, #tpu.memory_space<vmem>>) target(%dma_start3A_63 : memref<128x128xf32, #tpu.memory_space<hbm>>) target_semaphore(%run_scoped3A : memref<!tpu.dma_semaphore, #tpu.memory_space<semaphore_mem>>)
        %dma_wait3A = arith.constant 0 : i32
        %dma_wait3A_64 = tpu.memref_slice %arg8[%add3A_52, %dma_wait3A] : memref<10240x128xf32, #tpu.memory_space<hbm>> -> memref<128x128xf32, #tpu.memory_space<hbm>>
        %dma_wait3A_65 = arith.constant 0 : i32
        %dma_wait3A_66 = tpu.memref_slice %arg8[%add3A_52, %dma_wait3A_65] : memref<10240x128xf32, #tpu.memory_space<hbm>> -> memref<128x128xf32, #tpu.memory_space<hbm>>
        tpu.wait_dma2 semaphore(%run_scoped3A : memref<!tpu.dma_semaphore, #tpu.memory_space<semaphore_mem>>) src(%arg25 : memref<128x128xf32, #tpu.memory_space<vmem>>) dst(%dma_wait3A_66 : memref<128x128xf32, #tpu.memory_space<hbm>>)
        tpu.yield
      }) : () -> ()
      %mul3A_53 = arith.constant 640 : i32
      %mul3A_54 = arith.muli %arg1, %mul3A_53 : i32
      %add3A_55 = arith.constant 384 : i32
      %add3A_56 = arith.addi %mul3A_54, %add3A_55 : i32
      "tpu.region"() ({
        %run_scoped3A = tpu.sem_alloc : memref<!tpu.dma_semaphore, #tpu.memory_space<semaphore_mem>>
        %dma_start3A = arith.constant 0 : i32
        %dma_start3A_61 = tpu.memref_slice %arg46[%add3A_56, %dma_start3A] : memref<10240x128xf32, #tpu.memory_space<vmem_shared>> -> memref<128x128xf32, #tpu.memory_space<vmem_shared>>
        %dma_start3A_62 = arith.constant 0 : i32
        %dma_start3A_63 = tpu.memref_slice %arg46[%add3A_56, %dma_start3A_62] : memref<10240x128xf32, #tpu.memory_space<vmem_shared>> -> memref<128x128xf32, #tpu.memory_space<vmem_shared>>
        tpu.enqueue_dma source(%dma_start3A_63 : memref<128x128xf32, #tpu.memory_space<vmem_shared>>) target(%arg25 : memref<128x128xf32, #tpu.memory_space<vmem>>) target_semaphore(%run_scoped3A : memref<!tpu.dma_semaphore, #tpu.memory_space<semaphore_mem>>)
        %dma_wait3A = arith.constant 0 : i32
        %dma_wait3A_64 = tpu.memref_slice %arg46[%add3A_56, %dma_wait3A] : memref<10240x128xf32, #tpu.memory_space<vmem_shared>> -> memref<128x128xf32, #tpu.memory_space<vmem_shared>>
        %dma_wait3A_65 = arith.constant 0 : i32
        %dma_wait3A_66 = tpu.memref_slice %arg46[%add3A_56, %dma_wait3A_65] : memref<10240x128xf32, #tpu.memory_space<vmem_shared>> -> memref<128x128xf32, #tpu.memory_space<vmem_shared>>
        tpu.wait_dma2 semaphore(%run_scoped3A : memref<!tpu.dma_semaphore, #tpu.memory_space<semaphore_mem>>) src(%dma_wait3A_66 : memref<128x128xf32, #tpu.memory_space<vmem_shared>>) dst(%arg25 : memref<128x128xf32, #tpu.memory_space<vmem>>)
        tpu.yield
      }) : () -> ()
      "tpu.region"() ({
        %run_scoped3A = tpu.sem_alloc : memref<!tpu.dma_semaphore, #tpu.memory_space<semaphore_mem>>
        %dma_start3A = arith.constant 0 : i32
        %dma_start3A_61 = tpu.memref_slice %arg8[%add3A_56, %dma_start3A] : memref<10240x128xf32, #tpu.memory_space<hbm>> -> memref<128x128xf32, #tpu.memory_space<hbm>>
        %dma_start3A_62 = arith.constant 0 : i32
        %dma_start3A_63 = tpu.memref_slice %arg8[%add3A_56, %dma_start3A_62] : memref<10240x128xf32, #tpu.memory_space<hbm>> -> memref<128x128xf32, #tpu.memory_space<hbm>>
        tpu.enqueue_dma source(%arg25 : memref<128x128xf32, #tpu.memory_space<vmem>>) target(%dma_start3A_63 : memref<128x128xf32, #tpu.memory_space<hbm>>) target_semaphore(%run_scoped3A : memref<!tpu.dma_semaphore, #tpu.memory_space<semaphore_mem>>)
        %dma_wait3A = arith.constant 0 : i32
        %dma_wait3A_64 = tpu.memref_slice %arg8[%add3A_56, %dma_wait3A] : memref<10240x128xf32, #tpu.memory_space<hbm>> -> memref<128x128xf32, #tpu.memory_space<hbm>>
        %dma_wait3A_65 = arith.constant 0 : i32
        %dma_wait3A_66 = tpu.memref_slice %arg8[%add3A_56, %dma_wait3A_65] : memref<10240x128xf32, #tpu.memory_space<hbm>> -> memref<128x128xf32, #tpu.memory_space<hbm>>
        tpu.wait_dma2 semaphore(%run_scoped3A : memref<!tpu.dma_semaphore, #tpu.memory_space<semaphore_mem>>) src(%arg25 : memref<128x128xf32, #tpu.memory_space<vmem>>) dst(%dma_wait3A_66 : memref<128x128xf32, #tpu.memory_space<hbm>>)
        tpu.yield
      }) : () -> ()
      %mul3A_57 = arith.constant 640 : i32
      %mul3A_58 = arith.muli %arg1, %mul3A_57 : i32
      %add3A_59 = arith.constant 512 : i32
      %add3A_60 = arith.addi %mul3A_58, %add3A_59 : i32
      "tpu.region"() ({
        %run_scoped3A = tpu.sem_alloc : memref<!tpu.dma_semaphore, #tpu.memory_space<semaphore_mem>>
        %dma_start3A = arith.constant 0 : i32
        %dma_start3A_61 = tpu.memref_slice %arg46[%add3A_60, %dma_start3A] : memref<10240x128xf32, #tpu.memory_space<vmem_shared>> -> memref<128x128xf32, #tpu.memory_space<vmem_shared>>
        %dma_start3A_62 = arith.constant 0 : i32
        %dma_start3A_63 = tpu.memref_slice %arg46[%add3A_60, %dma_start3A_62] : memref<10240x128xf32, #tpu.memory_space<vmem_shared>> -> memref<128x128xf32, #tpu.memory_space<vmem_shared>>
        tpu.enqueue_dma source(%dma_start3A_63 : memref<128x128xf32, #tpu.memory_space<vmem_shared>>) target(%arg25 : memref<128x128xf32, #tpu.memory_space<vmem>>) target_semaphore(%run_scoped3A : memref<!tpu.dma_semaphore, #tpu.memory_space<semaphore_mem>>)
        %dma_wait3A = arith.constant 0 : i32
        %dma_wait3A_64 = tpu.memref_slice %arg46[%add3A_60, %dma_wait3A] : memref<10240x128xf32, #tpu.memory_space<vmem_shared>> -> memref<128x128xf32, #tpu.memory_space<vmem_shared>>
        %dma_wait3A_65 = arith.constant 0 : i32
        %dma_wait3A_66 = tpu.memref_slice %arg46[%add3A_60, %dma_wait3A_65] : memref<10240x128xf32, #tpu.memory_space<vmem_shared>> -> memref<128x128xf32, #tpu.memory_space<vmem_shared>>
        tpu.wait_dma2 semaphore(%run_scoped3A : memref<!tpu.dma_semaphore, #tpu.memory_space<semaphore_mem>>) src(%dma_wait3A_66 : memref<128x128xf32, #tpu.memory_space<vmem_shared>>) dst(%arg25 : memref<128x128xf32, #tpu.memory_space<vmem>>)
        tpu.yield
      }) : () -> ()
      "tpu.region"() ({
        %run_scoped3A = tpu.sem_alloc : memref<!tpu.dma_semaphore, #tpu.memory_space<semaphore_mem>>
        %dma_start3A = arith.constant 0 : i32
        %dma_start3A_61 = tpu.memref_slice %arg8[%add3A_60, %dma_start3A] : memref<10240x128xf32, #tpu.memory_space<hbm>> -> memref<128x128xf32, #tpu.memory_space<hbm>>
        %dma_start3A_62 = arith.constant 0 : i32
        %dma_start3A_63 = tpu.memref_slice %arg8[%add3A_60, %dma_start3A_62] : memref<10240x128xf32, #tpu.memory_space<hbm>> -> memref<128x128xf32, #tpu.memory_space<hbm>>
        tpu.enqueue_dma source(%arg25 : memref<128x128xf32, #tpu.memory_space<vmem>>) target(%dma_start3A_63 : memref<128x128xf32, #tpu.memory_space<hbm>>) target_semaphore(%run_scoped3A : memref<!tpu.dma_semaphore, #tpu.memory_space<semaphore_mem>>)
        %dma_wait3A = arith.constant 0 : i32
        %dma_wait3A_64 = tpu.memref_slice %arg8[%add3A_60, %dma_wait3A] : memref<10240x128xf32, #tpu.memory_space<hbm>> -> memref<128x128xf32, #tpu.memory_space<hbm>>
        %dma_wait3A_65 = arith.constant 0 : i32
        %dma_wait3A_66 = tpu.memref_slice %arg8[%add3A_60, %dma_wait3A_65] : memref<10240x128xf32, #tpu.memory_space<hbm>> -> memref<128x128xf32, #tpu.memory_space<hbm>>
        tpu.wait_dma2 semaphore(%run_scoped3A : memref<!tpu.dma_semaphore, #tpu.memory_space<semaphore_mem>>) src(%arg25 : memref<128x128xf32, #tpu.memory_space<vmem>>) dst(%dma_wait3A_66 : memref<128x128xf32, #tpu.memory_space<hbm>>)
        tpu.yield
      }) : () -> ()
    } else {
    }
    %eq3A_36 = arith.constant 1 : i32
    %eq3A_37 = arith.cmpi eq, %arg0, %eq3A_36 : i32
    %convert_element_type3A_38 = arith.extui %eq3A_37 : i1 to i32
    %cond3A_39 = arith.constant 0 : i32
    %cond3A_40 = arith.cmpi ne, %convert_element_type3A_38, %cond3A_39 : i32
    scf.if %cond3A_40 {
      %mul3A_41 = arith.constant 640 : i32
      %mul3A_42 = arith.muli %arg1, %mul3A_41 : i32
      %add3A_43 = arith.constant 0 : i32
      %add3A_44 = arith.addi %mul3A_42, %add3A_43 : i32
      "tpu.region"() ({
        %run_scoped3A = tpu.sem_alloc : memref<!tpu.dma_semaphore, #tpu.memory_space<semaphore_mem>>
        %dma_start3A = arith.constant 0 : i32
        %dma_start3A_61 = tpu.memref_slice %arg46[%add3A_44, %dma_start3A] : memref<10240x128xf32, #tpu.memory_space<vmem_shared>> -> memref<128x128xf32, #tpu.memory_space<vmem_shared>>
        %dma_start3A_62 = arith.constant 0 : i32
        %dma_start3A_63 = tpu.memref_slice %arg46[%add3A_44, %dma_start3A_62] : memref<10240x128xf32, #tpu.memory_space<vmem_shared>> -> memref<128x128xf32, #tpu.memory_space<vmem_shared>>
        tpu.enqueue_dma source(%dma_start3A_63 : memref<128x128xf32, #tpu.memory_space<vmem_shared>>) target(%arg25 : memref<128x128xf32, #tpu.memory_space<vmem>>) target_semaphore(%run_scoped3A : memref<!tpu.dma_semaphore, #tpu.memory_space<semaphore_mem>>)
        %dma_wait3A = arith.constant 0 : i32
        %dma_wait3A_64 = tpu.memref_slice %arg46[%add3A_44, %dma_wait3A] : memref<10240x128xf32, #tpu.memory_space<vmem_shared>> -> memref<128x128xf32, #tpu.memory_space<vmem_shared>>
        %dma_wait3A_65 = arith.constant 0 : i32
        %dma_wait3A_66 = tpu.memref_slice %arg46[%add3A_44, %dma_wait3A_65] : memref<10240x128xf32, #tpu.memory_space<vmem_shared>> -> memref<128x128xf32, #tpu.memory_space<vmem_shared>>
        tpu.wait_dma2 semaphore(%run_scoped3A : memref<!tpu.dma_semaphore, #tpu.memory_space<semaphore_mem>>) src(%dma_wait3A_66 : memref<128x128xf32, #tpu.memory_space<vmem_shared>>) dst(%arg25 : memref<128x128xf32, #tpu.memory_space<vmem>>)
        tpu.yield
      }) : () -> ()
      "tpu.region"() ({
        %run_scoped3A = tpu.sem_alloc : memref<!tpu.dma_semaphore, #tpu.memory_space<semaphore_mem>>
        %dma_start3A = arith.constant 0 : i32
        %dma_start3A_61 = tpu.memref_slice %arg9[%add3A_44, %dma_start3A] : memref<10240x128xf32, #tpu.memory_space<hbm>> -> memref<128x128xf32, #tpu.memory_space<hbm>>
        %dma_start3A_62 = arith.constant 0 : i32
        %dma_start3A_63 = tpu.memref_slice %arg9[%add3A_44, %dma_start3A_62] : memref<10240x128xf32, #tpu.memory_space<hbm>> -> memref<128x128xf32, #tpu.memory_space<hbm>>
        tpu.enqueue_dma source(%arg25 : memref<128x128xf32, #tpu.memory_space<vmem>>) target(%dma_start3A_63 : memref<128x128xf32, #tpu.memory_space<hbm>>) target_semaphore(%run_scoped3A : memref<!tpu.dma_semaphore, #tpu.memory_space<semaphore_mem>>)
        %dma_wait3A = arith.constant 0 : i32
        %dma_wait3A_64 = tpu.memref_slice %arg9[%add3A_44, %dma_wait3A] : memref<10240x128xf32, #tpu.memory_space<hbm>> -> memref<128x128xf32, #tpu.memory_space<hbm>>
        %dma_wait3A_65 = arith.constant 0 : i32
        %dma_wait3A_66 = tpu.memref_slice %arg9[%add3A_44, %dma_wait3A_65] : memref<10240x128xf32, #tpu.memory_space<hbm>> -> memref<128x128xf32, #tpu.memory_space<hbm>>
        tpu.wait_dma2 semaphore(%run_scoped3A : memref<!tpu.dma_semaphore, #tpu.memory_space<semaphore_mem>>) src(%arg25 : memref<128x128xf32, #tpu.memory_space<vmem>>) dst(%dma_wait3A_66 : memref<128x128xf32, #tpu.memory_space<hbm>>)
        tpu.yield
      }) : () -> ()
      %mul3A_45 = arith.constant 640 : i32
      %mul3A_46 = arith.muli %arg1, %mul3A_45 : i32
      %add3A_47 = arith.constant 128 : i32
      %add3A_48 = arith.addi %mul3A_46, %add3A_47 : i32
      "tpu.region"() ({
        %run_scoped3A = tpu.sem_alloc : memref<!tpu.dma_semaphore, #tpu.memory_space<semaphore_mem>>
        %dma_start3A = arith.constant 0 : i32
        %dma_start3A_61 = tpu.memref_slice %arg46[%add3A_48, %dma_start3A] : memref<10240x128xf32, #tpu.memory_space<vmem_shared>> -> memref<128x128xf32, #tpu.memory_space<vmem_shared>>
        %dma_start3A_62 = arith.constant 0 : i32
        %dma_start3A_63 = tpu.memref_slice %arg46[%add3A_48, %dma_start3A_62] : memref<10240x128xf32, #tpu.memory_space<vmem_shared>> -> memref<128x128xf32, #tpu.memory_space<vmem_shared>>
        tpu.enqueue_dma source(%dma_start3A_63 : memref<128x128xf32, #tpu.memory_space<vmem_shared>>) target(%arg25 : memref<128x128xf32, #tpu.memory_space<vmem>>) target_semaphore(%run_scoped3A : memref<!tpu.dma_semaphore, #tpu.memory_space<semaphore_mem>>)
        %dma_wait3A = arith.constant 0 : i32
        %dma_wait3A_64 = tpu.memref_slice %arg46[%add3A_48, %dma_wait3A] : memref<10240x128xf32, #tpu.memory_space<vmem_shared>> -> memref<128x128xf32, #tpu.memory_space<vmem_shared>>
        %dma_wait3A_65 = arith.constant 0 : i32
        %dma_wait3A_66 = tpu.memref_slice %arg46[%add3A_48, %dma_wait3A_65] : memref<10240x128xf32, #tpu.memory_space<vmem_shared>> -> memref<128x128xf32, #tpu.memory_space<vmem_shared>>
        tpu.wait_dma2 semaphore(%run_scoped3A : memref<!tpu.dma_semaphore, #tpu.memory_space<semaphore_mem>>) src(%dma_wait3A_66 : memref<128x128xf32, #tpu.memory_space<vmem_shared>>) dst(%arg25 : memref<128x128xf32, #tpu.memory_space<vmem>>)
        tpu.yield
      }) : () -> ()
      "tpu.region"() ({
        %run_scoped3A = tpu.sem_alloc : memref<!tpu.dma_semaphore, #tpu.memory_space<semaphore_mem>>
        %dma_start3A = arith.constant 0 : i32
        %dma_start3A_61 = tpu.memref_slice %arg9[%add3A_48, %dma_start3A] : memref<10240x128xf32, #tpu.memory_space<hbm>> -> memref<128x128xf32, #tpu.memory_space<hbm>>
        %dma_start3A_62 = arith.constant 0 : i32
        %dma_start3A_63 = tpu.memref_slice %arg9[%add3A_48, %dma_start3A_62] : memref<10240x128xf32, #tpu.memory_space<hbm>> -> memref<128x128xf32, #tpu.memory_space<hbm>>
        tpu.enqueue_dma source(%arg25 : memref<128x128xf32, #tpu.memory_space<vmem>>) target(%dma_start3A_63 : memref<128x128xf32, #tpu.memory_space<hbm>>) target_semaphore(%run_scoped3A : memref<!tpu.dma_semaphore, #tpu.memory_space<semaphore_mem>>)
        %dma_wait3A = arith.constant 0 : i32
        %dma_wait3A_64 = tpu.memref_slice %arg9[%add3A_48, %dma_wait3A] : memref<10240x128xf32, #tpu.memory_space<hbm>> -> memref<128x128xf32, #tpu.memory_space<hbm>>
        %dma_wait3A_65 = arith.constant 0 : i32
        %dma_wait3A_66 = tpu.memref_slice %arg9[%add3A_48, %dma_wait3A_65] : memref<10240x128xf32, #tpu.memory_space<hbm>> -> memref<128x128xf32, #tpu.memory_space<hbm>>
        tpu.wait_dma2 semaphore(%run_scoped3A : memref<!tpu.dma_semaphore, #tpu.memory_space<semaphore_mem>>) src(%arg25 : memref<128x128xf32, #tpu.memory_space<vmem>>) dst(%dma_wait3A_66 : memref<128x128xf32, #tpu.memory_space<hbm>>)
        tpu.yield
      }) : () -> ()
      %mul3A_49 = arith.constant 640 : i32
      %mul3A_50 = arith.muli %arg1, %mul3A_49 : i32
      %add3A_51 = arith.constant 256 : i32
      %add3A_52 = arith.addi %mul3A_50, %add3A_51 : i32
      "tpu.region"() ({
        %run_scoped3A = tpu.sem_alloc : memref<!tpu.dma_semaphore, #tpu.memory_space<semaphore_mem>>
        %dma_start3A = arith.constant 0 : i32
        %dma_start3A_61 = tpu.memref_slice %arg46[%add3A_52, %dma_start3A] : memref<10240x128xf32, #tpu.memory_space<vmem_shared>> -> memref<128x128xf32, #tpu.memory_space<vmem_shared>>
        %dma_start3A_62 = arith.constant 0 : i32
        %dma_start3A_63 = tpu.memref_slice %arg46[%add3A_52, %dma_start3A_62] : memref<10240x128xf32, #tpu.memory_space<vmem_shared>> -> memref<128x128xf32, #tpu.memory_space<vmem_shared>>
        tpu.enqueue_dma source(%dma_start3A_63 : memref<128x128xf32, #tpu.memory_space<vmem_shared>>) target(%arg25 : memref<128x128xf32, #tpu.memory_space<vmem>>) target_semaphore(%run_scoped3A : memref<!tpu.dma_semaphore, #tpu.memory_space<semaphore_mem>>)
        %dma_wait3A = arith.constant 0 : i32
        %dma_wait3A_64 = tpu.memref_slice %arg46[%add3A_52, %dma_wait3A] : memref<10240x128xf32, #tpu.memory_space<vmem_shared>> -> memref<128x128xf32, #tpu.memory_space<vmem_shared>>
        %dma_wait3A_65 = arith.constant 0 : i32
        %dma_wait3A_66 = tpu.memref_slice %arg46[%add3A_52, %dma_wait3A_65] : memref<10240x128xf32, #tpu.memory_space<vmem_shared>> -> memref<128x128xf32, #tpu.memory_space<vmem_shared>>
        tpu.wait_dma2 semaphore(%run_scoped3A : memref<!tpu.dma_semaphore, #tpu.memory_space<semaphore_mem>>) src(%dma_wait3A_66 : memref<128x128xf32, #tpu.memory_space<vmem_shared>>) dst(%arg25 : memref<128x128xf32, #tpu.memory_space<vmem>>)
        tpu.yield
      }) : () -> ()
      "tpu.region"() ({
        %run_scoped3A = tpu.sem_alloc : memref<!tpu.dma_semaphore, #tpu.memory_space<semaphore_mem>>
        %dma_start3A = arith.constant 0 : i32
        %dma_start3A_61 = tpu.memref_slice %arg9[%add3A_52, %dma_start3A] : memref<10240x128xf32, #tpu.memory_space<hbm>> -> memref<128x128xf32, #tpu.memory_space<hbm>>
        %dma_start3A_62 = arith.constant 0 : i32
        %dma_start3A_63 = tpu.memref_slice %arg9[%add3A_52, %dma_start3A_62] : memref<10240x128xf32, #tpu.memory_space<hbm>> -> memref<128x128xf32, #tpu.memory_space<hbm>>
        tpu.enqueue_dma source(%arg25 : memref<128x128xf32, #tpu.memory_space<vmem>>) target(%dma_start3A_63 : memref<128x128xf32, #tpu.memory_space<hbm>>) target_semaphore(%run_scoped3A : memref<!tpu.dma_semaphore, #tpu.memory_space<semaphore_mem>>)
        %dma_wait3A = arith.constant 0 : i32
        %dma_wait3A_64 = tpu.memref_slice %arg9[%add3A_52, %dma_wait3A] : memref<10240x128xf32, #tpu.memory_space<hbm>> -> memref<128x128xf32, #tpu.memory_space<hbm>>
        %dma_wait3A_65 = arith.constant 0 : i32
        %dma_wait3A_66 = tpu.memref_slice %arg9[%add3A_52, %dma_wait3A_65] : memref<10240x128xf32, #tpu.memory_space<hbm>> -> memref<128x128xf32, #tpu.memory_space<hbm>>
        tpu.wait_dma2 semaphore(%run_scoped3A : memref<!tpu.dma_semaphore, #tpu.memory_space<semaphore_mem>>) src(%arg25 : memref<128x128xf32, #tpu.memory_space<vmem>>) dst(%dma_wait3A_66 : memref<128x128xf32, #tpu.memory_space<hbm>>)
        tpu.yield
      }) : () -> ()
      %mul3A_53 = arith.constant 640 : i32
      %mul3A_54 = arith.muli %arg1, %mul3A_53 : i32
      %add3A_55 = arith.constant 384 : i32
      %add3A_56 = arith.addi %mul3A_54, %add3A_55 : i32
      "tpu.region"() ({
        %run_scoped3A = tpu.sem_alloc : memref<!tpu.dma_semaphore, #tpu.memory_space<semaphore_mem>>
        %dma_start3A = arith.constant 0 : i32
        %dma_start3A_61 = tpu.memref_slice %arg46[%add3A_56, %dma_start3A] : memref<10240x128xf32, #tpu.memory_space<vmem_shared>> -> memref<128x128xf32, #tpu.memory_space<vmem_shared>>
        %dma_start3A_62 = arith.constant 0 : i32
        %dma_start3A_63 = tpu.memref_slice %arg46[%add3A_56, %dma_start3A_62] : memref<10240x128xf32, #tpu.memory_space<vmem_shared>> -> memref<128x128xf32, #tpu.memory_space<vmem_shared>>
        tpu.enqueue_dma source(%dma_start3A_63 : memref<128x128xf32, #tpu.memory_space<vmem_shared>>) target(%arg25 : memref<128x128xf32, #tpu.memory_space<vmem>>) target_semaphore(%run_scoped3A : memref<!tpu.dma_semaphore, #tpu.memory_space<semaphore_mem>>)
        %dma_wait3A = arith.constant 0 : i32
        %dma_wait3A_64 = tpu.memref_slice %arg46[%add3A_56, %dma_wait3A] : memref<10240x128xf32, #tpu.memory_space<vmem_shared>> -> memref<128x128xf32, #tpu.memory_space<vmem_shared>>
        %dma_wait3A_65 = arith.constant 0 : i32
        %dma_wait3A_66 = tpu.memref_slice %arg46[%add3A_56, %dma_wait3A_65] : memref<10240x128xf32, #tpu.memory_space<vmem_shared>> -> memref<128x128xf32, #tpu.memory_space<vmem_shared>>
        tpu.wait_dma2 semaphore(%run_scoped3A : memref<!tpu.dma_semaphore, #tpu.memory_space<semaphore_mem>>) src(%dma_wait3A_66 : memref<128x128xf32, #tpu.memory_space<vmem_shared>>) dst(%arg25 : memref<128x128xf32, #tpu.memory_space<vmem>>)
        tpu.yield
      }) : () -> ()
      "tpu.region"() ({
        %run_scoped3A = tpu.sem_alloc : memref<!tpu.dma_semaphore, #tpu.memory_space<semaphore_mem>>
        %dma_start3A = arith.constant 0 : i32
        %dma_start3A_61 = tpu.memref_slice %arg9[%add3A_56, %dma_start3A] : memref<10240x128xf32, #tpu.memory_space<hbm>> -> memref<128x128xf32, #tpu.memory_space<hbm>>
        %dma_start3A_62 = arith.constant 0 : i32
        %dma_start3A_63 = tpu.memref_slice %arg9[%add3A_56, %dma_start3A_62] : memref<10240x128xf32, #tpu.memory_space<hbm>> -> memref<128x128xf32, #tpu.memory_space<hbm>>
        tpu.enqueue_dma source(%arg25 : memref<128x128xf32, #tpu.memory_space<vmem>>) target(%dma_start3A_63 : memref<128x128xf32, #tpu.memory_space<hbm>>) target_semaphore(%run_scoped3A : memref<!tpu.dma_semaphore, #tpu.memory_space<semaphore_mem>>)
        %dma_wait3A = arith.constant 0 : i32
        %dma_wait3A_64 = tpu.memref_slice %arg9[%add3A_56, %dma_wait3A] : memref<10240x128xf32, #tpu.memory_space<hbm>> -> memref<128x128xf32, #tpu.memory_space<hbm>>
        %dma_wait3A_65 = arith.constant 0 : i32
        %dma_wait3A_66 = tpu.memref_slice %arg9[%add3A_56, %dma_wait3A_65] : memref<10240x128xf32, #tpu.memory_space<hbm>> -> memref<128x128xf32, #tpu.memory_space<hbm>>
        tpu.wait_dma2 semaphore(%run_scoped3A : memref<!tpu.dma_semaphore, #tpu.memory_space<semaphore_mem>>) src(%arg25 : memref<128x128xf32, #tpu.memory_space<vmem>>) dst(%dma_wait3A_66 : memref<128x128xf32, #tpu.memory_space<hbm>>)
        tpu.yield
      }) : () -> ()
      %mul3A_57 = arith.constant 640 : i32
      %mul3A_58 = arith.muli %arg1, %mul3A_57 : i32
      %add3A_59 = arith.constant 512 : i32
      %add3A_60 = arith.addi %mul3A_58, %add3A_59 : i32
      "tpu.region"() ({
        %run_scoped3A = tpu.sem_alloc : memref<!tpu.dma_semaphore, #tpu.memory_space<semaphore_mem>>
        %dma_start3A = arith.constant 0 : i32
        %dma_start3A_61 = tpu.memref_slice %arg46[%add3A_60, %dma_start3A] : memref<10240x128xf32, #tpu.memory_space<vmem_shared>> -> memref<128x128xf32, #tpu.memory_space<vmem_shared>>
        %dma_start3A_62 = arith.constant 0 : i32
        %dma_start3A_63 = tpu.memref_slice %arg46[%add3A_60, %dma_start3A_62] : memref<10240x128xf32, #tpu.memory_space<vmem_shared>> -> memref<128x128xf32, #tpu.memory_space<vmem_shared>>
        tpu.enqueue_dma source(%dma_start3A_63 : memref<128x128xf32, #tpu.memory_space<vmem_shared>>) target(%arg25 : memref<128x128xf32, #tpu.memory_space<vmem>>) target_semaphore(%run_scoped3A : memref<!tpu.dma_semaphore, #tpu.memory_space<semaphore_mem>>)
        %dma_wait3A = arith.constant 0 : i32
        %dma_wait3A_64 = tpu.memref_slice %arg46[%add3A_60, %dma_wait3A] : memref<10240x128xf32, #tpu.memory_space<vmem_shared>> -> memref<128x128xf32, #tpu.memory_space<vmem_shared>>
        %dma_wait3A_65 = arith.constant 0 : i32
        %dma_wait3A_66 = tpu.memref_slice %arg46[%add3A_60, %dma_wait3A_65] : memref<10240x128xf32, #tpu.memory_space<vmem_shared>> -> memref<128x128xf32, #tpu.memory_space<vmem_shared>>
        tpu.wait_dma2 semaphore(%run_scoped3A : memref<!tpu.dma_semaphore, #tpu.memory_space<semaphore_mem>>) src(%dma_wait3A_66 : memref<128x128xf32, #tpu.memory_space<vmem_shared>>) dst(%arg25 : memref<128x128xf32, #tpu.memory_space<vmem>>)
        tpu.yield
      }) : () -> ()
      "tpu.region"() ({
        %run_scoped3A = tpu.sem_alloc : memref<!tpu.dma_semaphore, #tpu.memory_space<semaphore_mem>>
        %dma_start3A = arith.constant 0 : i32
        %dma_start3A_61 = tpu.memref_slice %arg9[%add3A_60, %dma_start3A] : memref<10240x128xf32, #tpu.memory_space<hbm>> -> memref<128x128xf32, #tpu.memory_space<hbm>>
        %dma_start3A_62 = arith.constant 0 : i32
        %dma_start3A_63 = tpu.memref_slice %arg9[%add3A_60, %dma_start3A_62] : memref<10240x128xf32, #tpu.memory_space<hbm>> -> memref<128x128xf32, #tpu.memory_space<hbm>>
        tpu.enqueue_dma source(%arg25 : memref<128x128xf32, #tpu.memory_space<vmem>>) target(%dma_start3A_63 : memref<128x128xf32, #tpu.memory_space<hbm>>) target_semaphore(%run_scoped3A : memref<!tpu.dma_semaphore, #tpu.memory_space<semaphore_mem>>)
        %dma_wait3A = arith.constant 0 : i32
        %dma_wait3A_64 = tpu.memref_slice %arg9[%add3A_60, %dma_wait3A] : memref<10240x128xf32, #tpu.memory_space<hbm>> -> memref<128x128xf32, #tpu.memory_space<hbm>>
        %dma_wait3A_65 = arith.constant 0 : i32
        %dma_wait3A_66 = tpu.memref_slice %arg9[%add3A_60, %dma_wait3A_65] : memref<10240x128xf32, #tpu.memory_space<hbm>> -> memref<128x128xf32, #tpu.memory_space<hbm>>
        tpu.wait_dma2 semaphore(%run_scoped3A : memref<!tpu.dma_semaphore, #tpu.memory_space<semaphore_mem>>) src(%arg25 : memref<128x128xf32, #tpu.memory_space<vmem>>) dst(%dma_wait3A_66 : memref<128x128xf32, #tpu.memory_space<hbm>>)
        tpu.yield
      }) : () -> ()
    } else {
    }
    return
  }
}

#map = affine_map<(d0, d1) -> (0)>
module attributes {stable_mosaic.version = 14 : i64} {
  func.func @_deg_body(%arg0: i32, %arg1: i32, %arg2: memref<320000xi32, #tpu.memory_space<hbm>>, %arg3: memref<320000xi32, #tpu.memory_space<hbm>>, %arg4: memref<320000xi32, #tpu.memory_space<hbm>>, %arg5: memref<320000xi32, #tpu.memory_space<hbm>>, %arg6: memref<10240xf32, #tpu.memory_space<hbm>>, %arg7: memref<10240xf32, #tpu.memory_space<hbm>>, %arg8: memref<10240xf32, #tpu.memory_space<hbm>>, %arg9: memref<10240xf32, #tpu.memory_space<hbm>>, %arg10: memref<80xf32, #tpu.memory_space<vmem>>, %arg11: memref<80xi32, #tpu.memory_space<vmem>>, %arg12: memref<80xi32, #tpu.memory_space<vmem>>, %arg13: memref<80xi32, #tpu.memory_space<vmem>>, %arg14: memref<80xi32, #tpu.memory_space<vmem>>, %arg15: memref<80xi32, #tpu.memory_space<vmem>>, %arg16: memref<640xf32, #tpu.memory_space<vmem>>, %arg17: memref<!tpu.dma_semaphore, #tpu.memory_space<semaphore_mem>>, %arg18: memref<!tpu.dma_semaphore, #tpu.memory_space<semaphore_mem>>, %arg19: memref<!tpu.dma_semaphore, #tpu.memory_space<semaphore_mem>>, %arg20: memref<!tpu.dma_semaphore, #tpu.memory_space<semaphore_mem>>, %arg21: memref<!tpu.dma_semaphore, #tpu.memory_space<semaphore_mem>>, %arg22: memref<!tpu.dma_semaphore, #tpu.memory_space<semaphore_mem>>, %arg23: memref<!tpu.dma_semaphore, #tpu.memory_space<semaphore_mem>>, %arg24: memref<!tpu.dma_semaphore, #tpu.memory_space<semaphore_mem>>, %arg25: memref<!tpu.dma_semaphore, #tpu.memory_space<semaphore_mem>>, %arg26: memref<!tpu.dma_semaphore, #tpu.memory_space<semaphore_mem>>, %arg27: memref<10240xf32, #tpu.memory_space<vmem_shared>>, %arg28: memref<10240xf32, #tpu.memory_space<vmem_shared>>) attributes {dimension_semantics = [#tpu.dimension_semantics<core_parallel>, #tpu.dimension_semantics<subcore_parallel>], iteration_bounds = array<i64: 2, 16>, scalar_prefetch = 0 : i64, scratch_operands = 19 : i64, tpu.core_type = #tpu.core_type<sc_vector_subcore>, window_params = [{transform_indices = #map}, {transform_indices = #map}, {transform_indices = #map}, {transform_indices = #map}, {transform_indices = #map}, {transform_indices = #map}, {transform_indices = #map}, {transform_indices = #map}]} {
    %scan3A = arith.constant 0 : i32
    %scan3A_0 = arith.constant 0 : i32
    %scan3A_1 = arith.constant 40 : i32
    %scan3A_2 = arith.addi %scan3A_0, %scan3A_1 : i32
    %scan3A_3 = arith.constant 1 : i32
    scf.for %scan3A_32 = %scan3A_0 to %scan3A_2 step %scan3A_3  : i32 {
      %broadcast_in_dim3A = arith.constant 0.000000e+00 : f32
      %broadcast_in_dim3A_33 = vector.broadcast %broadcast_in_dim3A : f32 to vector<16xf32>
      %mul3A_34 = arith.constant 16 : i32
      %mul3A_35 = arith.muli %scan3A_32, %mul3A_34 : i32
      %swap3A = arith.index_cast %mul3A_35 : i32 to index
      %swap3A_36 = tpu.vector_load %arg16[%swap3A] {strides = array<i32>} : memref<640xf32, #tpu.memory_space<vmem>>, vector<16xf32>,
      %swap3A_37 = vector.shape_cast %swap3A_36 : vector<16xf32> to vector<16xf32>
      %swap3A_38 = vector.shape_cast %broadcast_in_dim3A_33 : vector<16xf32> to vector<16xf32>
      tpu.vector_store %arg16[%swap3A], %swap3A_38 {strides = array<i32>} : memref<640xf32, #tpu.memory_space<vmem>>, vector<16xf32>,
    }
    %scan3A_4 = arith.constant 40 : i32
    %mul3A = arith.constant 640 : i32
    %mul3A_5 = arith.muli %arg1, %mul3A : i32
    "tpu.region"() ({
      %run_scoped3A = tpu.sem_alloc : memref<!tpu.dma_semaphore, #tpu.memory_space<semaphore_mem>>
      %dma_start3A = tpu.memref_slice %arg27[%mul3A_5] : memref<10240xf32, #tpu.memory_space<vmem_shared>> -> memref<640xf32, #tpu.memory_space<vmem_shared>>
      %dma_start3A_32 = tpu.memref_slice %arg27[%mul3A_5] : memref<10240xf32, #tpu.memory_space<vmem_shared>> -> memref<640xf32, #tpu.memory_space<vmem_shared>>
      tpu.enqueue_dma source(%arg16 : memref<640xf32, #tpu.memory_space<vmem>>) target(%dma_start3A_32 : memref<640xf32, #tpu.memory_space<vmem_shared>>) target_semaphore(%run_scoped3A : memref<!tpu.dma_semaphore, #tpu.memory_space<semaphore_mem>>)
      %dma_wait3A = tpu.memref_slice %arg27[%mul3A_5] : memref<10240xf32, #tpu.memory_space<vmem_shared>> -> memref<640xf32, #tpu.memory_space<vmem_shared>>
      %dma_wait3A_33 = tpu.memref_slice %arg27[%mul3A_5] : memref<10240xf32, #tpu.memory_space<vmem_shared>> -> memref<640xf32, #tpu.memory_space<vmem_shared>>
      tpu.wait_dma2 semaphore(%run_scoped3A : memref<!tpu.dma_semaphore, #tpu.memory_space<semaphore_mem>>) src(%arg16 : memref<640xf32, #tpu.memory_space<vmem>>) dst(%dma_wait3A_33 : memref<640xf32, #tpu.memory_space<vmem_shared>>)
      tpu.yield
    }) : () -> ()
    %mul3A_6 = arith.constant 640 : i32
    %mul3A_7 = arith.muli %arg1, %mul3A_6 : i32
    "tpu.region"() ({
      %run_scoped3A = tpu.sem_alloc : memref<!tpu.dma_semaphore, #tpu.memory_space<semaphore_mem>>
      %dma_start3A = tpu.memref_slice %arg28[%mul3A_7] : memref<10240xf32, #tpu.memory_space<vmem_shared>> -> memref<640xf32, #tpu.memory_space<vmem_shared>>
      %dma_start3A_32 = tpu.memref_slice %arg28[%mul3A_7] : memref<10240xf32, #tpu.memory_space<vmem_shared>> -> memref<640xf32, #tpu.memory_space<vmem_shared>>
      tpu.enqueue_dma source(%arg16 : memref<640xf32, #tpu.memory_space<vmem>>) target(%dma_start3A_32 : memref<640xf32, #tpu.memory_space<vmem_shared>>) target_semaphore(%run_scoped3A : memref<!tpu.dma_semaphore, #tpu.memory_space<semaphore_mem>>)
      %dma_wait3A = tpu.memref_slice %arg28[%mul3A_7] : memref<10240xf32, #tpu.memory_space<vmem_shared>> -> memref<640xf32, #tpu.memory_space<vmem_shared>>
      %dma_wait3A_33 = tpu.memref_slice %arg28[%mul3A_7] : memref<10240xf32, #tpu.memory_space<vmem_shared>> -> memref<640xf32, #tpu.memory_space<vmem_shared>>
      tpu.wait_dma2 semaphore(%run_scoped3A : memref<!tpu.dma_semaphore, #tpu.memory_space<semaphore_mem>>) src(%arg16 : memref<640xf32, #tpu.memory_space<vmem>>) dst(%dma_wait3A_33 : memref<640xf32, #tpu.memory_space<vmem_shared>>)
      tpu.yield
    }) : () -> ()
    %scan3A_8 = arith.constant 0 : i32
    %scan3A_9 = arith.constant 0 : i32
    %scan3A_10 = arith.constant 5 : i32
    %scan3A_11 = arith.addi %scan3A_9, %scan3A_10 : i32
    %scan3A_12 = arith.constant 1 : i32
    scf.for %scan3A_32 = %scan3A_9 to %scan3A_11 step %scan3A_12  : i32 {
      %broadcast_in_dim3A = arith.constant 1.000000e+00 : f32
      %broadcast_in_dim3A_33 = vector.broadcast %broadcast_in_dim3A : f32 to vector<16xf32>
      %mul3A_34 = arith.constant 16 : i32
      %mul3A_35 = arith.muli %scan3A_32, %mul3A_34 : i32
      %swap3A = arith.index_cast %mul3A_35 : i32 to index
      %swap3A_36 = tpu.vector_load %arg10[%swap3A] {strides = array<i32>} : memref<80xf32, #tpu.memory_space<vmem>>, vector<16xf32>,
      %swap3A_37 = vector.shape_cast %swap3A_36 : vector<16xf32> to vector<16xf32>
      %swap3A_38 = vector.shape_cast %broadcast_in_dim3A_33 : vector<16xf32> to vector<16xf32>
      tpu.vector_store %arg10[%swap3A], %swap3A_38 {strides = array<i32>} : memref<80xf32, #tpu.memory_space<vmem>>, vector<16xf32>,
    }
    %scan3A_13 = arith.constant 5 : i32
    %barrier3A = arith.constant 0 : index
    tpu.barrier barrier_id(%barrier3A)
    %eq3A = arith.constant 0 : i32
    %eq3A_14 = arith.cmpi eq, %arg0, %eq3A : i32
    %convert_element_type3A = arith.extui %eq3A_14 : i1 to i32
    %cond3A = arith.constant 0 : i32
    %cond3A_15 = arith.cmpi ne, %convert_element_type3A, %cond3A : i32
    scf.if %cond3A_15 {
      %mul3A_32 = arith.constant 20000 : i32
      %mul3A_33 = arith.muli %arg1, %mul3A_32 : i32
      %add3A = arith.constant 0 : i32
      %add3A_34 = arith.addi %mul3A_33, %add3A : i32
      %dma_start3A = tpu.memref_slice %arg2[%add3A_34] : memref<320000xi32, #tpu.memory_space<hbm>> -> memref<80xi32, #tpu.memory_space<hbm>>
      %dma_start3A_35 = tpu.memref_slice %arg2[%add3A_34] : memref<320000xi32, #tpu.memory_space<hbm>> -> memref<80xi32, #tpu.memory_space<hbm>>
      tpu.enqueue_dma source(%dma_start3A_35 : memref<80xi32, #tpu.memory_space<hbm>>) target(%arg11 : memref<80xi32, #tpu.memory_space<vmem>>) target_semaphore(%arg17 : memref<!tpu.dma_semaphore, #tpu.memory_space<semaphore_mem>>)
      %add3A_36 = arith.constant 80 : i32
      %add3A_37 = arith.addi %mul3A_33, %add3A_36 : i32
      %dma_start3A_38 = tpu.memref_slice %arg2[%add3A_37] : memref<320000xi32, #tpu.memory_space<hbm>> -> memref<80xi32, #tpu.memory_space<hbm>>
      %dma_start3A_39 = tpu.memref_slice %arg2[%add3A_37] : memref<320000xi32, #tpu.memory_space<hbm>> -> memref<80xi32, #tpu.memory_space<hbm>>
      tpu.enqueue_dma source(%dma_start3A_39 : memref<80xi32, #tpu.memory_space<hbm>>) target(%arg12 : memref<80xi32, #tpu.memory_space<vmem>>) target_semaphore(%arg18 : memref<!tpu.dma_semaphore, #tpu.memory_space<semaphore_mem>>)
      %add3A_40 = arith.constant 160 : i32
      %add3A_41 = arith.addi %mul3A_33, %add3A_40 : i32
      %dma_start3A_42 = tpu.memref_slice %arg2[%add3A_41] : memref<320000xi32, #tpu.memory_space<hbm>> -> memref<80xi32, #tpu.memory_space<hbm>>
      %dma_start3A_43 = tpu.memref_slice %arg2[%add3A_41] : memref<320000xi32, #tpu.memory_space<hbm>> -> memref<80xi32, #tpu.memory_space<hbm>>
      tpu.enqueue_dma source(%dma_start3A_43 : memref<80xi32, #tpu.memory_space<hbm>>) target(%arg13 : memref<80xi32, #tpu.memory_space<vmem>>) target_semaphore(%arg19 : memref<!tpu.dma_semaphore, #tpu.memory_space<semaphore_mem>>)
      %add3A_44 = arith.constant 240 : i32
      %add3A_45 = arith.addi %mul3A_33, %add3A_44 : i32
      %dma_start3A_46 = tpu.memref_slice %arg2[%add3A_45] : memref<320000xi32, #tpu.memory_space<hbm>> -> memref<80xi32, #tpu.memory_space<hbm>>
      %dma_start3A_47 = tpu.memref_slice %arg2[%add3A_45] : memref<320000xi32, #tpu.memory_space<hbm>> -> memref<80xi32, #tpu.memory_space<hbm>>
      tpu.enqueue_dma source(%dma_start3A_47 : memref<80xi32, #tpu.memory_space<hbm>>) target(%arg14 : memref<80xi32, #tpu.memory_space<vmem>>) target_semaphore(%arg20 : memref<!tpu.dma_semaphore, #tpu.memory_space<semaphore_mem>>)
      %scan3A_48 = arith.constant 0 : i32
      %scan3A_49 = arith.constant 0 : i32
      %scan3A_50 = arith.constant 50 : i32
      %scan3A_51 = arith.addi %scan3A_49, %scan3A_50 : i32
      %scan3A_52 = arith.constant 1 : i32
      scf.for %scan3A_81 = %scan3A_49 to %scan3A_51 step %scan3A_52  : i32 {
        %mul3A_82 = arith.constant 5 : i32
        %mul3A_83 = arith.muli %mul3A_82, %scan3A_81 : i32
        %add3A_84 = arith.constant 0 : i32
        %add3A_85 = arith.addi %mul3A_83, %add3A_84 : i32
        %dma_wait3A_86 = tpu.memref_slice %arg2[%mul3A_33] : memref<320000xi32, #tpu.memory_space<hbm>> -> memref<80xi32, #tpu.memory_space<hbm>>
        %dma_wait3A_87 = tpu.memref_slice %arg2[%mul3A_33] : memref<320000xi32, #tpu.memory_space<hbm>> -> memref<80xi32, #tpu.memory_space<hbm>>
        tpu.wait_dma2 semaphore(%arg17 : memref<!tpu.dma_semaphore, #tpu.memory_space<semaphore_mem>>) src(%dma_wait3A_87 : memref<80xi32, #tpu.memory_space<hbm>>) dst(%arg11 : memref<80xi32, #tpu.memory_space<vmem>>)
        %ge3A = arith.constant 1 : i32
        %ge3A_88 = arith.cmpi sge, %add3A_85, %ge3A : i32
        %convert_element_type3A_89 = arith.extui %ge3A_88 : i1 to i32
        %cond3A_90 = arith.constant 0 : i32
        %cond3A_91 = arith.cmpi ne, %convert_element_type3A_89, %cond3A_90 : i32
        scf.if %cond3A_91 {
          %dma_wait3A_180 = arith.constant 0 : i32
          %dma_wait3A_181 = tpu.memref_slice %arg27[%dma_wait3A_180] : memref<10240xf32, #tpu.memory_space<vmem_shared>> -> memref<10240xf32, #tpu.memory_space<vmem_shared>>
          tpu.wait_indirect_dma semaphore(%arg26 : memref<!tpu.dma_semaphore, #tpu.memory_space<semaphore_mem>>) src(%arg10 : memref<80xf32, #tpu.memory_space<vmem>>) dst(%dma_wait3A_181 : memref<10240xf32, #tpu.memory_space<vmem_shared>>)
        } else {
        }
        %dma_start3A_92 = arith.constant 0 : i32
        %dma_start3A_93 = tpu.memref_slice %arg27[%dma_start3A_92] : memref<10240xf32, #tpu.memory_space<vmem_shared>> -> memref<10240xf32, #tpu.memory_space<vmem_shared>>
        tpu.enqueue_indirect_dma source(%arg10 : memref<80xf32, #tpu.memory_space<vmem>>) target(%dma_start3A_93 : memref<10240xf32, #tpu.memory_space<vmem_shared>>) offsets(%arg11 : memref<80xi32, #tpu.memory_space<vmem>>) semaphore(%arg22 : memref<!tpu.dma_semaphore, #tpu.memory_space<semaphore_mem>>) {add = true}
        %add3A_94 = arith.constant 4 : i32
        %add3A_95 = arith.addi %add3A_85, %add3A_94 : i32
        %lt3A = arith.constant 250 : i32
        %lt3A_96 = arith.cmpi slt, %add3A_95, %lt3A : i32
        %convert_element_type3A_97 = arith.extui %lt3A_96 : i1 to i32
        %cond3A_98 = arith.constant 0 : i32
        %cond3A_99 = arith.cmpi ne, %convert_element_type3A_97, %cond3A_98 : i32
        scf.if %cond3A_99 {
          %add3A_180 = arith.constant 4 : i32
          %add3A_181 = arith.addi %add3A_85, %add3A_180 : i32
          %mul3A_182 = arith.constant 80 : i32
          %mul3A_183 = arith.muli %add3A_181, %mul3A_182 : i32
          %add3A_184 = arith.addi %mul3A_33, %mul3A_183 : i32
          %dma_start3A_185 = tpu.memref_slice %arg2[%add3A_184] : memref<320000xi32, #tpu.memory_space<hbm>> -> memref<80xi32, #tpu.memory_space<hbm>>
          %dma_start3A_186 = tpu.memref_slice %arg2[%add3A_184] : memref<320000xi32, #tpu.memory_space<hbm>> -> memref<80xi32, #tpu.memory_space<hbm>>
          tpu.enqueue_dma source(%dma_start3A_186 : memref<80xi32, #tpu.memory_space<hbm>>) target(%arg15 : memref<80xi32, #tpu.memory_space<vmem>>) target_semaphore(%arg21 : memref<!tpu.dma_semaphore, #tpu.memory_space<semaphore_mem>>)
        } else {
        }
        %mul3A_100 = arith.constant 5 : i32
        %mul3A_101 = arith.muli %mul3A_100, %scan3A_81 : i32
        %add3A_102 = arith.constant 1 : i32
        %add3A_103 = arith.addi %mul3A_101, %add3A_102 : i32
        %dma_wait3A_104 = tpu.memref_slice %arg2[%mul3A_33] : memref<320000xi32, #tpu.memory_space<hbm>> -> memref<80xi32, #tpu.memory_space<hbm>>
        %dma_wait3A_105 = tpu.memref_slice %arg2[%mul3A_33] : memref<320000xi32, #tpu.memory_space<hbm>> -> memref<80xi32, #tpu.memory_space<hbm>>
        tpu.wait_dma2 semaphore(%arg18 : memref<!tpu.dma_semaphore, #tpu.memory_space<semaphore_mem>>) src(%dma_wait3A_105 : memref<80xi32, #tpu.memory_space<hbm>>) dst(%arg12 : memref<80xi32, #tpu.memory_space<vmem>>)
        %ge3A_106 = arith.constant 1 : i32
        %ge3A_107 = arith.cmpi sge, %add3A_103, %ge3A_106 : i32
        %convert_element_type3A_108 = arith.extui %ge3A_107 : i1 to i32
        %cond3A_109 = arith.constant 0 : i32
        %cond3A_110 = arith.cmpi ne, %convert_element_type3A_108, %cond3A_109 : i32
        scf.if %cond3A_110 {
          %dma_wait3A_180 = arith.constant 0 : i32
          %dma_wait3A_181 = tpu.memref_slice %arg27[%dma_wait3A_180] : memref<10240xf32, #tpu.memory_space<vmem_shared>> -> memref<10240xf32, #tpu.memory_space<vmem_shared>>
          tpu.wait_indirect_dma semaphore(%arg22 : memref<!tpu.dma_semaphore, #tpu.memory_space<semaphore_mem>>) src(%arg10 : memref<80xf32, #tpu.memory_space<vmem>>) dst(%dma_wait3A_181 : memref<10240xf32, #tpu.memory_space<vmem_shared>>)
        } else {
        }
        %dma_start3A_111 = arith.constant 0 : i32
        %dma_start3A_112 = tpu.memref_slice %arg27[%dma_start3A_111] : memref<10240xf32, #tpu.memory_space<vmem_shared>> -> memref<10240xf32, #tpu.memory_space<vmem_shared>>
        tpu.enqueue_indirect_dma source(%arg10 : memref<80xf32, #tpu.memory_space<vmem>>) target(%dma_start3A_112 : memref<10240xf32, #tpu.memory_space<vmem_shared>>) offsets(%arg12 : memref<80xi32, #tpu.memory_space<vmem>>) semaphore(%arg23 : memref<!tpu.dma_semaphore, #tpu.memory_space<semaphore_mem>>) {add = true}
        %add3A_113 = arith.constant 4 : i32
        %add3A_114 = arith.addi %add3A_103, %add3A_113 : i32
        %lt3A_115 = arith.constant 250 : i32
        %lt3A_116 = arith.cmpi slt, %add3A_114, %lt3A_115 : i32
        %convert_element_type3A_117 = arith.extui %lt3A_116 : i1 to i32
        %cond3A_118 = arith.constant 0 : i32
        %cond3A_119 = arith.cmpi ne, %convert_element_type3A_117, %cond3A_118 : i32
        scf.if %cond3A_119 {
          %add3A_180 = arith.constant 4 : i32
          %add3A_181 = arith.addi %add3A_103, %add3A_180 : i32
          %mul3A_182 = arith.constant 80 : i32
          %mul3A_183 = arith.muli %add3A_181, %mul3A_182 : i32
          %add3A_184 = arith.addi %mul3A_33, %mul3A_183 : i32
          %dma_start3A_185 = tpu.memref_slice %arg2[%add3A_184] : memref<320000xi32, #tpu.memory_space<hbm>> -> memref<80xi32, #tpu.memory_space<hbm>>
          %dma_start3A_186 = tpu.memref_slice %arg2[%add3A_184] : memref<320000xi32, #tpu.memory_space<hbm>> -> memref<80xi32, #tpu.memory_space<hbm>>
          tpu.enqueue_dma source(%dma_start3A_186 : memref<80xi32, #tpu.memory_space<hbm>>) target(%arg11 : memref<80xi32, #tpu.memory_space<vmem>>) target_semaphore(%arg17 : memref<!tpu.dma_semaphore, #tpu.memory_space<semaphore_mem>>)
        } else {
        }
        %mul3A_120 = arith.constant 5 : i32
        %mul3A_121 = arith.muli %mul3A_120, %scan3A_81 : i32
        %add3A_122 = arith.constant 2 : i32
        %add3A_123 = arith.addi %mul3A_121, %add3A_122 : i32
        %dma_wait3A_124 = tpu.memref_slice %arg2[%mul3A_33] : memref<320000xi32, #tpu.memory_space<hbm>> -> memref<80xi32, #tpu.memory_space<hbm>>
        %dma_wait3A_125 = tpu.memref_slice %arg2[%mul3A_33] : memref<320000xi32, #tpu.memory_space<hbm>> -> memref<80xi32, #tpu.memory_space<hbm>>
        tpu.wait_dma2 semaphore(%arg19 : memref<!tpu.dma_semaphore, #tpu.memory_space<semaphore_mem>>) src(%dma_wait3A_125 : memref<80xi32, #tpu.memory_space<hbm>>) dst(%arg13 : memref<80xi32, #tpu.memory_space<vmem>>)
        %ge3A_126 = arith.constant 1 : i32
        %ge3A_127 = arith.cmpi sge, %add3A_123, %ge3A_126 : i32
        %convert_element_type3A_128 = arith.extui %ge3A_127 : i1 to i32
        %cond3A_129 = arith.constant 0 : i32
        %cond3A_130 = arith.cmpi ne, %convert_element_type3A_128, %cond3A_129 : i32
        scf.if %cond3A_130 {
          %dma_wait3A_180 = arith.constant 0 : i32
          %dma_wait3A_181 = tpu.memref_slice %arg27[%dma_wait3A_180] : memref<10240xf32, #tpu.memory_space<vmem_shared>> -> memref<10240xf32, #tpu.memory_space<vmem_shared>>
          tpu.wait_indirect_dma semaphore(%arg23 : memref<!tpu.dma_semaphore, #tpu.memory_space<semaphore_mem>>) src(%arg10 : memref<80xf32, #tpu.memory_space<vmem>>) dst(%dma_wait3A_181 : memref<10240xf32, #tpu.memory_space<vmem_shared>>)
        } else {
        }
        %dma_start3A_131 = arith.constant 0 : i32
        %dma_start3A_132 = tpu.memref_slice %arg27[%dma_start3A_131] : memref<10240xf32, #tpu.memory_space<vmem_shared>> -> memref<10240xf32, #tpu.memory_space<vmem_shared>>
        tpu.enqueue_indirect_dma source(%arg10 : memref<80xf32, #tpu.memory_space<vmem>>) target(%dma_start3A_132 : memref<10240xf32, #tpu.memory_space<vmem_shared>>) offsets(%arg13 : memref<80xi32, #tpu.memory_space<vmem>>) semaphore(%arg24 : memref<!tpu.dma_semaphore, #tpu.memory_space<semaphore_mem>>) {add = true}
        %add3A_133 = arith.constant 4 : i32
        %add3A_134 = arith.addi %add3A_123, %add3A_133 : i32
        %lt3A_135 = arith.constant 250 : i32
        %lt3A_136 = arith.cmpi slt, %add3A_134, %lt3A_135 : i32
        %convert_element_type3A_137 = arith.extui %lt3A_136 : i1 to i32
        %cond3A_138 = arith.constant 0 : i32
        %cond3A_139 = arith.cmpi ne, %convert_element_type3A_137, %cond3A_138 : i32
        scf.if %cond3A_139 {
          %add3A_180 = arith.constant 4 : i32
          %add3A_181 = arith.addi %add3A_123, %add3A_180 : i32
          %mul3A_182 = arith.constant 80 : i32
          %mul3A_183 = arith.muli %add3A_181, %mul3A_182 : i32
          %add3A_184 = arith.addi %mul3A_33, %mul3A_183 : i32
          %dma_start3A_185 = tpu.memref_slice %arg2[%add3A_184] : memref<320000xi32, #tpu.memory_space<hbm>> -> memref<80xi32, #tpu.memory_space<hbm>>
          %dma_start3A_186 = tpu.memref_slice %arg2[%add3A_184] : memref<320000xi32, #tpu.memory_space<hbm>> -> memref<80xi32, #tpu.memory_space<hbm>>
          tpu.enqueue_dma source(%dma_start3A_186 : memref<80xi32, #tpu.memory_space<hbm>>) target(%arg12 : memref<80xi32, #tpu.memory_space<vmem>>) target_semaphore(%arg18 : memref<!tpu.dma_semaphore, #tpu.memory_space<semaphore_mem>>)
        } else {
        }
        %mul3A_140 = arith.constant 5 : i32
        %mul3A_141 = arith.muli %mul3A_140, %scan3A_81 : i32
        %add3A_142 = arith.constant 3 : i32
        %add3A_143 = arith.addi %mul3A_141, %add3A_142 : i32
        %dma_wait3A_144 = tpu.memref_slice %arg2[%mul3A_33] : memref<320000xi32, #tpu.memory_space<hbm>> -> memref<80xi32, #tpu.memory_space<hbm>>
        %dma_wait3A_145 = tpu.memref_slice %arg2[%mul3A_33] : memref<320000xi32, #tpu.memory_space<hbm>> -> memref<80xi32, #tpu.memory_space<hbm>>
        tpu.wait_dma2 semaphore(%arg20 : memref<!tpu.dma_semaphore, #tpu.memory_space<semaphore_mem>>) src(%dma_wait3A_145 : memref<80xi32, #tpu.memory_space<hbm>>) dst(%arg14 : memref<80xi32, #tpu.memory_space<vmem>>)
        %ge3A_146 = arith.constant 1 : i32
        %ge3A_147 = arith.cmpi sge, %add3A_143, %ge3A_146 : i32
        %convert_element_type3A_148 = arith.extui %ge3A_147 : i1 to i32
        %cond3A_149 = arith.constant 0 : i32
        %cond3A_150 = arith.cmpi ne, %convert_element_type3A_148, %cond3A_149 : i32
        scf.if %cond3A_150 {
          %dma_wait3A_180 = arith.constant 0 : i32
          %dma_wait3A_181 = tpu.memref_slice %arg27[%dma_wait3A_180] : memref<10240xf32, #tpu.memory_space<vmem_shared>> -> memref<10240xf32, #tpu.memory_space<vmem_shared>>
          tpu.wait_indirect_dma semaphore(%arg24 : memref<!tpu.dma_semaphore, #tpu.memory_space<semaphore_mem>>) src(%arg10 : memref<80xf32, #tpu.memory_space<vmem>>) dst(%dma_wait3A_181 : memref<10240xf32, #tpu.memory_space<vmem_shared>>)
        } else {
        }
        %dma_start3A_151 = arith.constant 0 : i32
        %dma_start3A_152 = tpu.memref_slice %arg27[%dma_start3A_151] : memref<10240xf32, #tpu.memory_space<vmem_shared>> -> memref<10240xf32, #tpu.memory_space<vmem_shared>>
        tpu.enqueue_indirect_dma source(%arg10 : memref<80xf32, #tpu.memory_space<vmem>>) target(%dma_start3A_152 : memref<10240xf32, #tpu.memory_space<vmem_shared>>) offsets(%arg14 : memref<80xi32, #tpu.memory_space<vmem>>) semaphore(%arg25 : memref<!tpu.dma_semaphore, #tpu.memory_space<semaphore_mem>>) {add = true}
        %add3A_153 = arith.constant 4 : i32
        %add3A_154 = arith.addi %add3A_143, %add3A_153 : i32
        %lt3A_155 = arith.constant 250 : i32
        %lt3A_156 = arith.cmpi slt, %add3A_154, %lt3A_155 : i32
        %convert_element_type3A_157 = arith.extui %lt3A_156 : i1 to i32
        %cond3A_158 = arith.constant 0 : i32
        %cond3A_159 = arith.cmpi ne, %convert_element_type3A_157, %cond3A_158 : i32
        scf.if %cond3A_159 {
          %add3A_180 = arith.constant 4 : i32
          %add3A_181 = arith.addi %add3A_143, %add3A_180 : i32
          %mul3A_182 = arith.constant 80 : i32
          %mul3A_183 = arith.muli %add3A_181, %mul3A_182 : i32
          %add3A_184 = arith.addi %mul3A_33, %mul3A_183 : i32
          %dma_start3A_185 = tpu.memref_slice %arg2[%add3A_184] : memref<320000xi32, #tpu.memory_space<hbm>> -> memref<80xi32, #tpu.memory_space<hbm>>
          %dma_start3A_186 = tpu.memref_slice %arg2[%add3A_184] : memref<320000xi32, #tpu.memory_space<hbm>> -> memref<80xi32, #tpu.memory_space<hbm>>
          tpu.enqueue_dma source(%dma_start3A_186 : memref<80xi32, #tpu.memory_space<hbm>>) target(%arg13 : memref<80xi32, #tpu.memory_space<vmem>>) target_semaphore(%arg19 : memref<!tpu.dma_semaphore, #tpu.memory_space<semaphore_mem>>)
        } else {
        }
        %mul3A_160 = arith.constant 5 : i32
        %mul3A_161 = arith.muli %mul3A_160, %scan3A_81 : i32
        %add3A_162 = arith.constant 4 : i32
        %add3A_163 = arith.addi %mul3A_161, %add3A_162 : i32
        %dma_wait3A_164 = tpu.memref_slice %arg2[%mul3A_33] : memref<320000xi32, #tpu.memory_space<hbm>> -> memref<80xi32, #tpu.memory_space<hbm>>
        %dma_wait3A_165 = tpu.memref_slice %arg2[%mul3A_33] : memref<320000xi32, #tpu.memory_space<hbm>> -> memref<80xi32, #tpu.memory_space<hbm>>
        tpu.wait_dma2 semaphore(%arg21 : memref<!tpu.dma_semaphore, #tpu.memory_space<semaphore_mem>>) src(%dma_wait3A_165 : memref<80xi32, #tpu.memory_space<hbm>>) dst(%arg15 : memref<80xi32, #tpu.memory_space<vmem>>)
        %ge3A_166 = arith.constant 1 : i32
        %ge3A_167 = arith.cmpi sge, %add3A_163, %ge3A_166 : i32
        %convert_element_type3A_168 = arith.extui %ge3A_167 : i1 to i32
        %cond3A_169 = arith.constant 0 : i32
        %cond3A_170 = arith.cmpi ne, %convert_element_type3A_168, %cond3A_169 : i32
        scf.if %cond3A_170 {
          %dma_wait3A_180 = arith.constant 0 : i32
          %dma_wait3A_181 = tpu.memref_slice %arg27[%dma_wait3A_180] : memref<10240xf32, #tpu.memory_space<vmem_shared>> -> memref<10240xf32, #tpu.memory_space<vmem_shared>>
          tpu.wait_indirect_dma semaphore(%arg25 : memref<!tpu.dma_semaphore, #tpu.memory_space<semaphore_mem>>) src(%arg10 : memref<80xf32, #tpu.memory_space<vmem>>) dst(%dma_wait3A_181 : memref<10240xf32, #tpu.memory_space<vmem_shared>>)
        } else {
        }
        %dma_start3A_171 = arith.constant 0 : i32
        %dma_start3A_172 = tpu.memref_slice %arg27[%dma_start3A_171] : memref<10240xf32, #tpu.memory_space<vmem_shared>> -> memref<10240xf32, #tpu.memory_space<vmem_shared>>
        tpu.enqueue_indirect_dma source(%arg10 : memref<80xf32, #tpu.memory_space<vmem>>) target(%dma_start3A_172 : memref<10240xf32, #tpu.memory_space<vmem_shared>>) offsets(%arg15 : memref<80xi32, #tpu.memory_space<vmem>>) semaphore(%arg26 : memref<!tpu.dma_semaphore, #tpu.memory_space<semaphore_mem>>) {add = true}
        %add3A_173 = arith.constant 4 : i32
        %add3A_174 = arith.addi %add3A_163, %add3A_173 : i32
        %lt3A_175 = arith.constant 250 : i32
        %lt3A_176 = arith.cmpi slt, %add3A_174, %lt3A_175 : i32
        %convert_element_type3A_177 = arith.extui %lt3A_176 : i1 to i32
        %cond3A_178 = arith.constant 0 : i32
        %cond3A_179 = arith.cmpi ne, %convert_element_type3A_177, %cond3A_178 : i32
        scf.if %cond3A_179 {
          %add3A_180 = arith.constant 4 : i32
          %add3A_181 = arith.addi %add3A_163, %add3A_180 : i32
          %mul3A_182 = arith.constant 80 : i32
          %mul3A_183 = arith.muli %add3A_181, %mul3A_182 : i32
          %add3A_184 = arith.addi %mul3A_33, %mul3A_183 : i32
          %dma_start3A_185 = tpu.memref_slice %arg2[%add3A_184] : memref<320000xi32, #tpu.memory_space<hbm>> -> memref<80xi32, #tpu.memory_space<hbm>>
          %dma_start3A_186 = tpu.memref_slice %arg2[%add3A_184] : memref<320000xi32, #tpu.memory_space<hbm>> -> memref<80xi32, #tpu.memory_space<hbm>>
          tpu.enqueue_dma source(%dma_start3A_186 : memref<80xi32, #tpu.memory_space<hbm>>) target(%arg14 : memref<80xi32, #tpu.memory_space<vmem>>) target_semaphore(%arg20 : memref<!tpu.dma_semaphore, #tpu.memory_space<semaphore_mem>>)
        } else {
        }
      }
      %scan3A_53 = arith.constant 50 : i32
      %dma_wait3A = arith.constant 0 : i32
      %dma_wait3A_54 = tpu.memref_slice %arg27[%dma_wait3A] : memref<10240xf32, #tpu.memory_space<vmem_shared>> -> memref<10240xf32, #tpu.memory_space<vmem_shared>>
      tpu.wait_indirect_dma semaphore(%arg26 : memref<!tpu.dma_semaphore, #tpu.memory_space<semaphore_mem>>) src(%arg10 : memref<80xf32, #tpu.memory_space<vmem>>) dst(%dma_wait3A_54 : memref<10240xf32, #tpu.memory_space<vmem_shared>>)
      %mul3A_55 = arith.constant 20000 : i32
      %mul3A_56 = arith.muli %arg1, %mul3A_55 : i32
      %add3A_57 = arith.constant 0 : i32
      %add3A_58 = arith.addi %mul3A_56, %add3A_57 : i32
      %dma_start3A_59 = tpu.memref_slice %arg3[%add3A_58] : memref<320000xi32, #tpu.memory_space<hbm>> -> memref<80xi32, #tpu.memory_space<hbm>>
      %dma_start3A_60 = tpu.memref_slice %arg3[%add3A_58] : memref<320000xi32, #tpu.memory_space<hbm>> -> memref<80xi32, #tpu.memory_space<hbm>>
      tpu.enqueue_dma source(%dma_start3A_60 : memref<80xi32, #tpu.memory_space<hbm>>) target(%arg11 : memref<80xi32, #tpu.memory_space<vmem>>) target_semaphore(%arg17 : memref<!tpu.dma_semaphore, #tpu.memory_space<semaphore_mem>>)
      %add3A_61 = arith.constant 80 : i32
      %add3A_62 = arith.addi %mul3A_56, %add3A_61 : i32
      %dma_start3A_63 = tpu.memref_slice %arg3[%add3A_62] : memref<320000xi32, #tpu.memory_space<hbm>> -> memref<80xi32, #tpu.memory_space<hbm>>
      %dma_start3A_64 = tpu.memref_slice %arg3[%add3A_62] : memref<320000xi32, #tpu.memory_space<hbm>> -> memref<80xi32, #tpu.memory_space<hbm>>
      tpu.enqueue_dma source(%dma_start3A_64 : memref<80xi32, #tpu.memory_space<hbm>>) target(%arg12 : memref<80xi32, #tpu.memory_space<vmem>>) target_semaphore(%arg18 : memref<!tpu.dma_semaphore, #tpu.memory_space<semaphore_mem>>)
      %add3A_65 = arith.constant 160 : i32
      %add3A_66 = arith.addi %mul3A_56, %add3A_65 : i32
      %dma_start3A_67 = tpu.memref_slice %arg3[%add3A_66] : memref<320000xi32, #tpu.memory_space<hbm>> -> memref<80xi32, #tpu.memory_space<hbm>>
      %dma_start3A_68 = tpu.memref_slice %arg3[%add3A_66] : memref<320000xi32, #tpu.memory_space<hbm>> -> memref<80xi32, #tpu.memory_space<hbm>>
      tpu.enqueue_dma source(%dma_start3A_68 : memref<80xi32, #tpu.memory_space<hbm>>) target(%arg13 : memref<80xi32, #tpu.memory_space<vmem>>) target_semaphore(%arg19 : memref<!tpu.dma_semaphore, #tpu.memory_space<semaphore_mem>>)
      %add3A_69 = arith.constant 240 : i32
      %add3A_70 = arith.addi %mul3A_56, %add3A_69 : i32
      %dma_start3A_71 = tpu.memref_slice %arg3[%add3A_70] : memref<320000xi32, #tpu.memory_space<hbm>> -> memref<80xi32, #tpu.memory_space<hbm>>
      %dma_start3A_72 = tpu.memref_slice %arg3[%add3A_70] : memref<320000xi32, #tpu.memory_space<hbm>> -> memref<80xi32, #tpu.memory_space<hbm>>
      tpu.enqueue_dma source(%dma_start3A_72 : memref<80xi32, #tpu.memory_space<hbm>>) target(%arg14 : memref<80xi32, #tpu.memory_space<vmem>>) target_semaphore(%arg20 : memref<!tpu.dma_semaphore, #tpu.memory_space<semaphore_mem>>)
      %scan3A_73 = arith.constant 0 : i32
      %scan3A_74 = arith.constant 0 : i32
      %scan3A_75 = arith.constant 50 : i32
      %scan3A_76 = arith.addi %scan3A_74, %scan3A_75 : i32
      %scan3A_77 = arith.constant 1 : i32
      scf.for %scan3A_81 = %scan3A_74 to %scan3A_76 step %scan3A_77  : i32 {
        %mul3A_82 = arith.constant 5 : i32
        %mul3A_83 = arith.muli %mul3A_82, %scan3A_81 : i32
        %add3A_84 = arith.constant 0 : i32
        %add3A_85 = arith.addi %mul3A_83, %add3A_84 : i32
        %dma_wait3A_86 = tpu.memref_slice %arg3[%mul3A_56] : memref<320000xi32, #tpu.memory_space<hbm>> -> memref<80xi32, #tpu.memory_space<hbm>>
        %dma_wait3A_87 = tpu.memref_slice %arg3[%mul3A_56] : memref<320000xi32, #tpu.memory_space<hbm>> -> memref<80xi32, #tpu.memory_space<hbm>>
        tpu.wait_dma2 semaphore(%arg17 : memref<!tpu.dma_semaphore, #tpu.memory_space<semaphore_mem>>) src(%dma_wait3A_87 : memref<80xi32, #tpu.memory_space<hbm>>) dst(%arg11 : memref<80xi32, #tpu.memory_space<vmem>>)
        %ge3A = arith.constant 1 : i32
        %ge3A_88 = arith.cmpi sge, %add3A_85, %ge3A : i32
        %convert_element_type3A_89 = arith.extui %ge3A_88 : i1 to i32
        %cond3A_90 = arith.constant 0 : i32
        %cond3A_91 = arith.cmpi ne, %convert_element_type3A_89, %cond3A_90 : i32
        scf.if %cond3A_91 {
          %dma_wait3A_180 = arith.constant 0 : i32
          %dma_wait3A_181 = tpu.memref_slice %arg28[%dma_wait3A_180] : memref<10240xf32, #tpu.memory_space<vmem_shared>> -> memref<10240xf32, #tpu.memory_space<vmem_shared>>
          tpu.wait_indirect_dma semaphore(%arg26 : memref<!tpu.dma_semaphore, #tpu.memory_space<semaphore_mem>>) src(%arg10 : memref<80xf32, #tpu.memory_space<vmem>>) dst(%dma_wait3A_181 : memref<10240xf32, #tpu.memory_space<vmem_shared>>)
        } else {
        }
        %dma_start3A_92 = arith.constant 0 : i32
        %dma_start3A_93 = tpu.memref_slice %arg28[%dma_start3A_92] : memref<10240xf32, #tpu.memory_space<vmem_shared>> -> memref<10240xf32, #tpu.memory_space<vmem_shared>>
        tpu.enqueue_indirect_dma source(%arg10 : memref<80xf32, #tpu.memory_space<vmem>>) target(%dma_start3A_93 : memref<10240xf32, #tpu.memory_space<vmem_shared>>) offsets(%arg11 : memref<80xi32, #tpu.memory_space<vmem>>) semaphore(%arg22 : memref<!tpu.dma_semaphore, #tpu.memory_space<semaphore_mem>>) {add = true}
        %add3A_94 = arith.constant 4 : i32
        %add3A_95 = arith.addi %add3A_85, %add3A_94 : i32
        %lt3A = arith.constant 250 : i32
        %lt3A_96 = arith.cmpi slt, %add3A_95, %lt3A : i32
        %convert_element_type3A_97 = arith.extui %lt3A_96 : i1 to i32
        %cond3A_98 = arith.constant 0 : i32
        %cond3A_99 = arith.cmpi ne, %convert_element_type3A_97, %cond3A_98 : i32
        scf.if %cond3A_99 {
          %add3A_180 = arith.constant 4 : i32
          %add3A_181 = arith.addi %add3A_85, %add3A_180 : i32
          %mul3A_182 = arith.constant 80 : i32
          %mul3A_183 = arith.muli %add3A_181, %mul3A_182 : i32
          %add3A_184 = arith.addi %mul3A_56, %mul3A_183 : i32
          %dma_start3A_185 = tpu.memref_slice %arg3[%add3A_184] : memref<320000xi32, #tpu.memory_space<hbm>> -> memref<80xi32, #tpu.memory_space<hbm>>
          %dma_start3A_186 = tpu.memref_slice %arg3[%add3A_184] : memref<320000xi32, #tpu.memory_space<hbm>> -> memref<80xi32, #tpu.memory_space<hbm>>
          tpu.enqueue_dma source(%dma_start3A_186 : memref<80xi32, #tpu.memory_space<hbm>>) target(%arg15 : memref<80xi32, #tpu.memory_space<vmem>>) target_semaphore(%arg21 : memref<!tpu.dma_semaphore, #tpu.memory_space<semaphore_mem>>)
        } else {
        }
        %mul3A_100 = arith.constant 5 : i32
        %mul3A_101 = arith.muli %mul3A_100, %scan3A_81 : i32
        %add3A_102 = arith.constant 1 : i32
        %add3A_103 = arith.addi %mul3A_101, %add3A_102 : i32
        %dma_wait3A_104 = tpu.memref_slice %arg3[%mul3A_56] : memref<320000xi32, #tpu.memory_space<hbm>> -> memref<80xi32, #tpu.memory_space<hbm>>
        %dma_wait3A_105 = tpu.memref_slice %arg3[%mul3A_56] : memref<320000xi32, #tpu.memory_space<hbm>> -> memref<80xi32, #tpu.memory_space<hbm>>
        tpu.wait_dma2 semaphore(%arg18 : memref<!tpu.dma_semaphore, #tpu.memory_space<semaphore_mem>>) src(%dma_wait3A_105 : memref<80xi32, #tpu.memory_space<hbm>>) dst(%arg12 : memref<80xi32, #tpu.memory_space<vmem>>)
        %ge3A_106 = arith.constant 1 : i32
        %ge3A_107 = arith.cmpi sge, %add3A_103, %ge3A_106 : i32
        %convert_element_type3A_108 = arith.extui %ge3A_107 : i1 to i32
        %cond3A_109 = arith.constant 0 : i32
        %cond3A_110 = arith.cmpi ne, %convert_element_type3A_108, %cond3A_109 : i32
        scf.if %cond3A_110 {
          %dma_wait3A_180 = arith.constant 0 : i32
          %dma_wait3A_181 = tpu.memref_slice %arg28[%dma_wait3A_180] : memref<10240xf32, #tpu.memory_space<vmem_shared>> -> memref<10240xf32, #tpu.memory_space<vmem_shared>>
          tpu.wait_indirect_dma semaphore(%arg22 : memref<!tpu.dma_semaphore, #tpu.memory_space<semaphore_mem>>) src(%arg10 : memref<80xf32, #tpu.memory_space<vmem>>) dst(%dma_wait3A_181 : memref<10240xf32, #tpu.memory_space<vmem_shared>>)
        } else {
        }
        %dma_start3A_111 = arith.constant 0 : i32
        %dma_start3A_112 = tpu.memref_slice %arg28[%dma_start3A_111] : memref<10240xf32, #tpu.memory_space<vmem_shared>> -> memref<10240xf32, #tpu.memory_space<vmem_shared>>
        tpu.enqueue_indirect_dma source(%arg10 : memref<80xf32, #tpu.memory_space<vmem>>) target(%dma_start3A_112 : memref<10240xf32, #tpu.memory_space<vmem_shared>>) offsets(%arg12 : memref<80xi32, #tpu.memory_space<vmem>>) semaphore(%arg23 : memref<!tpu.dma_semaphore, #tpu.memory_space<semaphore_mem>>) {add = true}
        %add3A_113 = arith.constant 4 : i32
        %add3A_114 = arith.addi %add3A_103, %add3A_113 : i32
        %lt3A_115 = arith.constant 250 : i32
        %lt3A_116 = arith.cmpi slt, %add3A_114, %lt3A_115 : i32
        %convert_element_type3A_117 = arith.extui %lt3A_116 : i1 to i32
        %cond3A_118 = arith.constant 0 : i32
        %cond3A_119 = arith.cmpi ne, %convert_element_type3A_117, %cond3A_118 : i32
        scf.if %cond3A_119 {
          %add3A_180 = arith.constant 4 : i32
          %add3A_181 = arith.addi %add3A_103, %add3A_180 : i32
          %mul3A_182 = arith.constant 80 : i32
          %mul3A_183 = arith.muli %add3A_181, %mul3A_182 : i32
          %add3A_184 = arith.addi %mul3A_56, %mul3A_183 : i32
          %dma_start3A_185 = tpu.memref_slice %arg3[%add3A_184] : memref<320000xi32, #tpu.memory_space<hbm>> -> memref<80xi32, #tpu.memory_space<hbm>>
          %dma_start3A_186 = tpu.memref_slice %arg3[%add3A_184] : memref<320000xi32, #tpu.memory_space<hbm>> -> memref<80xi32, #tpu.memory_space<hbm>>
          tpu.enqueue_dma source(%dma_start3A_186 : memref<80xi32, #tpu.memory_space<hbm>>) target(%arg11 : memref<80xi32, #tpu.memory_space<vmem>>) target_semaphore(%arg17 : memref<!tpu.dma_semaphore, #tpu.memory_space<semaphore_mem>>)
        } else {
        }
        %mul3A_120 = arith.constant 5 : i32
        %mul3A_121 = arith.muli %mul3A_120, %scan3A_81 : i32
        %add3A_122 = arith.constant 2 : i32
        %add3A_123 = arith.addi %mul3A_121, %add3A_122 : i32
        %dma_wait3A_124 = tpu.memref_slice %arg3[%mul3A_56] : memref<320000xi32, #tpu.memory_space<hbm>> -> memref<80xi32, #tpu.memory_space<hbm>>
        %dma_wait3A_125 = tpu.memref_slice %arg3[%mul3A_56] : memref<320000xi32, #tpu.memory_space<hbm>> -> memref<80xi32, #tpu.memory_space<hbm>>
        tpu.wait_dma2 semaphore(%arg19 : memref<!tpu.dma_semaphore, #tpu.memory_space<semaphore_mem>>) src(%dma_wait3A_125 : memref<80xi32, #tpu.memory_space<hbm>>) dst(%arg13 : memref<80xi32, #tpu.memory_space<vmem>>)
        %ge3A_126 = arith.constant 1 : i32
        %ge3A_127 = arith.cmpi sge, %add3A_123, %ge3A_126 : i32
        %convert_element_type3A_128 = arith.extui %ge3A_127 : i1 to i32
        %cond3A_129 = arith.constant 0 : i32
        %cond3A_130 = arith.cmpi ne, %convert_element_type3A_128, %cond3A_129 : i32
        scf.if %cond3A_130 {
          %dma_wait3A_180 = arith.constant 0 : i32
          %dma_wait3A_181 = tpu.memref_slice %arg28[%dma_wait3A_180] : memref<10240xf32, #tpu.memory_space<vmem_shared>> -> memref<10240xf32, #tpu.memory_space<vmem_shared>>
          tpu.wait_indirect_dma semaphore(%arg23 : memref<!tpu.dma_semaphore, #tpu.memory_space<semaphore_mem>>) src(%arg10 : memref<80xf32, #tpu.memory_space<vmem>>) dst(%dma_wait3A_181 : memref<10240xf32, #tpu.memory_space<vmem_shared>>)
        } else {
        }
        %dma_start3A_131 = arith.constant 0 : i32
        %dma_start3A_132 = tpu.memref_slice %arg28[%dma_start3A_131] : memref<10240xf32, #tpu.memory_space<vmem_shared>> -> memref<10240xf32, #tpu.memory_space<vmem_shared>>
        tpu.enqueue_indirect_dma source(%arg10 : memref<80xf32, #tpu.memory_space<vmem>>) target(%dma_start3A_132 : memref<10240xf32, #tpu.memory_space<vmem_shared>>) offsets(%arg13 : memref<80xi32, #tpu.memory_space<vmem>>) semaphore(%arg24 : memref<!tpu.dma_semaphore, #tpu.memory_space<semaphore_mem>>) {add = true}
        %add3A_133 = arith.constant 4 : i32
        %add3A_134 = arith.addi %add3A_123, %add3A_133 : i32
        %lt3A_135 = arith.constant 250 : i32
        %lt3A_136 = arith.cmpi slt, %add3A_134, %lt3A_135 : i32
        %convert_element_type3A_137 = arith.extui %lt3A_136 : i1 to i32
        %cond3A_138 = arith.constant 0 : i32
        %cond3A_139 = arith.cmpi ne, %convert_element_type3A_137, %cond3A_138 : i32
        scf.if %cond3A_139 {
          %add3A_180 = arith.constant 4 : i32
          %add3A_181 = arith.addi %add3A_123, %add3A_180 : i32
          %mul3A_182 = arith.constant 80 : i32
          %mul3A_183 = arith.muli %add3A_181, %mul3A_182 : i32
          %add3A_184 = arith.addi %mul3A_56, %mul3A_183 : i32
          %dma_start3A_185 = tpu.memref_slice %arg3[%add3A_184] : memref<320000xi32, #tpu.memory_space<hbm>> -> memref<80xi32, #tpu.memory_space<hbm>>
          %dma_start3A_186 = tpu.memref_slice %arg3[%add3A_184] : memref<320000xi32, #tpu.memory_space<hbm>> -> memref<80xi32, #tpu.memory_space<hbm>>
          tpu.enqueue_dma source(%dma_start3A_186 : memref<80xi32, #tpu.memory_space<hbm>>) target(%arg12 : memref<80xi32, #tpu.memory_space<vmem>>) target_semaphore(%arg18 : memref<!tpu.dma_semaphore, #tpu.memory_space<semaphore_mem>>)
        } else {
        }
        %mul3A_140 = arith.constant 5 : i32
        %mul3A_141 = arith.muli %mul3A_140, %scan3A_81 : i32
        %add3A_142 = arith.constant 3 : i32
        %add3A_143 = arith.addi %mul3A_141, %add3A_142 : i32
        %dma_wait3A_144 = tpu.memref_slice %arg3[%mul3A_56] : memref<320000xi32, #tpu.memory_space<hbm>> -> memref<80xi32, #tpu.memory_space<hbm>>
        %dma_wait3A_145 = tpu.memref_slice %arg3[%mul3A_56] : memref<320000xi32, #tpu.memory_space<hbm>> -> memref<80xi32, #tpu.memory_space<hbm>>
        tpu.wait_dma2 semaphore(%arg20 : memref<!tpu.dma_semaphore, #tpu.memory_space<semaphore_mem>>) src(%dma_wait3A_145 : memref<80xi32, #tpu.memory_space<hbm>>) dst(%arg14 : memref<80xi32, #tpu.memory_space<vmem>>)
        %ge3A_146 = arith.constant 1 : i32
        %ge3A_147 = arith.cmpi sge, %add3A_143, %ge3A_146 : i32
        %convert_element_type3A_148 = arith.extui %ge3A_147 : i1 to i32
        %cond3A_149 = arith.constant 0 : i32
        %cond3A_150 = arith.cmpi ne, %convert_element_type3A_148, %cond3A_149 : i32
        scf.if %cond3A_150 {
          %dma_wait3A_180 = arith.constant 0 : i32
          %dma_wait3A_181 = tpu.memref_slice %arg28[%dma_wait3A_180] : memref<10240xf32, #tpu.memory_space<vmem_shared>> -> memref<10240xf32, #tpu.memory_space<vmem_shared>>
          tpu.wait_indirect_dma semaphore(%arg24 : memref<!tpu.dma_semaphore, #tpu.memory_space<semaphore_mem>>) src(%arg10 : memref<80xf32, #tpu.memory_space<vmem>>) dst(%dma_wait3A_181 : memref<10240xf32, #tpu.memory_space<vmem_shared>>)
        } else {
        }
        %dma_start3A_151 = arith.constant 0 : i32
        %dma_start3A_152 = tpu.memref_slice %arg28[%dma_start3A_151] : memref<10240xf32, #tpu.memory_space<vmem_shared>> -> memref<10240xf32, #tpu.memory_space<vmem_shared>>
        tpu.enqueue_indirect_dma source(%arg10 : memref<80xf32, #tpu.memory_space<vmem>>) target(%dma_start3A_152 : memref<10240xf32, #tpu.memory_space<vmem_shared>>) offsets(%arg14 : memref<80xi32, #tpu.memory_space<vmem>>) semaphore(%arg25 : memref<!tpu.dma_semaphore, #tpu.memory_space<semaphore_mem>>) {add = true}
        %add3A_153 = arith.constant 4 : i32
        %add3A_154 = arith.addi %add3A_143, %add3A_153 : i32
        %lt3A_155 = arith.constant 250 : i32
        %lt3A_156 = arith.cmpi slt, %add3A_154, %lt3A_155 : i32
        %convert_element_type3A_157 = arith.extui %lt3A_156 : i1 to i32
        %cond3A_158 = arith.constant 0 : i32
        %cond3A_159 = arith.cmpi ne, %convert_element_type3A_157, %cond3A_158 : i32
        scf.if %cond3A_159 {
          %add3A_180 = arith.constant 4 : i32
          %add3A_181 = arith.addi %add3A_143, %add3A_180 : i32
          %mul3A_182 = arith.constant 80 : i32
          %mul3A_183 = arith.muli %add3A_181, %mul3A_182 : i32
          %add3A_184 = arith.addi %mul3A_56, %mul3A_183 : i32
          %dma_start3A_185 = tpu.memref_slice %arg3[%add3A_184] : memref<320000xi32, #tpu.memory_space<hbm>> -> memref<80xi32, #tpu.memory_space<hbm>>
          %dma_start3A_186 = tpu.memref_slice %arg3[%add3A_184] : memref<320000xi32, #tpu.memory_space<hbm>> -> memref<80xi32, #tpu.memory_space<hbm>>
          tpu.enqueue_dma source(%dma_start3A_186 : memref<80xi32, #tpu.memory_space<hbm>>) target(%arg13 : memref<80xi32, #tpu.memory_space<vmem>>) target_semaphore(%arg19 : memref<!tpu.dma_semaphore, #tpu.memory_space<semaphore_mem>>)
        } else {
        }
        %mul3A_160 = arith.constant 5 : i32
        %mul3A_161 = arith.muli %mul3A_160, %scan3A_81 : i32
        %add3A_162 = arith.constant 4 : i32
        %add3A_163 = arith.addi %mul3A_161, %add3A_162 : i32
        %dma_wait3A_164 = tpu.memref_slice %arg3[%mul3A_56] : memref<320000xi32, #tpu.memory_space<hbm>> -> memref<80xi32, #tpu.memory_space<hbm>>
        %dma_wait3A_165 = tpu.memref_slice %arg3[%mul3A_56] : memref<320000xi32, #tpu.memory_space<hbm>> -> memref<80xi32, #tpu.memory_space<hbm>>
        tpu.wait_dma2 semaphore(%arg21 : memref<!tpu.dma_semaphore, #tpu.memory_space<semaphore_mem>>) src(%dma_wait3A_165 : memref<80xi32, #tpu.memory_space<hbm>>) dst(%arg15 : memref<80xi32, #tpu.memory_space<vmem>>)
        %ge3A_166 = arith.constant 1 : i32
        %ge3A_167 = arith.cmpi sge, %add3A_163, %ge3A_166 : i32
        %convert_element_type3A_168 = arith.extui %ge3A_167 : i1 to i32
        %cond3A_169 = arith.constant 0 : i32
        %cond3A_170 = arith.cmpi ne, %convert_element_type3A_168, %cond3A_169 : i32
        scf.if %cond3A_170 {
          %dma_wait3A_180 = arith.constant 0 : i32
          %dma_wait3A_181 = tpu.memref_slice %arg28[%dma_wait3A_180] : memref<10240xf32, #tpu.memory_space<vmem_shared>> -> memref<10240xf32, #tpu.memory_space<vmem_shared>>
          tpu.wait_indirect_dma semaphore(%arg25 : memref<!tpu.dma_semaphore, #tpu.memory_space<semaphore_mem>>) src(%arg10 : memref<80xf32, #tpu.memory_space<vmem>>) dst(%dma_wait3A_181 : memref<10240xf32, #tpu.memory_space<vmem_shared>>)
        } else {
        }
        %dma_start3A_171 = arith.constant 0 : i32
        %dma_start3A_172 = tpu.memref_slice %arg28[%dma_start3A_171] : memref<10240xf32, #tpu.memory_space<vmem_shared>> -> memref<10240xf32, #tpu.memory_space<vmem_shared>>
        tpu.enqueue_indirect_dma source(%arg10 : memref<80xf32, #tpu.memory_space<vmem>>) target(%dma_start3A_172 : memref<10240xf32, #tpu.memory_space<vmem_shared>>) offsets(%arg15 : memref<80xi32, #tpu.memory_space<vmem>>) semaphore(%arg26 : memref<!tpu.dma_semaphore, #tpu.memory_space<semaphore_mem>>) {add = true}
        %add3A_173 = arith.constant 4 : i32
        %add3A_174 = arith.addi %add3A_163, %add3A_173 : i32
        %lt3A_175 = arith.constant 250 : i32
        %lt3A_176 = arith.cmpi slt, %add3A_174, %lt3A_175 : i32
        %convert_element_type3A_177 = arith.extui %lt3A_176 : i1 to i32
        %cond3A_178 = arith.constant 0 : i32
        %cond3A_179 = arith.cmpi ne, %convert_element_type3A_177, %cond3A_178 : i32
        scf.if %cond3A_179 {
          %add3A_180 = arith.constant 4 : i32
          %add3A_181 = arith.addi %add3A_163, %add3A_180 : i32
          %mul3A_182 = arith.constant 80 : i32
          %mul3A_183 = arith.muli %add3A_181, %mul3A_182 : i32
          %add3A_184 = arith.addi %mul3A_56, %mul3A_183 : i32
          %dma_start3A_185 = tpu.memref_slice %arg3[%add3A_184] : memref<320000xi32, #tpu.memory_space<hbm>> -> memref<80xi32, #tpu.memory_space<hbm>>
          %dma_start3A_186 = tpu.memref_slice %arg3[%add3A_184] : memref<320000xi32, #tpu.memory_space<hbm>> -> memref<80xi32, #tpu.memory_space<hbm>>
          tpu.enqueue_dma source(%dma_start3A_186 : memref<80xi32, #tpu.memory_space<hbm>>) target(%arg14 : memref<80xi32, #tpu.memory_space<vmem>>) target_semaphore(%arg20 : memref<!tpu.dma_semaphore, #tpu.memory_space<semaphore_mem>>)
        } else {
        }
      }
      %scan3A_78 = arith.constant 50 : i32
      %dma_wait3A_79 = arith.constant 0 : i32
      %dma_wait3A_80 = tpu.memref_slice %arg28[%dma_wait3A_79] : memref<10240xf32, #tpu.memory_space<vmem_shared>> -> memref<10240xf32, #tpu.memory_space<vmem_shared>>
      tpu.wait_indirect_dma semaphore(%arg26 : memref<!tpu.dma_semaphore, #tpu.memory_space<semaphore_mem>>) src(%arg10 : memref<80xf32, #tpu.memory_space<vmem>>) dst(%dma_wait3A_80 : memref<10240xf32, #tpu.memory_space<vmem_shared>>)
    } else {
    }
    %eq3A_16 = arith.constant 1 : i32
    %eq3A_17 = arith.cmpi eq, %arg0, %eq3A_16 : i32
    %convert_element_type3A_18 = arith.extui %eq3A_17 : i1 to i32
    %cond3A_19 = arith.constant 0 : i32
    %cond3A_20 = arith.cmpi ne, %convert_element_type3A_18, %cond3A_19 : i32
    scf.if %cond3A_20 {
      %mul3A_32 = arith.constant 20000 : i32
      %mul3A_33 = arith.muli %arg1, %mul3A_32 : i32
      %add3A = arith.constant 0 : i32
      %add3A_34 = arith.addi %mul3A_33, %add3A : i32
      %dma_start3A = tpu.memref_slice %arg4[%add3A_34] : memref<320000xi32, #tpu.memory_space<hbm>> -> memref<80xi32, #tpu.memory_space<hbm>>
      %dma_start3A_35 = tpu.memref_slice %arg4[%add3A_34] : memref<320000xi32, #tpu.memory_space<hbm>> -> memref<80xi32, #tpu.memory_space<hbm>>
      tpu.enqueue_dma source(%dma_start3A_35 : memref<80xi32, #tpu.memory_space<hbm>>) target(%arg11 : memref<80xi32, #tpu.memory_space<vmem>>) target_semaphore(%arg17 : memref<!tpu.dma_semaphore, #tpu.memory_space<semaphore_mem>>)
      %add3A_36 = arith.constant 80 : i32
      %add3A_37 = arith.addi %mul3A_33, %add3A_36 : i32
      %dma_start3A_38 = tpu.memref_slice %arg4[%add3A_37] : memref<320000xi32, #tpu.memory_space<hbm>> -> memref<80xi32, #tpu.memory_space<hbm>>
      %dma_start3A_39 = tpu.memref_slice %arg4[%add3A_37] : memref<320000xi32, #tpu.memory_space<hbm>> -> memref<80xi32, #tpu.memory_space<hbm>>
      tpu.enqueue_dma source(%dma_start3A_39 : memref<80xi32, #tpu.memory_space<hbm>>) target(%arg12 : memref<80xi32, #tpu.memory_space<vmem>>) target_semaphore(%arg18 : memref<!tpu.dma_semaphore, #tpu.memory_space<semaphore_mem>>)
      %add3A_40 = arith.constant 160 : i32
      %add3A_41 = arith.addi %mul3A_33, %add3A_40 : i32
      %dma_start3A_42 = tpu.memref_slice %arg4[%add3A_41] : memref<320000xi32, #tpu.memory_space<hbm>> -> memref<80xi32, #tpu.memory_space<hbm>>
      %dma_start3A_43 = tpu.memref_slice %arg4[%add3A_41] : memref<320000xi32, #tpu.memory_space<hbm>> -> memref<80xi32, #tpu.memory_space<hbm>>
      tpu.enqueue_dma source(%dma_start3A_43 : memref<80xi32, #tpu.memory_space<hbm>>) target(%arg13 : memref<80xi32, #tpu.memory_space<vmem>>) target_semaphore(%arg19 : memref<!tpu.dma_semaphore, #tpu.memory_space<semaphore_mem>>)
      %add3A_44 = arith.constant 240 : i32
      %add3A_45 = arith.addi %mul3A_33, %add3A_44 : i32
      %dma_start3A_46 = tpu.memref_slice %arg4[%add3A_45] : memref<320000xi32, #tpu.memory_space<hbm>> -> memref<80xi32, #tpu.memory_space<hbm>>
      %dma_start3A_47 = tpu.memref_slice %arg4[%add3A_45] : memref<320000xi32, #tpu.memory_space<hbm>> -> memref<80xi32, #tpu.memory_space<hbm>>
      tpu.enqueue_dma source(%dma_start3A_47 : memref<80xi32, #tpu.memory_space<hbm>>) target(%arg14 : memref<80xi32, #tpu.memory_space<vmem>>) target_semaphore(%arg20 : memref<!tpu.dma_semaphore, #tpu.memory_space<semaphore_mem>>)
      %scan3A_48 = arith.constant 0 : i32
      %scan3A_49 = arith.constant 0 : i32
      %scan3A_50 = arith.constant 50 : i32
      %scan3A_51 = arith.addi %scan3A_49, %scan3A_50 : i32
      %scan3A_52 = arith.constant 1 : i32
      scf.for %scan3A_81 = %scan3A_49 to %scan3A_51 step %scan3A_52  : i32 {
        %mul3A_82 = arith.constant 5 : i32
        %mul3A_83 = arith.muli %mul3A_82, %scan3A_81 : i32
        %add3A_84 = arith.constant 0 : i32
        %add3A_85 = arith.addi %mul3A_83, %add3A_84 : i32
        %dma_wait3A_86 = tpu.memref_slice %arg4[%mul3A_33] : memref<320000xi32, #tpu.memory_space<hbm>> -> memref<80xi32, #tpu.memory_space<hbm>>
        %dma_wait3A_87 = tpu.memref_slice %arg4[%mul3A_33] : memref<320000xi32, #tpu.memory_space<hbm>> -> memref<80xi32, #tpu.memory_space<hbm>>
        tpu.wait_dma2 semaphore(%arg17 : memref<!tpu.dma_semaphore, #tpu.memory_space<semaphore_mem>>) src(%dma_wait3A_87 : memref<80xi32, #tpu.memory_space<hbm>>) dst(%arg11 : memref<80xi32, #tpu.memory_space<vmem>>)
        %ge3A = arith.constant 1 : i32
        %ge3A_88 = arith.cmpi sge, %add3A_85, %ge3A : i32
        %convert_element_type3A_89 = arith.extui %ge3A_88 : i1 to i32
        %cond3A_90 = arith.constant 0 : i32
        %cond3A_91 = arith.cmpi ne, %convert_element_type3A_89, %cond3A_90 : i32
        scf.if %cond3A_91 {
          %dma_wait3A_180 = arith.constant 0 : i32
          %dma_wait3A_181 = tpu.memref_slice %arg27[%dma_wait3A_180] : memref<10240xf32, #tpu.memory_space<vmem_shared>> -> memref<10240xf32, #tpu.memory_space<vmem_shared>>
          tpu.wait_indirect_dma semaphore(%arg26 : memref<!tpu.dma_semaphore, #tpu.memory_space<semaphore_mem>>) src(%arg10 : memref<80xf32, #tpu.memory_space<vmem>>) dst(%dma_wait3A_181 : memref<10240xf32, #tpu.memory_space<vmem_shared>>)
        } else {
        }
        %dma_start3A_92 = arith.constant 0 : i32
        %dma_start3A_93 = tpu.memref_slice %arg27[%dma_start3A_92] : memref<10240xf32, #tpu.memory_space<vmem_shared>> -> memref<10240xf32, #tpu.memory_space<vmem_shared>>
        tpu.enqueue_indirect_dma source(%arg10 : memref<80xf32, #tpu.memory_space<vmem>>) target(%dma_start3A_93 : memref<10240xf32, #tpu.memory_space<vmem_shared>>) offsets(%arg11 : memref<80xi32, #tpu.memory_space<vmem>>) semaphore(%arg22 : memref<!tpu.dma_semaphore, #tpu.memory_space<semaphore_mem>>) {add = true}
        %add3A_94 = arith.constant 4 : i32
        %add3A_95 = arith.addi %add3A_85, %add3A_94 : i32
        %lt3A = arith.constant 250 : i32
        %lt3A_96 = arith.cmpi slt, %add3A_95, %lt3A : i32
        %convert_element_type3A_97 = arith.extui %lt3A_96 : i1 to i32
        %cond3A_98 = arith.constant 0 : i32
        %cond3A_99 = arith.cmpi ne, %convert_element_type3A_97, %cond3A_98 : i32
        scf.if %cond3A_99 {
          %add3A_180 = arith.constant 4 : i32
          %add3A_181 = arith.addi %add3A_85, %add3A_180 : i32
          %mul3A_182 = arith.constant 80 : i32
          %mul3A_183 = arith.muli %add3A_181, %mul3A_182 : i32
          %add3A_184 = arith.addi %mul3A_33, %mul3A_183 : i32
          %dma_start3A_185 = tpu.memref_slice %arg4[%add3A_184] : memref<320000xi32, #tpu.memory_space<hbm>> -> memref<80xi32, #tpu.memory_space<hbm>>
          %dma_start3A_186 = tpu.memref_slice %arg4[%add3A_184] : memref<320000xi32, #tpu.memory_space<hbm>> -> memref<80xi32, #tpu.memory_space<hbm>>
          tpu.enqueue_dma source(%dma_start3A_186 : memref<80xi32, #tpu.memory_space<hbm>>) target(%arg15 : memref<80xi32, #tpu.memory_space<vmem>>) target_semaphore(%arg21 : memref<!tpu.dma_semaphore, #tpu.memory_space<semaphore_mem>>)
        } else {
        }
        %mul3A_100 = arith.constant 5 : i32
        %mul3A_101 = arith.muli %mul3A_100, %scan3A_81 : i32
        %add3A_102 = arith.constant 1 : i32
        %add3A_103 = arith.addi %mul3A_101, %add3A_102 : i32
        %dma_wait3A_104 = tpu.memref_slice %arg4[%mul3A_33] : memref<320000xi32, #tpu.memory_space<hbm>> -> memref<80xi32, #tpu.memory_space<hbm>>
        %dma_wait3A_105 = tpu.memref_slice %arg4[%mul3A_33] : memref<320000xi32, #tpu.memory_space<hbm>> -> memref<80xi32, #tpu.memory_space<hbm>>
        tpu.wait_dma2 semaphore(%arg18 : memref<!tpu.dma_semaphore, #tpu.memory_space<semaphore_mem>>) src(%dma_wait3A_105 : memref<80xi32, #tpu.memory_space<hbm>>) dst(%arg12 : memref<80xi32, #tpu.memory_space<vmem>>)
        %ge3A_106 = arith.constant 1 : i32
        %ge3A_107 = arith.cmpi sge, %add3A_103, %ge3A_106 : i32
        %convert_element_type3A_108 = arith.extui %ge3A_107 : i1 to i32
        %cond3A_109 = arith.constant 0 : i32
        %cond3A_110 = arith.cmpi ne, %convert_element_type3A_108, %cond3A_109 : i32
        scf.if %cond3A_110 {
          %dma_wait3A_180 = arith.constant 0 : i32
          %dma_wait3A_181 = tpu.memref_slice %arg27[%dma_wait3A_180] : memref<10240xf32, #tpu.memory_space<vmem_shared>> -> memref<10240xf32, #tpu.memory_space<vmem_shared>>
          tpu.wait_indirect_dma semaphore(%arg22 : memref<!tpu.dma_semaphore, #tpu.memory_space<semaphore_mem>>) src(%arg10 : memref<80xf32, #tpu.memory_space<vmem>>) dst(%dma_wait3A_181 : memref<10240xf32, #tpu.memory_space<vmem_shared>>)
        } else {
        }
        %dma_start3A_111 = arith.constant 0 : i32
        %dma_start3A_112 = tpu.memref_slice %arg27[%dma_start3A_111] : memref<10240xf32, #tpu.memory_space<vmem_shared>> -> memref<10240xf32, #tpu.memory_space<vmem_shared>>
        tpu.enqueue_indirect_dma source(%arg10 : memref<80xf32, #tpu.memory_space<vmem>>) target(%dma_start3A_112 : memref<10240xf32, #tpu.memory_space<vmem_shared>>) offsets(%arg12 : memref<80xi32, #tpu.memory_space<vmem>>) semaphore(%arg23 : memref<!tpu.dma_semaphore, #tpu.memory_space<semaphore_mem>>) {add = true}
        %add3A_113 = arith.constant 4 : i32
        %add3A_114 = arith.addi %add3A_103, %add3A_113 : i32
        %lt3A_115 = arith.constant 250 : i32
        %lt3A_116 = arith.cmpi slt, %add3A_114, %lt3A_115 : i32
        %convert_element_type3A_117 = arith.extui %lt3A_116 : i1 to i32
        %cond3A_118 = arith.constant 0 : i32
        %cond3A_119 = arith.cmpi ne, %convert_element_type3A_117, %cond3A_118 : i32
        scf.if %cond3A_119 {
          %add3A_180 = arith.constant 4 : i32
          %add3A_181 = arith.addi %add3A_103, %add3A_180 : i32
          %mul3A_182 = arith.constant 80 : i32
          %mul3A_183 = arith.muli %add3A_181, %mul3A_182 : i32
          %add3A_184 = arith.addi %mul3A_33, %mul3A_183 : i32
          %dma_start3A_185 = tpu.memref_slice %arg4[%add3A_184] : memref<320000xi32, #tpu.memory_space<hbm>> -> memref<80xi32, #tpu.memory_space<hbm>>
          %dma_start3A_186 = tpu.memref_slice %arg4[%add3A_184] : memref<320000xi32, #tpu.memory_space<hbm>> -> memref<80xi32, #tpu.memory_space<hbm>>
          tpu.enqueue_dma source(%dma_start3A_186 : memref<80xi32, #tpu.memory_space<hbm>>) target(%arg11 : memref<80xi32, #tpu.memory_space<vmem>>) target_semaphore(%arg17 : memref<!tpu.dma_semaphore, #tpu.memory_space<semaphore_mem>>)
        } else {
        }
        %mul3A_120 = arith.constant 5 : i32
        %mul3A_121 = arith.muli %mul3A_120, %scan3A_81 : i32
        %add3A_122 = arith.constant 2 : i32
        %add3A_123 = arith.addi %mul3A_121, %add3A_122 : i32
        %dma_wait3A_124 = tpu.memref_slice %arg4[%mul3A_33] : memref<320000xi32, #tpu.memory_space<hbm>> -> memref<80xi32, #tpu.memory_space<hbm>>
        %dma_wait3A_125 = tpu.memref_slice %arg4[%mul3A_33] : memref<320000xi32, #tpu.memory_space<hbm>> -> memref<80xi32, #tpu.memory_space<hbm>>
        tpu.wait_dma2 semaphore(%arg19 : memref<!tpu.dma_semaphore, #tpu.memory_space<semaphore_mem>>) src(%dma_wait3A_125 : memref<80xi32, #tpu.memory_space<hbm>>) dst(%arg13 : memref<80xi32, #tpu.memory_space<vmem>>)
        %ge3A_126 = arith.constant 1 : i32
        %ge3A_127 = arith.cmpi sge, %add3A_123, %ge3A_126 : i32
        %convert_element_type3A_128 = arith.extui %ge3A_127 : i1 to i32
        %cond3A_129 = arith.constant 0 : i32
        %cond3A_130 = arith.cmpi ne, %convert_element_type3A_128, %cond3A_129 : i32
        scf.if %cond3A_130 {
          %dma_wait3A_180 = arith.constant 0 : i32
          %dma_wait3A_181 = tpu.memref_slice %arg27[%dma_wait3A_180] : memref<10240xf32, #tpu.memory_space<vmem_shared>> -> memref<10240xf32, #tpu.memory_space<vmem_shared>>
          tpu.wait_indirect_dma semaphore(%arg23 : memref<!tpu.dma_semaphore, #tpu.memory_space<semaphore_mem>>) src(%arg10 : memref<80xf32, #tpu.memory_space<vmem>>) dst(%dma_wait3A_181 : memref<10240xf32, #tpu.memory_space<vmem_shared>>)
        } else {
        }
        %dma_start3A_131 = arith.constant 0 : i32
        %dma_start3A_132 = tpu.memref_slice %arg27[%dma_start3A_131] : memref<10240xf32, #tpu.memory_space<vmem_shared>> -> memref<10240xf32, #tpu.memory_space<vmem_shared>>
        tpu.enqueue_indirect_dma source(%arg10 : memref<80xf32, #tpu.memory_space<vmem>>) target(%dma_start3A_132 : memref<10240xf32, #tpu.memory_space<vmem_shared>>) offsets(%arg13 : memref<80xi32, #tpu.memory_space<vmem>>) semaphore(%arg24 : memref<!tpu.dma_semaphore, #tpu.memory_space<semaphore_mem>>) {add = true}
        %add3A_133 = arith.constant 4 : i32
        %add3A_134 = arith.addi %add3A_123, %add3A_133 : i32
        %lt3A_135 = arith.constant 250 : i32
        %lt3A_136 = arith.cmpi slt, %add3A_134, %lt3A_135 : i32
        %convert_element_type3A_137 = arith.extui %lt3A_136 : i1 to i32
        %cond3A_138 = arith.constant 0 : i32
        %cond3A_139 = arith.cmpi ne, %convert_element_type3A_137, %cond3A_138 : i32
        scf.if %cond3A_139 {
          %add3A_180 = arith.constant 4 : i32
          %add3A_181 = arith.addi %add3A_123, %add3A_180 : i32
          %mul3A_182 = arith.constant 80 : i32
          %mul3A_183 = arith.muli %add3A_181, %mul3A_182 : i32
          %add3A_184 = arith.addi %mul3A_33, %mul3A_183 : i32
          %dma_start3A_185 = tpu.memref_slice %arg4[%add3A_184] : memref<320000xi32, #tpu.memory_space<hbm>> -> memref<80xi32, #tpu.memory_space<hbm>>
          %dma_start3A_186 = tpu.memref_slice %arg4[%add3A_184] : memref<320000xi32, #tpu.memory_space<hbm>> -> memref<80xi32, #tpu.memory_space<hbm>>
          tpu.enqueue_dma source(%dma_start3A_186 : memref<80xi32, #tpu.memory_space<hbm>>) target(%arg12 : memref<80xi32, #tpu.memory_space<vmem>>) target_semaphore(%arg18 : memref<!tpu.dma_semaphore, #tpu.memory_space<semaphore_mem>>)
        } else {
        }
        %mul3A_140 = arith.constant 5 : i32
        %mul3A_141 = arith.muli %mul3A_140, %scan3A_81 : i32
        %add3A_142 = arith.constant 3 : i32
        %add3A_143 = arith.addi %mul3A_141, %add3A_142 : i32
        %dma_wait3A_144 = tpu.memref_slice %arg4[%mul3A_33] : memref<320000xi32, #tpu.memory_space<hbm>> -> memref<80xi32, #tpu.memory_space<hbm>>
        %dma_wait3A_145 = tpu.memref_slice %arg4[%mul3A_33] : memref<320000xi32, #tpu.memory_space<hbm>> -> memref<80xi32, #tpu.memory_space<hbm>>
        tpu.wait_dma2 semaphore(%arg20 : memref<!tpu.dma_semaphore, #tpu.memory_space<semaphore_mem>>) src(%dma_wait3A_145 : memref<80xi32, #tpu.memory_space<hbm>>) dst(%arg14 : memref<80xi32, #tpu.memory_space<vmem>>)
        %ge3A_146 = arith.constant 1 : i32
        %ge3A_147 = arith.cmpi sge, %add3A_143, %ge3A_146 : i32
        %convert_element_type3A_148 = arith.extui %ge3A_147 : i1 to i32
        %cond3A_149 = arith.constant 0 : i32
        %cond3A_150 = arith.cmpi ne, %convert_element_type3A_148, %cond3A_149 : i32
        scf.if %cond3A_150 {
          %dma_wait3A_180 = arith.constant 0 : i32
          %dma_wait3A_181 = tpu.memref_slice %arg27[%dma_wait3A_180] : memref<10240xf32, #tpu.memory_space<vmem_shared>> -> memref<10240xf32, #tpu.memory_space<vmem_shared>>
          tpu.wait_indirect_dma semaphore(%arg24 : memref<!tpu.dma_semaphore, #tpu.memory_space<semaphore_mem>>) src(%arg10 : memref<80xf32, #tpu.memory_space<vmem>>) dst(%dma_wait3A_181 : memref<10240xf32, #tpu.memory_space<vmem_shared>>)
        } else {
        }
        %dma_start3A_151 = arith.constant 0 : i32
        %dma_start3A_152 = tpu.memref_slice %arg27[%dma_start3A_151] : memref<10240xf32, #tpu.memory_space<vmem_shared>> -> memref<10240xf32, #tpu.memory_space<vmem_shared>>
        tpu.enqueue_indirect_dma source(%arg10 : memref<80xf32, #tpu.memory_space<vmem>>) target(%dma_start3A_152 : memref<10240xf32, #tpu.memory_space<vmem_shared>>) offsets(%arg14 : memref<80xi32, #tpu.memory_space<vmem>>) semaphore(%arg25 : memref<!tpu.dma_semaphore, #tpu.memory_space<semaphore_mem>>) {add = true}
        %add3A_153 = arith.constant 4 : i32
        %add3A_154 = arith.addi %add3A_143, %add3A_153 : i32
        %lt3A_155 = arith.constant 250 : i32
        %lt3A_156 = arith.cmpi slt, %add3A_154, %lt3A_155 : i32
        %convert_element_type3A_157 = arith.extui %lt3A_156 : i1 to i32
        %cond3A_158 = arith.constant 0 : i32
        %cond3A_159 = arith.cmpi ne, %convert_element_type3A_157, %cond3A_158 : i32
        scf.if %cond3A_159 {
          %add3A_180 = arith.constant 4 : i32
          %add3A_181 = arith.addi %add3A_143, %add3A_180 : i32
          %mul3A_182 = arith.constant 80 : i32
          %mul3A_183 = arith.muli %add3A_181, %mul3A_182 : i32
          %add3A_184 = arith.addi %mul3A_33, %mul3A_183 : i32
          %dma_start3A_185 = tpu.memref_slice %arg4[%add3A_184] : memref<320000xi32, #tpu.memory_space<hbm>> -> memref<80xi32, #tpu.memory_space<hbm>>
          %dma_start3A_186 = tpu.memref_slice %arg4[%add3A_184] : memref<320000xi32, #tpu.memory_space<hbm>> -> memref<80xi32, #tpu.memory_space<hbm>>
          tpu.enqueue_dma source(%dma_start3A_186 : memref<80xi32, #tpu.memory_space<hbm>>) target(%arg13 : memref<80xi32, #tpu.memory_space<vmem>>) target_semaphore(%arg19 : memref<!tpu.dma_semaphore, #tpu.memory_space<semaphore_mem>>)
        } else {
        }
        %mul3A_160 = arith.constant 5 : i32
        %mul3A_161 = arith.muli %mul3A_160, %scan3A_81 : i32
        %add3A_162 = arith.constant 4 : i32
        %add3A_163 = arith.addi %mul3A_161, %add3A_162 : i32
        %dma_wait3A_164 = tpu.memref_slice %arg4[%mul3A_33] : memref<320000xi32, #tpu.memory_space<hbm>> -> memref<80xi32, #tpu.memory_space<hbm>>
        %dma_wait3A_165 = tpu.memref_slice %arg4[%mul3A_33] : memref<320000xi32, #tpu.memory_space<hbm>> -> memref<80xi32, #tpu.memory_space<hbm>>
        tpu.wait_dma2 semaphore(%arg21 : memref<!tpu.dma_semaphore, #tpu.memory_space<semaphore_mem>>) src(%dma_wait3A_165 : memref<80xi32, #tpu.memory_space<hbm>>) dst(%arg15 : memref<80xi32, #tpu.memory_space<vmem>>)
        %ge3A_166 = arith.constant 1 : i32
        %ge3A_167 = arith.cmpi sge, %add3A_163, %ge3A_166 : i32
        %convert_element_type3A_168 = arith.extui %ge3A_167 : i1 to i32
        %cond3A_169 = arith.constant 0 : i32
        %cond3A_170 = arith.cmpi ne, %convert_element_type3A_168, %cond3A_169 : i32
        scf.if %cond3A_170 {
          %dma_wait3A_180 = arith.constant 0 : i32
          %dma_wait3A_181 = tpu.memref_slice %arg27[%dma_wait3A_180] : memref<10240xf32, #tpu.memory_space<vmem_shared>> -> memref<10240xf32, #tpu.memory_space<vmem_shared>>
          tpu.wait_indirect_dma semaphore(%arg25 : memref<!tpu.dma_semaphore, #tpu.memory_space<semaphore_mem>>) src(%arg10 : memref<80xf32, #tpu.memory_space<vmem>>) dst(%dma_wait3A_181 : memref<10240xf32, #tpu.memory_space<vmem_shared>>)
        } else {
        }
        %dma_start3A_171 = arith.constant 0 : i32
        %dma_start3A_172 = tpu.memref_slice %arg27[%dma_start3A_171] : memref<10240xf32, #tpu.memory_space<vmem_shared>> -> memref<10240xf32, #tpu.memory_space<vmem_shared>>
        tpu.enqueue_indirect_dma source(%arg10 : memref<80xf32, #tpu.memory_space<vmem>>) target(%dma_start3A_172 : memref<10240xf32, #tpu.memory_space<vmem_shared>>) offsets(%arg15 : memref<80xi32, #tpu.memory_space<vmem>>) semaphore(%arg26 : memref<!tpu.dma_semaphore, #tpu.memory_space<semaphore_mem>>) {add = true}
        %add3A_173 = arith.constant 4 : i32
        %add3A_174 = arith.addi %add3A_163, %add3A_173 : i32
        %lt3A_175 = arith.constant 250 : i32
        %lt3A_176 = arith.cmpi slt, %add3A_174, %lt3A_175 : i32
        %convert_element_type3A_177 = arith.extui %lt3A_176 : i1 to i32
        %cond3A_178 = arith.constant 0 : i32
        %cond3A_179 = arith.cmpi ne, %convert_element_type3A_177, %cond3A_178 : i32
        scf.if %cond3A_179 {
          %add3A_180 = arith.constant 4 : i32
          %add3A_181 = arith.addi %add3A_163, %add3A_180 : i32
          %mul3A_182 = arith.constant 80 : i32
          %mul3A_183 = arith.muli %add3A_181, %mul3A_182 : i32
          %add3A_184 = arith.addi %mul3A_33, %mul3A_183 : i32
          %dma_start3A_185 = tpu.memref_slice %arg4[%add3A_184] : memref<320000xi32, #tpu.memory_space<hbm>> -> memref<80xi32, #tpu.memory_space<hbm>>
          %dma_start3A_186 = tpu.memref_slice %arg4[%add3A_184] : memref<320000xi32, #tpu.memory_space<hbm>> -> memref<80xi32, #tpu.memory_space<hbm>>
          tpu.enqueue_dma source(%dma_start3A_186 : memref<80xi32, #tpu.memory_space<hbm>>) target(%arg14 : memref<80xi32, #tpu.memory_space<vmem>>) target_semaphore(%arg20 : memref<!tpu.dma_semaphore, #tpu.memory_space<semaphore_mem>>)
        } else {
        }
      }
      %scan3A_53 = arith.constant 50 : i32
      %dma_wait3A = arith.constant 0 : i32
      %dma_wait3A_54 = tpu.memref_slice %arg27[%dma_wait3A] : memref<10240xf32, #tpu.memory_space<vmem_shared>> -> memref<10240xf32, #tpu.memory_space<vmem_shared>>
      tpu.wait_indirect_dma semaphore(%arg26 : memref<!tpu.dma_semaphore, #tpu.memory_space<semaphore_mem>>) src(%arg10 : memref<80xf32, #tpu.memory_space<vmem>>) dst(%dma_wait3A_54 : memref<10240xf32, #tpu.memory_space<vmem_shared>>)
      %mul3A_55 = arith.constant 20000 : i32
      %mul3A_56 = arith.muli %arg1, %mul3A_55 : i32
      %add3A_57 = arith.constant 0 : i32
      %add3A_58 = arith.addi %mul3A_56, %add3A_57 : i32
      %dma_start3A_59 = tpu.memref_slice %arg5[%add3A_58] : memref<320000xi32, #tpu.memory_space<hbm>> -> memref<80xi32, #tpu.memory_space<hbm>>
      %dma_start3A_60 = tpu.memref_slice %arg5[%add3A_58] : memref<320000xi32, #tpu.memory_space<hbm>> -> memref<80xi32, #tpu.memory_space<hbm>>
      tpu.enqueue_dma source(%dma_start3A_60 : memref<80xi32, #tpu.memory_space<hbm>>) target(%arg11 : memref<80xi32, #tpu.memory_space<vmem>>) target_semaphore(%arg17 : memref<!tpu.dma_semaphore, #tpu.memory_space<semaphore_mem>>)
      %add3A_61 = arith.constant 80 : i32
      %add3A_62 = arith.addi %mul3A_56, %add3A_61 : i32
      %dma_start3A_63 = tpu.memref_slice %arg5[%add3A_62] : memref<320000xi32, #tpu.memory_space<hbm>> -> memref<80xi32, #tpu.memory_space<hbm>>
      %dma_start3A_64 = tpu.memref_slice %arg5[%add3A_62] : memref<320000xi32, #tpu.memory_space<hbm>> -> memref<80xi32, #tpu.memory_space<hbm>>
      tpu.enqueue_dma source(%dma_start3A_64 : memref<80xi32, #tpu.memory_space<hbm>>) target(%arg12 : memref<80xi32, #tpu.memory_space<vmem>>) target_semaphore(%arg18 : memref<!tpu.dma_semaphore, #tpu.memory_space<semaphore_mem>>)
      %add3A_65 = arith.constant 160 : i32
      %add3A_66 = arith.addi %mul3A_56, %add3A_65 : i32
      %dma_start3A_67 = tpu.memref_slice %arg5[%add3A_66] : memref<320000xi32, #tpu.memory_space<hbm>> -> memref<80xi32, #tpu.memory_space<hbm>>
      %dma_start3A_68 = tpu.memref_slice %arg5[%add3A_66] : memref<320000xi32, #tpu.memory_space<hbm>> -> memref<80xi32, #tpu.memory_space<hbm>>
      tpu.enqueue_dma source(%dma_start3A_68 : memref<80xi32, #tpu.memory_space<hbm>>) target(%arg13 : memref<80xi32, #tpu.memory_space<vmem>>) target_semaphore(%arg19 : memref<!tpu.dma_semaphore, #tpu.memory_space<semaphore_mem>>)
      %add3A_69 = arith.constant 240 : i32
      %add3A_70 = arith.addi %mul3A_56, %add3A_69 : i32
      %dma_start3A_71 = tpu.memref_slice %arg5[%add3A_70] : memref<320000xi32, #tpu.memory_space<hbm>> -> memref<80xi32, #tpu.memory_space<hbm>>
      %dma_start3A_72 = tpu.memref_slice %arg5[%add3A_70] : memref<320000xi32, #tpu.memory_space<hbm>> -> memref<80xi32, #tpu.memory_space<hbm>>
      tpu.enqueue_dma source(%dma_start3A_72 : memref<80xi32, #tpu.memory_space<hbm>>) target(%arg14 : memref<80xi32, #tpu.memory_space<vmem>>) target_semaphore(%arg20 : memref<!tpu.dma_semaphore, #tpu.memory_space<semaphore_mem>>)
      %scan3A_73 = arith.constant 0 : i32
      %scan3A_74 = arith.constant 0 : i32
      %scan3A_75 = arith.constant 50 : i32
      %scan3A_76 = arith.addi %scan3A_74, %scan3A_75 : i32
      %scan3A_77 = arith.constant 1 : i32
      scf.for %scan3A_81 = %scan3A_74 to %scan3A_76 step %scan3A_77  : i32 {
        %mul3A_82 = arith.constant 5 : i32
        %mul3A_83 = arith.muli %mul3A_82, %scan3A_81 : i32
        %add3A_84 = arith.constant 0 : i32
        %add3A_85 = arith.addi %mul3A_83, %add3A_84 : i32
        %dma_wait3A_86 = tpu.memref_slice %arg5[%mul3A_56] : memref<320000xi32, #tpu.memory_space<hbm>> -> memref<80xi32, #tpu.memory_space<hbm>>
        %dma_wait3A_87 = tpu.memref_slice %arg5[%mul3A_56] : memref<320000xi32, #tpu.memory_space<hbm>> -> memref<80xi32, #tpu.memory_space<hbm>>
        tpu.wait_dma2 semaphore(%arg17 : memref<!tpu.dma_semaphore, #tpu.memory_space<semaphore_mem>>) src(%dma_wait3A_87 : memref<80xi32, #tpu.memory_space<hbm>>) dst(%arg11 : memref<80xi32, #tpu.memory_space<vmem>>)
        %ge3A = arith.constant 1 : i32
        %ge3A_88 = arith.cmpi sge, %add3A_85, %ge3A : i32
        %convert_element_type3A_89 = arith.extui %ge3A_88 : i1 to i32
        %cond3A_90 = arith.constant 0 : i32
        %cond3A_91 = arith.cmpi ne, %convert_element_type3A_89, %cond3A_90 : i32
        scf.if %cond3A_91 {
          %dma_wait3A_180 = arith.constant 0 : i32
          %dma_wait3A_181 = tpu.memref_slice %arg28[%dma_wait3A_180] : memref<10240xf32, #tpu.memory_space<vmem_shared>> -> memref<10240xf32, #tpu.memory_space<vmem_shared>>
          tpu.wait_indirect_dma semaphore(%arg26 : memref<!tpu.dma_semaphore, #tpu.memory_space<semaphore_mem>>) src(%arg10 : memref<80xf32, #tpu.memory_space<vmem>>) dst(%dma_wait3A_181 : memref<10240xf32, #tpu.memory_space<vmem_shared>>)
        } else {
        }
        %dma_start3A_92 = arith.constant 0 : i32
        %dma_start3A_93 = tpu.memref_slice %arg28[%dma_start3A_92] : memref<10240xf32, #tpu.memory_space<vmem_shared>> -> memref<10240xf32, #tpu.memory_space<vmem_shared>>
        tpu.enqueue_indirect_dma source(%arg10 : memref<80xf32, #tpu.memory_space<vmem>>) target(%dma_start3A_93 : memref<10240xf32, #tpu.memory_space<vmem_shared>>) offsets(%arg11 : memref<80xi32, #tpu.memory_space<vmem>>) semaphore(%arg22 : memref<!tpu.dma_semaphore, #tpu.memory_space<semaphore_mem>>) {add = true}
        %add3A_94 = arith.constant 4 : i32
        %add3A_95 = arith.addi %add3A_85, %add3A_94 : i32
        %lt3A = arith.constant 250 : i32
        %lt3A_96 = arith.cmpi slt, %add3A_95, %lt3A : i32
        %convert_element_type3A_97 = arith.extui %lt3A_96 : i1 to i32
        %cond3A_98 = arith.constant 0 : i32
        %cond3A_99 = arith.cmpi ne, %convert_element_type3A_97, %cond3A_98 : i32
        scf.if %cond3A_99 {
          %add3A_180 = arith.constant 4 : i32
          %add3A_181 = arith.addi %add3A_85, %add3A_180 : i32
          %mul3A_182 = arith.constant 80 : i32
          %mul3A_183 = arith.muli %add3A_181, %mul3A_182 : i32
          %add3A_184 = arith.addi %mul3A_56, %mul3A_183 : i32
          %dma_start3A_185 = tpu.memref_slice %arg5[%add3A_184] : memref<320000xi32, #tpu.memory_space<hbm>> -> memref<80xi32, #tpu.memory_space<hbm>>
          %dma_start3A_186 = tpu.memref_slice %arg5[%add3A_184] : memref<320000xi32, #tpu.memory_space<hbm>> -> memref<80xi32, #tpu.memory_space<hbm>>
          tpu.enqueue_dma source(%dma_start3A_186 : memref<80xi32, #tpu.memory_space<hbm>>) target(%arg15 : memref<80xi32, #tpu.memory_space<vmem>>) target_semaphore(%arg21 : memref<!tpu.dma_semaphore, #tpu.memory_space<semaphore_mem>>)
        } else {
        }
        %mul3A_100 = arith.constant 5 : i32
        %mul3A_101 = arith.muli %mul3A_100, %scan3A_81 : i32
        %add3A_102 = arith.constant 1 : i32
        %add3A_103 = arith.addi %mul3A_101, %add3A_102 : i32
        %dma_wait3A_104 = tpu.memref_slice %arg5[%mul3A_56] : memref<320000xi32, #tpu.memory_space<hbm>> -> memref<80xi32, #tpu.memory_space<hbm>>
        %dma_wait3A_105 = tpu.memref_slice %arg5[%mul3A_56] : memref<320000xi32, #tpu.memory_space<hbm>> -> memref<80xi32, #tpu.memory_space<hbm>>
        tpu.wait_dma2 semaphore(%arg18 : memref<!tpu.dma_semaphore, #tpu.memory_space<semaphore_mem>>) src(%dma_wait3A_105 : memref<80xi32, #tpu.memory_space<hbm>>) dst(%arg12 : memref<80xi32, #tpu.memory_space<vmem>>)
        %ge3A_106 = arith.constant 1 : i32
        %ge3A_107 = arith.cmpi sge, %add3A_103, %ge3A_106 : i32
        %convert_element_type3A_108 = arith.extui %ge3A_107 : i1 to i32
        %cond3A_109 = arith.constant 0 : i32
        %cond3A_110 = arith.cmpi ne, %convert_element_type3A_108, %cond3A_109 : i32
        scf.if %cond3A_110 {
          %dma_wait3A_180 = arith.constant 0 : i32
          %dma_wait3A_181 = tpu.memref_slice %arg28[%dma_wait3A_180] : memref<10240xf32, #tpu.memory_space<vmem_shared>> -> memref<10240xf32, #tpu.memory_space<vmem_shared>>
          tpu.wait_indirect_dma semaphore(%arg22 : memref<!tpu.dma_semaphore, #tpu.memory_space<semaphore_mem>>) src(%arg10 : memref<80xf32, #tpu.memory_space<vmem>>) dst(%dma_wait3A_181 : memref<10240xf32, #tpu.memory_space<vmem_shared>>)
        } else {
        }
        %dma_start3A_111 = arith.constant 0 : i32
        %dma_start3A_112 = tpu.memref_slice %arg28[%dma_start3A_111] : memref<10240xf32, #tpu.memory_space<vmem_shared>> -> memref<10240xf32, #tpu.memory_space<vmem_shared>>
        tpu.enqueue_indirect_dma source(%arg10 : memref<80xf32, #tpu.memory_space<vmem>>) target(%dma_start3A_112 : memref<10240xf32, #tpu.memory_space<vmem_shared>>) offsets(%arg12 : memref<80xi32, #tpu.memory_space<vmem>>) semaphore(%arg23 : memref<!tpu.dma_semaphore, #tpu.memory_space<semaphore_mem>>) {add = true}
        %add3A_113 = arith.constant 4 : i32
        %add3A_114 = arith.addi %add3A_103, %add3A_113 : i32
        %lt3A_115 = arith.constant 250 : i32
        %lt3A_116 = arith.cmpi slt, %add3A_114, %lt3A_115 : i32
        %convert_element_type3A_117 = arith.extui %lt3A_116 : i1 to i32
        %cond3A_118 = arith.constant 0 : i32
        %cond3A_119 = arith.cmpi ne, %convert_element_type3A_117, %cond3A_118 : i32
        scf.if %cond3A_119 {
          %add3A_180 = arith.constant 4 : i32
          %add3A_181 = arith.addi %add3A_103, %add3A_180 : i32
          %mul3A_182 = arith.constant 80 : i32
          %mul3A_183 = arith.muli %add3A_181, %mul3A_182 : i32
          %add3A_184 = arith.addi %mul3A_56, %mul3A_183 : i32
          %dma_start3A_185 = tpu.memref_slice %arg5[%add3A_184] : memref<320000xi32, #tpu.memory_space<hbm>> -> memref<80xi32, #tpu.memory_space<hbm>>
          %dma_start3A_186 = tpu.memref_slice %arg5[%add3A_184] : memref<320000xi32, #tpu.memory_space<hbm>> -> memref<80xi32, #tpu.memory_space<hbm>>
          tpu.enqueue_dma source(%dma_start3A_186 : memref<80xi32, #tpu.memory_space<hbm>>) target(%arg11 : memref<80xi32, #tpu.memory_space<vmem>>) target_semaphore(%arg17 : memref<!tpu.dma_semaphore, #tpu.memory_space<semaphore_mem>>)
        } else {
        }
        %mul3A_120 = arith.constant 5 : i32
        %mul3A_121 = arith.muli %mul3A_120, %scan3A_81 : i32
        %add3A_122 = arith.constant 2 : i32
        %add3A_123 = arith.addi %mul3A_121, %add3A_122 : i32
        %dma_wait3A_124 = tpu.memref_slice %arg5[%mul3A_56] : memref<320000xi32, #tpu.memory_space<hbm>> -> memref<80xi32, #tpu.memory_space<hbm>>
        %dma_wait3A_125 = tpu.memref_slice %arg5[%mul3A_56] : memref<320000xi32, #tpu.memory_space<hbm>> -> memref<80xi32, #tpu.memory_space<hbm>>
        tpu.wait_dma2 semaphore(%arg19 : memref<!tpu.dma_semaphore, #tpu.memory_space<semaphore_mem>>) src(%dma_wait3A_125 : memref<80xi32, #tpu.memory_space<hbm>>) dst(%arg13 : memref<80xi32, #tpu.memory_space<vmem>>)
        %ge3A_126 = arith.constant 1 : i32
        %ge3A_127 = arith.cmpi sge, %add3A_123, %ge3A_126 : i32
        %convert_element_type3A_128 = arith.extui %ge3A_127 : i1 to i32
        %cond3A_129 = arith.constant 0 : i32
        %cond3A_130 = arith.cmpi ne, %convert_element_type3A_128, %cond3A_129 : i32
        scf.if %cond3A_130 {
          %dma_wait3A_180 = arith.constant 0 : i32
          %dma_wait3A_181 = tpu.memref_slice %arg28[%dma_wait3A_180] : memref<10240xf32, #tpu.memory_space<vmem_shared>> -> memref<10240xf32, #tpu.memory_space<vmem_shared>>
          tpu.wait_indirect_dma semaphore(%arg23 : memref<!tpu.dma_semaphore, #tpu.memory_space<semaphore_mem>>) src(%arg10 : memref<80xf32, #tpu.memory_space<vmem>>) dst(%dma_wait3A_181 : memref<10240xf32, #tpu.memory_space<vmem_shared>>)
        } else {
        }
        %dma_start3A_131 = arith.constant 0 : i32
        %dma_start3A_132 = tpu.memref_slice %arg28[%dma_start3A_131] : memref<10240xf32, #tpu.memory_space<vmem_shared>> -> memref<10240xf32, #tpu.memory_space<vmem_shared>>
        tpu.enqueue_indirect_dma source(%arg10 : memref<80xf32, #tpu.memory_space<vmem>>) target(%dma_start3A_132 : memref<10240xf32, #tpu.memory_space<vmem_shared>>) offsets(%arg13 : memref<80xi32, #tpu.memory_space<vmem>>) semaphore(%arg24 : memref<!tpu.dma_semaphore, #tpu.memory_space<semaphore_mem>>) {add = true}
        %add3A_133 = arith.constant 4 : i32
        %add3A_134 = arith.addi %add3A_123, %add3A_133 : i32
        %lt3A_135 = arith.constant 250 : i32
        %lt3A_136 = arith.cmpi slt, %add3A_134, %lt3A_135 : i32
        %convert_element_type3A_137 = arith.extui %lt3A_136 : i1 to i32
        %cond3A_138 = arith.constant 0 : i32
        %cond3A_139 = arith.cmpi ne, %convert_element_type3A_137, %cond3A_138 : i32
        scf.if %cond3A_139 {
          %add3A_180 = arith.constant 4 : i32
          %add3A_181 = arith.addi %add3A_123, %add3A_180 : i32
          %mul3A_182 = arith.constant 80 : i32
          %mul3A_183 = arith.muli %add3A_181, %mul3A_182 : i32
          %add3A_184 = arith.addi %mul3A_56, %mul3A_183 : i32
          %dma_start3A_185 = tpu.memref_slice %arg5[%add3A_184] : memref<320000xi32, #tpu.memory_space<hbm>> -> memref<80xi32, #tpu.memory_space<hbm>>
          %dma_start3A_186 = tpu.memref_slice %arg5[%add3A_184] : memref<320000xi32, #tpu.memory_space<hbm>> -> memref<80xi32, #tpu.memory_space<hbm>>
          tpu.enqueue_dma source(%dma_start3A_186 : memref<80xi32, #tpu.memory_space<hbm>>) target(%arg12 : memref<80xi32, #tpu.memory_space<vmem>>) target_semaphore(%arg18 : memref<!tpu.dma_semaphore, #tpu.memory_space<semaphore_mem>>)
        } else {
        }
        %mul3A_140 = arith.constant 5 : i32
        %mul3A_141 = arith.muli %mul3A_140, %scan3A_81 : i32
        %add3A_142 = arith.constant 3 : i32
        %add3A_143 = arith.addi %mul3A_141, %add3A_142 : i32
        %dma_wait3A_144 = tpu.memref_slice %arg5[%mul3A_56] : memref<320000xi32, #tpu.memory_space<hbm>> -> memref<80xi32, #tpu.memory_space<hbm>>
        %dma_wait3A_145 = tpu.memref_slice %arg5[%mul3A_56] : memref<320000xi32, #tpu.memory_space<hbm>> -> memref<80xi32, #tpu.memory_space<hbm>>
        tpu.wait_dma2 semaphore(%arg20 : memref<!tpu.dma_semaphore, #tpu.memory_space<semaphore_mem>>) src(%dma_wait3A_145 : memref<80xi32, #tpu.memory_space<hbm>>) dst(%arg14 : memref<80xi32, #tpu.memory_space<vmem>>)
        %ge3A_146 = arith.constant 1 : i32
        %ge3A_147 = arith.cmpi sge, %add3A_143, %ge3A_146 : i32
        %convert_element_type3A_148 = arith.extui %ge3A_147 : i1 to i32
        %cond3A_149 = arith.constant 0 : i32
        %cond3A_150 = arith.cmpi ne, %convert_element_type3A_148, %cond3A_149 : i32
        scf.if %cond3A_150 {
          %dma_wait3A_180 = arith.constant 0 : i32
          %dma_wait3A_181 = tpu.memref_slice %arg28[%dma_wait3A_180] : memref<10240xf32, #tpu.memory_space<vmem_shared>> -> memref<10240xf32, #tpu.memory_space<vmem_shared>>
          tpu.wait_indirect_dma semaphore(%arg24 : memref<!tpu.dma_semaphore, #tpu.memory_space<semaphore_mem>>) src(%arg10 : memref<80xf32, #tpu.memory_space<vmem>>) dst(%dma_wait3A_181 : memref<10240xf32, #tpu.memory_space<vmem_shared>>)
        } else {
        }
        %dma_start3A_151 = arith.constant 0 : i32
        %dma_start3A_152 = tpu.memref_slice %arg28[%dma_start3A_151] : memref<10240xf32, #tpu.memory_space<vmem_shared>> -> memref<10240xf32, #tpu.memory_space<vmem_shared>>
        tpu.enqueue_indirect_dma source(%arg10 : memref<80xf32, #tpu.memory_space<vmem>>) target(%dma_start3A_152 : memref<10240xf32, #tpu.memory_space<vmem_shared>>) offsets(%arg14 : memref<80xi32, #tpu.memory_space<vmem>>) semaphore(%arg25 : memref<!tpu.dma_semaphore, #tpu.memory_space<semaphore_mem>>) {add = true}
        %add3A_153 = arith.constant 4 : i32
        %add3A_154 = arith.addi %add3A_143, %add3A_153 : i32
        %lt3A_155 = arith.constant 250 : i32
        %lt3A_156 = arith.cmpi slt, %add3A_154, %lt3A_155 : i32
        %convert_element_type3A_157 = arith.extui %lt3A_156 : i1 to i32
        %cond3A_158 = arith.constant 0 : i32
        %cond3A_159 = arith.cmpi ne, %convert_element_type3A_157, %cond3A_158 : i32
        scf.if %cond3A_159 {
          %add3A_180 = arith.constant 4 : i32
          %add3A_181 = arith.addi %add3A_143, %add3A_180 : i32
          %mul3A_182 = arith.constant 80 : i32
          %mul3A_183 = arith.muli %add3A_181, %mul3A_182 : i32
          %add3A_184 = arith.addi %mul3A_56, %mul3A_183 : i32
          %dma_start3A_185 = tpu.memref_slice %arg5[%add3A_184] : memref<320000xi32, #tpu.memory_space<hbm>> -> memref<80xi32, #tpu.memory_space<hbm>>
          %dma_start3A_186 = tpu.memref_slice %arg5[%add3A_184] : memref<320000xi32, #tpu.memory_space<hbm>> -> memref<80xi32, #tpu.memory_space<hbm>>
          tpu.enqueue_dma source(%dma_start3A_186 : memref<80xi32, #tpu.memory_space<hbm>>) target(%arg13 : memref<80xi32, #tpu.memory_space<vmem>>) target_semaphore(%arg19 : memref<!tpu.dma_semaphore, #tpu.memory_space<semaphore_mem>>)
        } else {
        }
        %mul3A_160 = arith.constant 5 : i32
        %mul3A_161 = arith.muli %mul3A_160, %scan3A_81 : i32
        %add3A_162 = arith.constant 4 : i32
        %add3A_163 = arith.addi %mul3A_161, %add3A_162 : i32
        %dma_wait3A_164 = tpu.memref_slice %arg5[%mul3A_56] : memref<320000xi32, #tpu.memory_space<hbm>> -> memref<80xi32, #tpu.memory_space<hbm>>
        %dma_wait3A_165 = tpu.memref_slice %arg5[%mul3A_56] : memref<320000xi32, #tpu.memory_space<hbm>> -> memref<80xi32, #tpu.memory_space<hbm>>
        tpu.wait_dma2 semaphore(%arg21 : memref<!tpu.dma_semaphore, #tpu.memory_space<semaphore_mem>>) src(%dma_wait3A_165 : memref<80xi32, #tpu.memory_space<hbm>>) dst(%arg15 : memref<80xi32, #tpu.memory_space<vmem>>)
        %ge3A_166 = arith.constant 1 : i32
        %ge3A_167 = arith.cmpi sge, %add3A_163, %ge3A_166 : i32
        %convert_element_type3A_168 = arith.extui %ge3A_167 : i1 to i32
        %cond3A_169 = arith.constant 0 : i32
        %cond3A_170 = arith.cmpi ne, %convert_element_type3A_168, %cond3A_169 : i32
        scf.if %cond3A_170 {
          %dma_wait3A_180 = arith.constant 0 : i32
          %dma_wait3A_181 = tpu.memref_slice %arg28[%dma_wait3A_180] : memref<10240xf32, #tpu.memory_space<vmem_shared>> -> memref<10240xf32, #tpu.memory_space<vmem_shared>>
          tpu.wait_indirect_dma semaphore(%arg25 : memref<!tpu.dma_semaphore, #tpu.memory_space<semaphore_mem>>) src(%arg10 : memref<80xf32, #tpu.memory_space<vmem>>) dst(%dma_wait3A_181 : memref<10240xf32, #tpu.memory_space<vmem_shared>>)
        } else {
        }
        %dma_start3A_171 = arith.constant 0 : i32
        %dma_start3A_172 = tpu.memref_slice %arg28[%dma_start3A_171] : memref<10240xf32, #tpu.memory_space<vmem_shared>> -> memref<10240xf32, #tpu.memory_space<vmem_shared>>
        tpu.enqueue_indirect_dma source(%arg10 : memref<80xf32, #tpu.memory_space<vmem>>) target(%dma_start3A_172 : memref<10240xf32, #tpu.memory_space<vmem_shared>>) offsets(%arg15 : memref<80xi32, #tpu.memory_space<vmem>>) semaphore(%arg26 : memref<!tpu.dma_semaphore, #tpu.memory_space<semaphore_mem>>) {add = true}
        %add3A_173 = arith.constant 4 : i32
        %add3A_174 = arith.addi %add3A_163, %add3A_173 : i32
        %lt3A_175 = arith.constant 250 : i32
        %lt3A_176 = arith.cmpi slt, %add3A_174, %lt3A_175 : i32
        %convert_element_type3A_177 = arith.extui %lt3A_176 : i1 to i32
        %cond3A_178 = arith.constant 0 : i32
        %cond3A_179 = arith.cmpi ne, %convert_element_type3A_177, %cond3A_178 : i32
        scf.if %cond3A_179 {
          %add3A_180 = arith.constant 4 : i32
          %add3A_181 = arith.addi %add3A_163, %add3A_180 : i32
          %mul3A_182 = arith.constant 80 : i32
          %mul3A_183 = arith.muli %add3A_181, %mul3A_182 : i32
          %add3A_184 = arith.addi %mul3A_56, %mul3A_183 : i32
          %dma_start3A_185 = tpu.memref_slice %arg5[%add3A_184] : memref<320000xi32, #tpu.memory_space<hbm>> -> memref<80xi32, #tpu.memory_space<hbm>>
          %dma_start3A_186 = tpu.memref_slice %arg5[%add3A_184] : memref<320000xi32, #tpu.memory_space<hbm>> -> memref<80xi32, #tpu.memory_space<hbm>>
          tpu.enqueue_dma source(%dma_start3A_186 : memref<80xi32, #tpu.memory_space<hbm>>) target(%arg14 : memref<80xi32, #tpu.memory_space<vmem>>) target_semaphore(%arg20 : memref<!tpu.dma_semaphore, #tpu.memory_space<semaphore_mem>>)
        } else {
        }
      }
      %scan3A_78 = arith.constant 50 : i32
      %dma_wait3A_79 = arith.constant 0 : i32
      %dma_wait3A_80 = tpu.memref_slice %arg28[%dma_wait3A_79] : memref<10240xf32, #tpu.memory_space<vmem_shared>> -> memref<10240xf32, #tpu.memory_space<vmem_shared>>
      tpu.wait_indirect_dma semaphore(%arg26 : memref<!tpu.dma_semaphore, #tpu.memory_space<semaphore_mem>>) src(%arg10 : memref<80xf32, #tpu.memory_space<vmem>>) dst(%dma_wait3A_80 : memref<10240xf32, #tpu.memory_space<vmem_shared>>)
    } else {
    }
    %barrier3A_21 = arith.constant 0 : index
    tpu.barrier barrier_id(%barrier3A_21)
    %eq3A_22 = arith.constant 0 : i32
    %eq3A_23 = arith.cmpi eq, %arg0, %eq3A_22 : i32
    %convert_element_type3A_24 = arith.extui %eq3A_23 : i1 to i32
    %cond3A_25 = arith.constant 0 : i32
    %cond3A_26 = arith.cmpi ne, %convert_element_type3A_24, %cond3A_25 : i32
    scf.if %cond3A_26 {
      %mul3A_32 = arith.constant 640 : i32
      %mul3A_33 = arith.muli %arg1, %mul3A_32 : i32
      "tpu.region"() ({
        %run_scoped3A = tpu.sem_alloc : memref<!tpu.dma_semaphore, #tpu.memory_space<semaphore_mem>>
        %dma_start3A = tpu.memref_slice %arg27[%mul3A_33] : memref<10240xf32, #tpu.memory_space<vmem_shared>> -> memref<640xf32, #tpu.memory_space<vmem_shared>>
        %dma_start3A_34 = tpu.memref_slice %arg27[%mul3A_33] : memref<10240xf32, #tpu.memory_space<vmem_shared>> -> memref<640xf32, #tpu.memory_space<vmem_shared>>
        tpu.enqueue_dma source(%dma_start3A_34 : memref<640xf32, #tpu.memory_space<vmem_shared>>) target(%arg16 : memref<640xf32, #tpu.memory_space<vmem>>) target_semaphore(%run_scoped3A : memref<!tpu.dma_semaphore, #tpu.memory_space<semaphore_mem>>)
        %dma_wait3A = tpu.memref_slice %arg27[%mul3A_33] : memref<10240xf32, #tpu.memory_space<vmem_shared>> -> memref<640xf32, #tpu.memory_space<vmem_shared>>
        %dma_wait3A_35 = tpu.memref_slice %arg27[%mul3A_33] : memref<10240xf32, #tpu.memory_space<vmem_shared>> -> memref<640xf32, #tpu.memory_space<vmem_shared>>
        tpu.wait_dma2 semaphore(%run_scoped3A : memref<!tpu.dma_semaphore, #tpu.memory_space<semaphore_mem>>) src(%dma_wait3A_35 : memref<640xf32, #tpu.memory_space<vmem_shared>>) dst(%arg16 : memref<640xf32, #tpu.memory_space<vmem>>)
        tpu.yield
      }) : () -> ()
      "tpu.region"() ({
        %run_scoped3A = tpu.sem_alloc : memref<!tpu.dma_semaphore, #tpu.memory_space<semaphore_mem>>
        %dma_start3A = tpu.memref_slice %arg6[%mul3A_33] : memref<10240xf32, #tpu.memory_space<hbm>> -> memref<640xf32, #tpu.memory_space<hbm>>
        %dma_start3A_34 = tpu.memref_slice %arg6[%mul3A_33] : memref<10240xf32, #tpu.memory_space<hbm>> -> memref<640xf32, #tpu.memory_space<hbm>>
        tpu.enqueue_dma source(%arg16 : memref<640xf32, #tpu.memory_space<vmem>>) target(%dma_start3A_34 : memref<640xf32, #tpu.memory_space<hbm>>) target_semaphore(%run_scoped3A : memref<!tpu.dma_semaphore, #tpu.memory_space<semaphore_mem>>)
        %dma_wait3A = tpu.memref_slice %arg6[%mul3A_33] : memref<10240xf32, #tpu.memory_space<hbm>> -> memref<640xf32, #tpu.memory_space<hbm>>
        %dma_wait3A_35 = tpu.memref_slice %arg6[%mul3A_33] : memref<10240xf32, #tpu.memory_space<hbm>> -> memref<640xf32, #tpu.memory_space<hbm>>
        tpu.wait_dma2 semaphore(%run_scoped3A : memref<!tpu.dma_semaphore, #tpu.memory_space<semaphore_mem>>) src(%arg16 : memref<640xf32, #tpu.memory_space<vmem>>) dst(%dma_wait3A_35 : memref<640xf32, #tpu.memory_space<hbm>>)
        tpu.yield
      }) : () -> ()
      "tpu.region"() ({
        %run_scoped3A = tpu.sem_alloc : memref<!tpu.dma_semaphore, #tpu.memory_space<semaphore_mem>>
        %dma_start3A = tpu.memref_slice %arg28[%mul3A_33] : memref<10240xf32, #tpu.memory_space<vmem_shared>> -> memref<640xf32, #tpu.memory_space<vmem_shared>>
        %dma_start3A_34 = tpu.memref_slice %arg28[%mul3A_33] : memref<10240xf32, #tpu.memory_space<vmem_shared>> -> memref<640xf32, #tpu.memory_space<vmem_shared>>
        tpu.enqueue_dma source(%dma_start3A_34 : memref<640xf32, #tpu.memory_space<vmem_shared>>) target(%arg16 : memref<640xf32, #tpu.memory_space<vmem>>) target_semaphore(%run_scoped3A : memref<!tpu.dma_semaphore, #tpu.memory_space<semaphore_mem>>)
        %dma_wait3A = tpu.memref_slice %arg28[%mul3A_33] : memref<10240xf32, #tpu.memory_space<vmem_shared>> -> memref<640xf32, #tpu.memory_space<vmem_shared>>
        %dma_wait3A_35 = tpu.memref_slice %arg28[%mul3A_33] : memref<10240xf32, #tpu.memory_space<vmem_shared>> -> memref<640xf32, #tpu.memory_space<vmem_shared>>
        tpu.wait_dma2 semaphore(%run_scoped3A : memref<!tpu.dma_semaphore, #tpu.memory_space<semaphore_mem>>) src(%dma_wait3A_35 : memref<640xf32, #tpu.memory_space<vmem_shared>>) dst(%arg16 : memref<640xf32, #tpu.memory_space<vmem>>)
        tpu.yield
      }) : () -> ()
      "tpu.region"() ({
        %run_scoped3A = tpu.sem_alloc : memref<!tpu.dma_semaphore, #tpu.memory_space<semaphore_mem>>
        %dma_start3A = tpu.memref_slice %arg7[%mul3A_33] : memref<10240xf32, #tpu.memory_space<hbm>> -> memref<640xf32, #tpu.memory_space<hbm>>
        %dma_start3A_34 = tpu.memref_slice %arg7[%mul3A_33] : memref<10240xf32, #tpu.memory_space<hbm>> -> memref<640xf32, #tpu.memory_space<hbm>>
        tpu.enqueue_dma source(%arg16 : memref<640xf32, #tpu.memory_space<vmem>>) target(%dma_start3A_34 : memref<640xf32, #tpu.memory_space<hbm>>) target_semaphore(%run_scoped3A : memref<!tpu.dma_semaphore, #tpu.memory_space<semaphore_mem>>)
        %dma_wait3A = tpu.memref_slice %arg7[%mul3A_33] : memref<10240xf32, #tpu.memory_space<hbm>> -> memref<640xf32, #tpu.memory_space<hbm>>
        %dma_wait3A_35 = tpu.memref_slice %arg7[%mul3A_33] : memref<10240xf32, #tpu.memory_space<hbm>> -> memref<640xf32, #tpu.memory_space<hbm>>
        tpu.wait_dma2 semaphore(%run_scoped3A : memref<!tpu.dma_semaphore, #tpu.memory_space<semaphore_mem>>) src(%arg16 : memref<640xf32, #tpu.memory_space<vmem>>) dst(%dma_wait3A_35 : memref<640xf32, #tpu.memory_space<hbm>>)
        tpu.yield
      }) : () -> ()
    } else {
    }
    %eq3A_27 = arith.constant 1 : i32
    %eq3A_28 = arith.cmpi eq, %arg0, %eq3A_27 : i32
    %convert_element_type3A_29 = arith.extui %eq3A_28 : i1 to i32
    %cond3A_30 = arith.constant 0 : i32
    %cond3A_31 = arith.cmpi ne, %convert_element_type3A_29, %cond3A_30 : i32
    scf.if %cond3A_31 {
      %mul3A_32 = arith.constant 640 : i32
      %mul3A_33 = arith.muli %arg1, %mul3A_32 : i32
      "tpu.region"() ({
        %run_scoped3A = tpu.sem_alloc : memref<!tpu.dma_semaphore, #tpu.memory_space<semaphore_mem>>
        %dma_start3A = tpu.memref_slice %arg27[%mul3A_33] : memref<10240xf32, #tpu.memory_space<vmem_shared>> -> memref<640xf32, #tpu.memory_space<vmem_shared>>
        %dma_start3A_34 = tpu.memref_slice %arg27[%mul3A_33] : memref<10240xf32, #tpu.memory_space<vmem_shared>> -> memref<640xf32, #tpu.memory_space<vmem_shared>>
        tpu.enqueue_dma source(%dma_start3A_34 : memref<640xf32, #tpu.memory_space<vmem_shared>>) target(%arg16 : memref<640xf32, #tpu.memory_space<vmem>>) target_semaphore(%run_scoped3A : memref<!tpu.dma_semaphore, #tpu.memory_space<semaphore_mem>>)
        %dma_wait3A = tpu.memref_slice %arg27[%mul3A_33] : memref<10240xf32, #tpu.memory_space<vmem_shared>> -> memref<640xf32, #tpu.memory_space<vmem_shared>>
        %dma_wait3A_35 = tpu.memref_slice %arg27[%mul3A_33] : memref<10240xf32, #tpu.memory_space<vmem_shared>> -> memref<640xf32, #tpu.memory_space<vmem_shared>>
        tpu.wait_dma2 semaphore(%run_scoped3A : memref<!tpu.dma_semaphore, #tpu.memory_space<semaphore_mem>>) src(%dma_wait3A_35 : memref<640xf32, #tpu.memory_space<vmem_shared>>) dst(%arg16 : memref<640xf32, #tpu.memory_space<vmem>>)
        tpu.yield
      }) : () -> ()
      "tpu.region"() ({
        %run_scoped3A = tpu.sem_alloc : memref<!tpu.dma_semaphore, #tpu.memory_space<semaphore_mem>>
        %dma_start3A = tpu.memref_slice %arg8[%mul3A_33] : memref<10240xf32, #tpu.memory_space<hbm>> -> memref<640xf32, #tpu.memory_space<hbm>>
        %dma_start3A_34 = tpu.memref_slice %arg8[%mul3A_33] : memref<10240xf32, #tpu.memory_space<hbm>> -> memref<640xf32, #tpu.memory_space<hbm>>
        tpu.enqueue_dma source(%arg16 : memref<640xf32, #tpu.memory_space<vmem>>) target(%dma_start3A_34 : memref<640xf32, #tpu.memory_space<hbm>>) target_semaphore(%run_scoped3A : memref<!tpu.dma_semaphore, #tpu.memory_space<semaphore_mem>>)
        %dma_wait3A = tpu.memref_slice %arg8[%mul3A_33] : memref<10240xf32, #tpu.memory_space<hbm>> -> memref<640xf32, #tpu.memory_space<hbm>>
        %dma_wait3A_35 = tpu.memref_slice %arg8[%mul3A_33] : memref<10240xf32, #tpu.memory_space<hbm>> -> memref<640xf32, #tpu.memory_space<hbm>>
        tpu.wait_dma2 semaphore(%run_scoped3A : memref<!tpu.dma_semaphore, #tpu.memory_space<semaphore_mem>>) src(%arg16 : memref<640xf32, #tpu.memory_space<vmem>>) dst(%dma_wait3A_35 : memref<640xf32, #tpu.memory_space<hbm>>)
        tpu.yield
      }) : () -> ()
      "tpu.region"() ({
        %run_scoped3A = tpu.sem_alloc : memref<!tpu.dma_semaphore, #tpu.memory_space<semaphore_mem>>
        %dma_start3A = tpu.memref_slice %arg28[%mul3A_33] : memref<10240xf32, #tpu.memory_space<vmem_shared>> -> memref<640xf32, #tpu.memory_space<vmem_shared>>
        %dma_start3A_34 = tpu.memref_slice %arg28[%mul3A_33] : memref<10240xf32, #tpu.memory_space<vmem_shared>> -> memref<640xf32, #tpu.memory_space<vmem_shared>>
        tpu.enqueue_dma source(%dma_start3A_34 : memref<640xf32, #tpu.memory_space<vmem_shared>>) target(%arg16 : memref<640xf32, #tpu.memory_space<vmem>>) target_semaphore(%run_scoped3A : memref<!tpu.dma_semaphore, #tpu.memory_space<semaphore_mem>>)
        %dma_wait3A = tpu.memref_slice %arg28[%mul3A_33] : memref<10240xf32, #tpu.memory_space<vmem_shared>> -> memref<640xf32, #tpu.memory_space<vmem_shared>>
        %dma_wait3A_35 = tpu.memref_slice %arg28[%mul3A_33] : memref<10240xf32, #tpu.memory_space<vmem_shared>> -> memref<640xf32, #tpu.memory_space<vmem_shared>>
        tpu.wait_dma2 semaphore(%run_scoped3A : memref<!tpu.dma_semaphore, #tpu.memory_space<semaphore_mem>>) src(%dma_wait3A_35 : memref<640xf32, #tpu.memory_space<vmem_shared>>) dst(%arg16 : memref<640xf32, #tpu.memory_space<vmem>>)
        tpu.yield
      }) : () -> ()
      "tpu.region"() ({
        %run_scoped3A = tpu.sem_alloc : memref<!tpu.dma_semaphore, #tpu.memory_space<semaphore_mem>>
        %dma_start3A = tpu.memref_slice %arg9[%mul3A_33] : memref<10240xf32, #tpu.memory_space<hbm>> -> memref<640xf32, #tpu.memory_space<hbm>>
        %dma_start3A_34 = tpu.memref_slice %arg9[%mul3A_33] : memref<10240xf32, #tpu.memory_space<hbm>> -> memref<640xf32, #tpu.memory_space<hbm>>
        tpu.enqueue_dma source(%arg16 : memref<640xf32, #tpu.memory_space<vmem>>) target(%dma_start3A_34 : memref<640xf32, #tpu.memory_space<hbm>>) target_semaphore(%run_scoped3A : memref<!tpu.dma_semaphore, #tpu.memory_space<semaphore_mem>>)
        %dma_wait3A = tpu.memref_slice %arg9[%mul3A_33] : memref<10240xf32, #tpu.memory_space<hbm>> -> memref<640xf32, #tpu.memory_space<hbm>>
        %dma_wait3A_35 = tpu.memref_slice %arg9[%mul3A_33] : memref<10240xf32, #tpu.memory_space<hbm>> -> memref<640xf32, #tpu.memory_space<hbm>>
        tpu.wait_dma2 semaphore(%run_scoped3A : memref<!tpu.dma_semaphore, #tpu.memory_space<semaphore_mem>>) src(%arg16 : memref<640xf32, #tpu.memory_space<vmem>>) dst(%dma_wait3A_35 : memref<640xf32, #tpu.memory_space<hbm>>)
        tpu.yield
      }) : () -> ()
    } else {
    }
    return
  }
}

module attributes {stable_mosaic.version = 14 : i64} {
  func.func @_pre_body(%arg0: i32, %arg1: memref<1000x128xf32, #tpu.memory_space<vmem>>, %arg2: memref<128x128xf32, #tpu.memory_space<vmem>>, %arg3: memref<128x128xf32, #tpu.memory_space<vmem>>, %arg4: memref<1000x1xf32, #tpu.memory_space<vmem>>, %arg5: memref<1000x1xf32, #tpu.memory_space<vmem>>, %arg6: memref<1000x128xf32, #tpu.memory_space<vmem>>, %arg7: memref<1000x128xf32, #tpu.memory_space<vmem>>) attributes {dimension_semantics = [#tpu.dimension_semantics<arbitrary>], iteration_bounds = array<i64: 10>, scalar_prefetch = 0 : i64, scratch_operands = 0 : i64, tpu.core_type = #tpu.core_type<tc>, window_params = [{transform_indices = @transform_0, window_bounds = array<i64: 1000, 128>}, {pipeline_mode = #tpu.pipeline_mode<synchronous>, transform_indices = @transform_1, window_bounds = array<i64: 128, 128>}, {pipeline_mode = #tpu.pipeline_mode<synchronous>, transform_indices = @transform_2, window_bounds = array<i64: 128, 128>}, {transform_indices = @transform_3, window_bounds = array<i64: 1000, 1>}, {transform_indices = @transform_4, window_bounds = array<i64: 1000, 1>}, {transform_indices = @transform_5, window_bounds = array<i64: 1000, 128>}, {transform_indices = @transform_6, window_bounds = array<i64: 1000, 128>}]} {
    %get3A = arith.constant 0 : index
    %get3A_0 = arith.constant 0 : index
    %get3A_1 = vector.load %arg1[%get3A, %get3A_0] : memref<1000x128xf32, #tpu.memory_space<vmem>>, vector<1000x128xf32>
    %get3A_2 = arith.constant 0 : index
    %get3A_3 = arith.constant 0 : index
    %get3A_4 = vector.load %arg4[%get3A_2, %get3A_3] : memref<1000x1xf32, #tpu.memory_space<vmem>>, vector<1000x1xf32>
    %max3A = arith.constant 1.000000e+00 : f32
    %max3A_5 = vector.broadcast %max3A : f32 to vector<1000x1xf32>
    %max3A_6 = arith.maximumf %get3A_4, %max3A_5 : vector<1000x1xf32>
    %rsqrt3A = math.rsqrt %max3A_6 : vector<1000x1xf32>
    %get3A_7 = arith.constant 0 : index
    %get3A_8 = arith.constant 0 : index
    %get3A_9 = vector.load %arg5[%get3A_7, %get3A_8] : memref<1000x1xf32, #tpu.memory_space<vmem>>, vector<1000x1xf32>
    %max3A_10 = arith.constant 1.000000e+00 : f32
    %max3A_11 = vector.broadcast %max3A_10 : f32 to vector<1000x1xf32>
    %max3A_12 = arith.maximumf %get3A_9, %max3A_11 : vector<1000x1xf32>
    %rsqrt3A_13 = math.rsqrt %max3A_12 : vector<1000x1xf32>
    %mul3A = vector.broadcast %rsqrt3A : vector<1000x1xf32> to vector<1000x128xf32>
    %mul3A_14 = arith.mulf %get3A_1, %mul3A : vector<1000x128xf32>
    %get3A_15 = arith.constant 0 : index
    %get3A_16 = arith.constant 0 : index
    %get3A_17 = vector.load %arg2[%get3A_15, %get3A_16] : memref<128x128xf32, #tpu.memory_space<vmem>>, vector<128x128xf32>
    %dot_general3A = arith.constant dense<0.000000e+00> : vector<1000x128xf32>
    %dot_general3A_18 = tpu.matmul %mul3A_14, %get3A_17, %dot_general3A {dimension_numbers = #tpu.dot_dimension_numbers<[1], [0], [0], [1], [0, 0, 1, 1], [], []>, transpose_lhs_hint = false} : vector<1000x128xf32>, vector<128x128xf32>, vector<1000x128xf32> -> vector<1000x128xf32>
    %swap3A = arith.constant 0 : index
    %swap3A_19 = arith.constant 0 : index
    %swap3A_20 = vector.load %arg6[%swap3A, %swap3A_19] : memref<1000x128xf32, #tpu.memory_space<vmem>>, vector<1000x128xf32>
    tpu.vector_store %arg6[%swap3A, %swap3A_19], %dot_general3A_18 {strides = array<i32>} : memref<1000x128xf32, #tpu.memory_space<vmem>>, vector<1000x128xf32>,
    %mul3A_21 = vector.broadcast %rsqrt3A_13 : vector<1000x1xf32> to vector<1000x128xf32>
    %mul3A_22 = arith.mulf %get3A_1, %mul3A_21 : vector<1000x128xf32>
    %get3A_23 = arith.constant 0 : index
    %get3A_24 = arith.constant 0 : index
    %get3A_25 = vector.load %arg3[%get3A_23, %get3A_24] : memref<128x128xf32, #tpu.memory_space<vmem>>, vector<128x128xf32>
    %dot_general3A_26 = arith.constant dense<0.000000e+00> : vector<1000x128xf32>
    %dot_general3A_27 = tpu.matmul %mul3A_22, %get3A_25, %dot_general3A_26 {dimension_numbers = #tpu.dot_dimension_numbers<[1], [0], [0], [1], [0, 0, 1, 1], [], []>, transpose_lhs_hint = false} : vector<1000x128xf32>, vector<128x128xf32>, vector<1000x128xf32> -> vector<1000x128xf32>
    %swap3A_28 = arith.constant 0 : index
    %swap3A_29 = arith.constant 0 : index
    %swap3A_30 = vector.load %arg7[%swap3A_28, %swap3A_29] : memref<1000x128xf32, #tpu.memory_space<vmem>>, vector<1000x128xf32>
    tpu.vector_store %arg7[%swap3A_28, %swap3A_29], %dot_general3A_27 {strides = array<i32>} : memref<1000x128xf32, #tpu.memory_space<vmem>>, vector<1000x128xf32>,
    return
  }
  func.func @transform_0(%arg0: i32) -> (i32, i32) {
    %c0_i32 = arith.constant 0 : i32
    %c0_i32_0 = arith.constant 0 : i32
    return %arg0, %c0_i32 : i32, i32
  }
  func.func @transform_1(%arg0: i32) -> (i32, i32) {
    %c0_i32 = arith.constant 0 : i32
    %c0_i32_0 = arith.constant 0 : i32
    %c0_i32_1 = arith.constant 0 : i32
    return %c0_i32, %c0_i32_0 : i32, i32
  }
  func.func @transform_2(%arg0: i32) -> (i32, i32) {
    %c0_i32 = arith.constant 0 : i32
    %c0_i32_0 = arith.constant 0 : i32
    %c0_i32_1 = arith.constant 0 : i32
    return %c0_i32, %c0_i32_0 : i32, i32
  }
  func.func @transform_3(%arg0: i32) -> (i32, i32) {
    %c0_i32 = arith.constant 0 : i32
    %c0_i32_0 = arith.constant 0 : i32
    return %arg0, %c0_i32 : i32, i32
  }
  func.func @transform_4(%arg0: i32) -> (i32, i32) {
    %c0_i32 = arith.constant 0 : i32
    %c0_i32_0 = arith.constant 0 : i32
    return %arg0, %c0_i32 : i32, i32
  }
  func.func @transform_5(%arg0: i32) -> (i32, i32) {
    %c0_i32 = arith.constant 0 : i32
    %c0_i32_0 = arith.constant 0 : i32
    return %arg0, %c0_i32 : i32, i32
  }
  func.func @transform_6(%arg0: i32) -> (i32, i32) {
    %c0_i32 = arith.constant 0 : i32
    %c0_i32_0 = arith.constant 0 : i32
    return %arg0, %c0_i32 : i32, i32
  }
}

module attributes {stable_mosaic.version = 14 : i64} {
  func.func @_post_body(%arg0: i32, %arg1: memref<1000x128xf32, #tpu.memory_space<vmem>>, %arg2: memref<1000x128xf32, #tpu.memory_space<vmem>>, %arg3: memref<1000x1xf32, #tpu.memory_space<vmem>>, %arg4: memref<1000x1xf32, #tpu.memory_space<vmem>>, %arg5: memref<1x128xf32, #tpu.memory_space<vmem>>, %arg6: memref<1x128xf32, #tpu.memory_space<vmem>>, %arg7: memref<128x128xf32, #tpu.memory_space<vmem>>, %arg8: memref<1x128xf32, #tpu.memory_space<vmem>>, %arg9: memref<128x128xf32, #tpu.memory_space<vmem>>, %arg10: memref<1x128xf32, #tpu.memory_space<vmem>>, %arg11: memref<1000x128xf32, #tpu.memory_space<vmem>>, %arg12: memref<1000x128xf32, #tpu.memory_space<vmem>>, %arg13: memref<1000x128xf32, #tpu.memory_space<vmem>>) attributes {dimension_semantics = [#tpu.dimension_semantics<arbitrary>], iteration_bounds = array<i64: 10>, scalar_prefetch = 0 : i64, scratch_operands = 0 : i64, tpu.core_type = #tpu.core_type<tc>, window_params = [{transform_indices = @transform_0, window_bounds = array<i64: 1000, 128>}, {transform_indices = @transform_1, window_bounds = array<i64: 1000, 128>}, {transform_indices = @transform_2, window_bounds = array<i64: 1000, 1>}, {transform_indices = @transform_3, window_bounds = array<i64: 1000, 1>}, {pipeline_mode = #tpu.pipeline_mode<synchronous>, transform_indices = @transform_4, window_bounds = array<i64: 1, 128>}, {pipeline_mode = #tpu.pipeline_mode<synchronous>, transform_indices = @transform_5, window_bounds = array<i64: 1, 128>}, {pipeline_mode = #tpu.pipeline_mode<synchronous>, transform_indices = @transform_6, window_bounds = array<i64: 128, 128>}, {pipeline_mode = #tpu.pipeline_mode<synchronous>, transform_indices = @transform_7, window_bounds = array<i64: 1, 128>}, {pipeline_mode = #tpu.pipeline_mode<synchronous>, transform_indices = @transform_8, window_bounds = array<i64: 128, 128>}, {pipeline_mode = #tpu.pipeline_mode<synchronous>, transform_indices = @transform_9, window_bounds = array<i64: 1, 128>}, {transform_indices = @transform_10, window_bounds = array<i64: 1000, 128>}, {transform_indices = @transform_11, window_bounds = array<i64: 1000, 128>}, {transform_indices = @transform_12, window_bounds = array<i64: 1000, 128>}]} {
    %get3A = arith.constant 0 : index
    %get3A_0 = arith.constant 0 : index
    %get3A_1 = vector.load %arg3[%get3A, %get3A_0] : memref<1000x1xf32, #tpu.memory_space<vmem>>, vector<1000x1xf32>
    %max3A = arith.constant 1.000000e+00 : f32
    %max3A_2 = vector.broadcast %max3A : f32 to vector<1000x1xf32>
    %max3A_3 = arith.maximumf %get3A_1, %max3A_2 : vector<1000x1xf32>
    %rsqrt3A = math.rsqrt %max3A_3 : vector<1000x1xf32>
    %get3A_4 = arith.constant 0 : index
    %get3A_5 = arith.constant 0 : index
    %get3A_6 = vector.load %arg4[%get3A_4, %get3A_5] : memref<1000x1xf32, #tpu.memory_space<vmem>>, vector<1000x1xf32>
    %max3A_7 = arith.constant 1.000000e+00 : f32
    %max3A_8 = vector.broadcast %max3A_7 : f32 to vector<1000x1xf32>
    %max3A_9 = arith.maximumf %get3A_6, %max3A_8 : vector<1000x1xf32>
    %rsqrt3A_10 = math.rsqrt %max3A_9 : vector<1000x1xf32>
    %get3A_11 = arith.constant 0 : index
    %get3A_12 = arith.constant 0 : index
    %get3A_13 = vector.load %arg1[%get3A_11, %get3A_12] : memref<1000x128xf32, #tpu.memory_space<vmem>>, vector<1000x128xf32>
    %mul3A = vector.broadcast %rsqrt3A : vector<1000x1xf32> to vector<1000x128xf32>
    %mul3A_14 = arith.mulf %get3A_13, %mul3A : vector<1000x128xf32>
    %get3A_15 = arith.constant 0 : index
    %get3A_16 = arith.constant 0 : index
    %get3A_17 = vector.load %arg5[%get3A_15, %get3A_16] : memref<1x128xf32, #tpu.memory_space<vmem>>, vector<1x128xf32>
    %add3A = vector.broadcast %get3A_17 : vector<1x128xf32> to vector<1000x128xf32>
    %add3A_18 = arith.addf %mul3A_14, %add3A : vector<1000x128xf32>
    %max3A_19 = arith.constant 0.000000e+00 : f32
    %max3A_20 = vector.broadcast %max3A_19 : f32 to vector<1000x128xf32>
    %max3A_21 = arith.maximumf %add3A_18, %max3A_20 : vector<1000x128xf32>
    %get3A_22 = arith.constant 0 : index
    %get3A_23 = arith.constant 0 : index
    %get3A_24 = vector.load %arg2[%get3A_22, %get3A_23] : memref<1000x128xf32, #tpu.memory_space<vmem>>, vector<1000x128xf32>
    %mul3A_25 = vector.broadcast %rsqrt3A_10 : vector<1000x1xf32> to vector<1000x128xf32>
    %mul3A_26 = arith.mulf %get3A_24, %mul3A_25 : vector<1000x128xf32>
    %get3A_27 = arith.constant 0 : index
    %get3A_28 = arith.constant 0 : index
    %get3A_29 = vector.load %arg6[%get3A_27, %get3A_28] : memref<1x128xf32, #tpu.memory_space<vmem>>, vector<1x128xf32>
    %add3A_30 = vector.broadcast %get3A_29 : vector<1x128xf32> to vector<1000x128xf32>
    %add3A_31 = arith.addf %mul3A_26, %add3A_30 : vector<1000x128xf32>
    %max3A_32 = arith.constant 0.000000e+00 : f32
    %max3A_33 = vector.broadcast %max3A_32 : f32 to vector<1000x128xf32>
    %max3A_34 = arith.maximumf %add3A_31, %max3A_33 : vector<1000x128xf32>
    %swap3A = arith.constant 0 : index
    %swap3A_35 = arith.constant 0 : index
    %swap3A_36 = vector.load %arg12[%swap3A, %swap3A_35] : memref<1000x128xf32, #tpu.memory_space<vmem>>, vector<1000x128xf32>
    tpu.vector_store %arg12[%swap3A, %swap3A_35], %max3A_21 {strides = array<i32>} : memref<1000x128xf32, #tpu.memory_space<vmem>>, vector<1000x128xf32>,
    %swap3A_37 = arith.constant 0 : index
    %swap3A_38 = arith.constant 0 : index
    %swap3A_39 = vector.load %arg13[%swap3A_37, %swap3A_38] : memref<1000x128xf32, #tpu.memory_space<vmem>>, vector<1000x128xf32>
    tpu.vector_store %arg13[%swap3A_37, %swap3A_38], %max3A_34 {strides = array<i32>} : memref<1000x128xf32, #tpu.memory_space<vmem>>, vector<1000x128xf32>,
    %add3A_40 = arith.addf %max3A_21, %max3A_34 : vector<1000x128xf32>
    %get3A_41 = arith.constant 0 : index
    %get3A_42 = arith.constant 0 : index
    %get3A_43 = vector.load %arg7[%get3A_41, %get3A_42] : memref<128x128xf32, #tpu.memory_space<vmem>>, vector<128x128xf32>
    %dot_general3A = arith.constant dense<0.000000e+00> : vector<1000x128xf32>
    %dot_general3A_44 = tpu.matmul %add3A_40, %get3A_43, %dot_general3A {dimension_numbers = #tpu.dot_dimension_numbers<[1], [0], [0], [1], [0, 0, 1, 1], [], []>, transpose_lhs_hint = false} : vector<1000x128xf32>, vector<128x128xf32>, vector<1000x128xf32> -> vector<1000x128xf32>
    %get3A_45 = arith.constant 0 : index
    %get3A_46 = arith.constant 0 : index
    %get3A_47 = vector.load %arg8[%get3A_45, %get3A_46] : memref<1x128xf32, #tpu.memory_space<vmem>>, vector<1x128xf32>
    %add3A_48 = vector.broadcast %get3A_47 : vector<1x128xf32> to vector<1000x128xf32>
    %add3A_49 = arith.addf %dot_general3A_44, %add3A_48 : vector<1000x128xf32>
    %max3A_50 = arith.constant 0.000000e+00 : f32
    %max3A_51 = vector.broadcast %max3A_50 : f32 to vector<1000x128xf32>
    %max3A_52 = arith.maximumf %add3A_49, %max3A_51 : vector<1000x128xf32>
    %get3A_53 = arith.constant 0 : index
    %get3A_54 = arith.constant 0 : index
    %get3A_55 = vector.load %arg9[%get3A_53, %get3A_54] : memref<128x128xf32, #tpu.memory_space<vmem>>, vector<128x128xf32>
    %dot_general3A_56 = arith.constant dense<0.000000e+00> : vector<1000x128xf32>
    %dot_general3A_57 = tpu.matmul %max3A_52, %get3A_55, %dot_general3A_56 {dimension_numbers = #tpu.dot_dimension_numbers<[1], [0], [0], [1], [0, 0, 1, 1], [], []>, transpose_lhs_hint = false} : vector<1000x128xf32>, vector<128x128xf32>, vector<1000x128xf32> -> vector<1000x128xf32>
    %get3A_58 = arith.constant 0 : index
    %get3A_59 = arith.constant 0 : index
    %get3A_60 = vector.load %arg10[%get3A_58, %get3A_59] : memref<1x128xf32, #tpu.memory_space<vmem>>, vector<1x128xf32>
    %add3A_61 = vector.broadcast %get3A_60 : vector<1x128xf32> to vector<1000x128xf32>
    %add3A_62 = arith.addf %dot_general3A_57, %add3A_61 : vector<1000x128xf32>
    %swap3A_63 = arith.constant 0 : index
    %swap3A_64 = arith.constant 0 : index
    %swap3A_65 = vector.load %arg11[%swap3A_63, %swap3A_64] : memref<1000x128xf32, #tpu.memory_space<vmem>>, vector<1000x128xf32>
    tpu.vector_store %arg11[%swap3A_63, %swap3A_64], %add3A_62 {strides = array<i32>} : memref<1000x128xf32, #tpu.memory_space<vmem>>, vector<1000x128xf32>,
    return
  }
  func.func @transform_0(%arg0: i32) -> (i32, i32) {
    %c0_i32 = arith.constant 0 : i32
    %c0_i32_0 = arith.constant 0 : i32
    return %arg0, %c0_i32 : i32, i32
  }
  func.func @transform_1(%arg0: i32) -> (i32, i32) {
    %c0_i32 = arith.constant 0 : i32
    %c0_i32_0 = arith.constant 0 : i32
    return %arg0, %c0_i32 : i32, i32
  }
  func.func @transform_2(%arg0: i32) -> (i32, i32) {
    %c0_i32 = arith.constant 0 : i32
    %c0_i32_0 = arith.constant 0 : i32
    return %arg0, %c0_i32 : i32, i32
  }
  func.func @transform_3(%arg0: i32) -> (i32, i32) {
    %c0_i32 = arith.constant 0 : i32
    %c0_i32_0 = arith.constant 0 : i32
    return %arg0, %c0_i32 : i32, i32
  }
  func.func @transform_4(%arg0: i32) -> (i32, i32) {
    %c0_i32 = arith.constant 0 : i32
    %c0_i32_0 = arith.constant 0 : i32
    %c0_i32_1 = arith.constant 0 : i32
    return %c0_i32, %c0_i32_0 : i32, i32
  }
  func.func @transform_5(%arg0: i32) -> (i32, i32) {
    %c0_i32 = arith.constant 0 : i32
    %c0_i32_0 = arith.constant 0 : i32
    %c0_i32_1 = arith.constant 0 : i32
    return %c0_i32, %c0_i32_0 : i32, i32
  }
  func.func @transform_6(%arg0: i32) -> (i32, i32) {
    %c0_i32 = arith.constant 0 : i32
    %c0_i32_0 = arith.constant 0 : i32
    %c0_i32_1 = arith.constant 0 : i32
    return %c0_i32, %c0_i32_0 : i32, i32
  }
  func.func @transform_7(%arg0: i32) -> (i32, i32) {
    %c0_i32 = arith.constant 0 : i32
    %c0_i32_0 = arith.constant 0 : i32
    %c0_i32_1 = arith.constant 0 : i32
    return %c0_i32, %c0_i32_0 : i32, i32
  }
  func.func @transform_8(%arg0: i32) -> (i32, i32) {
    %c0_i32 = arith.constant 0 : i32
    %c0_i32_0 = arith.constant 0 : i32
    %c0_i32_1 = arith.constant 0 : i32
    return %c0_i32, %c0_i32_0 : i32, i32
  }
  func.func @transform_9(%arg0: i32) -> (i32, i32) {
    %c0_i32 = arith.constant 0 : i32
    %c0_i32_0 = arith.constant 0 : i32
    %c0_i32_1 = arith.constant 0 : i32
    return %c0_i32, %c0_i32_0 : i32, i32
  }
  func.func @transform_10(%arg0: i32) -> (i32, i32) {
    %c0_i32 = arith.constant 0 : i32
    %c0_i32_0 = arith.constant 0 : i32
    return %arg0, %c0_i32 : i32, i32
  }
  func.func @transform_11(%arg0: i32) -> (i32, i32) {
    %c0_i32 = arith.constant 0 : i32
    %c0_i32_0 = arith.constant 0 : i32
    return %arg0, %c0_i32 : i32, i32
  }
  func.func @transform_12(%arg0: i32) -> (i32, i32) {
    %c0_i32 = arith.constant 0 : i32
    %c0_i32_0 = arith.constant 0 : i32
    return %arg0, %c0_i32 : i32, i32
  }
}

</mosaic_0001>

<sc_bundles>
// kernel: kernel.6.cloned.1.call-start
scs
__scs_entry_jumppad:
0x0: {  	(pc) =	sbr.rel $0x88, $3  }
0x1: {  	(tag) =	ssettag $0x0;
	lr =	simm.s32 $0x1  }
0x2: {  	[smem:$0x3F96] =	sst lr;
	_ =	strace $0xD0000000  }
0x3: {  	_ = 	snop  }
0x4: {  	_ = 	snop  }
0x5: {  	_ = 	snop  }
0x6: {  	_ = 	snop  }
0x7: {  	_ = 	snop  }
__scs_overlays_trampoline_lowered:
0x8: {  	[smem:$0x3FA5] =	sst s0  }
0x9: {  	[smem:$0x3FA6] =	sst s1  }
0xa: {  	[smem:$0x3FA7] =	sst s2  }
0xb: {  	[smem:$0x3FA8] =	sst s3  }
0xc: {  	[smem:$0x3FA9] =	sst s4  }
0xd: {  	[smem:$0x3FAA] =	sst s5  }
0xe: {  	[smem:$0x3FAB] =	sst s6  }
0xf: {  	[smem:$0x3FAC] =	sst s7  }
0x10: {  	[smem:$0x3FAD] =	sst s8  }
0x11: {  	[smem:$0x3FAE] =	sst s9;
	s0 =	simm.s32 @!p0 $0x0  }
0x12: {  	s1 =	sld [smem:$0x3F94];
	s0 =	simm.s32 @p0 $0x1  }
0x13: {  	[smem:$0x3FAF] =	sst s0;
	s0 =	simm.s32 @!p1 $0x0  }
0x14: {  	s2 =	sld [smem:$0x3F93];
	s0 =	simm.s32 @p1 $0x1  }
0x15: {  	[smem:$0x3FB0] =	sst s0;
	s0 =	simm.s32 @!p2 $0x0  }
0x16: {  	s3 =	sld [smem:$0x3FDB];
	s0 =	simm.s32 @p2 $0x1  }
0x17: {  	s4 =	simm.s32 $0x1BF5;
	[smem:$0x3FB2] =	sst s0  }
0x18: {  	s0 =	sld [smem:$0x3F95];
	_ =	swait.ge [sflag:s4], $0x0  }
0x19: {  	s7 =	sld [smem:$0x3F96]  }
0x1a: {  	s8 =	sadd.s32 $0xFFFFE003, lr  }
0x1b: {  	s9 =	sadd.s32 $0xFFFFFEF7, lr;
	s5 =	simm.s32 $0xFFFFFFFF;
	p2 =	slt.u32 s8, $0xFFFFF086  }
0x1c: {  	p1 =	slt.u32 s9, $0xF7A;
	s5 =	simm.s32 @!p2 $0x0  }
0x1d: {  	s5 =	simm.s32 @p1 $0x1;
	p0 =	seq.s32 s7, s2  }
0x1e: {  	s7 =	smul.u32 @!p0 $0xF7A, s2;
	p2 =	seq.s32 @!p0 s5, $0x0  }
0x1f: {  	s9 =	smul.u32 $0xF7A, s1;
	s8 =	simm.s32 @!p0 $0x1BF5;
	p2 =	por !p2, p0  }
0x20: {  	[sflag:s8] =	ssyncset.s32 @!p0 $0xFFFFF086;
	s6 =	sadd.s32 @!p0 s3, s7;
	s7 =	simm.s32 @!p0 $0x108  }
0x21: {  	s3 =	sadd.s32 s3, s9;
	s6 =	sadd.s32 @!p0 $0x88, s6;
	s7 =	simm.s32 @p2 $0x1082  }
0x22: {  	[simem:s7], [sflag:s8] =	dma.local @!p0 [hbm:s6], $0xF7A  }
0x23: {  	s9 =	sor.u32 $0xD0000000, s2;
	s6 =	simm.s32 $0x108;
	_ =	swait.ge @!p0 [sflag:s8], $0x0  }
0x24: {  	s3 =	sadd.s32 $0x88, s3;
	s6 =	simm.s32 @!p1 $0x1082;
	[sflag:s4] =	ssyncset.s32 $0xFFFFF086  }
0x25: {  	[simem:s6], [sflag:s4] =	dma.local [hbm:s3], $0xF7A  }
0x26: {  	[smem:$0x3F96] =	sst s1;
	(tag) =	ssettag s2;
	_ =	strace s9  }
0x27: {  	s1 =	sld [smem:$0x3FA6]  }
0x28: {  	s2 =	sld [smem:$0x3FA7]  }
0x29: {  	s4 =	sld [smem:$0x3FA9]  }
0x2a: {  	p0 =	seq.s32 s5, $0x0;
	s5 =	sld [smem:$0x3FAA]  }
0x2b: {  	s6 =	sld [smem:$0x3FAB]  }
0x2c: {  	s7 =	sld [smem:$0x3FAC]  }
0x2d: {  	s3 =	simm.s32 $0x108;
	s8 =	sld [smem:$0x3FAD]  }
0x2e: {  	s3 =	simm.s32 @!p0 $0x1082;
	s9 =	sld [smem:$0x3FAE]  }
0x2f: {  	lr =	sadd.s32 s0, s3;
	s0 =	sld [smem:$0x3FA5]  }
0x30: {  	s3 =	sld [smem:$0x3FA8]  }
0x31: {  	[smem:$0x3FB1] =	sst s10  }
0x32: {  	s10 =	sld [smem:$0x3FAF];
	_ =	sdelay $0x3  }
0x33: {  	p0 =	seq.s32 s10, $0x1;
	s10 =	sld [smem:$0x3FB1];
	_ =	sdelay $0x3  }
0x34: {  	[smem:$0x3FB1] =	sst s10  }
0x35: {  	s10 =	sld [smem:$0x3FB0];
	_ =	sdelay $0x3  }
0x36: {  	p1 =	seq.s32 s10, $0x1;
	s10 =	sld [smem:$0x3FB1];
	_ =	sdelay $0x3  }
0x37: {  	[smem:$0x3FB1] =	sst s10  }
0x38: {  	s10 =	sld [smem:$0x3FB2]  }
0x39: {  	_ = 	snop;
	(pc) =	sbr.ind lr, $3  }
0x3a: {  	_ = 	snop  }
0x3b: {  	_ = 	snop  }
0x3c: {  	p2 =	seq.s32 s10, $0x1;
	s10 =	sld [smem:$0x3FB1]  }
0x3d: {  	_ =	shalt  }
0x3e: {  	_ =	shalt  }
0x3f: {  	_ =	shalt  }
0x40: {  	_ =	shalt  }
0x41: {  	_ =	shalt  }
0x42: {  	_ =	shalt  }
0x43: {  	_ =	shalt  }
0x44: {  	_ =	shalt  }
0x45: {  	_ =	shalt  }
0x46: {  	_ =	shalt  }
0x47: {  	_ =	shalt  }
0x48: {  	_ =	shalt  }
0x49: {  	_ =	shalt  }
0x4a: {  	_ =	shalt  }
0x4b: {  	_ =	shalt  }
0x4c: {  	_ =	shalt  }
0x4d: {  	_ =	shalt  }
0x4e: {  	_ =	shalt  }
0x4f: {  	_ =	shalt  }
0x50: {  	_ =	shalt  }
0x51: {  	_ =	shalt  }
0x52: {  	_ =	shalt  }
0x53: {  	_ =	shalt  }
0x54: {  	_ =	shalt  }
0x55: {  	_ =	shalt  }
0x56: {  	_ =	shalt  }
0x57: {  	_ =	shalt  }
0x58: {  	_ =	shalt  }
0x59: {  	_ =	shalt  }
0x5a: {  	_ =	shalt  }
0x5b: {  	_ =	shalt  }
0x5c: {  	_ =	shalt  }
0x5d: {  	_ =	shalt  }
0x5e: {  	_ =	shalt  }
0x5f: {  	_ =	shalt  }
0x60: {  	_ =	shalt  }
0x61: {  	_ =	shalt  }
0x62: {  	_ =	shalt  }
0x63: {  	_ =	shalt  }
0x64: {  	_ =	shalt  }
0x65: {  	_ =	shalt  }
0x66: {  	_ =	shalt  }
0x67: {  	_ =	shalt  }
0x68: {  	_ =	shalt  }
0x69: {  	_ =	shalt  }
0x6a: {  	_ =	shalt  }
0x6b: {  	_ =	shalt  }
0x6c: {  	_ =	shalt  }
0x6d: {  	_ =	shalt  }
0x6e: {  	_ =	shalt  }
0x6f: {  	_ =	shalt  }
0x70: {  	_ =	shalt  }
0x71: {  	_ =	shalt  }
0x72: {  	_ =	shalt  }
0x73: {  	_ =	shalt  }
0x74: {  	_ =	shalt  }
0x75: {  	_ =	shalt  }
0x76: {  	_ =	shalt  }
0x77: {  	_ =	shalt  }
0x78: {  	_ =	shalt  }
0x79: {  	_ =	shalt  }
0x7a: {  	_ =	shalt  }
0x7b: {  	_ =	shalt  }
0x7c: {  	_ =	shalt  }
0x7d: {  	_ =	shalt  }
0x7e: {  	_ =	shalt  }
0x7f: {  	_ =	shalt  }
0x80: {  	_ =	shalt  }
0x81: {  	_ =	shalt  }
0x82: {  	_ =	shalt  }
0x83: {  	_ =	shalt  }
0x84: {  	_ =	shalt  }
0x85: {  	_ =	shalt  }
0x86: {  	_ =	shalt  }
0x87: {  	_ =	shalt  }
.Lfunc_end0:
.L_simem_size_0:
called_computation_lowered:
.L_overlay_start_0:
0x88: {  	s2 =	sld [smem:$0x3FD9]  }
0x89: {  	s3 =	sld [smem:$0x3FFE];
	_ =	sdelay $0x1  }
0x8a: {  	s1 =	srdreg.scid  }
0x8b: {  	s0 =	sand.u32 $0x1, s1  }
0x8c: {  	s14 =	sshll.u32 s0, $0xA;
	s2 =	sadd.s32 s3, s2  }
0x8d: {  	s2 =	sadd.s32 s2, s14  }
0x8e: {  	[smem:$0x3FBD] =	sst s2  }
0x8f: {  	_ = 	snop  }
0x90: {  	s2 =	sld [smem:$0x3FD0];
	_ =	sdelay $0x2  }
0x91: {  	s15 =	simm.s32 $0xA;
	s4 =	simm.s32 $0x10  }
0x92: {  	[smem:s4], [sflag:s15] =	dma.local [hbm:s2], $0x1  }
0x93: {  	_ =	swait.eq [sflag:s15], $0x1  }
0x94: {  	s16 =	sld [smem:$0x10];
	[sflag:s15] =	ssyncset.done $0x0  }
0x95: {  	s17 =	sld [smem:$0x11];
	[sflag:s15] =	ssyncadd.s32 $0xFFFFFFFF  }
0x96: {  	s18 =	sld [smem:$0x12];
	(tm) =	ssettm $0x1  }
0x97: {  	s5 =	sld [smem:$0x3FFB];
	_ =	sdelay $0x3  }
0x98: {  	_ =	strace s5  }
0x99: {  	s5 =	sld [smem:$0x3FFC];
	_ =	sdelay $0x3  }
0x9a: {  	_ =	strace s5  }
0x9b: {  	s5 =	sld [smem:$0x3FFD];
	_ =	sdelay $0x3  }
0x9c: {  	_ =	strace s5  }
0x9d: {  	_ =	strace $0x8FFFFFFF  }
0x9e: {  	s19 =	sld [smem:$0x3FDB];
	_ =	sdelay $0x1  }
0x9f: {  	s6 =	simm.s32 $_scs_section_size  }
0xa0: {  	s7 =	simm.s32 $_size__tile_overlayer_lowered;
	s8 =	simm.s32 $_tile_overlayer_lowered  }
0xa1: {  	s22 =	simm.s32 $0x1BFF;
	s21 =	sshll.u32 s8, $0x1;
	s5 =	sadd.s32 s6, s19  }
0xa2: {  	s9 =	simm.s32 $0x0;
	s20 =	sshll.u32 s7, $0x1;
	s7 =	sadd.s32 s21, s5  }
0xa3: {  	[timem:s9], [sflag:s22] =	dma.local [hbm:s7], s20  }
0xa4: {  	_ =	swait.ge [sflag:s22], s20  }
0xa5: {  	s6 =	ssub.s32 $0x0, s20;
	[sflag:s22] =	ssyncset.done $0x0  }
0xa6: {  	[sflag:s22] =	ssyncadd.s32 s6;
	_ =	sdelay $0x1  }
0xa7: {  	s23 =	simm.s32 $0x1B8B  }
0xa8: {  	_ =	swait.ge [sflag:s23], $0x1  }
0xa9: {  	[sflag:s23] =	ssyncset.done $0x0  }
0xaa: {  	s25 =	simm.s32 $0x1B8E;
	s24 =	sld [smem:$0x3FFE];
	[sflag:s23] =	ssyncadd.s32 $0xFFFFFFFF  }
0xab: {  	s26 =	simm.s32 $execute0_lowered;
	[smem:$0x3FD2] =	sst s25  }
0xac: {  	s7 =	sshll.u32 s26, $0x1;
	_ =	strace $0x80000046;
	[dreg:$0x1] =	wrdreg $0xFFFFFFFF  }
0xad: {  	s28 =	simm.s32 $_size_execute0_lowered;
	s5 =	sadd.s32 s5, s7;
	[dreg:$0x0] =	wrdreg $0x0  }
0xae: {  	s7 =	sshll.u32 s28, $0x1;
	[dreg:$0x2] =	wrdreg s5  }
0xaf: {  	[dreg:$0x3] =	wrdreg s7  }
0xb0: {  	[dreg:$0x4] =	wrdreg $0xC0  }
0xb1: {  	_ =	task [dreg:s9], $0x5FFFF  }
0xb2: {  	[dreg:$0x1] =	wrdreg $0xFFFFFFFF  }
0xb3: {  	[dreg:$0x0] =	wrdreg $0x60  }
0xb4: {  	[dreg:$0x2] =	wrdreg s24  }
0xb5: {  	[dreg:$0x3] =	wrdreg s16  }
0xb6: {  	[dreg:$0x4] =	wrdreg s18  }
0xb7: {  	[dreg:$0x5] =	wrdreg s17  }
0xb8: {  	[dreg:$0x6] =	wrdreg $0x5800  }
0xb9: {  	[dreg:$0x7] =	wrdreg $0x8000  }
0xba: {  	[dreg:$0x8] =	wrdreg $0x9  }
0xbb: {  	_ =	task.clear_ibuf [dreg:s9], $0x9FFFF;
	_ =	strace $0x90000046  }
0xbc: {  	s29 =	simm.s32 $0x9;
	_ =	strace $0x80000048  }
0xbd: {  	_ =	swait.ge [sflag:s29], $0x1  }
0xbe: {  	[sflag:s29] =	ssyncadd.s32 $0xFFFFFFFF  }
0xbf: {  	_ =	strace $0x90000048  }
0xc0: {  	_ =	sfence  }
0xc1: {  	s30 =	sld [smem:$0x0];
	_ =	sdelay $0x2  }
0xc2: {  	s31 =	sshll.u32 s1, $0xD;
	s1 =	sshrl.u32 s1, $0x2  }
0xc3: {  	s3 =	sand.u32 $0x4000, s31;
	s1 =	sadd.s32 s1, s30  }
0xc4: {  	s0 =	sor.u32 s3, s0;
	s1 =	sshll.u32 s1, $0x11  }
0xc5: {  	s0 =	sor.u32 s1, s0  }
0xc6: {  	s0 =	sadd.s32 $0x8F2B, s0  }
0xc7: {  	[sflag:s0] =	ssyncadd.remote.s32 $0x1  }
0xc8: {  	_ =	sfence.sel $0xFFFF  }
0xc9: {  	[dreg:$0x0] =	wrdreg $0xFFFFFFFF;
	(pc) =	sbr.abs _section_cstart, $3  }
0xca: {  	[dreg:$0x1] =	wrdreg $0xFFFFFFFF  }
0xcb: {  	_ =	task.clear_ibuf [dreg:s9], $0x2FFFF;
	_ =	strace $0x9FFFFFFF  }
0xcc: {  	(tm) =	ssettm $0x7FFFFFFF  }
0xcd: {  	_ =	shalt  }
tec
execute0_lowered:
.L_overlay_start_1:
0x0: {  	(tag) =	ssettag $0x1  }
0x1: {  	s12 =	stileid.u32  }
0x2: {  	s0 =	rddreg [dreg:$0x0];
	s5 =	smul.u32 $0x4E20, s12  }
0x3: {  	s1 =	rddreg [dreg:$0x1];
	s3 =	srdreg.scid;
	s2 =	simm.s32 $0x0  }
0x4: {  	[smem:$0x7FF] =	sst s2;
	s9 =	sadd.s32 $0x2400, s0;
	s5 =	sshrl.u32 s5, $0x3  }
0x5: {  	s6 =	sadd.s32 $0xC200, s0;
	s7 =	sadd.s32 $0x16000, s0;
	s18 =	sadd.s32 s9, s5  }
0x6: {  	s19 =	sadd.s32 $0xA, s5;
	s22 =	sadd.s32 s1, s5;
	[dreg:$0x7] =	wrdreg s18  }
0x7: {  	s10 =	sadd.s32 $0x14, s5;
	s26 =	sadd.s32 s6, s5;
	[dreg:$0xb] =	wrdreg s22  }
0x8: {  	s21 =	sadd.s32 $0x1E, s5;
	s5 =	sadd.s32 s7, s5;
	[dreg:$0xf] =	wrdreg s26  }
0x9: {  	s3 =	sand.u32 $0x1, s3;
	[dreg:$0x12] =	wrdreg s5  }
0xa: {  	s16 =	smul.u32 $0x9C4, s12;
	s11 =	sadd.s32 s9, s19;
	s26 =	rddreg [dreg:$0x5]  }
0xb: {  	s4 =	ssub.s32 $0x2, s3;
	s20 =	sadd.s32 s9, s10;
	[dreg:$0x8] =	wrdreg s11  }
0xc: {  	p0 =	sne.s32 s3, $0x0;
	s13 =	sadd.s32 s9, s21;
	[dreg:$0x9] =	wrdreg s20  }
0xd: {  	s3 =	simm.s32 $0x80;
	s23 =	sadd.s32 s1, s19;
	[dreg:$0xa] =	wrdreg s13  }
0xe: {  	s8 =	sshrl.u32 s4, $0x1;
	s24 =	sadd.s32 s1, s10;
	[dreg:$0xc] =	wrdreg s23  }
0xf: {  	s4 =	ssub.s32 s4, s8;
	s25 =	sadd.s32 s1, s21;
	[dreg:$0xd] =	wrdreg s24  }
0x10: {  	s8 =	simm.s32 $0x50;
	s30 =	sadd.s32 s6, s19;
	[dreg:$0xe] =	wrdreg s25  }
0x11: {  	s31 =	sadd.s32 s6, s10;
	s14 =	sadd.s32 s7, s19;
	[dreg:$0x10] =	wrdreg s30  }
0x12: {  	s15 =	sadd.s32 s7, s10;
	s17 =	sadd.s32 s6, s21;
	[dreg:$0x11] =	wrdreg s31  }
0x13: {  	s18 =	sadd.s32 s7, s21;
	s22 =	sadd.s32 s16, s1;
	[dreg:$0x13] =	wrdreg s14  }
0x14: {  	s19 =	smul.u32 $0x280, s12;
	s21 =	sadd.s32 $0x1FE00, s0;
	[dreg:$0x14] =	wrdreg s15  }
0x15: {  	s0 =	sadd.s32 $0x20400, s0;
	s1 =	simm.s32 $0x300;
	[dreg:$0x15] =	wrdreg s17  }
0x16: {  	s5 =	simm.s32 $0x180;
	s10 =	simm.s32 $0x2;
	[dreg:$0x16] =	wrdreg s18  }
0x17: {  	s12 =	simm.s32 $0x4;
	s20 =	sadd.s32 s16, s9;
	s23 =	rddreg [dreg:$0x4]  }
0x18: {  	s24 =	sadd.s32 s16, s6;
	s25 =	sadd.s32 s16, s7;
	s31 =	smax.u32 s4, $0x1  }
0x19: {  	s4 =	simm.s32 $0x100;
	s6 =	simm.s32 $0x200;
	s7 =	simm.s32 $0x1  }
0x1a: {  	s9 =	simm.s32 $0x280;
	s11 =	simm.s32 $0x6;
	s13 =	simm.s32 $0x8  }
.Ltmp0:
0x1b: {  	_ =	strace $0x80000047;
	[dreg:$0x17] =	wrdreg s21;
	(pc) =	sbr.rel .LBB2_1-.Ltmp0, $4  }
0x1c: {  	s14 =	simm.s32 $0x5;
	s15 =	simm.s32 $0x9;
	[dreg:$0x18] =	wrdreg s0  }
0x1d: {  	s16 =	simm.s32 $0xA;
	s30 =	sshrl.u32 s19, $0x3;
	[dreg:$0x1b] =	wrdreg s31  }
0x1e: {  	s17 =	simm.s32 $0x0;
	s28 =	sadd.s32 s19, s26;
	[dreg:$0x1a] =	wrdreg s30  }
0x1f: {  	v0 =	vimm.f32 $0.0e+00;
	v1 =	vimm.f32 $1.000000000e+00;
	s29 =	sadd.s32 s19, s23;
	s19 =	simm.s32 $0xB;
	[dreg:$0x19] =	wrdreg s28  }
.LBB2_14:
0x20: {  	s28 =	rddreg [dreg:$0x3]  }
0x21: {  	s18 =	rddreg [dreg:$0x18]  }
.LBB2_15:
0x22: {  	_ =	swait.ge [sflag:s14], $0x50  }
0x23: {  	[sflag:s14] =	ssyncset.done $0x0  }
0x24: {  	[sflag:s14] =	ssyncadd.s32 $0xFFFFFFB0  }
0x25: {  	_ =	swait.ge [sflag:s15], $0x50  }
0x26: {  	[sflag:s15] =	ssyncset.done $0x0  }
0x27: {  	[sflag:s15] =	ssyncadd.s32 $0xFFFFFFB0  }
0x28: {  	[spmem:s26] =	stream.indirect.scatter.add.f32 [tilespmem:s2], [sflag:$0xA], $0x1, s9, s8, $0xb8;
	[tilespmem:$0xA80] =	vst v63  }
0x29: {  	_ =	swait.ge [sflag:s16], $0x50  }
0x2a: {  	[sflag:s16] =	ssyncset.done $0x0  }
0x2b: {  	[sflag:s16] =	ssyncadd.s32 $0xFFFFFFB0  }
0x2c: {  	[bflag:$0x0] =	sbarrier.arrive $0xFFFF  }
0x2d: {  	[tilespmem:s1], [sflag:$0xB] =	stream.linear.gather [spmem:s21], $0x280, $0x38;
	[tilespmem:$0xA80] =	vst v63  }
0x2e: {  	_ =	swait.ge [sflag:s19], $0x280  }
0x2f: {  	[sflag:s19] =	ssyncset.done $0x0;
	s31 =	rddreg [dreg:$0x1a]  }
0x30: {  	s0 =	sadd.s32 s28, s31;
	[sflag:s19] =	ssyncadd.s32 $0xFFFFFD80  }
0x31: {  	[hbm4b:s0+s2] =	stream.linear.scatter [tilespmem:s1], [sflag:$0xB], $0x280, $0x38;
	[tilespmem:$0xA80] =	vst v63  }
0x32: {  	_ =	swait.ge [sflag:s19], $0x280  }
0x33: {  	[sflag:s19] =	ssyncset.done $0x0  }
0x34: {  	s28 =	rddreg [dreg:$0x19];
	[sflag:s19] =	ssyncadd.s32 $0xFFFFFD80  }
0x35: {  	[tilespmem:s1], [sflag:$0xB] =	stream.linear.gather [spmem:s28], $0x280, $0x38;
	[tilespmem:$0xA80] =	vst v63  }
0x36: {  	_ =	swait.ge [sflag:s19], $0x280  }
0x37: {  	[sflag:s19] =	ssyncset.done $0x0  }
0x38: {  	s30 =	sadd.s32 s18, s31;
	[sflag:s19] =	ssyncadd.s32 $0xFFFFFD80  }
0x39: {  	[hbm4b:s30+s2] =	stream.linear.scatter [tilespmem:s1], [sflag:$0xB], $0x280, $0x38;
	[tilespmem:$0xA80] =	vst v63  }
0x3a: {  	_ =	swait.ge [sflag:s19], $0x280  }
0x3b: {  	s17 =	sadd.s32 $0x1, s17;
	s31 =	rddreg [dreg:$0x1b]  }
0x3c: {  	p1 =	sne.s32 s17, s31  }
.Ltmp1:
0x3d: {  	_ = 	snop;
	(pc) =	sbr.rel @!p1 .LBB2_16-.Ltmp1, $3  }
0x3e: {  	_ =	sdelay $0x1  }
0x3f: {  	[sflag:s19] =	ssyncset.done $0x0  }
0x40: {  	s29 =	smov.u32 s21;
	[sflag:s19] =	ssyncadd.s32 $0xFFFFFD80  }
.LBB2_1:
0x41: {  	[tilespmem:$0x300] =	vst v0  }
0x42: {  	[tilespmem:$0x310] =	vst v0  }
0x43: {  	[tilespmem:$0x320] =	vst v0  }
0x44: {  	[tilespmem:$0x330] =	vst v0  }
0x45: {  	[tilespmem:$0x340] =	vst v0  }
0x46: {  	[tilespmem:$0x350] =	vst v0  }
0x47: {  	[tilespmem:$0x360] =	vst v0  }
0x48: {  	[tilespmem:$0x370] =	vst v0  }
0x49: {  	[tilespmem:$0x380] =	vst v0  }
0x4a: {  	[tilespmem:$0x390] =	vst v0  }
0x4b: {  	[tilespmem:$0x3A0] =	vst v0  }
0x4c: {  	[tilespmem:$0x3B0] =	vst v0  }
0x4d: {  	[tilespmem:$0x3C0] =	vst v0  }
0x4e: {  	[tilespmem:$0x3D0] =	vst v0  }
0x4f: {  	[tilespmem:$0x3E0] =	vst v0  }
0x50: {  	[tilespmem:$0x3F0] =	vst v0  }
0x51: {  	[tilespmem:$0x400] =	vst v0  }
0x52: {  	[tilespmem:$0x410] =	vst v0  }
0x53: {  	[tilespmem:$0x420] =	vst v0  }
0x54: {  	[tilespmem:$0x430] =	vst v0  }
0x55: {  	[tilespmem:$0x440] =	vst v0  }
0x56: {  	[tilespmem:$0x450] =	vst v0  }
0x57: {  	[tilespmem:$0x460] =	vst v0  }
0x58: {  	[tilespmem:$0x470] =	vst v0  }
0x59: {  	[tilespmem:$0x480] =	vst v0  }
0x5a: {  	[tilespmem:$0x490] =	vst v0  }
0x5b: {  	[tilespmem:$0x4A0] =	vst v0  }
0x5c: {  	[tilespmem:$0x4B0] =	vst v0  }
0x5d: {  	[tilespmem:$0x4C0] =	vst v0  }
0x5e: {  	[tilespmem:$0x4D0] =	vst v0  }
0x5f: {  	[tilespmem:$0x4E0] =	vst v0  }
0x60: {  	[tilespmem:$0x4F0] =	vst v0  }
0x61: {  	[tilespmem:$0x500] =	vst v0  }
0x62: {  	[tilespmem:$0x510] =	vst v0  }
0x63: {  	[tilespmem:$0x520] =	vst v0  }
0x64: {  	[tilespmem:$0x530] =	vst v0  }
0x65: {  	[tilespmem:$0x540] =	vst v0  }
0x66: {  	[tilespmem:$0x550] =	vst v0  }
0x67: {  	[tilespmem:$0x560] =	vst v0  }
0x68: {  	[tilespmem:$0x570] =	vst v0  }
0x69: {  	[spmem:s29] =	stream.linear.scatter [tilespmem:s1], [sflag:$0xB], $0x280, $0x38;
	[tilespmem:$0xA80] =	vst v63  }
0x6a: {  	_ =	swait.ge [sflag:s19], $0x280  }
0x6b: {  	[sflag:s19] =	ssyncset.done $0x0  }
0x6c: {  	[sflag:s19] =	ssyncadd.s32 $0xFFFFFD80  }
0x6d: {  	[spmem:s28] =	stream.linear.scatter [tilespmem:s1], [sflag:$0xB], $0x280, $0x38;
	[tilespmem:$0xA80] =	vst v63  }
0x6e: {  	_ =	swait.ge [sflag:s19], $0x280  }
0x6f: {  	[sflag:s19] =	ssyncset.done $0x0  }
0x70: {  	[sflag:s19] =	ssyncadd.s32 $0xFFFFFD80  }
0x71: {  	[tilespmem:$0x0] =	vst v1  }
0x72: {  	[tilespmem:$0x10] =	vst v1  }
.Ltmp2:
0x73: {  	[tilespmem:$0x20] =	vst v1;
	(pc) =	sbr.rel @p0 .LBB2_9-.Ltmp2, $4  }
0x74: {  	[tilespmem:$0x30] =	vst v1  }
0x75: {  	[tilespmem:$0x40] =	vst v1  }
0x76: {  	[bflag:$0x0] =	sbarrier.arrive $0xFFFF  }
0x77: {  	s21 =	smov.u32 s29;
	s18 =	simm.s32 $0x0  }
0x78: {  	s0 =	rddreg [dreg:$0xf]  }
0x79: {  	[tilespmem:s3], [sflag:$0x1] =	stream.linear.gather [hbm4b:s0+s18], $0x50, $0x38;
	[tilespmem:$0xA80] =	vst v63  }
0x7a: {  	s29 =	rddreg [dreg:$0x10]  }
0x7b: {  	[tilespmem:s4], [sflag:$0x2] =	stream.linear.gather [hbm4b:s29+s18], $0x50, $0x38;
	[tilespmem:$0xA80] =	vst v63  }
0x7c: {  	s30 =	rddreg [dreg:$0x11]  }
0x7d: {  	[tilespmem:s5], [sflag:$0x3] =	stream.linear.gather [hbm4b:s30+s18], $0x50, $0x38;
	[tilespmem:$0xA80] =	vst v63  }
0x7e: {  	s31 =	rddreg [dreg:$0x15]  }
0x7f: {  	[tilespmem:s6], [sflag:$0x4] =	stream.linear.gather [hbm4b:s31+s18], $0x50, $0x38;
	[tilespmem:$0xA80] =	vst v63  }
.LBB2_3:
0x80: {  	_ =	swait.ge [sflag:s7], $0x50  }
0x81: {  	p1 =	seq.s32 s18, $0x0;
	[sflag:s7] =	ssyncset.done $0x0  }
0x82: {  	s28 =	simm.s32 @!p1 $0xA;
	[sflag:s7] =	ssyncadd.s32 $0xFFFFFFB0  }
0x83: {  	_ =	swait.ge @!p1 [sflag:s28], $0x50  }
0x84: {  	[sflag:s28] =	ssyncset.done @!p1 $0x0  }
0x85: {  	[sflag:s28] =	ssyncadd.s32 @!p1 $0xFFFFFFB0;
	s28 =	sadd.s32 s18, s24  }
0x86: {  	[spmem:s23] =	stream.indirect.scatter.add.f32 [tilespmem:s2], [sflag:$0x6], $0x1, s3, s8, $0xb8;
	[tilespmem:$0xA80] =	vst v63  }
0x87: {  	s29 =	sadd.s32 $0x28, s28  }
0x88: {  	[tilespmem:s9], [sflag:$0x5] =	stream.linear.gather [hbm4b:s29+s2], $0x50, $0x38;
	[tilespmem:$0xA80] =	vst v63  }
0x89: {  	_ =	swait.ge [sflag:s10], $0x50  }
0x8a: {  	[sflag:s10] =	ssyncset.done $0x0  }
0x8b: {  	[sflag:s10] =	ssyncadd.s32 $0xFFFFFFB0  }
0x8c: {  	_ =	swait.ge [sflag:s11], $0x50  }
0x8d: {  	p1 =	seq.s32 s18, $0x992;
	[sflag:s11] =	ssyncset.done $0x0  }
0x8e: {  	s29 =	simm.s32 @p1 $0x3;
	[sflag:s11] =	ssyncadd.s32 $0xFFFFFFB0  }
0x8f: {  	[spmem:s23] =	stream.indirect.scatter.add.f32 [tilespmem:s2], [sflag:$0x7], $0x1, s4, s8, $0xb8;
	[tilespmem:$0xA80] =	vst v63  }
0x90: {  	_ =	swait.ge @p1 [sflag:s29], $0x50  }
0x91: {  	[sflag:s29] =	ssyncset.done @p1 $0x0  }
0x92: {  	[sflag:s29] =	ssyncadd.s32 @p1 $0xFFFFFFB0;
	s29 =	simm.s32 @p1 $0x7  }
0x93: {  	_ =	swait.ge @p1 [sflag:s29], $0x50  }
0x94: {  	s0 =	simm.s32 @p1 $0x180;
	[sflag:s29] =	ssyncset.done @p1 $0x0  }
0x95: {  	s30 =	simm.s32 @p1 $0x0;
	[sflag:s29] =	ssyncadd.s32 @p1 $0xFFFFFFB0;
	s29 =	simm.s32 @p1 $0x50  }
0x96: {  	[spmem:s23] =	stream.indirect.scatter.add.f32 @p1 [tilespmem:s30], [sflag:$0x8], $0x1, s0, s29, $0xb8;
	[tilespmem:$0xA80] =	vst v63  }
0x97: {  	s0 =	sadd.s32 @!p1 s18, s24  }
0x98: {  	s31 =	simm.s32 @!p1 $0x80;
	s30 =	simm.s32 @!p1 $0x0;
	s29 =	sadd.s32 @!p1 $0x32, s0  }
0x99: {  	[tilespmem:s31], [sflag:$0x1] =	stream.linear.gather @!p1 [hbm4b:s29+s30], $0x50, $0x38;
	[tilespmem:$0xA80] =	vst v63  }
0x9a: {  	s29 =	simm.s32 @!p1 $0x3  }
0x9b: {  	_ =	swait.ge @!p1 [sflag:s29], $0x50  }
0x9c: {  	[sflag:s29] =	ssyncset.done @!p1 $0x0  }
0x9d: {  	[sflag:s29] =	ssyncadd.s32 @!p1 $0xFFFFFFB0;
	s29 =	simm.s32 @!p1 $0x7  }
0x9e: {  	_ =	swait.ge @!p1 [sflag:s29], $0x50  }
0x9f: {  	[sflag:s29] =	ssyncset.done @!p1 $0x0  }
0xa0: {  	s31 =	simm.s32 @!p1 $0x180;
	[sflag:s29] =	ssyncadd.s32 @!p1 $0xFFFFFFB0;
	s29 =	simm.s32 @!p1 $0x50  }
0xa1: {  	[spmem:s23] =	stream.indirect.scatter.add.f32 @!p1 [tilespmem:s30], [sflag:$0x8], $0x1, s31, s29, $0xb8;
	[tilespmem:$0xA80] =	vst v63  }
0xa2: {  	s0 =	sadd.s32 @!p1 $0x3C, s0;
	s29 =	simm.s32 @!p1 $0x100  }
0xa3: {  	[tilespmem:s29], [sflag:$0x2] =	stream.linear.gather @!p1 [hbm4b:s0+s30], $0x50, $0x38;
	[tilespmem:$0xA80] =	vst v63  }
0xa4: {  	_ =	swait.ge [sflag:s12], $0x50  }
0xa5: {  	[sflag:s12] =	ssyncset.done $0x0  }
.Ltmp3:
0xa6: {  	[sflag:s12] =	ssyncadd.s32 $0xFFFFFFB0;
	(pc) =	sbr.rel @p1 .LBB2_5-.Ltmp3, $4  }
0xa7: {  	_ =	swait.ge [sflag:s13], $0x50  }
0xa8: {  	[sflag:s13] =	ssyncset.done $0x0  }
0xa9: {  	[sflag:s13] =	ssyncadd.s32 $0xFFFFFFB0  }
0xaa: {  	[spmem:s23] =	stream.indirect.scatter.add.f32 [tilespmem:s2], [sflag:$0x9], $0x1, s6, s8, $0xb8;
	[tilespmem:$0xA80] =	vst v63  }
0xab: {  	s0 =	sadd.s32 $0x46, s28  }
0xac: {  	[tilespmem:s5], [sflag:$0x3] =	stream.linear.gather [hbm4b:s0+s2], $0x50, $0x38;
	[tilespmem:$0xA80] =	vst v63  }
0xad: {  	_ =	swait.ge [sflag:s14], $0x50  }
0xae: {  	[sflag:s14] =	ssyncset.done $0x0  }
0xaf: {  	[sflag:s14] =	ssyncadd.s32 $0xFFFFFFB0  }
0xb0: {  	_ =	swait.ge [sflag:s15], $0x50  }
.Ltmp4:
0xb1: {  	[sflag:s15] =	ssyncset.done $0x0;
	(pc) =	sbr.rel .LBB2_3-.Ltmp4, $4  }
0xb2: {  	[sflag:s15] =	ssyncadd.s32 $0xFFFFFFB0  }
0xb3: {  	[spmem:s23] =	stream.indirect.scatter.add.f32 [tilespmem:s2], [sflag:$0xA], $0x1, s9, s8, $0xb8;
	[tilespmem:$0xA80] =	vst v63  }
0xb4: {  	s31 =	sadd.s32 $0x50, s28;
	s18 =	sadd.s32 $0x32, s18  }
0xb5: {  	[tilespmem:s6], [sflag:$0x4] =	stream.linear.gather [hbm4b:s31+s2], $0x50, $0x38;
	[tilespmem:$0xA80] =	vst v63  }
.LBB2_9:
0xb6: {  	s0 =	rddreg [dreg:$0x7]  }
0xb7: {  	[tilespmem:s3], [sflag:$0x1] =	stream.linear.gather [hbm4b:s0+s18], $0x50, $0x38;
	[tilespmem:$0xA80] =	vst v63  }
0xb8: {  	s29 =	rddreg [dreg:$0x8]  }
0xb9: {  	[tilespmem:s4], [sflag:$0x2] =	stream.linear.gather [hbm4b:s29+s18], $0x50, $0x38;
	[tilespmem:$0xA80] =	vst v63  }
0xba: {  	s30 =	rddreg [dreg:$0x9]  }
0xbb: {  	[tilespmem:s5], [sflag:$0x3] =	stream.linear.gather [hbm4b:s30+s18], $0x50, $0x38;
	[tilespmem:$0xA80] =	vst v63  }
0xbc: {  	s31 =	rddreg [dreg:$0xa]  }
0xbd: {  	[tilespmem:s6], [sflag:$0x4] =	stream.linear.gather [hbm4b:s31+s18], $0x50, $0x38;
	[tilespmem:$0xA80] =	vst v63  }
.LBB2_10:
0xbe: {  	_ =	swait.ge [sflag:s7], $0x50  }
0xbf: {  	p1 =	seq.s32 s18, $0x0;
	[sflag:s7] =	ssyncset.done $0x0  }
0xc0: {  	s0 =	simm.s32 @!p1 $0xA;
	[sflag:s7] =	ssyncadd.s32 $0xFFFFFFB0  }
0xc1: {  	_ =	swait.ge @!p1 [sflag:s0], $0x50  }
0xc2: {  	[sflag:s0] =	ssyncset.done @!p1 $0x0  }
0xc3: {  	s28 =	sadd.s32 s18, s20;
	[sflag:s0] =	ssyncadd.s32 @!p1 $0xFFFFFFB0  }
0xc4: {  	[spmem:s23] =	stream.indirect.scatter.add.f32 [tilespmem:s2], [sflag:$0x6], $0x1, s3, s8, $0xb8;
	[tilespmem:$0xA80] =	vst v63  }
0xc5: {  	s31 =	sadd.s32 $0x28, s28  }
0xc6: {  	[tilespmem:s9], [sflag:$0x5] =	stream.linear.gather [hbm4b:s31+s2], $0x50, $0x38;
	[tilespmem:$0xA80] =	vst v63  }
0xc7: {  	_ =	swait.ge [sflag:s10], $0x50  }
0xc8: {  	[sflag:s10] =	ssyncset.done $0x0  }
0xc9: {  	[sflag:s10] =	ssyncadd.s32 $0xFFFFFFB0  }
0xca: {  	_ =	swait.ge [sflag:s11], $0x50  }
0xcb: {  	p1 =	seq.s32 s18, $0x992;
	[sflag:s11] =	ssyncset.done $0x0  }
0xcc: {  	s0 =	simm.s32 @p1 $0x3;
	[sflag:s11] =	ssyncadd.s32 $0xFFFFFFB0  }
0xcd: {  	[spmem:s23] =	stream.indirect.scatter.add.f32 [tilespmem:s2], [sflag:$0x7], $0x1, s4, s8, $0xb8;
	[tilespmem:$0xA80] =	vst v63  }
0xce: {  	_ =	swait.ge @p1 [sflag:s0], $0x50  }
0xcf: {  	[sflag:s0] =	ssyncset.done @p1 $0x0  }
0xd0: {  	[sflag:s0] =	ssyncadd.s32 @p1 $0xFFFFFFB0;
	s0 =	simm.s32 @p1 $0x7  }
0xd1: {  	_ =	swait.ge @p1 [sflag:s0], $0x50  }
0xd2: {  	s29 =	simm.s32 @p1 $0x180;
	[sflag:s0] =	ssyncset.done @p1 $0x0  }
0xd3: {  	s30 =	simm.s32 @p1 $0x0;
	[sflag:s0] =	ssyncadd.s32 @p1 $0xFFFFFFB0;
	s0 =	simm.s32 @p1 $0x50  }
0xd4: {  	[spmem:s23] =	stream.indirect.scatter.add.f32 @p1 [tilespmem:s30], [sflag:$0x8], $0x1, s29, s0, $0xb8;
	[tilespmem:$0xA80] =	vst v63  }
0xd5: {  	s0 =	sadd.s32 @!p1 s18, s20  }
0xd6: {  	s31 =	simm.s32 @!p1 $0x80;
	s30 =	simm.s32 @!p1 $0x0;
	s29 =	sadd.s32 @!p1 $0x32, s0  }
0xd7: {  	[tilespmem:s31], [sflag:$0x1] =	stream.linear.gather @!p1 [hbm4b:s29+s30], $0x50, $0x38;
	[tilespmem:$0xA80] =	vst v63  }
0xd8: {  	s29 =	simm.s32 @!p1 $0x3  }
0xd9: {  	_ =	swait.ge @!p1 [sflag:s29], $0x50  }
0xda: {  	[sflag:s29] =	ssyncset.done @!p1 $0x0  }
0xdb: {  	[sflag:s29] =	ssyncadd.s32 @!p1 $0xFFFFFFB0;
	s29 =	simm.s32 @!p1 $0x7  }
0xdc: {  	_ =	swait.ge @!p1 [sflag:s29], $0x50  }
0xdd: {  	[sflag:s29] =	ssyncset.done @!p1 $0x0  }
0xde: {  	s31 =	simm.s32 @!p1 $0x180;
	[sflag:s29] =	ssyncadd.s32 @!p1 $0xFFFFFFB0;
	s29 =	simm.s32 @!p1 $0x50  }
0xdf: {  	[spmem:s23] =	stream.indirect.scatter.add.f32 @!p1 [tilespmem:s30], [sflag:$0x8], $0x1, s31, s29, $0xb8;
	[tilespmem:$0xA80] =	vst v63  }
0xe0: {  	s0 =	sadd.s32 @!p1 $0x3C, s0;
	s29 =	simm.s32 @!p1 $0x100  }
0xe1: {  	[tilespmem:s29], [sflag:$0x2] =	stream.linear.gather @!p1 [hbm4b:s0+s30], $0x50, $0x38;
	[tilespmem:$0xA80] =	vst v63  }
0xe2: {  	_ =	swait.ge [sflag:s12], $0x50  }
0xe3: {  	[sflag:s12] =	ssyncset.done $0x0  }
.Ltmp5:
0xe4: {  	[sflag:s12] =	ssyncadd.s32 $0xFFFFFFB0;
	(pc) =	sbr.rel @p1 .LBB2_12-.Ltmp5, $4  }
0xe5: {  	_ =	swait.ge [sflag:s13], $0x50  }
0xe6: {  	[sflag:s13] =	ssyncset.done $0x0  }
0xe7: {  	[sflag:s13] =	ssyncadd.s32 $0xFFFFFFB0  }
0xe8: {  	[spmem:s23] =	stream.indirect.scatter.add.f32 [tilespmem:s2], [sflag:$0x9], $0x1, s6, s8, $0xb8;
	[tilespmem:$0xA80] =	vst v63  }
0xe9: {  	s0 =	sadd.s32 $0x46, s28  }
0xea: {  	[tilespmem:s5], [sflag:$0x3] =	stream.linear.gather [hbm4b:s0+s2], $0x50, $0x38;
	[tilespmem:$0xA80] =	vst v63  }
0xeb: {  	_ =	swait.ge [sflag:s14], $0x50  }
0xec: {  	[sflag:s14] =	ssyncset.done $0x0  }
0xed: {  	[sflag:s14] =	ssyncadd.s32 $0xFFFFFFB0  }
0xee: {  	_ =	swait.ge [sflag:s15], $0x50  }
.Ltmp6:
0xef: {  	[sflag:s15] =	ssyncset.done $0x0;
	(pc) =	sbr.rel .LBB2_10-.Ltmp6, $4  }
0xf0: {  	[sflag:s15] =	ssyncadd.s32 $0xFFFFFFB0  }
0xf1: {  	[spmem:s23] =	stream.indirect.scatter.add.f32 [tilespmem:s2], [sflag:$0xA], $0x1, s9, s8, $0xb8;
	[tilespmem:$0xA80] =	vst v63  }
0xf2: {  	s31 =	sadd.s32 $0x50, s28;
	s18 =	sadd.s32 $0x32, s18  }
0xf3: {  	[tilespmem:s6], [sflag:$0x4] =	stream.linear.gather [hbm4b:s31+s2], $0x50, $0x38;
	[tilespmem:$0xA80] =	vst v63  }
.LBB2_5:
0xf4: {  	_ =	swait.ge [sflag:s14], $0x50  }
0xf5: {  	[sflag:s14] =	ssyncset.done $0x0  }
0xf6: {  	[sflag:s14] =	ssyncadd.s32 $0xFFFFFFB0  }
0xf7: {  	_ =	swait.ge [sflag:s15], $0x50  }
0xf8: {  	[sflag:s15] =	ssyncset.done $0x0  }
0xf9: {  	s18 =	simm.s32 $0x0;
	[sflag:s15] =	ssyncadd.s32 $0xFFFFFFB0  }
0xfa: {  	[spmem:s23] =	stream.indirect.scatter.add.f32 [tilespmem:s18], [sflag:$0xA], $0x1, s9, s8, $0xb8;
	[tilespmem:$0xA80] =	vst v63  }
0xfb: {  	_ =	swait.ge [sflag:s16], $0x50  }
0xfc: {  	[sflag:s16] =	ssyncset.done $0x0  }
0xfd: {  	s0 =	rddreg [dreg:$0x12];
	[sflag:s16] =	ssyncadd.s32 $0xFFFFFFB0  }
0xfe: {  	[tilespmem:s3], [sflag:$0x1] =	stream.linear.gather [hbm4b:s0+s18], $0x50, $0x38;
	[tilespmem:$0xA80] =	vst v63  }
0xff: {  	s29 =	rddreg [dreg:$0x13]  }
0x100: {  	[tilespmem:s4], [sflag:$0x2] =	stream.linear.gather [hbm4b:s29+s18], $0x50, $0x38;
	[tilespmem:$0xA80] =	vst v63  }
0x101: {  	s30 =	rddreg [dreg:$0x14]  }
0x102: {  	[tilespmem:s5], [sflag:$0x3] =	stream.linear.gather [hbm4b:s30+s18], $0x50, $0x38;
	[tilespmem:$0xA80] =	vst v63  }
0x103: {  	s31 =	rddreg [dreg:$0x16]  }
0x104: {  	[tilespmem:s6], [sflag:$0x4] =	stream.linear.gather [hbm4b:s31+s18], $0x50, $0x38;
	[tilespmem:$0xA80] =	vst v63  }
.LBB2_6:
0x105: {  	_ =	swait.ge [sflag:s7], $0x50  }
0x106: {  	p1 =	seq.s32 s18, $0x0;
	[sflag:s7] =	ssyncset.done $0x0  }
0x107: {  	s0 =	simm.s32 @!p1 $0xA;
	[sflag:s7] =	ssyncadd.s32 $0xFFFFFFB0  }
0x108: {  	_ =	swait.ge @!p1 [sflag:s0], $0x50  }
0x109: {  	[sflag:s0] =	ssyncset.done @!p1 $0x0  }
0x10a: {  	s28 =	sadd.s32 s18, s25;
	[sflag:s0] =	ssyncadd.s32 @!p1 $0xFFFFFFB0  }
0x10b: {  	[spmem:s26] =	stream.indirect.scatter.add.f32 [tilespmem:s2], [sflag:$0x6], $0x1, s3, s8, $0xb8;
	[tilespmem:$0xA80] =	vst v63  }
0x10c: {  	s31 =	sadd.s32 $0x28, s28  }
0x10d: {  	[tilespmem:s9], [sflag:$0x5] =	stream.linear.gather [hbm4b:s31+s2], $0x50, $0x38;
	[tilespmem:$0xA80] =	vst v63  }
0x10e: {  	_ =	swait.ge [sflag:s10], $0x50  }
0x10f: {  	[sflag:s10] =	ssyncset.done $0x0  }
0x110: {  	[sflag:s10] =	ssyncadd.s32 $0xFFFFFFB0  }
0x111: {  	_ =	swait.ge [sflag:s11], $0x50  }
0x112: {  	p1 =	seq.s32 s18, $0x992;
	[sflag:s11] =	ssyncset.done $0x0  }
0x113: {  	s0 =	simm.s32 @p1 $0x3;
	[sflag:s11] =	ssyncadd.s32 $0xFFFFFFB0  }
0x114: {  	[spmem:s26] =	stream.indirect.scatter.add.f32 [tilespmem:s2], [sflag:$0x7], $0x1, s4, s8, $0xb8;
	[tilespmem:$0xA80] =	vst v63  }
0x115: {  	_ =	swait.ge @p1 [sflag:s0], $0x50  }
0x116: {  	[sflag:s0] =	ssyncset.done @p1 $0x0  }
0x117: {  	[sflag:s0] =	ssyncadd.s32 @p1 $0xFFFFFFB0;
	s0 =	simm.s32 @p1 $0x7  }
0x118: {  	_ =	swait.ge @p1 [sflag:s0], $0x50  }
0x119: {  	s29 =	simm.s32 @p1 $0x180;
	[sflag:s0] =	ssyncset.done @p1 $0x0  }
0x11a: {  	s30 =	simm.s32 @p1 $0x0;
	[sflag:s0] =	ssyncadd.s32 @p1 $0xFFFFFFB0;
	s0 =	simm.s32 @p1 $0x50  }
0x11b: {  	[spmem:s26] =	stream.indirect.scatter.add.f32 @p1 [tilespmem:s30], [sflag:$0x8], $0x1, s29, s0, $0xb8;
	[tilespmem:$0xA80] =	vst v63  }
0x11c: {  	s0 =	sadd.s32 @!p1 s18, s25  }
0x11d: {  	s31 =	simm.s32 @!p1 $0x80;
	s30 =	simm.s32 @!p1 $0x0;
	s29 =	sadd.s32 @!p1 $0x32, s0  }
0x11e: {  	[tilespmem:s31], [sflag:$0x1] =	stream.linear.gather @!p1 [hbm4b:s29+s30], $0x50, $0x38;
	[tilespmem:$0xA80] =	vst v63  }
0x11f: {  	s29 =	simm.s32 @!p1 $0x3  }
0x120: {  	_ =	swait.ge @!p1 [sflag:s29], $0x50  }
0x121: {  	[sflag:s29] =	ssyncset.done @!p1 $0x0  }
0x122: {  	[sflag:s29] =	ssyncadd.s32 @!p1 $0xFFFFFFB0;
	s29 =	simm.s32 @!p1 $0x7  }
0x123: {  	_ =	swait.ge @!p1 [sflag:s29], $0x50  }
0x124: {  	[sflag:s29] =	ssyncset.done @!p1 $0x0  }
0x125: {  	s31 =	simm.s32 @!p1 $0x180;
	[sflag:s29] =	ssyncadd.s32 @!p1 $0xFFFFFFB0;
	s29 =	simm.s32 @!p1 $0x50  }
0x126: {  	[spmem:s26] =	stream.indirect.scatter.add.f32 @!p1 [tilespmem:s30], [sflag:$0x8], $0x1, s31, s29, $0xb8;
	[tilespmem:$0xA80] =	vst v63  }
0x127: {  	s0 =	sadd.s32 @!p1 $0x3C, s0;
	s29 =	simm.s32 @!p1 $0x100  }
0x128: {  	[tilespmem:s29], [sflag:$0x2] =	stream.linear.gather @!p1 [hbm4b:s0+s30], $0x50, $0x38;
	[tilespmem:$0xA80] =	vst v63  }
0x129: {  	_ =	swait.ge [sflag:s12], $0x50  }
0x12a: {  	[sflag:s12] =	ssyncset.done $0x0  }
.Ltmp7:
0x12b: {  	[sflag:s12] =	ssyncadd.s32 $0xFFFFFFB0;
	(pc) =	sbr.rel @p1 .LBB2_7-.Ltmp7, $4  }
0x12c: {  	_ =	swait.ge [sflag:s13], $0x50  }
0x12d: {  	[sflag:s13] =	ssyncset.done $0x0  }
0x12e: {  	[sflag:s13] =	ssyncadd.s32 $0xFFFFFFB0  }
0x12f: {  	[spmem:s26] =	stream.indirect.scatter.add.f32 [tilespmem:s2], [sflag:$0x9], $0x1, s6, s8, $0xb8;
	[tilespmem:$0xA80] =	vst v63  }
0x130: {  	s0 =	sadd.s32 $0x46, s28  }
0x131: {  	[tilespmem:s5], [sflag:$0x3] =	stream.linear.gather [hbm4b:s0+s2], $0x50, $0x38;
	[tilespmem:$0xA80] =	vst v63  }
0x132: {  	_ =	swait.ge [sflag:s14], $0x50  }
0x133: {  	[sflag:s14] =	ssyncset.done $0x0  }
0x134: {  	[sflag:s14] =	ssyncadd.s32 $0xFFFFFFB0  }
0x135: {  	_ =	swait.ge [sflag:s15], $0x50  }
.Ltmp8:
0x136: {  	[sflag:s15] =	ssyncset.done $0x0;
	(pc) =	sbr.rel .LBB2_6-.Ltmp8, $4  }
0x137: {  	[sflag:s15] =	ssyncadd.s32 $0xFFFFFFB0  }
0x138: {  	[spmem:s26] =	stream.indirect.scatter.add.f32 [tilespmem:s2], [sflag:$0xA], $0x1, s9, s8, $0xb8;
	[tilespmem:$0xA80] =	vst v63  }
0x139: {  	s31 =	sadd.s32 $0x50, s28;
	s18 =	sadd.s32 $0x32, s18  }
0x13a: {  	[tilespmem:s6], [sflag:$0x4] =	stream.linear.gather [hbm4b:s31+s2], $0x50, $0x38;
	[tilespmem:$0xA80] =	vst v63  }
.LBB2_12:
0x13b: {  	_ =	swait.ge [sflag:s14], $0x50  }
0x13c: {  	[sflag:s14] =	ssyncset.done $0x0  }
0x13d: {  	[sflag:s14] =	ssyncadd.s32 $0xFFFFFFB0  }
0x13e: {  	_ =	swait.ge [sflag:s15], $0x50  }
0x13f: {  	[sflag:s15] =	ssyncset.done $0x0  }
0x140: {  	s18 =	simm.s32 $0x0;
	[sflag:s15] =	ssyncadd.s32 $0xFFFFFFB0  }
0x141: {  	[spmem:s23] =	stream.indirect.scatter.add.f32 [tilespmem:s18], [sflag:$0xA], $0x1, s9, s8, $0xb8;
	[tilespmem:$0xA80] =	vst v63  }
0x142: {  	_ =	swait.ge [sflag:s16], $0x50  }
0x143: {  	[sflag:s16] =	ssyncset.done $0x0  }
0x144: {  	s0 =	rddreg [dreg:$0xb];
	[sflag:s16] =	ssyncadd.s32 $0xFFFFFFB0  }
0x145: {  	[tilespmem:s3], [sflag:$0x1] =	stream.linear.gather [hbm4b:s0+s18], $0x50, $0x38;
	[tilespmem:$0xA80] =	vst v63  }
0x146: {  	s29 =	rddreg [dreg:$0xc]  }
0x147: {  	[tilespmem:s4], [sflag:$0x2] =	stream.linear.gather [hbm4b:s29+s18], $0x50, $0x38;
	[tilespmem:$0xA80] =	vst v63  }
0x148: {  	s30 =	rddreg [dreg:$0xd]  }
0x149: {  	[tilespmem:s5], [sflag:$0x3] =	stream.linear.gather [hbm4b:s30+s18], $0x50, $0x38;
	[tilespmem:$0xA80] =	vst v63  }
0x14a: {  	s31 =	rddreg [dreg:$0xe]  }
0x14b: {  	[tilespmem:s6], [sflag:$0x4] =	stream.linear.gather [hbm4b:s31+s18], $0x50, $0x38;
	[tilespmem:$0xA80] =	vst v63  }
.LBB2_13:
0x14c: {  	_ =	swait.ge [sflag:s7], $0x50  }
0x14d: {  	p1 =	seq.s32 s18, $0x0;
	[sflag:s7] =	ssyncset.done $0x0  }
0x14e: {  	s0 =	simm.s32 @!p1 $0xA;
	[sflag:s7] =	ssyncadd.s32 $0xFFFFFFB0  }
0x14f: {  	_ =	swait.ge @!p1 [sflag:s0], $0x50  }
0x150: {  	[sflag:s0] =	ssyncset.done @!p1 $0x0  }
0x151: {  	s28 =	sadd.s32 s18, s22;
	[sflag:s0] =	ssyncadd.s32 @!p1 $0xFFFFFFB0  }
0x152: {  	[spmem:s26] =	stream.indirect.scatter.add.f32 [tilespmem:s2], [sflag:$0x6], $0x1, s3, s8, $0xb8;
	[tilespmem:$0xA80] =	vst v63  }
0x153: {  	s31 =	sadd.s32 $0x28, s28  }
0x154: {  	[tilespmem:s9], [sflag:$0x5] =	stream.linear.gather [hbm4b:s31+s2], $0x50, $0x38;
	[tilespmem:$0xA80] =	vst v63  }
0x155: {  	_ =	swait.ge [sflag:s10], $0x50  }
0x156: {  	[sflag:s10] =	ssyncset.done $0x0  }
0x157: {  	[sflag:s10] =	ssyncadd.s32 $0xFFFFFFB0  }
0x158: {  	_ =	swait.ge [sflag:s11], $0x50  }
0x159: {  	p1 =	seq.s32 s18, $0x992;
	[sflag:s11] =	ssyncset.done $0x0  }
0x15a: {  	s0 =	simm.s32 @p1 $0x3;
	[sflag:s11] =	ssyncadd.s32 $0xFFFFFFB0  }
0x15b: {  	[spmem:s26] =	stream.indirect.scatter.add.f32 [tilespmem:s2], [sflag:$0x7], $0x1, s4, s8, $0xb8;
	[tilespmem:$0xA80] =	vst v63  }
0x15c: {  	_ =	swait.ge @p1 [sflag:s0], $0x50  }
0x15d: {  	[sflag:s0] =	ssyncset.done @p1 $0x0  }
0x15e: {  	[sflag:s0] =	ssyncadd.s32 @p1 $0xFFFFFFB0;
	s0 =	simm.s32 @p1 $0x7  }
0x15f: {  	_ =	swait.ge @p1 [sflag:s0], $0x50  }
0x160: {  	s29 =	simm.s32 @p1 $0x180;
	[sflag:s0] =	ssyncset.done @p1 $0x0  }
0x161: {  	s30 =	simm.s32 @p1 $0x0;
	[sflag:s0] =	ssyncadd.s32 @p1 $0xFFFFFFB0;
	s0 =	simm.s32 @p1 $0x50  }
0x162: {  	[spmem:s26] =	stream.indirect.scatter.add.f32 @p1 [tilespmem:s30], [sflag:$0x8], $0x1, s29, s0, $0xb8;
	[tilespmem:$0xA80] =	vst v63  }
0x163: {  	s0 =	sadd.s32 @!p1 s18, s22  }
0x164: {  	s31 =	simm.s32 @!p1 $0x80;
	s30 =	simm.s32 @!p1 $0x0;
	s29 =	sadd.s32 @!p1 $0x32, s0  }
0x165: {  	[tilespmem:s31], [sflag:$0x1] =	stream.linear.gather @!p1 [hbm4b:s29+s30], $0x50, $0x38;
	[tilespmem:$0xA80] =	vst v63  }
0x166: {  	s29 =	simm.s32 @!p1 $0x3  }
0x167: {  	_ =	swait.ge @!p1 [sflag:s29], $0x50  }
0x168: {  	[sflag:s29] =	ssyncset.done @!p1 $0x0  }
0x169: {  	[sflag:s29] =	ssyncadd.s32 @!p1 $0xFFFFFFB0;
	s29 =	simm.s32 @!p1 $0x7  }
0x16a: {  	_ =	swait.ge @!p1 [sflag:s29], $0x50  }
0x16b: {  	[sflag:s29] =	ssyncset.done @!p1 $0x0  }
0x16c: {  	s31 =	simm.s32 @!p1 $0x180;
	[sflag:s29] =	ssyncadd.s32 @!p1 $0xFFFFFFB0;
	s29 =	simm.s32 @!p1 $0x50  }
0x16d: {  	[spmem:s26] =	stream.indirect.scatter.add.f32 @!p1 [tilespmem:s30], [sflag:$0x8], $0x1, s31, s29, $0xb8;
	[tilespmem:$0xA80] =	vst v63  }
0x16e: {  	s0 =	sadd.s32 @!p1 $0x3C, s0;
	s29 =	simm.s32 @!p1 $0x100  }
0x16f: {  	[tilespmem:s29], [sflag:$0x2] =	stream.linear.gather @!p1 [hbm4b:s0+s30], $0x50, $0x38;
	[tilespmem:$0xA80] =	vst v63  }
0x170: {  	_ =	swait.ge [sflag:s12], $0x50  }
0x171: {  	[sflag:s12] =	ssyncset.done $0x0  }
.Ltmp9:
0x172: {  	[sflag:s12] =	ssyncadd.s32 $0xFFFFFFB0;
	(pc) =	sbr.rel @p1 .LBB2_14-.Ltmp9, $4  }
0x173: {  	_ =	swait.ge [sflag:s13], $0x50  }
0x174: {  	[sflag:s13] =	ssyncset.done $0x0  }
0x175: {  	[sflag:s13] =	ssyncadd.s32 $0xFFFFFFB0  }
0x176: {  	[spmem:s26] =	stream.indirect.scatter.add.f32 [tilespmem:s2], [sflag:$0x9], $0x1, s6, s8, $0xb8;
	[tilespmem:$0xA80] =	vst v63  }
0x177: {  	s0 =	sadd.s32 $0x46, s28  }
0x178: {  	[tilespmem:s5], [sflag:$0x3] =	stream.linear.gather [hbm4b:s0+s2], $0x50, $0x38;
	[tilespmem:$0xA80] =	vst v63  }
0x179: {  	_ =	swait.ge [sflag:s14], $0x50  }
0x17a: {  	[sflag:s14] =	ssyncset.done $0x0  }
0x17b: {  	[sflag:s14] =	ssyncadd.s32 $0xFFFFFFB0  }
0x17c: {  	_ =	swait.ge [sflag:s15], $0x50  }
.Ltmp10:
0x17d: {  	[sflag:s15] =	ssyncset.done $0x0;
	(pc) =	sbr.rel .LBB2_13-.Ltmp10, $4  }
0x17e: {  	[sflag:s15] =	ssyncadd.s32 $0xFFFFFFB0  }
0x17f: {  	[spmem:s26] =	stream.indirect.scatter.add.f32 [tilespmem:s2], [sflag:$0xA], $0x1, s9, s8, $0xb8;
	[tilespmem:$0xA80] =	vst v63  }
0x180: {  	s31 =	sadd.s32 $0x50, s28;
	s18 =	sadd.s32 $0x32, s18  }
0x181: {  	[tilespmem:s6], [sflag:$0x4] =	stream.linear.gather [hbm4b:s31+s2], $0x50, $0x38;
	[tilespmem:$0xA80] =	vst v63  }
.LBB2_7:
.Ltmp11:
0x182: {  	(pc) =	sbr.rel .LBB2_15-.Ltmp11, $3  }
0x183: {  	_ =	sdelay $0x1  }
0x184: {  	s28 =	rddreg [dreg:$0x2]  }
0x185: {  	s18 =	rddreg [dreg:$0x17]  }
.LBB2_16:
0x186: {  	_ =	sfence.sel $0x180000  }
0x187: {  	[bflag:$0x0] =	sbarrier.arrive $0xFFFF  }
0x188: {  	_ =	strace $0x90000047  }
0x189: {  	s0 =	stileid.u32;
	[bflag:$0x2] =	sbarrier.arrive $0xFFFF  }
0x18a: {  	p0 =	sne.s32 s0, $0x0;
	s0 =	rddreg [dreg:$0x6]  }
0x18b: {  	s0 =	sadd.s32 @!p0 $0x100000, s0  }
0x18c: {  	[sflag:s0] =	ssyncadd.tile.s32 @!p0 $0x1;
	_ =	shalt  }
.Lfunc_end2:
_tile_overlayer_lowered:
.L_overlay_start_2:
0x18d: {  	(tag) =	ssettag $0x2  }
0x18e: {  	s0 =	rddreg [dreg:$0x0];
	s2 =	stileid.u32  }
0x18f: {  	s1 =	rddreg [dreg:$0x1];
	p0 =	sne.s32 s2, $0x0  }
0x190: {  	s3 =	rddreg [dreg:$0x2];
	[bflag:$0x3] =	sbarrier.arrive $0xFFFF;
	s2 =	simm.s32 @!p0 $0x1C0B  }
0x191: {  	[timem:s3], [sflag:s2] =	dma.local @!p0 [hbm:s0], s1  }
0x192: {  	s0 =	simm.s32 @!p0 $0xB  }
0x193: {  	_ =	swait.ge @!p0 [sflag:s0], s1  }
0x194: {  	s1 =	ssub.s32 @!p0 $0x0, s1;
	[sflag:s0] =	ssyncset.done @!p0 $0x0  }
0x195: {  	[sflag:s0] =	ssyncadd.s32 @!p0 s1  }
0x196: {  	[bflag:$0x3] =	sbarrier.arrive $0xFFFF  }
0x197: {  	_ =	shalt  }

// kernel: kernel.9.cloned.1.call-start
scs
__scs_entry_jumppad:
0x0: {  	(pc) =	sbr.rel $0x88, $3  }
0x1: {  	(tag) =	ssettag $0x0;
	lr =	simm.s32 $0x1  }
0x2: {  	[smem:$0x3F96] =	sst lr;
	_ =	strace $0xD0000000  }
0x3: {  	_ = 	snop  }
0x4: {  	_ = 	snop  }
0x5: {  	_ = 	snop  }
0x6: {  	_ = 	snop  }
0x7: {  	_ = 	snop  }
__scs_overlays_trampoline_lowered:
0x8: {  	[smem:$0x3FA5] =	sst s0  }
0x9: {  	[smem:$0x3FA6] =	sst s1  }
0xa: {  	[smem:$0x3FA7] =	sst s2  }
0xb: {  	[smem:$0x3FA8] =	sst s3  }
0xc: {  	[smem:$0x3FA9] =	sst s4  }
0xd: {  	[smem:$0x3FAA] =	sst s5  }
0xe: {  	[smem:$0x3FAB] =	sst s6  }
0xf: {  	[smem:$0x3FAC] =	sst s7  }
0x10: {  	[smem:$0x3FAD] =	sst s8  }
0x11: {  	[smem:$0x3FAE] =	sst s9;
	s0 =	simm.s32 @!p0 $0x0  }
0x12: {  	s1 =	sld [smem:$0x3F94];
	s0 =	simm.s32 @p0 $0x1  }
0x13: {  	[smem:$0x3FAF] =	sst s0;
	s0 =	simm.s32 @!p1 $0x0  }
0x14: {  	s2 =	sld [smem:$0x3F93];
	s0 =	simm.s32 @p1 $0x1  }
0x15: {  	[smem:$0x3FB0] =	sst s0;
	s0 =	simm.s32 @!p2 $0x0  }
0x16: {  	s3 =	sld [smem:$0x3FDB];
	s0 =	simm.s32 @p2 $0x1  }
0x17: {  	s4 =	simm.s32 $0x1BF5;
	[smem:$0x3FB2] =	sst s0  }
0x18: {  	s0 =	sld [smem:$0x3F95];
	_ =	swait.ge [sflag:s4], $0x0  }
0x19: {  	s7 =	sld [smem:$0x3F96]  }
0x1a: {  	s8 =	sadd.s32 $0xFFFFE003, lr  }
0x1b: {  	s9 =	sadd.s32 $0xFFFFFEF7, lr;
	s5 =	simm.s32 $0xFFFFFFFF;
	p2 =	slt.u32 s8, $0xFFFFF086  }
0x1c: {  	p1 =	slt.u32 s9, $0xF7A;
	s5 =	simm.s32 @!p2 $0x0  }
0x1d: {  	s5 =	simm.s32 @p1 $0x1;
	p0 =	seq.s32 s7, s2  }
0x1e: {  	s7 =	smul.u32 @!p0 $0xF7A, s2;
	p2 =	seq.s32 @!p0 s5, $0x0  }
0x1f: {  	s9 =	smul.u32 $0xF7A, s1;
	s8 =	simm.s32 @!p0 $0x1BF5;
	p2 =	por !p2, p0  }
0x20: {  	[sflag:s8] =	ssyncset.s32 @!p0 $0xFFFFF086;
	s6 =	sadd.s32 @!p0 s3, s7;
	s7 =	simm.s32 @!p0 $0x108  }
0x21: {  	s3 =	sadd.s32 s3, s9;
	s6 =	sadd.s32 @!p0 $0x88, s6;
	s7 =	simm.s32 @p2 $0x1082  }
0x22: {  	[simem:s7], [sflag:s8] =	dma.local @!p0 [hbm:s6], $0xF7A  }
0x23: {  	s9 =	sor.u32 $0xD0000000, s2;
	s6 =	simm.s32 $0x108;
	_ =	swait.ge @!p0 [sflag:s8], $0x0  }
0x24: {  	s3 =	sadd.s32 $0x88, s3;
	s6 =	simm.s32 @!p1 $0x1082;
	[sflag:s4] =	ssyncset.s32 $0xFFFFF086  }
0x25: {  	[simem:s6], [sflag:s4] =	dma.local [hbm:s3], $0xF7A  }
0x26: {  	[smem:$0x3F96] =	sst s1;
	(tag) =	ssettag s2;
	_ =	strace s9  }
0x27: {  	s1 =	sld [smem:$0x3FA6]  }
0x28: {  	s2 =	sld [smem:$0x3FA7]  }
0x29: {  	s4 =	sld [smem:$0x3FA9]  }
0x2a: {  	p0 =	seq.s32 s5, $0x0;
	s5 =	sld [smem:$0x3FAA]  }
0x2b: {  	s6 =	sld [smem:$0x3FAB]  }
0x2c: {  	s7 =	sld [smem:$0x3FAC]  }
0x2d: {  	s3 =	simm.s32 $0x108;
	s8 =	sld [smem:$0x3FAD]  }
0x2e: {  	s3 =	simm.s32 @!p0 $0x1082;
	s9 =	sld [smem:$0x3FAE]  }
0x2f: {  	lr =	sadd.s32 s0, s3;
	s0 =	sld [smem:$0x3FA5]  }
0x30: {  	s3 =	sld [smem:$0x3FA8]  }
0x31: {  	[smem:$0x3FB1] =	sst s10  }
0x32: {  	s10 =	sld [smem:$0x3FAF];
	_ =	sdelay $0x3  }
0x33: {  	p0 =	seq.s32 s10, $0x1;
	s10 =	sld [smem:$0x3FB1];
	_ =	sdelay $0x3  }
0x34: {  	[smem:$0x3FB1] =	sst s10  }
0x35: {  	s10 =	sld [smem:$0x3FB0];
	_ =	sdelay $0x3  }
0x36: {  	p1 =	seq.s32 s10, $0x1;
	s10 =	sld [smem:$0x3FB1];
	_ =	sdelay $0x3  }
0x37: {  	[smem:$0x3FB1] =	sst s10  }
0x38: {  	s10 =	sld [smem:$0x3FB2]  }
0x39: {  	_ = 	snop;
	(pc) =	sbr.ind lr, $3  }
0x3a: {  	_ = 	snop  }
0x3b: {  	_ = 	snop  }
0x3c: {  	p2 =	seq.s32 s10, $0x1;
	s10 =	sld [smem:$0x3FB1]  }
0x3d: {  	_ =	shalt  }
0x3e: {  	_ =	shalt  }
0x3f: {  	_ =	shalt  }
0x40: {  	_ =	shalt  }
0x41: {  	_ =	shalt  }
0x42: {  	_ =	shalt  }
0x43: {  	_ =	shalt  }
0x44: {  	_ =	shalt  }
0x45: {  	_ =	shalt  }
0x46: {  	_ =	shalt  }
0x47: {  	_ =	shalt  }
0x48: {  	_ =	shalt  }
0x49: {  	_ =	shalt  }
0x4a: {  	_ =	shalt  }
0x4b: {  	_ =	shalt  }
0x4c: {  	_ =	shalt  }
0x4d: {  	_ =	shalt  }
0x4e: {  	_ =	shalt  }
0x4f: {  	_ =	shalt  }
0x50: {  	_ =	shalt  }
0x51: {  	_ =	shalt  }
0x52: {  	_ =	shalt  }
0x53: {  	_ =	shalt  }
0x54: {  	_ =	shalt  }
0x55: {  	_ =	shalt  }
0x56: {  	_ =	shalt  }
0x57: {  	_ =	shalt  }
0x58: {  	_ =	shalt  }
0x59: {  	_ =	shalt  }
0x5a: {  	_ =	shalt  }
0x5b: {  	_ =	shalt  }
0x5c: {  	_ =	shalt  }
0x5d: {  	_ =	shalt  }
0x5e: {  	_ =	shalt  }
0x5f: {  	_ =	shalt  }
0x60: {  	_ =	shalt  }
0x61: {  	_ =	shalt  }
0x62: {  	_ =	shalt  }
0x63: {  	_ =	shalt  }
0x64: {  	_ =	shalt  }
0x65: {  	_ =	shalt  }
0x66: {  	_ =	shalt  }
0x67: {  	_ =	shalt  }
0x68: {  	_ =	shalt  }
0x69: {  	_ =	shalt  }
0x6a: {  	_ =	shalt  }
0x6b: {  	_ =	shalt  }
0x6c: {  	_ =	shalt  }
0x6d: {  	_ =	shalt  }
0x6e: {  	_ =	shalt  }
0x6f: {  	_ =	shalt  }
0x70: {  	_ =	shalt  }
0x71: {  	_ =	shalt  }
0x72: {  	_ =	shalt  }
0x73: {  	_ =	shalt  }
0x74: {  	_ =	shalt  }
0x75: {  	_ =	shalt  }
0x76: {  	_ =	shalt  }
0x77: {  	_ =	shalt  }
0x78: {  	_ =	shalt  }
0x79: {  	_ =	shalt  }
0x7a: {  	_ =	shalt  }
0x7b: {  	_ =	shalt  }
0x7c: {  	_ =	shalt  }
0x7d: {  	_ =	shalt  }
0x7e: {  	_ =	shalt  }
0x7f: {  	_ =	shalt  }
0x80: {  	_ =	shalt  }
0x81: {  	_ =	shalt  }
0x82: {  	_ =	shalt  }
0x83: {  	_ =	shalt  }
0x84: {  	_ =	shalt  }
0x85: {  	_ =	shalt  }
0x86: {  	_ =	shalt  }
0x87: {  	_ =	shalt  }
.Lfunc_end0:
.L_simem_size_0:
called_computation.1_lowered:
.L_overlay_start_0:
0x88: {  	s2 =	sld [smem:$0x3FD9]  }
0x89: {  	s3 =	sld [smem:$0x3FFE];
	_ =	sdelay $0x1  }
0x8a: {  	s1 =	srdreg.scid  }
0x8b: {  	s0 =	sand.u32 $0x1, s1  }
0x8c: {  	s14 =	sshll.u32 s0, $0xA;
	s2 =	sadd.s32 s3, s2  }
0x8d: {  	s2 =	sadd.s32 s2, s14  }
0x8e: {  	[smem:$0x3FBD] =	sst s2  }
0x8f: {  	_ = 	snop  }
0x90: {  	s2 =	sld [smem:$0x3FD0];
	_ =	sdelay $0x2  }
0x91: {  	s15 =	simm.s32 $0xA;
	s4 =	simm.s32 $0x10  }
0x92: {  	[smem:s4], [sflag:s15] =	dma.local [hbm:s2], $0x1  }
0x93: {  	_ =	swait.eq [sflag:s15], $0x1  }
0x94: {  	s16 =	sld [smem:$0x10];
	[sflag:s15] =	ssyncset.done $0x0  }
0x95: {  	s17 =	sld [smem:$0x11];
	[sflag:s15] =	ssyncadd.s32 $0xFFFFFFFF  }
0x96: {  	s18 =	sld [smem:$0x12];
	(tm) =	ssettm $0x1  }
0x97: {  	s5 =	sld [smem:$0x3FFB];
	_ =	sdelay $0x3  }
0x98: {  	_ =	strace s5  }
0x99: {  	s5 =	sld [smem:$0x3FFC];
	_ =	sdelay $0x3  }
0x9a: {  	_ =	strace s5  }
0x9b: {  	s5 =	sld [smem:$0x3FFD];
	_ =	sdelay $0x3  }
0x9c: {  	_ =	strace s5  }
0x9d: {  	_ =	strace $0x8FFFFFFF  }
0x9e: {  	s19 =	sld [smem:$0x3FDB];
	_ =	sdelay $0x1  }
0x9f: {  	s6 =	simm.s32 $_scs_section_size  }
0xa0: {  	s7 =	simm.s32 $_size__tile_overlayer_lowered;
	s8 =	simm.s32 $_tile_overlayer_lowered  }
0xa1: {  	s22 =	simm.s32 $0x1BFF;
	s21 =	sshll.u32 s8, $0x1;
	s5 =	sadd.s32 s6, s19  }
0xa2: {  	s9 =	simm.s32 $0x0;
	s20 =	sshll.u32 s7, $0x1;
	s7 =	sadd.s32 s21, s5  }
0xa3: {  	[timem:s9], [sflag:s22] =	dma.local [hbm:s7], s20  }
0xa4: {  	_ =	swait.ge [sflag:s22], s20  }
0xa5: {  	s6 =	ssub.s32 $0x0, s20;
	[sflag:s22] =	ssyncset.done $0x0  }
0xa6: {  	[sflag:s22] =	ssyncadd.s32 s6;
	_ =	sdelay $0x1  }
0xa7: {  	s23 =	simm.s32 $0x1B8B  }
0xa8: {  	_ =	swait.ge [sflag:s23], $0x1  }
0xa9: {  	[sflag:s23] =	ssyncset.done $0x0  }
0xaa: {  	s25 =	simm.s32 $0x1B8E;
	s24 =	sld [smem:$0x3FFE];
	[sflag:s23] =	ssyncadd.s32 $0xFFFFFFFF  }
0xab: {  	s26 =	simm.s32 $execute0_lowered;
	[smem:$0x3FD2] =	sst s25  }
0xac: {  	s7 =	sshll.u32 s26, $0x1;
	_ =	strace $0x80000049;
	[dreg:$0x1] =	wrdreg $0xFFFFFFFF  }
0xad: {  	s28 =	simm.s32 $_size_execute0_lowered;
	s5 =	sadd.s32 s5, s7;
	[dreg:$0x0] =	wrdreg $0x0  }
0xae: {  	s7 =	sshll.u32 s28, $0x1;
	[dreg:$0x2] =	wrdreg s5  }
0xaf: {  	[dreg:$0x3] =	wrdreg s7  }
0xb0: {  	[dreg:$0x4] =	wrdreg $0xC0  }
0xb1: {  	_ =	task [dreg:s9], $0x5FFFF  }
0xb2: {  	[dreg:$0x1] =	wrdreg $0xFFFFFFFF  }
0xb3: {  	[dreg:$0x0] =	wrdreg $0x60  }
0xb4: {  	[dreg:$0x2] =	wrdreg s18  }
0xb5: {  	[dreg:$0x3] =	wrdreg s17  }
0xb6: {  	[dreg:$0x4] =	wrdreg s24  }
0xb7: {  	[dreg:$0x5] =	wrdreg s16  }
0xb8: {  	[dreg:$0x6] =	wrdreg $0xA9000  }
0xb9: {  	[dreg:$0x7] =	wrdreg $0x9  }
0xba: {  	_ =	task.clear_ibuf [dreg:s9], $0x8FFFF;
	_ =	strace $0x90000049  }
0xbb: {  	s29 =	simm.s32 $0x9;
	_ =	strace $0x8000004B  }
0xbc: {  	_ =	swait.ge [sflag:s29], $0x1  }
0xbd: {  	[sflag:s29] =	ssyncadd.s32 $0xFFFFFFFF  }
0xbe: {  	_ =	strace $0x9000004B  }
0xbf: {  	_ =	sfence  }
0xc0: {  	s30 =	sld [smem:$0x0];
	_ =	sdelay $0x2  }
0xc1: {  	s31 =	sshll.u32 s1, $0xD;
	s1 =	sshrl.u32 s1, $0x2  }
0xc2: {  	s3 =	sand.u32 $0x4000, s31;
	s1 =	sadd.s32 s1, s30  }
0xc3: {  	s0 =	sor.u32 s3, s0;
	s1 =	sshll.u32 s1, $0x11  }
0xc4: {  	s0 =	sor.u32 s1, s0  }
0xc5: {  	s0 =	sadd.s32 $0x8F2B, s0  }
0xc6: {  	[sflag:s0] =	ssyncadd.remote.s32 $0x1  }
0xc7: {  	_ =	sfence.sel $0xFFFF  }
0xc8: {  	[dreg:$0x0] =	wrdreg $0xFFFFFFFF;
	(pc) =	sbr.abs _section_cstart, $3  }
0xc9: {  	[dreg:$0x1] =	wrdreg $0xFFFFFFFF  }
0xca: {  	_ =	task.clear_ibuf [dreg:s9], $0x2FFFF;
	_ =	strace $0x9FFFFFFF  }
0xcb: {  	(tm) =	ssettm $0x7FFFFFFF  }
tec
execute0_lowered:
.L_overlay_start_1:
0x0: {  	(tag) =	ssettag $0x1  }
0x1: {  	s22 =	rddreg [dreg:$0x0];
	s0 =	stileid.u32  }
0x2: {  	s1 =	rddreg [dreg:$0x2];
	s6 =	smul.u32 $0x4E20, s0  }
0x3: {  	s3 =	rddreg [dreg:$0x3]  }
0x4: {  	s2 =	simm.s32 $0x0;
	s8 =	sadd.s32 $0x2400, s1;
	s11 =	sshrl.u32 s6, $0x3  }
0x5: {  	[smem:$0x7FF] =	sst s2;
	s5 =	sadd.s32 $0xC200, s1;
	s13 =	sadd.s32 s8, s11  }
0x6: {  	s7 =	sadd.s32 $0x16000, s1;
	s15 =	sadd.s32 s3, s11;
	[dreg:$0x6] =	wrdreg s13  }
0x7: {  	s12 =	sadd.s32 $0x28, s6;
	s23 =	sadd.s32 s5, s11;
	[dreg:$0x7] =	wrdreg s15  }
0x8: {  	s18 =	sadd.s32 $0xA, s11;
	s11 =	sadd.s32 s7, s11;
	[dreg:$0xe] =	wrdreg s23  }
0x9: {  	s14 =	sshrl.u32 s12, $0x3;
	[dreg:$0xf] =	wrdreg s11  }
0xa: {  	s16 =	sadd.s32 s8, s14;
	s23 =	rddreg [dreg:$0x4]  }
0xb: {  	s4 =	srdreg.scid;
	s17 =	sadd.s32 s3, s14;
	[dreg:$0x8] =	wrdreg s16  }
0xc: {  	s6 =	sadd.s32 $0x78, s6;
	s13 =	sadd.s32 s8, s18;
	[dreg:$0x9] =	wrdreg s17  }
0xd: {  	s6 =	sshrl.u32 s6, $0x3;
	s19 =	sadd.s32 s3, s18;
	[dreg:$0xa] =	wrdreg s13  }
0xe: {  	s4 =	sand.u32 $0x1, s4;
	s20 =	sadd.s32 s8, s6;
	[dreg:$0xb] =	wrdreg s19  }
0xf: {  	s9 =	ssub.s32 $0x2, s4;
	s21 =	sadd.s32 s3, s6;
	[dreg:$0xc] =	wrdreg s20  }
0x10: {  	s10 =	sshrl.u32 s9, $0x1;
	s24 =	sadd.s32 s5, s14;
	[dreg:$0xd] =	wrdreg s21  }
0x11: {  	s9 =	ssub.s32 s9, s10;
	s10 =	sadd.s32 s7, s14;
	[dreg:$0x10] =	wrdreg s24  }
0x12: {  	s26 =	sadd.s32 s5, s18;
	[dreg:$0x11] =	wrdreg s10  }
0x13: {  	s30 =	simm.s32 $0x100;
	s29 =	sadd.s32 s7, s18;
	[dreg:$0x12] =	wrdreg s26  }
0x14: {  	s25 =	smul.u32 $0x9C4, s0;
	s31 =	sadd.s32 s5, s6;
	[dreg:$0x13] =	wrdreg s29  }
0x15: {  	p0 =	sne.s32 s4, $0x0;
	s6 =	sadd.s32 s7, s6;
	[dreg:$0x14] =	wrdreg s31  }
0x16: {  	s12 =	smul.u32 $0x280, s0;
	s3 =	sadd.s32 s25, s3;
	[dreg:$0x15] =	wrdreg s6  }
0x17: {  	s11 =	sadd.s32 s25, s8;
	s14 =	smul.u32 $0x50000, s0;
	[dreg:$0x16] =	wrdreg s3  }
0x18: {  	s5 =	sadd.s32 s25, s5;
	s0 =	smul.u32 $0x2800, s0;
	[dreg:$0x17] =	wrdreg s11  }
0x19: {  	s13 =	sadd.s32 s25, s7;
	[dreg:$0x19] =	wrdreg s5;
	s16 =	sadd.s32 $0x20A00, s1  }
0x1a: {  	s17 =	sadd.s32 $0x80, s12;
	s1 =	sadd.s32 $0x48A00, s1;
	s19 =	sadd.s32 $0x100, s12  }
0x1b: {  	s20 =	sadd.s32 $0x180, s12;
	s3 =	sadd.s32 $0x200, s12;
	s31 =	smax.u32 s9, $0x1  }
0x1c: {  	s12 =	simm.s32 $0xD;
	s10 =	simm.s32 $0x8;
	[dreg:$0x18] =	wrdreg s13  }
0x1d: {  	s15 =	sshrl.u32 s14, $0x2;
	s18 =	sshll.u32 s17, $0x7;
	s21 =	sshll.u32 s19, $0x7  }
0x1e: {  	s24 =	sshll.u32 s20, $0x7;
	_ =	strace $0x8000004A;
	[dreg:$0x1a] =	wrdreg s16  }
0x1f: {  	s25 =	sshll.u32 s3, $0x7;
	s5 =	sshll.u32 s17, $0x4;
	[dreg:$0x1b] =	wrdreg s1  }
0x20: {  	s26 =	sshll.u32 s20, $0x4;
	s29 =	sshll.u32 s3, $0x4;
	[smem:$0x7F8] =	sst s5  }
0x21: {  	s13 =	simm.s32 $0x11;
	s20 =	simm.s32 $0x5;
	[smem:$0x7FA] =	sst s26  }
0x22: {  	s14 =	simm.s32 $0x9;
	s17 =	simm.s32 $0xA;
	[smem:$0x7FB] =	sst s29  }
0x23: {  	s3 =	simm.s32 $0x0;
	s8 =	sadd.s32 s15, s23;
	[smem:$0x7FC] =	sst s31  }
0x24: {  	s11 =	sadd.s32 s18, s23;
	s6 =	sadd.s32 s25, s23;
	[smem:$0x7FD] =	sst s0  }
0x25: {  	s28 =	sadd.s32 s21, s23;
	s1 =	sshll.u32 s19, $0x4;
	[smem:$0x7F7] =	sst s6  }
.Ltmp0:
0x26: {  	s18 =	sadd.s32 s24, s23;
	[smem:$0x7F9] =	sst s1;
	(pc) =	sbr.rel .LBB2_1-.Ltmp0, $4  }
0x27: {  	s26 =	simm.s32 $0x28;
	s21 =	simm.s32 $0x500;
	[dreg:$0x1c] =	wrdreg s8  }
0x28: {  	s19 =	simm.s32 $0x480;
	s24 =	simm.s32 $0xE;
	[dreg:$0x1d] =	wrdreg s11  }
0x29: {  	s25 =	simm.s32 $0x12;
	s15 =	simm.s32 $0xF;
	[dreg:$0x1e] =	wrdreg s28  }
0x2a: {  	v0 =	vimm.f32 $0.0e+00;
	s16 =	simm.s32 $0x13;
	s6 =	simm.s32 $0x1900;
	[dreg:$0x1f] =	wrdreg s18  }
.LBB2_10:
0x2b: {  	s4 =	rddreg [dreg:$0x1b]  }
0x2c: {  	s22 =	rddreg [dreg:$0x0]  }
0x2d: {  	s8 =	rddreg [dreg:$0x1c]  }
0x2e: {  	s11 =	rddreg [dreg:$0x1d]  }
0x2f: {  	s18 =	rddreg [dreg:$0x1f]  }
0x30: {  	s19 =	simm.s32 $0x480;
	s3 =	sld [smem:$0x7F6]  }
.LBB2_11:
0x31: {  	_ =	swait.ge [sflag:s15], $0x1400  }
0x32: {  	[sflag:s15] =	ssyncset.done $0x0  }
0x33: {  	[sflag:s15] =	ssyncadd.s32 $0xFFFFEC00  }
0x34: {  	_ =	swait.ge [sflag:s16], $0x1400  }
0x35: {  	[sflag:s16] =	ssyncset.done $0x0  }
0x36: {  	[sflag:s16] =	ssyncadd.s32 $0xFFFFEC00  }
0x37: {  	_ =	swait.ge [sflag:s17], $0x28  }
0x38: {  	[sflag:s17] =	ssyncset.done $0x0  }
0x39: {  	s0 =	simm.s32 $0x14;
	[sflag:s17] =	ssyncadd.s32 $0xFFFFFFD8  }
0x3a: {  	[spmem:s23] =	stream.indirect.scatter.add.f32 [tilespmem:s1], [sflag:$0x14], $0x80, s19, s26, $0xb8;
	[tilespmem:$0x1E900] =	vst v63  }
0x3b: {  	_ =	swait.ge [sflag:s0], $0x1400  }
0x3c: {  	[sflag:s0] =	ssyncset.done $0x0  }
0x3d: {  	[sflag:s0] =	ssyncadd.s32 $0xFFFFEC00  }
0x3e: {  	s7 =	simm.s32 $0x6900;
	s30 =	simm.s32 $0x15;
	[bflag:$0x0] =	sbarrier.arrive $0xFFFF  }
0x3f: {  	[tilespmem:s7], [sflag:$0x15] =	stream.linear.gather [spmem:s8], $0x4000, $0x38;
	[tilespmem:$0x1E900] =	vst v63  }
0x40: {  	_ =	swait.ge [sflag:s30], $0x4000  }
0x41: {  	s1 =	sld [smem:$0x7FD];
	_ =	sdelay $0x1  }
0x42: {  	[sflag:s30] =	ssyncset.done $0x0  }
0x43: {  	[sflag:s30] =	ssyncadd.s32 $0xFFFFC000;
	s0 =	sadd.s32 s4, s1  }
0x44: {  	[hbm4b:s0+s2] =	stream.linear.scatter [tilespmem:s7], [sflag:$0x15], $0x4000, $0x38;
	[tilespmem:$0x1E900] =	vst v63  }
0x45: {  	_ =	swait.ge [sflag:s30], $0x4000  }
0x46: {  	[sflag:s30] =	ssyncset.done $0x0  }
0x47: {  	[sflag:s30] =	ssyncadd.s32 $0xFFFFC000  }
0x48: {  	[tilespmem:s7], [sflag:$0x15] =	stream.linear.gather [spmem:s11], $0x4000, $0x38;
	[tilespmem:$0x1E900] =	vst v63  }
0x49: {  	_ =	swait.ge [sflag:s30], $0x4000  }
0x4a: {  	s5 =	sld [smem:$0x7F8];
	_ =	sdelay $0x1  }
0x4b: {  	[sflag:s30] =	ssyncset.done $0x0  }
0x4c: {  	[sflag:s30] =	ssyncadd.s32 $0xFFFFC000;
	s0 =	sadd.s32 s4, s5  }
0x4d: {  	[hbm4b:s0+s2] =	stream.linear.scatter [tilespmem:s7], [sflag:$0x15], $0x4000, $0x38;
	[tilespmem:$0x1E900] =	vst v63  }
0x4e: {  	_ =	swait.ge [sflag:s30], $0x4000  }
0x4f: {  	[sflag:s30] =	ssyncset.done $0x0  }
0x50: {  	s28 =	rddreg [dreg:$0x1e];
	[sflag:s30] =	ssyncadd.s32 $0xFFFFC000  }
0x51: {  	[tilespmem:s7], [sflag:$0x15] =	stream.linear.gather [spmem:s28], $0x4000, $0x38;
	[tilespmem:$0x1E900] =	vst v63  }
0x52: {  	_ =	swait.ge [sflag:s30], $0x4000  }
0x53: {  	s6 =	sld [smem:$0x7F9];
	_ =	sdelay $0x1  }
0x54: {  	[sflag:s30] =	ssyncset.done $0x0  }
0x55: {  	[sflag:s30] =	ssyncadd.s32 $0xFFFFC000;
	s0 =	sadd.s32 s4, s6  }
0x56: {  	[hbm4b:s0+s2] =	stream.linear.scatter [tilespmem:s7], [sflag:$0x15], $0x4000, $0x38;
	[tilespmem:$0x1E900] =	vst v63  }
0x57: {  	_ =	swait.ge [sflag:s30], $0x4000  }
0x58: {  	[sflag:s30] =	ssyncset.done $0x0  }
0x59: {  	[sflag:s30] =	ssyncadd.s32 $0xFFFFC000  }
0x5a: {  	[tilespmem:s7], [sflag:$0x15] =	stream.linear.gather [spmem:s18], $0x4000, $0x38;
	[tilespmem:$0x1E900] =	vst v63  }
0x5b: {  	_ =	swait.ge [sflag:s30], $0x4000  }
0x5c: {  	s9 =	sld [smem:$0x7FA];
	_ =	sdelay $0x1  }
0x5d: {  	[sflag:s30] =	ssyncset.done $0x0  }
0x5e: {  	[sflag:s30] =	ssyncadd.s32 $0xFFFFC000;
	s0 =	sadd.s32 s4, s9  }
0x5f: {  	[hbm4b:s0+s2] =	stream.linear.scatter [tilespmem:s7], [sflag:$0x15], $0x4000, $0x38;
	[tilespmem:$0x1E900] =	vst v63  }
0x60: {  	_ =	swait.ge [sflag:s30], $0x4000  }
0x61: {  	s21 =	sld [smem:$0x7F7]  }
0x62: {  	[sflag:s30] =	ssyncset.done $0x0  }
0x63: {  	[sflag:s30] =	ssyncadd.s32 $0xFFFFC000  }
0x64: {  	[tilespmem:s7], [sflag:$0x15] =	stream.linear.gather [spmem:s21], $0x4000, $0x38;
	[tilespmem:$0x1E900] =	vst v63  }
0x65: {  	_ =	swait.ge [sflag:s30], $0x4000  }
0x66: {  	s29 =	sld [smem:$0x7FB];
	_ =	sdelay $0x1  }
0x67: {  	[sflag:s30] =	ssyncset.done $0x0  }
0x68: {  	[sflag:s30] =	ssyncadd.s32 $0xFFFFC000;
	s0 =	sadd.s32 s4, s29  }
0x69: {  	[hbm4b:s0+s2] =	stream.linear.scatter [tilespmem:s7], [sflag:$0x15], $0x4000, $0x38;
	[tilespmem:$0x1E900] =	vst v63  }
0x6a: {  	_ =	swait.ge [sflag:s30], $0x4000  }
0x6b: {  	s31 =	sld [smem:$0x7FC];
	_ =	sdelay $0x1  }
0x6c: {  	s3 =	sadd.s32 $0x1, s3  }
0x6d: {  	p1 =	sne.s32 s3, s31  }
.Ltmp1:
0x6e: {  	_ = 	snop;
	(pc) =	sbr.rel @!p1 .LBB2_12-.Ltmp1, $3  }
0x6f: {  	_ =	sdelay $0x1  }
0x70: {  	s6 =	simm.s32 $0x1900;
	[sflag:s30] =	ssyncset.done $0x0  }
0x71: {  	s21 =	simm.s32 $0x500;
	[sflag:s30] =	ssyncadd.s32 $0xFFFFC000;
	s30 =	simm.s32 $0x100  }
.LBB2_1:
0x72: {  	s4 =	simm.s32 $0x0;
	s7 =	simm.s32 $0x200  }
.LBB2_2:
0x73: {  	p1 =	sne.s32 s7, $0xFE00;
	[tilespmem:s4+$0x6970] =	vst v0  }
0x74: {  	[tilespmem:s4+$0x6900] =	vst v0  }
0x75: {  	[tilespmem:s4+$0x6910] =	vst v0  }
.Ltmp2:
0x76: {  	[tilespmem:s4+$0x6920] =	vst v0;
	(pc) =	sbr.rel @p1 .LBB2_2-.Ltmp2, $4  }
0x77: {  	[tilespmem:s4+$0x6930] =	vst v0  }
0x78: {  	[tilespmem:s4+$0x6940] =	vst v0  }
0x79: {  	[tilespmem:s4+$0x6950] =	vst v0  }
0x7a: {  	[tilespmem:s4+$0x6960] =	vst v0;
	s4 =	sshra.s32 s7, $0x2;
	s7 =	sadd.s32 $0x200, s7  }
0x7b: {  	[tilespmem:s4+$0x6970] =	vst v0  }
0x7c: {  	[tilespmem:s4+$0x6900] =	vst v0  }
0x7d: {  	[tilespmem:s4+$0x6910] =	vst v0  }
0x7e: {  	[tilespmem:s4+$0x6920] =	vst v0  }
0x7f: {  	[tilespmem:s4+$0x6930] =	vst v0  }
0x80: {  	[tilespmem:s4+$0x6940] =	vst v0  }
0x81: {  	[tilespmem:s4+$0x6950] =	vst v0  }
0x82: {  	[smem:$0x7F6] =	sst s3;
	[tilespmem:s4+$0x6960] =	vst v0;
	s31 =	simm.s32 $0x6900;
	s7 =	simm.s32 $0x15  }
0x83: {  	[spmem:s8] =	stream.linear.scatter [tilespmem:s31], [sflag:$0x15], $0x4000, $0x38;
	[tilespmem:$0x1E900] =	vst v63  }
0x84: {  	_ =	swait.ge [sflag:s7], $0x4000  }
0x85: {  	[sflag:s7] =	ssyncset.done $0x0  }
0x86: {  	[sflag:s7] =	ssyncadd.s32 $0xFFFFC000  }
0x87: {  	[spmem:s11] =	stream.linear.scatter [tilespmem:s31], [sflag:$0x15], $0x4000, $0x38;
	[tilespmem:$0x1E900] =	vst v63  }
0x88: {  	_ =	swait.ge [sflag:s7], $0x4000  }
0x89: {  	[sflag:s7] =	ssyncset.done $0x0  }
0x8a: {  	[sflag:s7] =	ssyncadd.s32 $0xFFFFC000  }
0x8b: {  	[spmem:s28] =	stream.linear.scatter [tilespmem:s31], [sflag:$0x15], $0x4000, $0x38;
	[tilespmem:$0x1E900] =	vst v63  }
0x8c: {  	_ =	swait.ge [sflag:s7], $0x4000  }
0x8d: {  	[sflag:s7] =	ssyncset.done $0x0  }
0x8e: {  	[sflag:s7] =	ssyncadd.s32 $0xFFFFC000  }
0x8f: {  	[spmem:s18] =	stream.linear.scatter [tilespmem:s31], [sflag:$0x15], $0x4000, $0x38;
	[tilespmem:$0x1E900] =	vst v63  }
0x90: {  	_ =	swait.ge [sflag:s7], $0x4000  }
0x91: {  	s0 =	sld [smem:$0x7F7]  }
0x92: {  	[sflag:s7] =	ssyncset.done $0x0  }
0x93: {  	[sflag:s7] =	ssyncadd.s32 $0xFFFFC000  }
0x94: {  	[spmem:s0] =	stream.linear.scatter [tilespmem:s31], [sflag:$0x15], $0x4000, $0x38;
	[tilespmem:$0x1E900] =	vst v63  }
.Ltmp3:
0x95: {  	_ =	swait.ge [sflag:s7], $0x4000;
	(pc) =	sbr.rel @p0 .LBB2_8-.Ltmp3, $4  }
0x96: {  	[sflag:s7] =	ssyncset.done $0x0  }
0x97: {  	[sflag:s7] =	ssyncadd.s32 $0xFFFFC000  }
0x98: {  	[bflag:$0x0] =	sbarrier.arrive $0xFFFF  }
0x99: {  	s28 =	simm.s32 $0x0  }
0x9a: {  	s0 =	rddreg [dreg:$0xe]  }
0x9b: {  	[tilespmem:s28], [sflag:$0x1] =	stream.linear.gather [hbm4b:s0+s28], $0x28, $0x38;
	[tilespmem:$0x1E900] =	vst v63  }
0x9c: {  	s1 =	rddreg [dreg:$0xf];
	s4 =	simm.s32 $0x280  }
0x9d: {  	[tilespmem:s4], [sflag:$0x6] =	stream.linear.gather [hbm4b:s1+s28], $0x28, $0x38;
	[tilespmem:$0x1E900] =	vst v63  }
0x9e: {  	s3 =	rddreg [dreg:$0x10];
	s4 =	simm.s32 $0x80  }
0x9f: {  	[tilespmem:s4], [sflag:$0x2] =	stream.linear.gather [hbm4b:s3+s28], $0x28, $0x38;
	[tilespmem:$0x1E900] =	vst v63  }
0xa0: {  	s5 =	rddreg [dreg:$0x11];
	s7 =	simm.s32 $0x300  }
0xa1: {  	[tilespmem:s7], [sflag:$0x7] =	stream.linear.gather [hbm4b:s5+s28], $0x28, $0x38;
	[tilespmem:$0x1E900] =	vst v63  }
0xa2: {  	s8 =	rddreg [dreg:$0x12]  }
0xa3: {  	[tilespmem:s30], [sflag:$0x3] =	stream.linear.gather [hbm4b:s8+s28], $0x28, $0x38;
	[tilespmem:$0x1E900] =	vst v63  }
0xa4: {  	s9 =	rddreg [dreg:$0x13];
	s1 =	simm.s32 $0x380  }
0xa5: {  	[tilespmem:s1], [sflag:$0x8] =	stream.linear.gather [hbm4b:s9+s28], $0x28, $0x38;
	[tilespmem:$0x1E900] =	vst v63  }
0xa6: {  	s11 =	rddreg [dreg:$0x14];
	s3 =	simm.s32 $0x180  }
0xa7: {  	[tilespmem:s3], [sflag:$0x4] =	stream.linear.gather [hbm4b:s11+s28], $0x28, $0x38;
	[tilespmem:$0x1E900] =	vst v63  }
0xa8: {  	s18 =	rddreg [dreg:$0x15];
	s29 =	simm.s32 $0x1;
	s5 =	simm.s32 $0x400  }
0xa9: {  	[tilespmem:s5], [sflag:$0x9] =	stream.linear.gather [hbm4b:s18+s28], $0x28, $0x38;
	[tilespmem:$0x1E900] =	vst v63  }
0xaa: {  	_ =	swait.ge [sflag:s29], $0x28  }
0xab: {  	[sflag:s29] =	ssyncset.done $0x0  }
0xac: {  	s31 =	simm.s32 $0x2;
	[sflag:s29] =	ssyncadd.s32 $0xFFFFFFD8  }
0xad: {  	[tilespmem:s21], [sflag:$0xB] =	stream.indirect.gather [hbm4b:s22+s26], $0x80, s28, s26, $0xb8;
	[tilespmem:$0x1E900] =	vst v63  }
0xae: {  	_ =	swait.ge [sflag:s31], $0x28  }
0xaf: {  	[sflag:s31] =	ssyncset.done $0x0  }
0xb0: {  	s9 =	simm.s32 $0x5500;
	[sflag:s31] =	ssyncadd.s32 $0xFFFFFFD8  }
0xb1: {  	[tilespmem:s6], [sflag:$0xC] =	stream.indirect.gather [hbm4b:s22+s26], $0x80, s4, s26, $0xb8;
	[tilespmem:$0x1E900] =	vst v63  }
.LBB2_5:
0xb2: {  	s0 =	simm.s32 $0xB  }
0xb3: {  	_ =	swait.ge [sflag:s0], $0x1400  }
0xb4: {  	p1 =	seq.s32 s28, $0x0;
	[sflag:s0] =	ssyncset.done $0x0  }
0xb5: {  	s4 =	simm.s32 @!p1 $0x14;
	[sflag:s0] =	ssyncadd.s32 $0xFFFFEC00  }
0xb6: {  	_ =	swait.ge @!p1 [sflag:s4], $0x1400  }
0xb7: {  	[sflag:s4] =	ssyncset.done @!p1 $0x0  }
0xb8: {  	s11 =	simm.s32 $0x6;
	[sflag:s4] =	ssyncadd.s32 @!p1 $0xFFFFEC00  }
0xb9: {  	_ =	swait.ge [sflag:s11], $0x28  }
0xba: {  	[sflag:s11] =	ssyncset.done $0x0  }
0xbb: {  	s18 =	simm.s32 $0x280;
	[sflag:s11] =	ssyncadd.s32 $0xFFFFFFD8;
	s11 =	rddreg [dreg:$0x19]  }
0xbc: {  	[spmem:s23] =	stream.indirect.scatter.add.f32 [tilespmem:s21], [sflag:$0x10], $0x80, s18, s26, $0xb8;
	[tilespmem:$0x1E900] =	vst v63  }
0xbd: {  	s4 =	sadd.s32 s28, s11  }
0xbe: {  	s0 =	rddreg [dreg:$0x18];
	s18 =	simm.s32 $0x200;
	s7 =	sadd.s32 $0x14, s4  }
0xbf: {  	[tilespmem:s18], [sflag:$0x5] =	stream.linear.gather [hbm4b:s7+s2], $0x28, $0x38;
	[tilespmem:$0x1E900] =	vst v63  }
0xc0: {  	s7 =	sadd.s32 s28, s0  }
0xc1: {  	s8 =	sadd.s32 $0x14, s7  }
0xc2: {  	[tilespmem:s19], [sflag:$0xA] =	stream.linear.gather [hbm4b:s8+s2], $0x28, $0x38;
	[tilespmem:$0x1E900] =	vst v63  }
0xc3: {  	s19 =	simm.s32 $0x3  }
0xc4: {  	_ =	swait.ge [sflag:s19], $0x28  }
0xc5: {  	[sflag:s19] =	ssyncset.done $0x0  }
0xc6: {  	s1 =	simm.s32 $0xC;
	[sflag:s19] =	ssyncadd.s32 $0xFFFFFFD8;
	s19 =	simm.s32 $0x2D00  }
0xc7: {  	[tilespmem:s19], [sflag:$0xD] =	stream.indirect.gather [hbm4b:s22+s26], $0x80, s30, s26, $0xb8;
	[tilespmem:$0x1E900] =	vst v63  }
0xc8: {  	_ =	swait.ge [sflag:s1], $0x1400  }
0xc9: {  	[sflag:s1] =	ssyncset.done $0x0  }
0xca: {  	s21 =	simm.s32 $0x10;
	[sflag:s1] =	ssyncadd.s32 $0xFFFFEC00  }
0xcb: {  	_ =	swait.ge [sflag:s21], $0x1400  }
0xcc: {  	[sflag:s21] =	ssyncset.done $0x0  }
0xcd: {  	s22 =	simm.s32 $0x7;
	[sflag:s21] =	ssyncadd.s32 $0xFFFFEC00  }
0xce: {  	_ =	swait.ge [sflag:s22], $0x28  }
0xcf: {  	p1 =	seq.s32 s28, $0x9AB;
	[sflag:s22] =	ssyncset.done $0x0  }
0xd0: {  	s8 =	sadd.s32 @!p1 s28, s11;
	s30 =	simm.s32 $0x300;
	[sflag:s22] =	ssyncadd.s32 $0xFFFFFFD8  }
0xd1: {  	[spmem:s23] =	stream.indirect.scatter.add.f32 [tilespmem:s6], [sflag:$0x11], $0x80, s30, s26, $0xb8;
	[tilespmem:$0x1E900] =	vst v63  }
0xd2: {  	s11 =	simm.s32 @!p1 $0x0;
	s30 =	sadd.s32 @!p1 $0x19, s8  }
0xd3: {  	[tilespmem:s11], [sflag:$0x1] =	stream.linear.gather @!p1 [hbm4b:s30+s11], $0x28, $0x38;
	[tilespmem:$0x1E900] =	vst v63  }
0xd4: {  	s30 =	sadd.s32 @!p1 s28, s0  }
0xd5: {  	s1 =	simm.s32 $0x4;
	s0 =	simm.s32 @!p1 $0x280;
	s22 =	sadd.s32 @!p1 $0x19, s30  }
0xd6: {  	[tilespmem:s0], [sflag:$0x6] =	stream.linear.gather @!p1 [hbm4b:s22+s11], $0x28, $0x38;
	[tilespmem:$0x1E900] =	vst v63  }
0xd7: {  	s22 =	rddreg [dreg:$0x0];
	_ =	swait.ge [sflag:s1], $0x28  }
0xd8: {  	[sflag:s1] =	ssyncset.done $0x0  }
0xd9: {  	[sflag:s1] =	ssyncadd.s32 $0xFFFFFFD8;
	s1 =	simm.s32 $0x4100  }
0xda: {  	[tilespmem:s1], [sflag:$0xE] =	stream.indirect.gather [hbm4b:s22+s26], $0x80, s3, s26, $0xb8;
	[tilespmem:$0x1E900] =	vst v63  }
0xdb: {  	_ =	swait.ge [sflag:s12], $0x1400  }
0xdc: {  	[sflag:s12] =	ssyncset.done $0x0  }
0xdd: {  	[sflag:s12] =	ssyncadd.s32 $0xFFFFEC00  }
0xde: {  	_ =	swait.ge [sflag:s13], $0x1400  }
0xdf: {  	[sflag:s13] =	ssyncset.done $0x0  }
0xe0: {  	[sflag:s13] =	ssyncadd.s32 $0xFFFFEC00  }
0xe1: {  	_ =	swait.ge [sflag:s10], $0x28  }
0xe2: {  	[sflag:s10] =	ssyncset.done $0x0  }
0xe3: {  	s0 =	simm.s32 $0x380;
	[sflag:s10] =	ssyncadd.s32 $0xFFFFFFD8  }
0xe4: {  	[spmem:s23] =	stream.indirect.scatter.add.f32 [tilespmem:s19], [sflag:$0x12], $0x80, s0, s26, $0xb8;
	[tilespmem:$0x1E900] =	vst v63  }
0xe5: {  	s0 =	sadd.s32 @!p1 $0x1E, s8;
	s8 =	simm.s32 @!p1 $0x80  }
0xe6: {  	[tilespmem:s8], [sflag:$0x2] =	stream.linear.gather @!p1 [hbm4b:s0+s11], $0x28, $0x38;
	[tilespmem:$0x1E900] =	vst v63  }
0xe7: {  	s0 =	sadd.s32 @!p1 $0x1E, s30;
	s8 =	simm.s32 @!p1 $0x300  }
0xe8: {  	[tilespmem:s8], [sflag:$0x7] =	stream.linear.gather @!p1 [hbm4b:s0+s11], $0x28, $0x38;
	[tilespmem:$0x1E900] =	vst v63  }
0xe9: {  	_ =	swait.ge [sflag:s20], $0x28  }
0xea: {  	[sflag:s20] =	ssyncset.done $0x0  }
0xeb: {  	[sflag:s20] =	ssyncadd.s32 $0xFFFFFFD8  }
0xec: {  	[tilespmem:s9], [sflag:$0xF] =	stream.indirect.gather [hbm4b:s22+s26], $0x80, s18, s26, $0xb8;
	[tilespmem:$0x1E900] =	vst v63  }
0xed: {  	_ =	swait.ge [sflag:s24], $0x1400  }
0xee: {  	[sflag:s24] =	ssyncset.done $0x0  }
0xef: {  	[sflag:s24] =	ssyncadd.s32 $0xFFFFEC00  }
0xf0: {  	_ =	swait.ge [sflag:s25], $0x1400  }
0xf1: {  	[sflag:s25] =	ssyncset.done $0x0  }
0xf2: {  	[sflag:s25] =	ssyncadd.s32 $0xFFFFEC00  }
.Ltmp4:
0xf3: {  	_ =	swait.ge [sflag:s14], $0x28;
	(pc) =	sbr.rel @p1 .LBB2_6-.Ltmp4, $4  }
0xf4: {  	s31 =	simm.s32 $0x480;
	[sflag:s14] =	ssyncset.done $0x0  }
0xf5: {  	s29 =	simm.s32 $0x1900;
	s21 =	simm.s32 $0x100;
	[sflag:s14] =	ssyncadd.s32 $0xFFFFFFD8  }
0xf6: {  	[spmem:s23] =	stream.indirect.scatter.add.f32 [tilespmem:s1], [sflag:$0x13], $0x80, s5, s26, $0xb8;
	[tilespmem:$0x1E900] =	vst v63  }
0xf7: {  	s6 =	simm.s32 $0x500;
	s5 =	simm.s32 $0x400;
	s1 =	simm.s32 $0x5500  }
0xf8: {  	s0 =	sadd.s32 $0x23, s4  }
0xf9: {  	[tilespmem:s21], [sflag:$0x3] =	stream.linear.gather [hbm4b:s0+s2], $0x28, $0x38;
	[tilespmem:$0x1E900] =	vst v63  }
0xfa: {  	s9 =	sadd.s32 $0x23, s7;
	s8 =	simm.s32 $0x380;
	s11 =	simm.s32 $0x1  }
0xfb: {  	[tilespmem:s8], [sflag:$0x8] =	stream.linear.gather [hbm4b:s9+s2], $0x28, $0x38;
	[tilespmem:$0x1E900] =	vst v63  }
0xfc: {  	_ =	swait.ge [sflag:s11], $0x28  }
0xfd: {  	[sflag:s11] =	ssyncset.done $0x0  }
0xfe: {  	[sflag:s11] =	ssyncadd.s32 $0xFFFFFFD8  }
0xff: {  	[tilespmem:s6], [sflag:$0xB] =	stream.indirect.gather [hbm4b:s22+s26], $0x80, s2, s26, $0xb8;
	[tilespmem:$0x1E900] =	vst v63  }
0x100: {  	_ =	swait.ge [sflag:s15], $0x1400  }
0x101: {  	[sflag:s15] =	ssyncset.done $0x0  }
0x102: {  	[sflag:s15] =	ssyncadd.s32 $0xFFFFEC00  }
0x103: {  	_ =	swait.ge [sflag:s16], $0x1400  }
0x104: {  	[sflag:s16] =	ssyncset.done $0x0  }
0x105: {  	[sflag:s16] =	ssyncadd.s32 $0xFFFFEC00  }
0x106: {  	_ =	swait.ge [sflag:s17], $0x28  }
0x107: {  	[sflag:s17] =	ssyncset.done $0x0  }
0x108: {  	[sflag:s17] =	ssyncadd.s32 $0xFFFFFFD8  }
0x109: {  	[spmem:s23] =	stream.indirect.scatter.add.f32 [tilespmem:s1], [sflag:$0x14], $0x80, s31, s26, $0xb8;
	[tilespmem:$0x1E900] =	vst v63  }
0x10a: {  	s18 =	sadd.s32 $0x28, s4  }
0x10b: {  	[tilespmem:s3], [sflag:$0x4] =	stream.linear.gather [hbm4b:s18+s2], $0x28, $0x38;
	[tilespmem:$0x1E900] =	vst v63  }
0x10c: {  	s19 =	sadd.s32 $0x28, s7;
	s28 =	sadd.s32 $0x19, s28  }
0x10d: {  	[tilespmem:s5], [sflag:$0x9] =	stream.linear.gather [hbm4b:s19+s2], $0x28, $0x38;
	[tilespmem:$0x1E900] =	vst v63  }
.Ltmp5:
0x10e: {  	s30 =	simm.s32 $0x100;
	s21 =	simm.s32 $0x2;
	(pc) =	sbr.rel .LBB2_5-.Ltmp5, $4  }
0x10f: {  	s9 =	simm.s32 $0x5500;
	s6 =	simm.s32 $0x1900;
	_ =	swait.ge [sflag:s21], $0x28  }
0x110: {  	s31 =	simm.s32 $0x80;
	s5 =	simm.s32 $0x400;
	[sflag:s21] =	ssyncset.done $0x0  }
0x111: {  	s19 =	simm.s32 $0x480;
	[sflag:s21] =	ssyncadd.s32 $0xFFFFFFD8;
	s21 =	simm.s32 $0x500  }
0x112: {  	[tilespmem:s29], [sflag:$0xC] =	stream.indirect.gather [hbm4b:s22+s26], $0x80, s31, s26, $0xb8;
	[tilespmem:$0x1E900] =	vst v63  }
.LBB2_8:
0x113: {  	s0 =	rddreg [dreg:$0x6]  }
0x114: {  	[tilespmem:s28], [sflag:$0x1] =	stream.linear.gather [hbm4b:s0+s28], $0x28, $0x38;
	[tilespmem:$0x1E900] =	vst v63  }
0x115: {  	s29 =	rddreg [dreg:$0x7];
	s4 =	simm.s32 $0x280  }
0x116: {  	[tilespmem:s4], [sflag:$0x6] =	stream.linear.gather [hbm4b:s29+s28], $0x28, $0x38;
	[tilespmem:$0x1E900] =	vst v63  }
0x117: {  	s31 =	rddreg [dreg:$0x8];
	s1 =	simm.s32 $0x80  }
0x118: {  	[tilespmem:s1], [sflag:$0x2] =	stream.linear.gather [hbm4b:s31+s28], $0x28, $0x38;
	[tilespmem:$0x1E900] =	vst v63  }
0x119: {  	s8 =	rddreg [dreg:$0x9];
	s7 =	simm.s32 $0x300  }
0x11a: {  	[tilespmem:s7], [sflag:$0x7] =	stream.linear.gather [hbm4b:s8+s28], $0x28, $0x38;
	[tilespmem:$0x1E900] =	vst v63  }
0x11b: {  	s9 =	rddreg [dreg:$0xa]  }
0x11c: {  	[tilespmem:s30], [sflag:$0x3] =	stream.linear.gather [hbm4b:s9+s28], $0x28, $0x38;
	[tilespmem:$0x1E900] =	vst v63  }
0x11d: {  	s11 =	rddreg [dreg:$0xb];
	s18 =	simm.s32 $0x380  }
0x11e: {  	[tilespmem:s18], [sflag:$0x8] =	stream.linear.gather [hbm4b:s11+s28], $0x28, $0x38;
	[tilespmem:$0x1E900] =	vst v63  }
0x11f: {  	s19 =	rddreg [dreg:$0xc];
	s3 =	simm.s32 $0x180  }
0x120: {  	[tilespmem:s3], [sflag:$0x4] =	stream.linear.gather [hbm4b:s19+s28], $0x28, $0x38;
	[tilespmem:$0x1E900] =	vst v63  }
0x121: {  	s22 =	rddreg [dreg:$0xd];
	s5 =	simm.s32 $0x400;
	s29 =	simm.s32 $0x1  }
0x122: {  	[tilespmem:s5], [sflag:$0x9] =	stream.linear.gather [hbm4b:s22+s28], $0x28, $0x38;
	[tilespmem:$0x1E900] =	vst v63  }
0x123: {  	_ =	swait.ge [sflag:s29], $0x28  }
0x124: {  	[sflag:s29] =	ssyncset.done $0x0  }
0x125: {  	[sflag:s29] =	ssyncadd.s32 $0xFFFFFFD8  }
0x126: {  	s31 =	simm.s32 $0x2;
	s11 =	rddreg [dreg:$0x1]  }
0x127: {  	[tilespmem:s21], [sflag:$0xB] =	stream.indirect.gather [hbm4b:s11+s26], $0x80, s28, s26, $0xb8;
	[tilespmem:$0x1E900] =	vst v63  }
0x128: {  	_ =	swait.ge [sflag:s31], $0x28  }
0x129: {  	[sflag:s31] =	ssyncset.done $0x0  }
0x12a: {  	s9 =	simm.s32 $0x5500;
	s19 =	simm.s32 $0x480;
	[sflag:s31] =	ssyncadd.s32 $0xFFFFFFD8  }
0x12b: {  	[tilespmem:s6], [sflag:$0xC] =	stream.indirect.gather [hbm4b:s11+s26], $0x80, s1, s26, $0xb8;
	[tilespmem:$0x1E900] =	vst v63  }
.LBB2_9:
0x12c: {  	s0 =	simm.s32 $0xB  }
0x12d: {  	_ =	swait.ge [sflag:s0], $0x1400  }
0x12e: {  	p1 =	seq.s32 s28, $0x0;
	[sflag:s0] =	ssyncset.done $0x0  }
0x12f: {  	[sflag:s0] =	ssyncadd.s32 $0xFFFFEC00;
	s0 =	simm.s32 @!p1 $0x14  }
0x130: {  	_ =	swait.ge @!p1 [sflag:s0], $0x1400  }
0x131: {  	[sflag:s0] =	ssyncset.done @!p1 $0x0  }
0x132: {  	s1 =	simm.s32 $0x6;
	[sflag:s0] =	ssyncadd.s32 @!p1 $0xFFFFEC00  }
0x133: {  	_ =	swait.ge [sflag:s1], $0x28  }
0x134: {  	[sflag:s1] =	ssyncset.done $0x0  }
0x135: {  	s4 =	simm.s32 $0x280;
	s8 =	rddreg [dreg:$0x17];
	[sflag:s1] =	ssyncadd.s32 $0xFFFFFFD8  }
0x136: {  	[spmem:s23] =	stream.indirect.scatter.add.f32 [tilespmem:s21], [sflag:$0x10], $0x80, s4, s26, $0xb8;
	[tilespmem:$0x1E900] =	vst v63  }
0x137: {  	s4 =	sadd.s32 s28, s8  }
0x138: {  	s31 =	simm.s32 $0x200;
	s22 =	rddreg [dreg:$0x16];
	s7 =	sadd.s32 $0x14, s4  }
0x139: {  	[tilespmem:s31], [sflag:$0x5] =	stream.linear.gather [hbm4b:s7+s2], $0x28, $0x38;
	[tilespmem:$0x1E900] =	vst v63  }
0x13a: {  	s7 =	sadd.s32 s28, s22  }
0x13b: {  	s1 =	simm.s32 $0x3;
	s21 =	sadd.s32 $0x14, s7  }
0x13c: {  	[tilespmem:s19], [sflag:$0xA] =	stream.linear.gather [hbm4b:s21+s2], $0x28, $0x38;
	[tilespmem:$0x1E900] =	vst v63  }
0x13d: {  	_ =	swait.ge [sflag:s1], $0x28  }
0x13e: {  	[sflag:s1] =	ssyncset.done $0x0  }
0x13f: {  	s21 =	simm.s32 $0xC;
	[sflag:s1] =	ssyncadd.s32 $0xFFFFFFD8;
	s1 =	simm.s32 $0x2D00  }
0x140: {  	[tilespmem:s1], [sflag:$0xD] =	stream.indirect.gather [hbm4b:s11+s26], $0x80, s30, s26, $0xb8;
	[tilespmem:$0x1E900] =	vst v63  }
0x141: {  	_ =	swait.ge [sflag:s21], $0x1400  }
0x142: {  	[sflag:s21] =	ssyncset.done $0x0  }
0x143: {  	s30 =	simm.s32 $0x10;
	[sflag:s21] =	ssyncadd.s32 $0xFFFFEC00  }
0x144: {  	_ =	swait.ge [sflag:s30], $0x1400  }
0x145: {  	[sflag:s30] =	ssyncset.done $0x0  }
0x146: {  	s11 =	simm.s32 $0x7;
	[sflag:s30] =	ssyncadd.s32 $0xFFFFEC00  }
0x147: {  	_ =	swait.ge [sflag:s11], $0x28  }
0x148: {  	p1 =	seq.s32 s28, $0x9AB;
	[sflag:s11] =	ssyncset.done $0x0  }
0x149: {  	s0 =	sadd.s32 @!p1 s28, s8;
	s21 =	simm.s32 $0x300;
	[sflag:s11] =	ssyncadd.s32 $0xFFFFFFD8  }
0x14a: {  	[spmem:s23] =	stream.indirect.scatter.add.f32 [tilespmem:s6], [sflag:$0x11], $0x80, s21, s26, $0xb8;
	[tilespmem:$0x1E900] =	vst v63  }
0x14b: {  	s8 =	sadd.s32 @!p1 $0x19, s0;
	s11 =	simm.s32 @!p1 $0x0  }
0x14c: {  	[tilespmem:s11], [sflag:$0x1] =	stream.linear.gather @!p1 [hbm4b:s8+s11], $0x28, $0x38;
	[tilespmem:$0x1E900] =	vst v63  }
0x14d: {  	s8 =	sadd.s32 @!p1 s28, s22  }
0x14e: {  	s30 =	simm.s32 @!p1 $0x280;
	s22 =	sadd.s32 @!p1 $0x19, s8  }
0x14f: {  	[tilespmem:s30], [sflag:$0x6] =	stream.linear.gather @!p1 [hbm4b:s22+s11], $0x28, $0x38;
	[tilespmem:$0x1E900] =	vst v63  }
0x150: {  	s30 =	simm.s32 $0x4  }
0x151: {  	_ =	swait.ge [sflag:s30], $0x28  }
0x152: {  	[sflag:s30] =	ssyncset.done $0x0  }
0x153: {  	[sflag:s30] =	ssyncadd.s32 $0xFFFFFFD8  }
0x154: {  	s30 =	simm.s32 $0x4100;
	s22 =	rddreg [dreg:$0x1]  }
0x155: {  	[tilespmem:s30], [sflag:$0xE] =	stream.indirect.gather [hbm4b:s22+s26], $0x80, s3, s26, $0xb8;
	[tilespmem:$0x1E900] =	vst v63  }
0x156: {  	_ =	swait.ge [sflag:s12], $0x1400  }
0x157: {  	[sflag:s12] =	ssyncset.done $0x0  }
0x158: {  	[sflag:s12] =	ssyncadd.s32 $0xFFFFEC00  }
0x159: {  	_ =	swait.ge [sflag:s13], $0x1400  }
0x15a: {  	[sflag:s13] =	ssyncset.done $0x0  }
0x15b: {  	[sflag:s13] =	ssyncadd.s32 $0xFFFFEC00  }
0x15c: {  	_ =	swait.ge [sflag:s10], $0x28  }
0x15d: {  	[sflag:s10] =	ssyncset.done $0x0  }
0x15e: {  	[sflag:s10] =	ssyncadd.s32 $0xFFFFFFD8  }
0x15f: {  	[spmem:s23] =	stream.indirect.scatter.add.f32 [tilespmem:s1], [sflag:$0x12], $0x80, s18, s26, $0xb8;
	[tilespmem:$0x1E900] =	vst v63  }
0x160: {  	s0 =	sadd.s32 @!p1 $0x1E, s0;
	s22 =	simm.s32 @!p1 $0x80  }
0x161: {  	[tilespmem:s22], [sflag:$0x2] =	stream.linear.gather @!p1 [hbm4b:s0+s11], $0x28, $0x38;
	[tilespmem:$0x1E900] =	vst v63  }
0x162: {  	s0 =	sadd.s32 @!p1 $0x1E, s8;
	s8 =	simm.s32 @!p1 $0x300  }
0x163: {  	[tilespmem:s8], [sflag:$0x7] =	stream.linear.gather @!p1 [hbm4b:s0+s11], $0x28, $0x38;
	[tilespmem:$0x1E900] =	vst v63  }
0x164: {  	s11 =	rddreg [dreg:$0x1];
	_ =	swait.ge [sflag:s20], $0x28  }
0x165: {  	[sflag:s20] =	ssyncset.done $0x0  }
0x166: {  	[sflag:s20] =	ssyncadd.s32 $0xFFFFFFD8  }
0x167: {  	[tilespmem:s9], [sflag:$0xF] =	stream.indirect.gather [hbm4b:s11+s26], $0x80, s31, s26, $0xb8;
	[tilespmem:$0x1E900] =	vst v63  }
0x168: {  	_ =	swait.ge [sflag:s24], $0x1400  }
0x169: {  	[sflag:s24] =	ssyncset.done $0x0  }
0x16a: {  	[sflag:s24] =	ssyncadd.s32 $0xFFFFEC00  }
0x16b: {  	_ =	swait.ge [sflag:s25], $0x1400  }
0x16c: {  	[sflag:s25] =	ssyncset.done $0x0  }
0x16d: {  	[sflag:s25] =	ssyncadd.s32 $0xFFFFEC00  }
.Ltmp6:
0x16e: {  	_ =	swait.ge [sflag:s14], $0x28;
	(pc) =	sbr.rel @p1 .LBB2_10-.Ltmp6, $4  }
0x16f: {  	s29 =	simm.s32 $0x1900;
	s6 =	simm.s32 $0x500;
	[sflag:s14] =	ssyncset.done $0x0  }
0x170: {  	s21 =	simm.s32 $0x100;
	s3 =	simm.s32 $0x180;
	[sflag:s14] =	ssyncadd.s32 $0xFFFFFFD8  }
0x171: {  	[spmem:s23] =	stream.indirect.scatter.add.f32 [tilespmem:s30], [sflag:$0x13], $0x80, s5, s26, $0xb8;
	[tilespmem:$0x1E900] =	vst v63  }
0x172: {  	s1 =	simm.s32 $0x5500;
	s8 =	simm.s32 $0x380;
	s5 =	simm.s32 $0x400  }
0x173: {  	s0 =	sadd.s32 $0x23, s4  }
0x174: {  	[tilespmem:s21], [sflag:$0x3] =	stream.linear.gather [hbm4b:s0+s2], $0x28, $0x38;
	[tilespmem:$0x1E900] =	vst v63  }
0x175: {  	s31 =	sadd.s32 $0x23, s7;
	s9 =	simm.s32 $0x1  }
0x176: {  	[tilespmem:s8], [sflag:$0x8] =	stream.linear.gather [hbm4b:s31+s2], $0x28, $0x38;
	[tilespmem:$0x1E900] =	vst v63  }
0x177: {  	_ =	swait.ge [sflag:s9], $0x28  }
0x178: {  	[sflag:s9] =	ssyncset.done $0x0  }
0x179: {  	[sflag:s9] =	ssyncadd.s32 $0xFFFFFFD8  }
0x17a: {  	[tilespmem:s6], [sflag:$0xB] =	stream.indirect.gather [hbm4b:s11+s26], $0x80, s2, s26, $0xb8;
	[tilespmem:$0x1E900] =	vst v63  }
0x17b: {  	_ =	swait.ge [sflag:s15], $0x1400  }
0x17c: {  	[sflag:s15] =	ssyncset.done $0x0  }
0x17d: {  	[sflag:s15] =	ssyncadd.s32 $0xFFFFEC00  }
0x17e: {  	_ =	swait.ge [sflag:s16], $0x1400  }
0x17f: {  	[sflag:s16] =	ssyncset.done $0x0  }
0x180: {  	[sflag:s16] =	ssyncadd.s32 $0xFFFFEC00  }
0x181: {  	_ =	swait.ge [sflag:s17], $0x28  }
0x182: {  	[sflag:s17] =	ssyncset.done $0x0  }
0x183: {  	[sflag:s17] =	ssyncadd.s32 $0xFFFFFFD8  }
0x184: {  	[spmem:s23] =	stream.indirect.scatter.add.f32 [tilespmem:s1], [sflag:$0x14], $0x80, s19, s26, $0xb8;
	[tilespmem:$0x1E900] =	vst v63  }
0x185: {  	s18 =	sadd.s32 $0x28, s4  }
0x186: {  	[tilespmem:s3], [sflag:$0x4] =	stream.linear.gather [hbm4b:s18+s2], $0x28, $0x38;
	[tilespmem:$0x1E900] =	vst v63  }
0x187: {  	s22 =	simm.s32 $0x2;
	s28 =	sadd.s32 $0x19, s28;
	s21 =	sadd.s32 $0x28, s7  }
0x188: {  	[tilespmem:s5], [sflag:$0x9] =	stream.linear.gather [hbm4b:s21+s2], $0x28, $0x38;
	[tilespmem:$0x1E900] =	vst v63  }
.Ltmp7:
0x189: {  	s30 =	simm.s32 $0x100;
	s31 =	simm.s32 $0x80;
	(pc) =	sbr.rel .LBB2_9-.Ltmp7, $4  }
0x18a: {  	s9 =	simm.s32 $0x5500;
	s6 =	simm.s32 $0x1900;
	_ =	swait.ge [sflag:s22], $0x28  }
0x18b: {  	s18 =	simm.s32 $0x380;
	s3 =	simm.s32 $0x180;
	[sflag:s22] =	ssyncset.done $0x0  }
0x18c: {  	s5 =	simm.s32 $0x400;
	s21 =	simm.s32 $0x500;
	[sflag:s22] =	ssyncadd.s32 $0xFFFFFFD8  }
0x18d: {  	[tilespmem:s29], [sflag:$0xC] =	stream.indirect.gather [hbm4b:s11+s26], $0x80, s31, s26, $0xb8;
	[tilespmem:$0x1E900] =	vst v63  }
.LBB2_6:
.Ltmp8:
0x18e: {  	s4 =	rddreg [dreg:$0x1a];
	(pc) =	sbr.rel .LBB2_11-.Ltmp8, $4  }
0x18f: {  	s8 =	rddreg [dreg:$0x1c]  }
0x190: {  	s11 =	rddreg [dreg:$0x1d]  }
0x191: {  	s18 =	rddreg [dreg:$0x1f]  }
0x192: {  	s3 =	sld [smem:$0x7F6];
	s19 =	simm.s32 $0x480  }
.LBB2_12:
0x193: {  	_ =	sfence.sel $0x180000  }
0x194: {  	[bflag:$0x0] =	sbarrier.arrive $0xFFFF  }
0x195: {  	_ =	strace $0x9000004A  }
0x196: {  	s0 =	stileid.u32;
	[bflag:$0x2] =	sbarrier.arrive $0xFFFF  }
0x197: {  	p0 =	sne.s32 s0, $0x0;
	s0 =	rddreg [dreg:$0x5]  }
0x198: {  	s0 =	sadd.s32 @!p0 $0x100000, s0  }
0x199: {  	[sflag:s0] =	ssyncadd.tile.s32 @!p0 $0x1;
	_ =	shalt  }
.Lfunc_end2:
_tile_overlayer_lowered:
.L_overlay_start_2:
0x19a: {  	(tag) =	ssettag $0x2  }
0x19b: {  	s0 =	rddreg [dreg:$0x0];
	s2 =	stileid.u32  }
0x19c: {  	s1 =	rddreg [dreg:$0x1];
	p0 =	sne.s32 s2, $0x0  }
0x19d: {  	s3 =	rddreg [dreg:$0x2];
	[bflag:$0x3] =	sbarrier.arrive $0xFFFF;
	s2 =	simm.s32 @!p0 $0x1C15  }
0x19e: {  	[timem:s3], [sflag:s2] =	dma.local @!p0 [hbm:s0], s1  }
0x19f: {  	s0 =	simm.s32 @!p0 $0x15  }
0x1a0: {  	_ =	swait.ge @!p0 [sflag:s0], s1  }
0x1a1: {  	s1 =	ssub.s32 @!p0 $0x0, s1;
	[sflag:s0] =	ssyncset.done @!p0 $0x0  }
0x1a2: {  	[sflag:s0] =	ssyncadd.s32 @!p0 s1  }
0x1a3: {  	[bflag:$0x3] =	sbarrier.arrive $0xFFFF  }
0x1a4: {  	_ =	shalt  }

</sc_bundles>
